<compile_context>
chip_gen: v7x
topology: tpu7x:2x2x1
jax: 0.10.2.dev20260603
libtpu: 0.0.44.dev20260713+nightly
codegen_flags: <defaults>
</compile_context>

<pallas_src>
import functools

import jax
import jax.numpy as jnp
from jax import lax
from jax.experimental import pallas as pl
from jax.experimental.pallas import tpu as pltpu
from jax.experimental.pallas import tpu_sc as plsc

B = 16384
D = 32
NC = 2
NS = 16
NW = NC * NS
BPW = B // NW
L = 16
KB = 8
NPAIR = BPW // (2 * KB)


def _wmf_body(uidx_hbm, iidx_hbm, utab_hbm, itab_hbm, out_hbm,
              idx_v, blk_v, urow_v, out_v, sem0, sem1):
    wid = lax.axis_index("s") * NC + lax.axis_index("c")
    base = wid * BPW

    pltpu.sync_copy(uidx_hbm.at[wid], idx_v.at[0])
    pltpu.sync_copy(iidx_hbm.at[wid], idx_v.at[1])

    tabs = (utab_hbm, itab_hbm)
    sems = (sem0, sem1)

    def issue_pair(t, g):
        vec = idx_v[t, pl.ds(g * 2 * KB, L)]
        for k in range(L):
            start = pl.multiple_of((vec[k] // 128) * 128, 128)
            pltpu.async_copy(
                tabs[t].at[:, pl.ds(start, 128)],
                blk_v.at[k // KB, k % KB], sems[k // KB])

    def drain(t, slot):
        for k in range(KB):
            pltpu.make_async_copy(
                tabs[t].at[:, pl.ds(0, 128)],
                blk_v.at[slot, k], sems[slot]).wait()

    def extract_pair(t, g):
        vec = idx_v[t, pl.ds(g * 2 * KB, L)]
        lane = lax.rem(vec, 128)
        j = lax.iota(jnp.int32, L)
        s_v = j // KB
        k_v = lax.rem(j, KB)
        sl = pl.ds(g * 2 * KB, L)
        if t == 1:
            acc = jnp.zeros((L,), jnp.float32)
        for d in range(D):
            d_v = jnp.full((L,), d, jnp.int32)
            val = plsc.load_gather(blk_v, [s_v, k_v, d_v, lane])
            if t == 0:
                urow_v[d, sl] = val
            else:
                acc = acc + urow_v[d, sl] * val
        if t == 1:
            out_v[sl] = acc

    for t in range(2):
        issue_pair(t, 0)

        def body(g, carry, t=t):
            drain(t, 0)
            drain(t, 1)
            extract_pair(t, g)

            @pl.when(g < NPAIR - 1)
            def _():
                issue_pair(t, g + 1)

            return carry

        lax.fori_loop(0, NPAIR, body, 0)

    pltpu.sync_copy(out_v, out_hbm.at[pl.ds(base, BPW)])


@jax.jit
def kernel(user_input, item_input, user_table, item_table):
    uidx = user_input.astype(jnp.int32).reshape(NW, BPW)
    iidx = item_input.astype(jnp.int32).reshape(NW, BPW)
    mesh = plsc.VectorSubcoreMesh(core_axis_name="c", subcore_axis_name="s")
    f = functools.partial(
        pl.kernel,
        mesh=mesh,
        out_type=jax.ShapeDtypeStruct((B,), jnp.float32),
        scratch_types=[
            pltpu.VMEM((2, BPW), jnp.int32),
            pltpu.VMEM((2, KB, D, 128), jnp.float32),
            pltpu.VMEM((D, BPW), jnp.float32),
            pltpu.VMEM((BPW,), jnp.float32),
            pltpu.SemaphoreType.DMA,
            pltpu.SemaphoreType.DMA,
        ],
        compiler_params=pltpu.CompilerParams(
            needs_layout_passes=False, use_tc_tiling_on_sc=True),
    )(_wmf_body)
    return f(uidx, iidx, user_table.T, item_table.T)

# --- scband reference (transcript-rebuilt; emitter-appended) ---
"""Pipeline reference for scband-wmf-46660524703863 (READ-ONLY COPY).

The authoritative reference and input builder live on the scoring server;
editing this copy changes nothing except your own understanding.
"""

import jax, jax.numpy as jnp
import numpy as np

N_USERS = 1000000
N_ITEMS = 1000000
EMBED_DIM = 32
BATCH = 16384


def setup_inputs(seed: int = 0) -> dict:
    key = jax.random.key(seed)
    k1, k2, k3, k4 = jax.random.split(key, 4)
    user_input = jax.random.randint(k1, (BATCH,), 0, N_USERS, dtype=jnp.int64 if jax.config.jax_enable_x64 else jnp.int32)
    item_input = jax.random.randint(k2, (BATCH,), 0, N_ITEMS, dtype=jnp.int64 if jax.config.jax_enable_x64 else jnp.int32)
    # init=True -> uniform(-0.1, 0.1)
    user_table = jax.random.uniform(k3, (N_USERS, EMBED_DIM), dtype=jnp.float32, minval=-0.1, maxval=0.1)
    item_table = jax.random.uniform(k4, (N_ITEMS, EMBED_DIM), dtype=jnp.float32, minval=-0.1, maxval=0.1)
    return {
        "user_input": user_input,
        "item_input": item_input,
        "user_table": user_table,
        "item_table": item_table,
    }


def reference(user_input, item_input, user_table, item_table):
    # Embedding lookups (SparseCore-friendly gathers)
    user_embedded = jnp.take(user_table, user_input, axis=0)  # [B, D]
    item_embedded = jnp.take(item_table, item_input, axis=0)  # [B, D]
    # Dropout is identity at inference time (eval mode)
    element_product = (user_embedded * item_embedded).sum(axis=1)  # [B]
    # bias=False, sigmoid=False -> return dot products
    return jnp.squeeze(element_product)

if __name__ == "__main__":
    import jax
    _d = setup_inputs()
    print(jax.jit(kernel)(*tuple(_d.values())))

</pallas_src>

<mosaic_0001>
#map = affine_map<(d0, d1) -> (0, 0)>
#map1 = affine_map<(d0, d1) -> (0)>
module attributes {stable_mosaic.version = 14 : i64} {
  func.func @_wmf_body(%arg0: i32, %arg1: i32, %arg2: memref<32x512xi32, #tpu.memory_space<hbm>>, %arg3: memref<32x512xi32, #tpu.memory_space<hbm>>, %arg4: memref<32x1000000xf32, #tpu.memory_space<hbm>>, %arg5: memref<32x1000000xf32, #tpu.memory_space<hbm>>, %arg6: memref<16384xf32, #tpu.memory_space<hbm>>, %arg7: memref<2x512xi32, #tpu.memory_space<vmem>>, %arg8: memref<2x8x32x128xf32, #tpu.memory_space<vmem>>, %arg9: memref<32x512xf32, #tpu.memory_space<vmem>>, %arg10: memref<512xf32, #tpu.memory_space<vmem>>, %arg11: memref<!tpu.dma_semaphore, #tpu.memory_space<semaphore_mem>>, %arg12: memref<!tpu.dma_semaphore, #tpu.memory_space<semaphore_mem>>) attributes {dimension_semantics = [#tpu.dimension_semantics<core_parallel>, #tpu.dimension_semantics<subcore_parallel>], iteration_bounds = array<i64: 2, 16>, scalar_prefetch = 0 : i64, scratch_operands = 6 : i64, tpu.core_type = #tpu.core_type<sc_vector_subcore>, window_params = [{transform_indices = #map}, {transform_indices = #map}, {transform_indices = #map}, {transform_indices = #map}, {transform_indices = #map1}]} {
    %mul3A = arith.constant 2 : i32
    %mul3A_0 = arith.muli %arg1, %mul3A : i32
    %add3A = arith.addi %mul3A_0, %arg0 : i32
    %mul3A_1 = arith.constant 512 : i32
    %mul3A_2 = arith.muli %add3A, %mul3A_1 : i32
    %run_scoped3A = arith.constant 0 : i32
    "tpu.region"() ({
      %run_scoped3A_1386 = tpu.sem_alloc : memref<!tpu.dma_semaphore, #tpu.memory_space<semaphore_mem>>
      %dma_start3A_1387 = arith.constant 0 : i32
      %dma_start3A_1388 = tpu.memref_slice %arg7[%run_scoped3A, %dma_start3A_1387] : memref<2x512xi32, #tpu.memory_space<vmem>> -> memref<1x512xi32, #tpu.memory_space<vmem>>
      %dma_start3A_1389 = tpu.memref_squeeze %dma_start3A_1388 : memref<1x512xi32, #tpu.memory_space<vmem>> -> memref<512xi32, #tpu.memory_space<vmem>>
      %dma_start3A_1390 = arith.constant 0 : i32
      %dma_start3A_1391 = tpu.memref_slice %arg2[%add3A, %dma_start3A_1390] : memref<32x512xi32, #tpu.memory_space<hbm>> -> memref<1x512xi32, #tpu.memory_space<hbm>>
      %dma_start3A_1392 = tpu.memref_squeeze %dma_start3A_1391 : memref<1x512xi32, #tpu.memory_space<hbm>> -> memref<512xi32, #tpu.memory_space<hbm>>
      %dma_start3A_1393 = arith.constant 0 : i32
      %dma_start3A_1394 = tpu.memref_slice %arg7[%run_scoped3A, %dma_start3A_1393] : memref<2x512xi32, #tpu.memory_space<vmem>> -> memref<1x512xi32, #tpu.memory_space<vmem>>
      %dma_start3A_1395 = tpu.memref_squeeze %dma_start3A_1394 : memref<1x512xi32, #tpu.memory_space<vmem>> -> memref<512xi32, #tpu.memory_space<vmem>>
      %dma_start3A_1396 = arith.constant 0 : i32
      %dma_start3A_1397 = tpu.memref_slice %arg2[%add3A, %dma_start3A_1396] : memref<32x512xi32, #tpu.memory_space<hbm>> -> memref<1x512xi32, #tpu.memory_space<hbm>>
      %dma_start3A_1398 = tpu.memref_squeeze %dma_start3A_1397 : memref<1x512xi32, #tpu.memory_space<hbm>> -> memref<512xi32, #tpu.memory_space<hbm>>
      tpu.enqueue_dma source(%dma_start3A_1398 : memref<512xi32, #tpu.memory_space<hbm>>) target(%dma_start3A_1395 : memref<512xi32, #tpu.memory_space<vmem>>) target_semaphore(%run_scoped3A_1386 : memref<!tpu.dma_semaphore, #tpu.memory_space<semaphore_mem>>)
      %dma_wait3A = arith.constant 0 : i32
      %dma_wait3A_1399 = tpu.memref_slice %arg7[%run_scoped3A, %dma_wait3A] : memref<2x512xi32, #tpu.memory_space<vmem>> -> memref<1x512xi32, #tpu.memory_space<vmem>>
      %dma_wait3A_1400 = tpu.memref_squeeze %dma_wait3A_1399 : memref<1x512xi32, #tpu.memory_space<vmem>> -> memref<512xi32, #tpu.memory_space<vmem>>
      %dma_wait3A_1401 = arith.constant 0 : i32
      %dma_wait3A_1402 = tpu.memref_slice %arg2[%add3A, %dma_wait3A_1401] : memref<32x512xi32, #tpu.memory_space<hbm>> -> memref<1x512xi32, #tpu.memory_space<hbm>>
      %dma_wait3A_1403 = tpu.memref_squeeze %dma_wait3A_1402 : memref<1x512xi32, #tpu.memory_space<hbm>> -> memref<512xi32, #tpu.memory_space<hbm>>
      %dma_wait3A_1404 = arith.constant 0 : i32
      %dma_wait3A_1405 = tpu.memref_slice %arg7[%run_scoped3A, %dma_wait3A_1404] : memref<2x512xi32, #tpu.memory_space<vmem>> -> memref<1x512xi32, #tpu.memory_space<vmem>>
      %dma_wait3A_1406 = tpu.memref_squeeze %dma_wait3A_1405 : memref<1x512xi32, #tpu.memory_space<vmem>> -> memref<512xi32, #tpu.memory_space<vmem>>
      %dma_wait3A_1407 = arith.constant 0 : i32
      %dma_wait3A_1408 = tpu.memref_slice %arg2[%add3A, %dma_wait3A_1407] : memref<32x512xi32, #tpu.memory_space<hbm>> -> memref<1x512xi32, #tpu.memory_space<hbm>>
      %dma_wait3A_1409 = tpu.memref_squeeze %dma_wait3A_1408 : memref<1x512xi32, #tpu.memory_space<hbm>> -> memref<512xi32, #tpu.memory_space<hbm>>
      tpu.wait_dma2 semaphore(%run_scoped3A_1386 : memref<!tpu.dma_semaphore, #tpu.memory_space<semaphore_mem>>) src(%dma_wait3A_1409 : memref<512xi32, #tpu.memory_space<hbm>>) dst(%dma_wait3A_1406 : memref<512xi32, #tpu.memory_space<vmem>>)
      tpu.yield
    }) : () -> ()
    %run_scoped3A_3 = arith.constant 1 : i32
    "tpu.region"() ({
      %run_scoped3A_1386 = tpu.sem_alloc : memref<!tpu.dma_semaphore, #tpu.memory_space<semaphore_mem>>
      %dma_start3A_1387 = arith.constant 0 : i32
      %dma_start3A_1388 = tpu.memref_slice %arg7[%run_scoped3A_3, %dma_start3A_1387] : memref<2x512xi32, #tpu.memory_space<vmem>> -> memref<1x512xi32, #tpu.memory_space<vmem>>
      %dma_start3A_1389 = tpu.memref_squeeze %dma_start3A_1388 : memref<1x512xi32, #tpu.memory_space<vmem>> -> memref<512xi32, #tpu.memory_space<vmem>>
      %dma_start3A_1390 = arith.constant 0 : i32
      %dma_start3A_1391 = tpu.memref_slice %arg3[%add3A, %dma_start3A_1390] : memref<32x512xi32, #tpu.memory_space<hbm>> -> memref<1x512xi32, #tpu.memory_space<hbm>>
      %dma_start3A_1392 = tpu.memref_squeeze %dma_start3A_1391 : memref<1x512xi32, #tpu.memory_space<hbm>> -> memref<512xi32, #tpu.memory_space<hbm>>
      %dma_start3A_1393 = arith.constant 0 : i32
      %dma_start3A_1394 = tpu.memref_slice %arg7[%run_scoped3A_3, %dma_start3A_1393] : memref<2x512xi32, #tpu.memory_space<vmem>> -> memref<1x512xi32, #tpu.memory_space<vmem>>
      %dma_start3A_1395 = tpu.memref_squeeze %dma_start3A_1394 : memref<1x512xi32, #tpu.memory_space<vmem>> -> memref<512xi32, #tpu.memory_space<vmem>>
      %dma_start3A_1396 = arith.constant 0 : i32
      %dma_start3A_1397 = tpu.memref_slice %arg3[%add3A, %dma_start3A_1396] : memref<32x512xi32, #tpu.memory_space<hbm>> -> memref<1x512xi32, #tpu.memory_space<hbm>>
      %dma_start3A_1398 = tpu.memref_squeeze %dma_start3A_1397 : memref<1x512xi32, #tpu.memory_space<hbm>> -> memref<512xi32, #tpu.memory_space<hbm>>
      tpu.enqueue_dma source(%dma_start3A_1398 : memref<512xi32, #tpu.memory_space<hbm>>) target(%dma_start3A_1395 : memref<512xi32, #tpu.memory_space<vmem>>) target_semaphore(%run_scoped3A_1386 : memref<!tpu.dma_semaphore, #tpu.memory_space<semaphore_mem>>)
      %dma_wait3A = arith.constant 0 : i32
      %dma_wait3A_1399 = tpu.memref_slice %arg7[%run_scoped3A_3, %dma_wait3A] : memref<2x512xi32, #tpu.memory_space<vmem>> -> memref<1x512xi32, #tpu.memory_space<vmem>>
      %dma_wait3A_1400 = tpu.memref_squeeze %dma_wait3A_1399 : memref<1x512xi32, #tpu.memory_space<vmem>> -> memref<512xi32, #tpu.memory_space<vmem>>
      %dma_wait3A_1401 = arith.constant 0 : i32
      %dma_wait3A_1402 = tpu.memref_slice %arg3[%add3A, %dma_wait3A_1401] : memref<32x512xi32, #tpu.memory_space<hbm>> -> memref<1x512xi32, #tpu.memory_space<hbm>>
      %dma_wait3A_1403 = tpu.memref_squeeze %dma_wait3A_1402 : memref<1x512xi32, #tpu.memory_space<hbm>> -> memref<512xi32, #tpu.memory_space<hbm>>
      %dma_wait3A_1404 = arith.constant 0 : i32
      %dma_wait3A_1405 = tpu.memref_slice %arg7[%run_scoped3A_3, %dma_wait3A_1404] : memref<2x512xi32, #tpu.memory_space<vmem>> -> memref<1x512xi32, #tpu.memory_space<vmem>>
      %dma_wait3A_1406 = tpu.memref_squeeze %dma_wait3A_1405 : memref<1x512xi32, #tpu.memory_space<vmem>> -> memref<512xi32, #tpu.memory_space<vmem>>
      %dma_wait3A_1407 = arith.constant 0 : i32
      %dma_wait3A_1408 = tpu.memref_slice %arg3[%add3A, %dma_wait3A_1407] : memref<32x512xi32, #tpu.memory_space<hbm>> -> memref<1x512xi32, #tpu.memory_space<hbm>>
      %dma_wait3A_1409 = tpu.memref_squeeze %dma_wait3A_1408 : memref<1x512xi32, #tpu.memory_space<hbm>> -> memref<512xi32, #tpu.memory_space<hbm>>
      tpu.wait_dma2 semaphore(%run_scoped3A_1386 : memref<!tpu.dma_semaphore, #tpu.memory_space<semaphore_mem>>) src(%dma_wait3A_1409 : memref<512xi32, #tpu.memory_space<hbm>>) dst(%dma_wait3A_1406 : memref<512xi32, #tpu.memory_space<vmem>>)
      tpu.yield
    }) : () -> ()
    %get3A = arith.constant 0 : i32
    %get3A_4 = arith.index_cast %get3A : i32 to index
    %get3A_5 = arith.constant 0 : index
    %get3A_6 = tpu.vector_load %arg7[%get3A_4, %get3A_5] {strides = array<i32>} : memref<2x512xi32, #tpu.memory_space<vmem>>, vector<16xi32>,
    %slice3A = vector.extract_strided_slice %get3A_6 {offsets = [0], sizes = [1], strides = [1]} : vector<16xi32> to vector<1xi32>
    %squeeze3A = vector.extract %slice3A[0] : i32 from vector<1xi32>
    %jit3A = arith.constant 128 : i32
    %div3A = arith.divsi %squeeze3A, %jit3A : i32
    %sign3A = arith.constant 0 : i32
    %sign3A_7 = arith.cmpi sgt, %squeeze3A, %sign3A : i32
    %sign3A_8 = arith.extui %sign3A_7 : i1 to i32
    %sign3A_9 = arith.constant 0 : i32
    %sign3A_10 = arith.cmpi slt, %squeeze3A, %sign3A_9 : i32
    %sign3A_11 = arith.extui %sign3A_10 : i1 to i32
    %sign3A_12 = arith.subi %sign3A_8, %sign3A_11 : i32
    %sign3A_13 = arith.constant 0 : i32
    %sign3A_14 = arith.cmpi sgt, %jit3A, %sign3A_13 : i32
    %sign3A_15 = arith.extui %sign3A_14 : i1 to i32
    %sign3A_16 = arith.constant 0 : i32
    %sign3A_17 = arith.cmpi slt, %jit3A, %sign3A_16 : i32
    %sign3A_18 = arith.extui %sign3A_17 : i1 to i32
    %sign3A_19 = arith.subi %sign3A_15, %sign3A_18 : i32
    %ne3A = arith.cmpi ne, %sign3A_12, %sign3A_19 : i32
    %rem3A = arith.remsi %squeeze3A, %jit3A : i32
    %ne3A_20 = arith.constant 0 : i32
    %ne3A_21 = arith.cmpi ne, %rem3A, %ne3A_20 : i32
    %and3A = arith.andi %ne3A, %ne3A_21 : i1
    %sub3A = arith.constant 1 : i32
    %sub3A_22 = arith.subi %div3A, %sub3A : i32
    %select_n3A = arith.select %and3A, %sub3A_22, %div3A : i32
    %mul3A_23 = arith.constant 128 : i32
    %mul3A_24 = arith.muli %select_n3A, %mul3A_23 : i32
    %multiple_of3A = tpu.assume_multiple %mul3A_24, 128 : i32
    %dma_start3A = arith.constant 0 : i32
    %dma_start3A_25 = arith.constant 0 : i32
    %dma_start3A_26 = arith.constant 0 : i32
    %dma_start3A_27 = arith.constant 0 : i32
    %dma_start3A_28 = tpu.memref_slice %arg8[%dma_start3A, %dma_start3A_25, %dma_start3A_26, %dma_start3A_27] : memref<2x8x32x128xf32, #tpu.memory_space<vmem>> -> memref<1x1x32x128xf32, #tpu.memory_space<vmem>>
    %dma_start3A_29 = tpu.memref_squeeze %dma_start3A_28 : memref<1x1x32x128xf32, #tpu.memory_space<vmem>> -> memref<32x128xf32, #tpu.memory_space<vmem>>
    %dma_start3A_30 = arith.constant 0 : i32
    %dma_start3A_31 = tpu.memref_slice %arg4[%dma_start3A_30, %multiple_of3A] : memref<32x1000000xf32, #tpu.memory_space<hbm>> -> memref<32x128xf32, #tpu.memory_space<hbm>>
    %dma_start3A_32 = arith.constant 0 : i32
    %dma_start3A_33 = arith.constant 0 : i32
    %dma_start3A_34 = tpu.memref_slice %arg8[%dma_start3A, %dma_start3A_25, %dma_start3A_32, %dma_start3A_33] : memref<2x8x32x128xf32, #tpu.memory_space<vmem>> -> memref<1x1x32x128xf32, #tpu.memory_space<vmem>>
    %dma_start3A_35 = tpu.memref_squeeze %dma_start3A_34 : memref<1x1x32x128xf32, #tpu.memory_space<vmem>> -> memref<32x128xf32, #tpu.memory_space<vmem>>
    %dma_start3A_36 = arith.constant 0 : i32
    %dma_start3A_37 = tpu.memref_slice %arg4[%dma_start3A_36, %multiple_of3A] : memref<32x1000000xf32, #tpu.memory_space<hbm>> -> memref<32x128xf32, #tpu.memory_space<hbm>>
    tpu.enqueue_dma source(%dma_start3A_37 : memref<32x128xf32, #tpu.memory_space<hbm>>) target(%dma_start3A_35 : memref<32x128xf32, #tpu.memory_space<vmem>>) target_semaphore(%arg11 : memref<!tpu.dma_semaphore, #tpu.memory_space<semaphore_mem>>)
    %slice3A_38 = vector.extract_strided_slice %get3A_6 {offsets = [1], sizes = [1], strides = [1]} : vector<16xi32> to vector<1xi32>
    %squeeze3A_39 = vector.extract %slice3A_38[0] : i32 from vector<1xi32>
    %jit3A_40 = arith.constant 128 : i32
    %div3A_41 = arith.divsi %squeeze3A_39, %jit3A_40 : i32
    %sign3A_42 = arith.constant 0 : i32
    %sign3A_43 = arith.cmpi sgt, %squeeze3A_39, %sign3A_42 : i32
    %sign3A_44 = arith.extui %sign3A_43 : i1 to i32
    %sign3A_45 = arith.constant 0 : i32
    %sign3A_46 = arith.cmpi slt, %squeeze3A_39, %sign3A_45 : i32
    %sign3A_47 = arith.extui %sign3A_46 : i1 to i32
    %sign3A_48 = arith.subi %sign3A_44, %sign3A_47 : i32
    %sign3A_49 = arith.constant 0 : i32
    %sign3A_50 = arith.cmpi sgt, %jit3A_40, %sign3A_49 : i32
    %sign3A_51 = arith.extui %sign3A_50 : i1 to i32
    %sign3A_52 = arith.constant 0 : i32
    %sign3A_53 = arith.cmpi slt, %jit3A_40, %sign3A_52 : i32
    %sign3A_54 = arith.extui %sign3A_53 : i1 to i32
    %sign3A_55 = arith.subi %sign3A_51, %sign3A_54 : i32
    %ne3A_56 = arith.cmpi ne, %sign3A_48, %sign3A_55 : i32
    %rem3A_57 = arith.remsi %squeeze3A_39, %jit3A_40 : i32
    %ne3A_58 = arith.constant 0 : i32
    %ne3A_59 = arith.cmpi ne, %rem3A_57, %ne3A_58 : i32
    %and3A_60 = arith.andi %ne3A_56, %ne3A_59 : i1
    %sub3A_61 = arith.constant 1 : i32
    %sub3A_62 = arith.subi %div3A_41, %sub3A_61 : i32
    %select_n3A_63 = arith.select %and3A_60, %sub3A_62, %div3A_41 : i32
    %mul3A_64 = arith.constant 128 : i32
    %mul3A_65 = arith.muli %select_n3A_63, %mul3A_64 : i32
    %multiple_of3A_66 = tpu.assume_multiple %mul3A_65, 128 : i32
    %dma_start3A_67 = arith.constant 0 : i32
    %dma_start3A_68 = arith.constant 1 : i32
    %dma_start3A_69 = arith.constant 0 : i32
    %dma_start3A_70 = arith.constant 0 : i32
    %dma_start3A_71 = tpu.memref_slice %arg8[%dma_start3A_67, %dma_start3A_68, %dma_start3A_69, %dma_start3A_70] : memref<2x8x32x128xf32, #tpu.memory_space<vmem>> -> memref<1x1x32x128xf32, #tpu.memory_space<vmem>>
    %dma_start3A_72 = tpu.memref_squeeze %dma_start3A_71 : memref<1x1x32x128xf32, #tpu.memory_space<vmem>> -> memref<32x128xf32, #tpu.memory_space<vmem>>
    %dma_start3A_73 = arith.constant 0 : i32
    %dma_start3A_74 = tpu.memref_slice %arg4[%dma_start3A_73, %multiple_of3A_66] : memref<32x1000000xf32, #tpu.memory_space<hbm>> -> memref<32x128xf32, #tpu.memory_space<hbm>>
    %dma_start3A_75 = arith.constant 0 : i32
    %dma_start3A_76 = arith.constant 0 : i32
    %dma_start3A_77 = tpu.memref_slice %arg8[%dma_start3A_67, %dma_start3A_68, %dma_start3A_75, %dma_start3A_76] : memref<2x8x32x128xf32, #tpu.memory_space<vmem>> -> memref<1x1x32x128xf32, #tpu.memory_space<vmem>>
    %dma_start3A_78 = tpu.memref_squeeze %dma_start3A_77 : memref<1x1x32x128xf32, #tpu.memory_space<vmem>> -> memref<32x128xf32, #tpu.memory_space<vmem>>
    %dma_start3A_79 = arith.constant 0 : i32
    %dma_start3A_80 = tpu.memref_slice %arg4[%dma_start3A_79, %multiple_of3A_66] : memref<32x1000000xf32, #tpu.memory_space<hbm>> -> memref<32x128xf32, #tpu.memory_space<hbm>>
    tpu.enqueue_dma source(%dma_start3A_80 : memref<32x128xf32, #tpu.memory_space<hbm>>) target(%dma_start3A_78 : memref<32x128xf32, #tpu.memory_space<vmem>>) target_semaphore(%arg11 : memref<!tpu.dma_semaphore, #tpu.memory_space<semaphore_mem>>)
    %slice3A_81 = vector.extract_strided_slice %get3A_6 {offsets = [2], sizes = [1], strides = [1]} : vector<16xi32> to vector<1xi32>
    %squeeze3A_82 = vector.extract %slice3A_81[0] : i32 from vector<1xi32>
    %jit3A_83 = arith.constant 128 : i32
    %div3A_84 = arith.divsi %squeeze3A_82, %jit3A_83 : i32
    %sign3A_85 = arith.constant 0 : i32
    %sign3A_86 = arith.cmpi sgt, %squeeze3A_82, %sign3A_85 : i32
    %sign3A_87 = arith.extui %sign3A_86 : i1 to i32
    %sign3A_88 = arith.constant 0 : i32
    %sign3A_89 = arith.cmpi slt, %squeeze3A_82, %sign3A_88 : i32
    %sign3A_90 = arith.extui %sign3A_89 : i1 to i32
    %sign3A_91 = arith.subi %sign3A_87, %sign3A_90 : i32
    %sign3A_92 = arith.constant 0 : i32
    %sign3A_93 = arith.cmpi sgt, %jit3A_83, %sign3A_92 : i32
    %sign3A_94 = arith.extui %sign3A_93 : i1 to i32
    %sign3A_95 = arith.constant 0 : i32
    %sign3A_96 = arith.cmpi slt, %jit3A_83, %sign3A_95 : i32
    %sign3A_97 = arith.extui %sign3A_96 : i1 to i32
    %sign3A_98 = arith.subi %sign3A_94, %sign3A_97 : i32
    %ne3A_99 = arith.cmpi ne, %sign3A_91, %sign3A_98 : i32
    %rem3A_100 = arith.remsi %squeeze3A_82, %jit3A_83 : i32
    %ne3A_101 = arith.constant 0 : i32
    %ne3A_102 = arith.cmpi ne, %rem3A_100, %ne3A_101 : i32
    %and3A_103 = arith.andi %ne3A_99, %ne3A_102 : i1
    %sub3A_104 = arith.constant 1 : i32
    %sub3A_105 = arith.subi %div3A_84, %sub3A_104 : i32
    %select_n3A_106 = arith.select %and3A_103, %sub3A_105, %div3A_84 : i32
    %mul3A_107 = arith.constant 128 : i32
    %mul3A_108 = arith.muli %select_n3A_106, %mul3A_107 : i32
    %multiple_of3A_109 = tpu.assume_multiple %mul3A_108, 128 : i32
    %dma_start3A_110 = arith.constant 0 : i32
    %dma_start3A_111 = arith.constant 2 : i32
    %dma_start3A_112 = arith.constant 0 : i32
    %dma_start3A_113 = arith.constant 0 : i32
    %dma_start3A_114 = tpu.memref_slice %arg8[%dma_start3A_110, %dma_start3A_111, %dma_start3A_112, %dma_start3A_113] : memref<2x8x32x128xf32, #tpu.memory_space<vmem>> -> memref<1x1x32x128xf32, #tpu.memory_space<vmem>>
    %dma_start3A_115 = tpu.memref_squeeze %dma_start3A_114 : memref<1x1x32x128xf32, #tpu.memory_space<vmem>> -> memref<32x128xf32, #tpu.memory_space<vmem>>
    %dma_start3A_116 = arith.constant 0 : i32
    %dma_start3A_117 = tpu.memref_slice %arg4[%dma_start3A_116, %multiple_of3A_109] : memref<32x1000000xf32, #tpu.memory_space<hbm>> -> memref<32x128xf32, #tpu.memory_space<hbm>>
    %dma_start3A_118 = arith.constant 0 : i32
    %dma_start3A_119 = arith.constant 0 : i32
    %dma_start3A_120 = tpu.memref_slice %arg8[%dma_start3A_110, %dma_start3A_111, %dma_start3A_118, %dma_start3A_119] : memref<2x8x32x128xf32, #tpu.memory_space<vmem>> -> memref<1x1x32x128xf32, #tpu.memory_space<vmem>>
    %dma_start3A_121 = tpu.memref_squeeze %dma_start3A_120 : memref<1x1x32x128xf32, #tpu.memory_space<vmem>> -> memref<32x128xf32, #tpu.memory_space<vmem>>
    %dma_start3A_122 = arith.constant 0 : i32
    %dma_start3A_123 = tpu.memref_slice %arg4[%dma_start3A_122, %multiple_of3A_109] : memref<32x1000000xf32, #tpu.memory_space<hbm>> -> memref<32x128xf32, #tpu.memory_space<hbm>>
    tpu.enqueue_dma source(%dma_start3A_123 : memref<32x128xf32, #tpu.memory_space<hbm>>) target(%dma_start3A_121 : memref<32x128xf32, #tpu.memory_space<vmem>>) target_semaphore(%arg11 : memref<!tpu.dma_semaphore, #tpu.memory_space<semaphore_mem>>)
    %slice3A_124 = vector.extract_strided_slice %get3A_6 {offsets = [3], sizes = [1], strides = [1]} : vector<16xi32> to vector<1xi32>
    %squeeze3A_125 = vector.extract %slice3A_124[0] : i32 from vector<1xi32>
    %jit3A_126 = arith.constant 128 : i32
    %div3A_127 = arith.divsi %squeeze3A_125, %jit3A_126 : i32
    %sign3A_128 = arith.constant 0 : i32
    %sign3A_129 = arith.cmpi sgt, %squeeze3A_125, %sign3A_128 : i32
    %sign3A_130 = arith.extui %sign3A_129 : i1 to i32
    %sign3A_131 = arith.constant 0 : i32
    %sign3A_132 = arith.cmpi slt, %squeeze3A_125, %sign3A_131 : i32
    %sign3A_133 = arith.extui %sign3A_132 : i1 to i32
    %sign3A_134 = arith.subi %sign3A_130, %sign3A_133 : i32
    %sign3A_135 = arith.constant 0 : i32
    %sign3A_136 = arith.cmpi sgt, %jit3A_126, %sign3A_135 : i32
    %sign3A_137 = arith.extui %sign3A_136 : i1 to i32
    %sign3A_138 = arith.constant 0 : i32
    %sign3A_139 = arith.cmpi slt, %jit3A_126, %sign3A_138 : i32
    %sign3A_140 = arith.extui %sign3A_139 : i1 to i32
    %sign3A_141 = arith.subi %sign3A_137, %sign3A_140 : i32
    %ne3A_142 = arith.cmpi ne, %sign3A_134, %sign3A_141 : i32
    %rem3A_143 = arith.remsi %squeeze3A_125, %jit3A_126 : i32
    %ne3A_144 = arith.constant 0 : i32
    %ne3A_145 = arith.cmpi ne, %rem3A_143, %ne3A_144 : i32
    %and3A_146 = arith.andi %ne3A_142, %ne3A_145 : i1
    %sub3A_147 = arith.constant 1 : i32
    %sub3A_148 = arith.subi %div3A_127, %sub3A_147 : i32
    %select_n3A_149 = arith.select %and3A_146, %sub3A_148, %div3A_127 : i32
    %mul3A_150 = arith.constant 128 : i32
    %mul3A_151 = arith.muli %select_n3A_149, %mul3A_150 : i32
    %multiple_of3A_152 = tpu.assume_multiple %mul3A_151, 128 : i32
    %dma_start3A_153 = arith.constant 0 : i32
    %dma_start3A_154 = arith.constant 3 : i32
    %dma_start3A_155 = arith.constant 0 : i32
    %dma_start3A_156 = arith.constant 0 : i32
    %dma_start3A_157 = tpu.memref_slice %arg8[%dma_start3A_153, %dma_start3A_154, %dma_start3A_155, %dma_start3A_156] : memref<2x8x32x128xf32, #tpu.memory_space<vmem>> -> memref<1x1x32x128xf32, #tpu.memory_space<vmem>>
    %dma_start3A_158 = tpu.memref_squeeze %dma_start3A_157 : memref<1x1x32x128xf32, #tpu.memory_space<vmem>> -> memref<32x128xf32, #tpu.memory_space<vmem>>
    %dma_start3A_159 = arith.constant 0 : i32
    %dma_start3A_160 = tpu.memref_slice %arg4[%dma_start3A_159, %multiple_of3A_152] : memref<32x1000000xf32, #tpu.memory_space<hbm>> -> memref<32x128xf32, #tpu.memory_space<hbm>>
    %dma_start3A_161 = arith.constant 0 : i32
    %dma_start3A_162 = arith.constant 0 : i32
    %dma_start3A_163 = tpu.memref_slice %arg8[%dma_start3A_153, %dma_start3A_154, %dma_start3A_161, %dma_start3A_162] : memref<2x8x32x128xf32, #tpu.memory_space<vmem>> -> memref<1x1x32x128xf32, #tpu.memory_space<vmem>>
    %dma_start3A_164 = tpu.memref_squeeze %dma_start3A_163 : memref<1x1x32x128xf32, #tpu.memory_space<vmem>> -> memref<32x128xf32, #tpu.memory_space<vmem>>
    %dma_start3A_165 = arith.constant 0 : i32
    %dma_start3A_166 = tpu.memref_slice %arg4[%dma_start3A_165, %multiple_of3A_152] : memref<32x1000000xf32, #tpu.memory_space<hbm>> -> memref<32x128xf32, #tpu.memory_space<hbm>>
    tpu.enqueue_dma source(%dma_start3A_166 : memref<32x128xf32, #tpu.memory_space<hbm>>) target(%dma_start3A_164 : memref<32x128xf32, #tpu.memory_space<vmem>>) target_semaphore(%arg11 : memref<!tpu.dma_semaphore, #tpu.memory_space<semaphore_mem>>)
    %slice3A_167 = vector.extract_strided_slice %get3A_6 {offsets = [4], sizes = [1], strides = [1]} : vector<16xi32> to vector<1xi32>
    %squeeze3A_168 = vector.extract %slice3A_167[0] : i32 from vector<1xi32>
    %jit3A_169 = arith.constant 128 : i32
    %div3A_170 = arith.divsi %squeeze3A_168, %jit3A_169 : i32
    %sign3A_171 = arith.constant 0 : i32
    %sign3A_172 = arith.cmpi sgt, %squeeze3A_168, %sign3A_171 : i32
    %sign3A_173 = arith.extui %sign3A_172 : i1 to i32
    %sign3A_174 = arith.constant 0 : i32
    %sign3A_175 = arith.cmpi slt, %squeeze3A_168, %sign3A_174 : i32
    %sign3A_176 = arith.extui %sign3A_175 : i1 to i32
    %sign3A_177 = arith.subi %sign3A_173, %sign3A_176 : i32
    %sign3A_178 = arith.constant 0 : i32
    %sign3A_179 = arith.cmpi sgt, %jit3A_169, %sign3A_178 : i32
    %sign3A_180 = arith.extui %sign3A_179 : i1 to i32
    %sign3A_181 = arith.constant 0 : i32
    %sign3A_182 = arith.cmpi slt, %jit3A_169, %sign3A_181 : i32
    %sign3A_183 = arith.extui %sign3A_182 : i1 to i32
    %sign3A_184 = arith.subi %sign3A_180, %sign3A_183 : i32
    %ne3A_185 = arith.cmpi ne, %sign3A_177, %sign3A_184 : i32
    %rem3A_186 = arith.remsi %squeeze3A_168, %jit3A_169 : i32
    %ne3A_187 = arith.constant 0 : i32
    %ne3A_188 = arith.cmpi ne, %rem3A_186, %ne3A_187 : i32
    %and3A_189 = arith.andi %ne3A_185, %ne3A_188 : i1
    %sub3A_190 = arith.constant 1 : i32
    %sub3A_191 = arith.subi %div3A_170, %sub3A_190 : i32
    %select_n3A_192 = arith.select %and3A_189, %sub3A_191, %div3A_170 : i32
    %mul3A_193 = arith.constant 128 : i32
    %mul3A_194 = arith.muli %select_n3A_192, %mul3A_193 : i32
    %multiple_of3A_195 = tpu.assume_multiple %mul3A_194, 128 : i32
    %dma_start3A_196 = arith.constant 0 : i32
    %dma_start3A_197 = arith.constant 4 : i32
    %dma_start3A_198 = arith.constant 0 : i32
    %dma_start3A_199 = arith.constant 0 : i32
    %dma_start3A_200 = tpu.memref_slice %arg8[%dma_start3A_196, %dma_start3A_197, %dma_start3A_198, %dma_start3A_199] : memref<2x8x32x128xf32, #tpu.memory_space<vmem>> -> memref<1x1x32x128xf32, #tpu.memory_space<vmem>>
    %dma_start3A_201 = tpu.memref_squeeze %dma_start3A_200 : memref<1x1x32x128xf32, #tpu.memory_space<vmem>> -> memref<32x128xf32, #tpu.memory_space<vmem>>
    %dma_start3A_202 = arith.constant 0 : i32
    %dma_start3A_203 = tpu.memref_slice %arg4[%dma_start3A_202, %multiple_of3A_195] : memref<32x1000000xf32, #tpu.memory_space<hbm>> -> memref<32x128xf32, #tpu.memory_space<hbm>>
    %dma_start3A_204 = arith.constant 0 : i32
    %dma_start3A_205 = arith.constant 0 : i32
    %dma_start3A_206 = tpu.memref_slice %arg8[%dma_start3A_196, %dma_start3A_197, %dma_start3A_204, %dma_start3A_205] : memref<2x8x32x128xf32, #tpu.memory_space<vmem>> -> memref<1x1x32x128xf32, #tpu.memory_space<vmem>>
    %dma_start3A_207 = tpu.memref_squeeze %dma_start3A_206 : memref<1x1x32x128xf32, #tpu.memory_space<vmem>> -> memref<32x128xf32, #tpu.memory_space<vmem>>
    %dma_start3A_208 = arith.constant 0 : i32
    %dma_start3A_209 = tpu.memref_slice %arg4[%dma_start3A_208, %multiple_of3A_195] : memref<32x1000000xf32, #tpu.memory_space<hbm>> -> memref<32x128xf32, #tpu.memory_space<hbm>>
    tpu.enqueue_dma source(%dma_start3A_209 : memref<32x128xf32, #tpu.memory_space<hbm>>) target(%dma_start3A_207 : memref<32x128xf32, #tpu.memory_space<vmem>>) target_semaphore(%arg11 : memref<!tpu.dma_semaphore, #tpu.memory_space<semaphore_mem>>)
    %slice3A_210 = vector.extract_strided_slice %get3A_6 {offsets = [5], sizes = [1], strides = [1]} : vector<16xi32> to vector<1xi32>
    %squeeze3A_211 = vector.extract %slice3A_210[0] : i32 from vector<1xi32>
    %jit3A_212 = arith.constant 128 : i32
    %div3A_213 = arith.divsi %squeeze3A_211, %jit3A_212 : i32
    %sign3A_214 = arith.constant 0 : i32
    %sign3A_215 = arith.cmpi sgt, %squeeze3A_211, %sign3A_214 : i32
    %sign3A_216 = arith.extui %sign3A_215 : i1 to i32
    %sign3A_217 = arith.constant 0 : i32
    %sign3A_218 = arith.cmpi slt, %squeeze3A_211, %sign3A_217 : i32
    %sign3A_219 = arith.extui %sign3A_218 : i1 to i32
    %sign3A_220 = arith.subi %sign3A_216, %sign3A_219 : i32
    %sign3A_221 = arith.constant 0 : i32
    %sign3A_222 = arith.cmpi sgt, %jit3A_212, %sign3A_221 : i32
    %sign3A_223 = arith.extui %sign3A_222 : i1 to i32
    %sign3A_224 = arith.constant 0 : i32
    %sign3A_225 = arith.cmpi slt, %jit3A_212, %sign3A_224 : i32
    %sign3A_226 = arith.extui %sign3A_225 : i1 to i32
    %sign3A_227 = arith.subi %sign3A_223, %sign3A_226 : i32
    %ne3A_228 = arith.cmpi ne, %sign3A_220, %sign3A_227 : i32
    %rem3A_229 = arith.remsi %squeeze3A_211, %jit3A_212 : i32
    %ne3A_230 = arith.constant 0 : i32
    %ne3A_231 = arith.cmpi ne, %rem3A_229, %ne3A_230 : i32
    %and3A_232 = arith.andi %ne3A_228, %ne3A_231 : i1
    %sub3A_233 = arith.constant 1 : i32
    %sub3A_234 = arith.subi %div3A_213, %sub3A_233 : i32
    %select_n3A_235 = arith.select %and3A_232, %sub3A_234, %div3A_213 : i32
    %mul3A_236 = arith.constant 128 : i32
    %mul3A_237 = arith.muli %select_n3A_235, %mul3A_236 : i32
    %multiple_of3A_238 = tpu.assume_multiple %mul3A_237, 128 : i32
    %dma_start3A_239 = arith.constant 0 : i32
    %dma_start3A_240 = arith.constant 5 : i32
    %dma_start3A_241 = arith.constant 0 : i32
    %dma_start3A_242 = arith.constant 0 : i32
    %dma_start3A_243 = tpu.memref_slice %arg8[%dma_start3A_239, %dma_start3A_240, %dma_start3A_241, %dma_start3A_242] : memref<2x8x32x128xf32, #tpu.memory_space<vmem>> -> memref<1x1x32x128xf32, #tpu.memory_space<vmem>>
    %dma_start3A_244 = tpu.memref_squeeze %dma_start3A_243 : memref<1x1x32x128xf32, #tpu.memory_space<vmem>> -> memref<32x128xf32, #tpu.memory_space<vmem>>
    %dma_start3A_245 = arith.constant 0 : i32
    %dma_start3A_246 = tpu.memref_slice %arg4[%dma_start3A_245, %multiple_of3A_238] : memref<32x1000000xf32, #tpu.memory_space<hbm>> -> memref<32x128xf32, #tpu.memory_space<hbm>>
    %dma_start3A_247 = arith.constant 0 : i32
    %dma_start3A_248 = arith.constant 0 : i32
    %dma_start3A_249 = tpu.memref_slice %arg8[%dma_start3A_239, %dma_start3A_240, %dma_start3A_247, %dma_start3A_248] : memref<2x8x32x128xf32, #tpu.memory_space<vmem>> -> memref<1x1x32x128xf32, #tpu.memory_space<vmem>>
    %dma_start3A_250 = tpu.memref_squeeze %dma_start3A_249 : memref<1x1x32x128xf32, #tpu.memory_space<vmem>> -> memref<32x128xf32, #tpu.memory_space<vmem>>
    %dma_start3A_251 = arith.constant 0 : i32
    %dma_start3A_252 = tpu.memref_slice %arg4[%dma_start3A_251, %multiple_of3A_238] : memref<32x1000000xf32, #tpu.memory_space<hbm>> -> memref<32x128xf32, #tpu.memory_space<hbm>>
    tpu.enqueue_dma source(%dma_start3A_252 : memref<32x128xf32, #tpu.memory_space<hbm>>) target(%dma_start3A_250 : memref<32x128xf32, #tpu.memory_space<vmem>>) target_semaphore(%arg11 : memref<!tpu.dma_semaphore, #tpu.memory_space<semaphore_mem>>)
    %slice3A_253 = vector.extract_strided_slice %get3A_6 {offsets = [6], sizes = [1], strides = [1]} : vector<16xi32> to vector<1xi32>
    %squeeze3A_254 = vector.extract %slice3A_253[0] : i32 from vector<1xi32>
    %jit3A_255 = arith.constant 128 : i32
    %div3A_256 = arith.divsi %squeeze3A_254, %jit3A_255 : i32
    %sign3A_257 = arith.constant 0 : i32
    %sign3A_258 = arith.cmpi sgt, %squeeze3A_254, %sign3A_257 : i32
    %sign3A_259 = arith.extui %sign3A_258 : i1 to i32
    %sign3A_260 = arith.constant 0 : i32
    %sign3A_261 = arith.cmpi slt, %squeeze3A_254, %sign3A_260 : i32
    %sign3A_262 = arith.extui %sign3A_261 : i1 to i32
    %sign3A_263 = arith.subi %sign3A_259, %sign3A_262 : i32
    %sign3A_264 = arith.constant 0 : i32
    %sign3A_265 = arith.cmpi sgt, %jit3A_255, %sign3A_264 : i32
    %sign3A_266 = arith.extui %sign3A_265 : i1 to i32
    %sign3A_267 = arith.constant 0 : i32
    %sign3A_268 = arith.cmpi slt, %jit3A_255, %sign3A_267 : i32
    %sign3A_269 = arith.extui %sign3A_268 : i1 to i32
    %sign3A_270 = arith.subi %sign3A_266, %sign3A_269 : i32
    %ne3A_271 = arith.cmpi ne, %sign3A_263, %sign3A_270 : i32
    %rem3A_272 = arith.remsi %squeeze3A_254, %jit3A_255 : i32
    %ne3A_273 = arith.constant 0 : i32
    %ne3A_274 = arith.cmpi ne, %rem3A_272, %ne3A_273 : i32
    %and3A_275 = arith.andi %ne3A_271, %ne3A_274 : i1
    %sub3A_276 = arith.constant 1 : i32
    %sub3A_277 = arith.subi %div3A_256, %sub3A_276 : i32
    %select_n3A_278 = arith.select %and3A_275, %sub3A_277, %div3A_256 : i32
    %mul3A_279 = arith.constant 128 : i32
    %mul3A_280 = arith.muli %select_n3A_278, %mul3A_279 : i32
    %multiple_of3A_281 = tpu.assume_multiple %mul3A_280, 128 : i32
    %dma_start3A_282 = arith.constant 0 : i32
    %dma_start3A_283 = arith.constant 6 : i32
    %dma_start3A_284 = arith.constant 0 : i32
    %dma_start3A_285 = arith.constant 0 : i32
    %dma_start3A_286 = tpu.memref_slice %arg8[%dma_start3A_282, %dma_start3A_283, %dma_start3A_284, %dma_start3A_285] : memref<2x8x32x128xf32, #tpu.memory_space<vmem>> -> memref<1x1x32x128xf32, #tpu.memory_space<vmem>>
    %dma_start3A_287 = tpu.memref_squeeze %dma_start3A_286 : memref<1x1x32x128xf32, #tpu.memory_space<vmem>> -> memref<32x128xf32, #tpu.memory_space<vmem>>
    %dma_start3A_288 = arith.constant 0 : i32
    %dma_start3A_289 = tpu.memref_slice %arg4[%dma_start3A_288, %multiple_of3A_281] : memref<32x1000000xf32, #tpu.memory_space<hbm>> -> memref<32x128xf32, #tpu.memory_space<hbm>>
    %dma_start3A_290 = arith.constant 0 : i32
    %dma_start3A_291 = arith.constant 0 : i32
    %dma_start3A_292 = tpu.memref_slice %arg8[%dma_start3A_282, %dma_start3A_283, %dma_start3A_290, %dma_start3A_291] : memref<2x8x32x128xf32, #tpu.memory_space<vmem>> -> memref<1x1x32x128xf32, #tpu.memory_space<vmem>>
    %dma_start3A_293 = tpu.memref_squeeze %dma_start3A_292 : memref<1x1x32x128xf32, #tpu.memory_space<vmem>> -> memref<32x128xf32, #tpu.memory_space<vmem>>
    %dma_start3A_294 = arith.constant 0 : i32
    %dma_start3A_295 = tpu.memref_slice %arg4[%dma_start3A_294, %multiple_of3A_281] : memref<32x1000000xf32, #tpu.memory_space<hbm>> -> memref<32x128xf32, #tpu.memory_space<hbm>>
    tpu.enqueue_dma source(%dma_start3A_295 : memref<32x128xf32, #tpu.memory_space<hbm>>) target(%dma_start3A_293 : memref<32x128xf32, #tpu.memory_space<vmem>>) target_semaphore(%arg11 : memref<!tpu.dma_semaphore, #tpu.memory_space<semaphore_mem>>)
    %slice3A_296 = vector.extract_strided_slice %get3A_6 {offsets = [7], sizes = [1], strides = [1]} : vector<16xi32> to vector<1xi32>
    %squeeze3A_297 = vector.extract %slice3A_296[0] : i32 from vector<1xi32>
    %jit3A_298 = arith.constant 128 : i32
    %div3A_299 = arith.divsi %squeeze3A_297, %jit3A_298 : i32
    %sign3A_300 = arith.constant 0 : i32
    %sign3A_301 = arith.cmpi sgt, %squeeze3A_297, %sign3A_300 : i32
    %sign3A_302 = arith.extui %sign3A_301 : i1 to i32
    %sign3A_303 = arith.constant 0 : i32
    %sign3A_304 = arith.cmpi slt, %squeeze3A_297, %sign3A_303 : i32
    %sign3A_305 = arith.extui %sign3A_304 : i1 to i32
    %sign3A_306 = arith.subi %sign3A_302, %sign3A_305 : i32
    %sign3A_307 = arith.constant 0 : i32
    %sign3A_308 = arith.cmpi sgt, %jit3A_298, %sign3A_307 : i32
    %sign3A_309 = arith.extui %sign3A_308 : i1 to i32
    %sign3A_310 = arith.constant 0 : i32
    %sign3A_311 = arith.cmpi slt, %jit3A_298, %sign3A_310 : i32
    %sign3A_312 = arith.extui %sign3A_311 : i1 to i32
    %sign3A_313 = arith.subi %sign3A_309, %sign3A_312 : i32
    %ne3A_314 = arith.cmpi ne, %sign3A_306, %sign3A_313 : i32
    %rem3A_315 = arith.remsi %squeeze3A_297, %jit3A_298 : i32
    %ne3A_316 = arith.constant 0 : i32
    %ne3A_317 = arith.cmpi ne, %rem3A_315, %ne3A_316 : i32
    %and3A_318 = arith.andi %ne3A_314, %ne3A_317 : i1
    %sub3A_319 = arith.constant 1 : i32
    %sub3A_320 = arith.subi %div3A_299, %sub3A_319 : i32
    %select_n3A_321 = arith.select %and3A_318, %sub3A_320, %div3A_299 : i32
    %mul3A_322 = arith.constant 128 : i32
    %mul3A_323 = arith.muli %select_n3A_321, %mul3A_322 : i32
    %multiple_of3A_324 = tpu.assume_multiple %mul3A_323, 128 : i32
    %dma_start3A_325 = arith.constant 0 : i32
    %dma_start3A_326 = arith.constant 7 : i32
    %dma_start3A_327 = arith.constant 0 : i32
    %dma_start3A_328 = arith.constant 0 : i32
    %dma_start3A_329 = tpu.memref_slice %arg8[%dma_start3A_325, %dma_start3A_326, %dma_start3A_327, %dma_start3A_328] : memref<2x8x32x128xf32, #tpu.memory_space<vmem>> -> memref<1x1x32x128xf32, #tpu.memory_space<vmem>>
    %dma_start3A_330 = tpu.memref_squeeze %dma_start3A_329 : memref<1x1x32x128xf32, #tpu.memory_space<vmem>> -> memref<32x128xf32, #tpu.memory_space<vmem>>
    %dma_start3A_331 = arith.constant 0 : i32
    %dma_start3A_332 = tpu.memref_slice %arg4[%dma_start3A_331, %multiple_of3A_324] : memref<32x1000000xf32, #tpu.memory_space<hbm>> -> memref<32x128xf32, #tpu.memory_space<hbm>>
    %dma_start3A_333 = arith.constant 0 : i32
    %dma_start3A_334 = arith.constant 0 : i32
    %dma_start3A_335 = tpu.memref_slice %arg8[%dma_start3A_325, %dma_start3A_326, %dma_start3A_333, %dma_start3A_334] : memref<2x8x32x128xf32, #tpu.memory_space<vmem>> -> memref<1x1x32x128xf32, #tpu.memory_space<vmem>>
    %dma_start3A_336 = tpu.memref_squeeze %dma_start3A_335 : memref<1x1x32x128xf32, #tpu.memory_space<vmem>> -> memref<32x128xf32, #tpu.memory_space<vmem>>
    %dma_start3A_337 = arith.constant 0 : i32
    %dma_start3A_338 = tpu.memref_slice %arg4[%dma_start3A_337, %multiple_of3A_324] : memref<32x1000000xf32, #tpu.memory_space<hbm>> -> memref<32x128xf32, #tpu.memory_space<hbm>>
    tpu.enqueue_dma source(%dma_start3A_338 : memref<32x128xf32, #tpu.memory_space<hbm>>) target(%dma_start3A_336 : memref<32x128xf32, #tpu.memory_space<vmem>>) target_semaphore(%arg11 : memref<!tpu.dma_semaphore, #tpu.memory_space<semaphore_mem>>)
    %slice3A_339 = vector.extract_strided_slice %get3A_6 {offsets = [8], sizes = [1], strides = [1]} : vector<16xi32> to vector<1xi32>
    %squeeze3A_340 = vector.extract %slice3A_339[0] : i32 from vector<1xi32>
    %jit3A_341 = arith.constant 128 : i32
    %div3A_342 = arith.divsi %squeeze3A_340, %jit3A_341 : i32
    %sign3A_343 = arith.constant 0 : i32
    %sign3A_344 = arith.cmpi sgt, %squeeze3A_340, %sign3A_343 : i32
    %sign3A_345 = arith.extui %sign3A_344 : i1 to i32
    %sign3A_346 = arith.constant 0 : i32
    %sign3A_347 = arith.cmpi slt, %squeeze3A_340, %sign3A_346 : i32
    %sign3A_348 = arith.extui %sign3A_347 : i1 to i32
    %sign3A_349 = arith.subi %sign3A_345, %sign3A_348 : i32
    %sign3A_350 = arith.constant 0 : i32
    %sign3A_351 = arith.cmpi sgt, %jit3A_341, %sign3A_350 : i32
    %sign3A_352 = arith.extui %sign3A_351 : i1 to i32
    %sign3A_353 = arith.constant 0 : i32
    %sign3A_354 = arith.cmpi slt, %jit3A_341, %sign3A_353 : i32
    %sign3A_355 = arith.extui %sign3A_354 : i1 to i32
    %sign3A_356 = arith.subi %sign3A_352, %sign3A_355 : i32
    %ne3A_357 = arith.cmpi ne, %sign3A_349, %sign3A_356 : i32
    %rem3A_358 = arith.remsi %squeeze3A_340, %jit3A_341 : i32
    %ne3A_359 = arith.constant 0 : i32
    %ne3A_360 = arith.cmpi ne, %rem3A_358, %ne3A_359 : i32
    %and3A_361 = arith.andi %ne3A_357, %ne3A_360 : i1
    %sub3A_362 = arith.constant 1 : i32
    %sub3A_363 = arith.subi %div3A_342, %sub3A_362 : i32
    %select_n3A_364 = arith.select %and3A_361, %sub3A_363, %div3A_342 : i32
    %mul3A_365 = arith.constant 128 : i32
    %mul3A_366 = arith.muli %select_n3A_364, %mul3A_365 : i32
    %multiple_of3A_367 = tpu.assume_multiple %mul3A_366, 128 : i32
    %dma_start3A_368 = arith.constant 1 : i32
    %dma_start3A_369 = arith.constant 0 : i32
    %dma_start3A_370 = arith.constant 0 : i32
    %dma_start3A_371 = arith.constant 0 : i32
    %dma_start3A_372 = tpu.memref_slice %arg8[%dma_start3A_368, %dma_start3A_369, %dma_start3A_370, %dma_start3A_371] : memref<2x8x32x128xf32, #tpu.memory_space<vmem>> -> memref<1x1x32x128xf32, #tpu.memory_space<vmem>>
    %dma_start3A_373 = tpu.memref_squeeze %dma_start3A_372 : memref<1x1x32x128xf32, #tpu.memory_space<vmem>> -> memref<32x128xf32, #tpu.memory_space<vmem>>
    %dma_start3A_374 = arith.constant 0 : i32
    %dma_start3A_375 = tpu.memref_slice %arg4[%dma_start3A_374, %multiple_of3A_367] : memref<32x1000000xf32, #tpu.memory_space<hbm>> -> memref<32x128xf32, #tpu.memory_space<hbm>>
    %dma_start3A_376 = arith.constant 0 : i32
    %dma_start3A_377 = arith.constant 0 : i32
    %dma_start3A_378 = tpu.memref_slice %arg8[%dma_start3A_368, %dma_start3A_369, %dma_start3A_376, %dma_start3A_377] : memref<2x8x32x128xf32, #tpu.memory_space<vmem>> -> memref<1x1x32x128xf32, #tpu.memory_space<vmem>>
    %dma_start3A_379 = tpu.memref_squeeze %dma_start3A_378 : memref<1x1x32x128xf32, #tpu.memory_space<vmem>> -> memref<32x128xf32, #tpu.memory_space<vmem>>
    %dma_start3A_380 = arith.constant 0 : i32
    %dma_start3A_381 = tpu.memref_slice %arg4[%dma_start3A_380, %multiple_of3A_367] : memref<32x1000000xf32, #tpu.memory_space<hbm>> -> memref<32x128xf32, #tpu.memory_space<hbm>>
    tpu.enqueue_dma source(%dma_start3A_381 : memref<32x128xf32, #tpu.memory_space<hbm>>) target(%dma_start3A_379 : memref<32x128xf32, #tpu.memory_space<vmem>>) target_semaphore(%arg12 : memref<!tpu.dma_semaphore, #tpu.memory_space<semaphore_mem>>)
    %slice3A_382 = vector.extract_strided_slice %get3A_6 {offsets = [9], sizes = [1], strides = [1]} : vector<16xi32> to vector<1xi32>
    %squeeze3A_383 = vector.extract %slice3A_382[0] : i32 from vector<1xi32>
    %jit3A_384 = arith.constant 128 : i32
    %div3A_385 = arith.divsi %squeeze3A_383, %jit3A_384 : i32
    %sign3A_386 = arith.constant 0 : i32
    %sign3A_387 = arith.cmpi sgt, %squeeze3A_383, %sign3A_386 : i32
    %sign3A_388 = arith.extui %sign3A_387 : i1 to i32
    %sign3A_389 = arith.constant 0 : i32
    %sign3A_390 = arith.cmpi slt, %squeeze3A_383, %sign3A_389 : i32
    %sign3A_391 = arith.extui %sign3A_390 : i1 to i32
    %sign3A_392 = arith.subi %sign3A_388, %sign3A_391 : i32
    %sign3A_393 = arith.constant 0 : i32
    %sign3A_394 = arith.cmpi sgt, %jit3A_384, %sign3A_393 : i32
    %sign3A_395 = arith.extui %sign3A_394 : i1 to i32
    %sign3A_396 = arith.constant 0 : i32
    %sign3A_397 = arith.cmpi slt, %jit3A_384, %sign3A_396 : i32
    %sign3A_398 = arith.extui %sign3A_397 : i1 to i32
    %sign3A_399 = arith.subi %sign3A_395, %sign3A_398 : i32
    %ne3A_400 = arith.cmpi ne, %sign3A_392, %sign3A_399 : i32
    %rem3A_401 = arith.remsi %squeeze3A_383, %jit3A_384 : i32
    %ne3A_402 = arith.constant 0 : i32
    %ne3A_403 = arith.cmpi ne, %rem3A_401, %ne3A_402 : i32
    %and3A_404 = arith.andi %ne3A_400, %ne3A_403 : i1
    %sub3A_405 = arith.constant 1 : i32
    %sub3A_406 = arith.subi %div3A_385, %sub3A_405 : i32
    %select_n3A_407 = arith.select %and3A_404, %sub3A_406, %div3A_385 : i32
    %mul3A_408 = arith.constant 128 : i32
    %mul3A_409 = arith.muli %select_n3A_407, %mul3A_408 : i32
    %multiple_of3A_410 = tpu.assume_multiple %mul3A_409, 128 : i32
    %dma_start3A_411 = arith.constant 1 : i32
    %dma_start3A_412 = arith.constant 1 : i32
    %dma_start3A_413 = arith.constant 0 : i32
    %dma_start3A_414 = arith.constant 0 : i32
    %dma_start3A_415 = tpu.memref_slice %arg8[%dma_start3A_411, %dma_start3A_412, %dma_start3A_413, %dma_start3A_414] : memref<2x8x32x128xf32, #tpu.memory_space<vmem>> -> memref<1x1x32x128xf32, #tpu.memory_space<vmem>>
    %dma_start3A_416 = tpu.memref_squeeze %dma_start3A_415 : memref<1x1x32x128xf32, #tpu.memory_space<vmem>> -> memref<32x128xf32, #tpu.memory_space<vmem>>
    %dma_start3A_417 = arith.constant 0 : i32
    %dma_start3A_418 = tpu.memref_slice %arg4[%dma_start3A_417, %multiple_of3A_410] : memref<32x1000000xf32, #tpu.memory_space<hbm>> -> memref<32x128xf32, #tpu.memory_space<hbm>>
    %dma_start3A_419 = arith.constant 0 : i32
    %dma_start3A_420 = arith.constant 0 : i32
    %dma_start3A_421 = tpu.memref_slice %arg8[%dma_start3A_411, %dma_start3A_412, %dma_start3A_419, %dma_start3A_420] : memref<2x8x32x128xf32, #tpu.memory_space<vmem>> -> memref<1x1x32x128xf32, #tpu.memory_space<vmem>>
    %dma_start3A_422 = tpu.memref_squeeze %dma_start3A_421 : memref<1x1x32x128xf32, #tpu.memory_space<vmem>> -> memref<32x128xf32, #tpu.memory_space<vmem>>
    %dma_start3A_423 = arith.constant 0 : i32
    %dma_start3A_424 = tpu.memref_slice %arg4[%dma_start3A_423, %multiple_of3A_410] : memref<32x1000000xf32, #tpu.memory_space<hbm>> -> memref<32x128xf32, #tpu.memory_space<hbm>>
    tpu.enqueue_dma source(%dma_start3A_424 : memref<32x128xf32, #tpu.memory_space<hbm>>) target(%dma_start3A_422 : memref<32x128xf32, #tpu.memory_space<vmem>>) target_semaphore(%arg12 : memref<!tpu.dma_semaphore, #tpu.memory_space<semaphore_mem>>)
    %slice3A_425 = vector.extract_strided_slice %get3A_6 {offsets = [10], sizes = [1], strides = [1]} : vector<16xi32> to vector<1xi32>
    %squeeze3A_426 = vector.extract %slice3A_425[0] : i32 from vector<1xi32>
    %jit3A_427 = arith.constant 128 : i32
    %div3A_428 = arith.divsi %squeeze3A_426, %jit3A_427 : i32
    %sign3A_429 = arith.constant 0 : i32
    %sign3A_430 = arith.cmpi sgt, %squeeze3A_426, %sign3A_429 : i32
    %sign3A_431 = arith.extui %sign3A_430 : i1 to i32
    %sign3A_432 = arith.constant 0 : i32
    %sign3A_433 = arith.cmpi slt, %squeeze3A_426, %sign3A_432 : i32
    %sign3A_434 = arith.extui %sign3A_433 : i1 to i32
    %sign3A_435 = arith.subi %sign3A_431, %sign3A_434 : i32
    %sign3A_436 = arith.constant 0 : i32
    %sign3A_437 = arith.cmpi sgt, %jit3A_427, %sign3A_436 : i32
    %sign3A_438 = arith.extui %sign3A_437 : i1 to i32
    %sign3A_439 = arith.constant 0 : i32
    %sign3A_440 = arith.cmpi slt, %jit3A_427, %sign3A_439 : i32
    %sign3A_441 = arith.extui %sign3A_440 : i1 to i32
    %sign3A_442 = arith.subi %sign3A_438, %sign3A_441 : i32
    %ne3A_443 = arith.cmpi ne, %sign3A_435, %sign3A_442 : i32
    %rem3A_444 = arith.remsi %squeeze3A_426, %jit3A_427 : i32
    %ne3A_445 = arith.constant 0 : i32
    %ne3A_446 = arith.cmpi ne, %rem3A_444, %ne3A_445 : i32
    %and3A_447 = arith.andi %ne3A_443, %ne3A_446 : i1
    %sub3A_448 = arith.constant 1 : i32
    %sub3A_449 = arith.subi %div3A_428, %sub3A_448 : i32
    %select_n3A_450 = arith.select %and3A_447, %sub3A_449, %div3A_428 : i32
    %mul3A_451 = arith.constant 128 : i32
    %mul3A_452 = arith.muli %select_n3A_450, %mul3A_451 : i32
    %multiple_of3A_453 = tpu.assume_multiple %mul3A_452, 128 : i32
    %dma_start3A_454 = arith.constant 1 : i32
    %dma_start3A_455 = arith.constant 2 : i32
    %dma_start3A_456 = arith.constant 0 : i32
    %dma_start3A_457 = arith.constant 0 : i32
    %dma_start3A_458 = tpu.memref_slice %arg8[%dma_start3A_454, %dma_start3A_455, %dma_start3A_456, %dma_start3A_457] : memref<2x8x32x128xf32, #tpu.memory_space<vmem>> -> memref<1x1x32x128xf32, #tpu.memory_space<vmem>>
    %dma_start3A_459 = tpu.memref_squeeze %dma_start3A_458 : memref<1x1x32x128xf32, #tpu.memory_space<vmem>> -> memref<32x128xf32, #tpu.memory_space<vmem>>
    %dma_start3A_460 = arith.constant 0 : i32
    %dma_start3A_461 = tpu.memref_slice %arg4[%dma_start3A_460, %multiple_of3A_453] : memref<32x1000000xf32, #tpu.memory_space<hbm>> -> memref<32x128xf32, #tpu.memory_space<hbm>>
    %dma_start3A_462 = arith.constant 0 : i32
    %dma_start3A_463 = arith.constant 0 : i32
    %dma_start3A_464 = tpu.memref_slice %arg8[%dma_start3A_454, %dma_start3A_455, %dma_start3A_462, %dma_start3A_463] : memref<2x8x32x128xf32, #tpu.memory_space<vmem>> -> memref<1x1x32x128xf32, #tpu.memory_space<vmem>>
    %dma_start3A_465 = tpu.memref_squeeze %dma_start3A_464 : memref<1x1x32x128xf32, #tpu.memory_space<vmem>> -> memref<32x128xf32, #tpu.memory_space<vmem>>
    %dma_start3A_466 = arith.constant 0 : i32
    %dma_start3A_467 = tpu.memref_slice %arg4[%dma_start3A_466, %multiple_of3A_453] : memref<32x1000000xf32, #tpu.memory_space<hbm>> -> memref<32x128xf32, #tpu.memory_space<hbm>>
    tpu.enqueue_dma source(%dma_start3A_467 : memref<32x128xf32, #tpu.memory_space<hbm>>) target(%dma_start3A_465 : memref<32x128xf32, #tpu.memory_space<vmem>>) target_semaphore(%arg12 : memref<!tpu.dma_semaphore, #tpu.memory_space<semaphore_mem>>)
    %slice3A_468 = vector.extract_strided_slice %get3A_6 {offsets = [11], sizes = [1], strides = [1]} : vector<16xi32> to vector<1xi32>
    %squeeze3A_469 = vector.extract %slice3A_468[0] : i32 from vector<1xi32>
    %jit3A_470 = arith.constant 128 : i32
    %div3A_471 = arith.divsi %squeeze3A_469, %jit3A_470 : i32
    %sign3A_472 = arith.constant 0 : i32
    %sign3A_473 = arith.cmpi sgt, %squeeze3A_469, %sign3A_472 : i32
    %sign3A_474 = arith.extui %sign3A_473 : i1 to i32
    %sign3A_475 = arith.constant 0 : i32
    %sign3A_476 = arith.cmpi slt, %squeeze3A_469, %sign3A_475 : i32
    %sign3A_477 = arith.extui %sign3A_476 : i1 to i32
    %sign3A_478 = arith.subi %sign3A_474, %sign3A_477 : i32
    %sign3A_479 = arith.constant 0 : i32
    %sign3A_480 = arith.cmpi sgt, %jit3A_470, %sign3A_479 : i32
    %sign3A_481 = arith.extui %sign3A_480 : i1 to i32
    %sign3A_482 = arith.constant 0 : i32
    %sign3A_483 = arith.cmpi slt, %jit3A_470, %sign3A_482 : i32
    %sign3A_484 = arith.extui %sign3A_483 : i1 to i32
    %sign3A_485 = arith.subi %sign3A_481, %sign3A_484 : i32
    %ne3A_486 = arith.cmpi ne, %sign3A_478, %sign3A_485 : i32
    %rem3A_487 = arith.remsi %squeeze3A_469, %jit3A_470 : i32
    %ne3A_488 = arith.constant 0 : i32
    %ne3A_489 = arith.cmpi ne, %rem3A_487, %ne3A_488 : i32
    %and3A_490 = arith.andi %ne3A_486, %ne3A_489 : i1
    %sub3A_491 = arith.constant 1 : i32
    %sub3A_492 = arith.subi %div3A_471, %sub3A_491 : i32
    %select_n3A_493 = arith.select %and3A_490, %sub3A_492, %div3A_471 : i32
    %mul3A_494 = arith.constant 128 : i32
    %mul3A_495 = arith.muli %select_n3A_493, %mul3A_494 : i32
    %multiple_of3A_496 = tpu.assume_multiple %mul3A_495, 128 : i32
    %dma_start3A_497 = arith.constant 1 : i32
    %dma_start3A_498 = arith.constant 3 : i32
    %dma_start3A_499 = arith.constant 0 : i32
    %dma_start3A_500 = arith.constant 0 : i32
    %dma_start3A_501 = tpu.memref_slice %arg8[%dma_start3A_497, %dma_start3A_498, %dma_start3A_499, %dma_start3A_500] : memref<2x8x32x128xf32, #tpu.memory_space<vmem>> -> memref<1x1x32x128xf32, #tpu.memory_space<vmem>>
    %dma_start3A_502 = tpu.memref_squeeze %dma_start3A_501 : memref<1x1x32x128xf32, #tpu.memory_space<vmem>> -> memref<32x128xf32, #tpu.memory_space<vmem>>
    %dma_start3A_503 = arith.constant 0 : i32
    %dma_start3A_504 = tpu.memref_slice %arg4[%dma_start3A_503, %multiple_of3A_496] : memref<32x1000000xf32, #tpu.memory_space<hbm>> -> memref<32x128xf32, #tpu.memory_space<hbm>>
    %dma_start3A_505 = arith.constant 0 : i32
    %dma_start3A_506 = arith.constant 0 : i32
    %dma_start3A_507 = tpu.memref_slice %arg8[%dma_start3A_497, %dma_start3A_498, %dma_start3A_505, %dma_start3A_506] : memref<2x8x32x128xf32, #tpu.memory_space<vmem>> -> memref<1x1x32x128xf32, #tpu.memory_space<vmem>>
    %dma_start3A_508 = tpu.memref_squeeze %dma_start3A_507 : memref<1x1x32x128xf32, #tpu.memory_space<vmem>> -> memref<32x128xf32, #tpu.memory_space<vmem>>
    %dma_start3A_509 = arith.constant 0 : i32
    %dma_start3A_510 = tpu.memref_slice %arg4[%dma_start3A_509, %multiple_of3A_496] : memref<32x1000000xf32, #tpu.memory_space<hbm>> -> memref<32x128xf32, #tpu.memory_space<hbm>>
    tpu.enqueue_dma source(%dma_start3A_510 : memref<32x128xf32, #tpu.memory_space<hbm>>) target(%dma_start3A_508 : memref<32x128xf32, #tpu.memory_space<vmem>>) target_semaphore(%arg12 : memref<!tpu.dma_semaphore, #tpu.memory_space<semaphore_mem>>)
    %slice3A_511 = vector.extract_strided_slice %get3A_6 {offsets = [12], sizes = [1], strides = [1]} : vector<16xi32> to vector<1xi32>
    %squeeze3A_512 = vector.extract %slice3A_511[0] : i32 from vector<1xi32>
    %jit3A_513 = arith.constant 128 : i32
    %div3A_514 = arith.divsi %squeeze3A_512, %jit3A_513 : i32
    %sign3A_515 = arith.constant 0 : i32
    %sign3A_516 = arith.cmpi sgt, %squeeze3A_512, %sign3A_515 : i32
    %sign3A_517 = arith.extui %sign3A_516 : i1 to i32
    %sign3A_518 = arith.constant 0 : i32
    %sign3A_519 = arith.cmpi slt, %squeeze3A_512, %sign3A_518 : i32
    %sign3A_520 = arith.extui %sign3A_519 : i1 to i32
    %sign3A_521 = arith.subi %sign3A_517, %sign3A_520 : i32
    %sign3A_522 = arith.constant 0 : i32
    %sign3A_523 = arith.cmpi sgt, %jit3A_513, %sign3A_522 : i32
    %sign3A_524 = arith.extui %sign3A_523 : i1 to i32
    %sign3A_525 = arith.constant 0 : i32
    %sign3A_526 = arith.cmpi slt, %jit3A_513, %sign3A_525 : i32
    %sign3A_527 = arith.extui %sign3A_526 : i1 to i32
    %sign3A_528 = arith.subi %sign3A_524, %sign3A_527 : i32
    %ne3A_529 = arith.cmpi ne, %sign3A_521, %sign3A_528 : i32
    %rem3A_530 = arith.remsi %squeeze3A_512, %jit3A_513 : i32
    %ne3A_531 = arith.constant 0 : i32
    %ne3A_532 = arith.cmpi ne, %rem3A_530, %ne3A_531 : i32
    %and3A_533 = arith.andi %ne3A_529, %ne3A_532 : i1
    %sub3A_534 = arith.constant 1 : i32
    %sub3A_535 = arith.subi %div3A_514, %sub3A_534 : i32
    %select_n3A_536 = arith.select %and3A_533, %sub3A_535, %div3A_514 : i32
    %mul3A_537 = arith.constant 128 : i32
    %mul3A_538 = arith.muli %select_n3A_536, %mul3A_537 : i32
    %multiple_of3A_539 = tpu.assume_multiple %mul3A_538, 128 : i32
    %dma_start3A_540 = arith.constant 1 : i32
    %dma_start3A_541 = arith.constant 4 : i32
    %dma_start3A_542 = arith.constant 0 : i32
    %dma_start3A_543 = arith.constant 0 : i32
    %dma_start3A_544 = tpu.memref_slice %arg8[%dma_start3A_540, %dma_start3A_541, %dma_start3A_542, %dma_start3A_543] : memref<2x8x32x128xf32, #tpu.memory_space<vmem>> -> memref<1x1x32x128xf32, #tpu.memory_space<vmem>>
    %dma_start3A_545 = tpu.memref_squeeze %dma_start3A_544 : memref<1x1x32x128xf32, #tpu.memory_space<vmem>> -> memref<32x128xf32, #tpu.memory_space<vmem>>
    %dma_start3A_546 = arith.constant 0 : i32
    %dma_start3A_547 = tpu.memref_slice %arg4[%dma_start3A_546, %multiple_of3A_539] : memref<32x1000000xf32, #tpu.memory_space<hbm>> -> memref<32x128xf32, #tpu.memory_space<hbm>>
    %dma_start3A_548 = arith.constant 0 : i32
    %dma_start3A_549 = arith.constant 0 : i32
    %dma_start3A_550 = tpu.memref_slice %arg8[%dma_start3A_540, %dma_start3A_541, %dma_start3A_548, %dma_start3A_549] : memref<2x8x32x128xf32, #tpu.memory_space<vmem>> -> memref<1x1x32x128xf32, #tpu.memory_space<vmem>>
    %dma_start3A_551 = tpu.memref_squeeze %dma_start3A_550 : memref<1x1x32x128xf32, #tpu.memory_space<vmem>> -> memref<32x128xf32, #tpu.memory_space<vmem>>
    %dma_start3A_552 = arith.constant 0 : i32
    %dma_start3A_553 = tpu.memref_slice %arg4[%dma_start3A_552, %multiple_of3A_539] : memref<32x1000000xf32, #tpu.memory_space<hbm>> -> memref<32x128xf32, #tpu.memory_space<hbm>>
    tpu.enqueue_dma source(%dma_start3A_553 : memref<32x128xf32, #tpu.memory_space<hbm>>) target(%dma_start3A_551 : memref<32x128xf32, #tpu.memory_space<vmem>>) target_semaphore(%arg12 : memref<!tpu.dma_semaphore, #tpu.memory_space<semaphore_mem>>)
    %slice3A_554 = vector.extract_strided_slice %get3A_6 {offsets = [13], sizes = [1], strides = [1]} : vector<16xi32> to vector<1xi32>
    %squeeze3A_555 = vector.extract %slice3A_554[0] : i32 from vector<1xi32>
    %jit3A_556 = arith.constant 128 : i32
    %div3A_557 = arith.divsi %squeeze3A_555, %jit3A_556 : i32
    %sign3A_558 = arith.constant 0 : i32
    %sign3A_559 = arith.cmpi sgt, %squeeze3A_555, %sign3A_558 : i32
    %sign3A_560 = arith.extui %sign3A_559 : i1 to i32
    %sign3A_561 = arith.constant 0 : i32
    %sign3A_562 = arith.cmpi slt, %squeeze3A_555, %sign3A_561 : i32
    %sign3A_563 = arith.extui %sign3A_562 : i1 to i32
    %sign3A_564 = arith.subi %sign3A_560, %sign3A_563 : i32
    %sign3A_565 = arith.constant 0 : i32
    %sign3A_566 = arith.cmpi sgt, %jit3A_556, %sign3A_565 : i32
    %sign3A_567 = arith.extui %sign3A_566 : i1 to i32
    %sign3A_568 = arith.constant 0 : i32
    %sign3A_569 = arith.cmpi slt, %jit3A_556, %sign3A_568 : i32
    %sign3A_570 = arith.extui %sign3A_569 : i1 to i32
    %sign3A_571 = arith.subi %sign3A_567, %sign3A_570 : i32
    %ne3A_572 = arith.cmpi ne, %sign3A_564, %sign3A_571 : i32
    %rem3A_573 = arith.remsi %squeeze3A_555, %jit3A_556 : i32
    %ne3A_574 = arith.constant 0 : i32
    %ne3A_575 = arith.cmpi ne, %rem3A_573, %ne3A_574 : i32
    %and3A_576 = arith.andi %ne3A_572, %ne3A_575 : i1
    %sub3A_577 = arith.constant 1 : i32
    %sub3A_578 = arith.subi %div3A_557, %sub3A_577 : i32
    %select_n3A_579 = arith.select %and3A_576, %sub3A_578, %div3A_557 : i32
    %mul3A_580 = arith.constant 128 : i32
    %mul3A_581 = arith.muli %select_n3A_579, %mul3A_580 : i32
    %multiple_of3A_582 = tpu.assume_multiple %mul3A_581, 128 : i32
    %dma_start3A_583 = arith.constant 1 : i32
    %dma_start3A_584 = arith.constant 5 : i32
    %dma_start3A_585 = arith.constant 0 : i32
    %dma_start3A_586 = arith.constant 0 : i32
    %dma_start3A_587 = tpu.memref_slice %arg8[%dma_start3A_583, %dma_start3A_584, %dma_start3A_585, %dma_start3A_586] : memref<2x8x32x128xf32, #tpu.memory_space<vmem>> -> memref<1x1x32x128xf32, #tpu.memory_space<vmem>>
    %dma_start3A_588 = tpu.memref_squeeze %dma_start3A_587 : memref<1x1x32x128xf32, #tpu.memory_space<vmem>> -> memref<32x128xf32, #tpu.memory_space<vmem>>
    %dma_start3A_589 = arith.constant 0 : i32
    %dma_start3A_590 = tpu.memref_slice %arg4[%dma_start3A_589, %multiple_of3A_582] : memref<32x1000000xf32, #tpu.memory_space<hbm>> -> memref<32x128xf32, #tpu.memory_space<hbm>>
    %dma_start3A_591 = arith.constant 0 : i32
    %dma_start3A_592 = arith.constant 0 : i32
    %dma_start3A_593 = tpu.memref_slice %arg8[%dma_start3A_583, %dma_start3A_584, %dma_start3A_591, %dma_start3A_592] : memref<2x8x32x128xf32, #tpu.memory_space<vmem>> -> memref<1x1x32x128xf32, #tpu.memory_space<vmem>>
    %dma_start3A_594 = tpu.memref_squeeze %dma_start3A_593 : memref<1x1x32x128xf32, #tpu.memory_space<vmem>> -> memref<32x128xf32, #tpu.memory_space<vmem>>
    %dma_start3A_595 = arith.constant 0 : i32
    %dma_start3A_596 = tpu.memref_slice %arg4[%dma_start3A_595, %multiple_of3A_582] : memref<32x1000000xf32, #tpu.memory_space<hbm>> -> memref<32x128xf32, #tpu.memory_space<hbm>>
    tpu.enqueue_dma source(%dma_start3A_596 : memref<32x128xf32, #tpu.memory_space<hbm>>) target(%dma_start3A_594 : memref<32x128xf32, #tpu.memory_space<vmem>>) target_semaphore(%arg12 : memref<!tpu.dma_semaphore, #tpu.memory_space<semaphore_mem>>)
    %slice3A_597 = vector.extract_strided_slice %get3A_6 {offsets = [14], sizes = [1], strides = [1]} : vector<16xi32> to vector<1xi32>
    %squeeze3A_598 = vector.extract %slice3A_597[0] : i32 from vector<1xi32>
    %jit3A_599 = arith.constant 128 : i32
    %div3A_600 = arith.divsi %squeeze3A_598, %jit3A_599 : i32
    %sign3A_601 = arith.constant 0 : i32
    %sign3A_602 = arith.cmpi sgt, %squeeze3A_598, %sign3A_601 : i32
    %sign3A_603 = arith.extui %sign3A_602 : i1 to i32
    %sign3A_604 = arith.constant 0 : i32
    %sign3A_605 = arith.cmpi slt, %squeeze3A_598, %sign3A_604 : i32
    %sign3A_606 = arith.extui %sign3A_605 : i1 to i32
    %sign3A_607 = arith.subi %sign3A_603, %sign3A_606 : i32
    %sign3A_608 = arith.constant 0 : i32
    %sign3A_609 = arith.cmpi sgt, %jit3A_599, %sign3A_608 : i32
    %sign3A_610 = arith.extui %sign3A_609 : i1 to i32
    %sign3A_611 = arith.constant 0 : i32
    %sign3A_612 = arith.cmpi slt, %jit3A_599, %sign3A_611 : i32
    %sign3A_613 = arith.extui %sign3A_612 : i1 to i32
    %sign3A_614 = arith.subi %sign3A_610, %sign3A_613 : i32
    %ne3A_615 = arith.cmpi ne, %sign3A_607, %sign3A_614 : i32
    %rem3A_616 = arith.remsi %squeeze3A_598, %jit3A_599 : i32
    %ne3A_617 = arith.constant 0 : i32
    %ne3A_618 = arith.cmpi ne, %rem3A_616, %ne3A_617 : i32
    %and3A_619 = arith.andi %ne3A_615, %ne3A_618 : i1
    %sub3A_620 = arith.constant 1 : i32
    %sub3A_621 = arith.subi %div3A_600, %sub3A_620 : i32
    %select_n3A_622 = arith.select %and3A_619, %sub3A_621, %div3A_600 : i32
    %mul3A_623 = arith.constant 128 : i32
    %mul3A_624 = arith.muli %select_n3A_622, %mul3A_623 : i32
    %multiple_of3A_625 = tpu.assume_multiple %mul3A_624, 128 : i32
    %dma_start3A_626 = arith.constant 1 : i32
    %dma_start3A_627 = arith.constant 6 : i32
    %dma_start3A_628 = arith.constant 0 : i32
    %dma_start3A_629 = arith.constant 0 : i32
    %dma_start3A_630 = tpu.memref_slice %arg8[%dma_start3A_626, %dma_start3A_627, %dma_start3A_628, %dma_start3A_629] : memref<2x8x32x128xf32, #tpu.memory_space<vmem>> -> memref<1x1x32x128xf32, #tpu.memory_space<vmem>>
    %dma_start3A_631 = tpu.memref_squeeze %dma_start3A_630 : memref<1x1x32x128xf32, #tpu.memory_space<vmem>> -> memref<32x128xf32, #tpu.memory_space<vmem>>
    %dma_start3A_632 = arith.constant 0 : i32
    %dma_start3A_633 = tpu.memref_slice %arg4[%dma_start3A_632, %multiple_of3A_625] : memref<32x1000000xf32, #tpu.memory_space<hbm>> -> memref<32x128xf32, #tpu.memory_space<hbm>>
    %dma_start3A_634 = arith.constant 0 : i32
    %dma_start3A_635 = arith.constant 0 : i32
    %dma_start3A_636 = tpu.memref_slice %arg8[%dma_start3A_626, %dma_start3A_627, %dma_start3A_634, %dma_start3A_635] : memref<2x8x32x128xf32, #tpu.memory_space<vmem>> -> memref<1x1x32x128xf32, #tpu.memory_space<vmem>>
    %dma_start3A_637 = tpu.memref_squeeze %dma_start3A_636 : memref<1x1x32x128xf32, #tpu.memory_space<vmem>> -> memref<32x128xf32, #tpu.memory_space<vmem>>
    %dma_start3A_638 = arith.constant 0 : i32
    %dma_start3A_639 = tpu.memref_slice %arg4[%dma_start3A_638, %multiple_of3A_625] : memref<32x1000000xf32, #tpu.memory_space<hbm>> -> memref<32x128xf32, #tpu.memory_space<hbm>>
    tpu.enqueue_dma source(%dma_start3A_639 : memref<32x128xf32, #tpu.memory_space<hbm>>) target(%dma_start3A_637 : memref<32x128xf32, #tpu.memory_space<vmem>>) target_semaphore(%arg12 : memref<!tpu.dma_semaphore, #tpu.memory_space<semaphore_mem>>)
    %slice3A_640 = vector.extract_strided_slice %get3A_6 {offsets = [15], sizes = [1], strides = [1]} : vector<16xi32> to vector<1xi32>
    %squeeze3A_641 = vector.extract %slice3A_640[0] : i32 from vector<1xi32>
    %jit3A_642 = arith.constant 128 : i32
    %div3A_643 = arith.divsi %squeeze3A_641, %jit3A_642 : i32
    %sign3A_644 = arith.constant 0 : i32
    %sign3A_645 = arith.cmpi sgt, %squeeze3A_641, %sign3A_644 : i32
    %sign3A_646 = arith.extui %sign3A_645 : i1 to i32
    %sign3A_647 = arith.constant 0 : i32
    %sign3A_648 = arith.cmpi slt, %squeeze3A_641, %sign3A_647 : i32
    %sign3A_649 = arith.extui %sign3A_648 : i1 to i32
    %sign3A_650 = arith.subi %sign3A_646, %sign3A_649 : i32
    %sign3A_651 = arith.constant 0 : i32
    %sign3A_652 = arith.cmpi sgt, %jit3A_642, %sign3A_651 : i32
    %sign3A_653 = arith.extui %sign3A_652 : i1 to i32
    %sign3A_654 = arith.constant 0 : i32
    %sign3A_655 = arith.cmpi slt, %jit3A_642, %sign3A_654 : i32
    %sign3A_656 = arith.extui %sign3A_655 : i1 to i32
    %sign3A_657 = arith.subi %sign3A_653, %sign3A_656 : i32
    %ne3A_658 = arith.cmpi ne, %sign3A_650, %sign3A_657 : i32
    %rem3A_659 = arith.remsi %squeeze3A_641, %jit3A_642 : i32
    %ne3A_660 = arith.constant 0 : i32
    %ne3A_661 = arith.cmpi ne, %rem3A_659, %ne3A_660 : i32
    %and3A_662 = arith.andi %ne3A_658, %ne3A_661 : i1
    %sub3A_663 = arith.constant 1 : i32
    %sub3A_664 = arith.subi %div3A_643, %sub3A_663 : i32
    %select_n3A_665 = arith.select %and3A_662, %sub3A_664, %div3A_643 : i32
    %mul3A_666 = arith.constant 128 : i32
    %mul3A_667 = arith.muli %select_n3A_665, %mul3A_666 : i32
    %multiple_of3A_668 = tpu.assume_multiple %mul3A_667, 128 : i32
    %dma_start3A_669 = arith.constant 1 : i32
    %dma_start3A_670 = arith.constant 7 : i32
    %dma_start3A_671 = arith.constant 0 : i32
    %dma_start3A_672 = arith.constant 0 : i32
    %dma_start3A_673 = tpu.memref_slice %arg8[%dma_start3A_669, %dma_start3A_670, %dma_start3A_671, %dma_start3A_672] : memref<2x8x32x128xf32, #tpu.memory_space<vmem>> -> memref<1x1x32x128xf32, #tpu.memory_space<vmem>>
    %dma_start3A_674 = tpu.memref_squeeze %dma_start3A_673 : memref<1x1x32x128xf32, #tpu.memory_space<vmem>> -> memref<32x128xf32, #tpu.memory_space<vmem>>
    %dma_start3A_675 = arith.constant 0 : i32
    %dma_start3A_676 = tpu.memref_slice %arg4[%dma_start3A_675, %multiple_of3A_668] : memref<32x1000000xf32, #tpu.memory_space<hbm>> -> memref<32x128xf32, #tpu.memory_space<hbm>>
    %dma_start3A_677 = arith.constant 0 : i32
    %dma_start3A_678 = arith.constant 0 : i32
    %dma_start3A_679 = tpu.memref_slice %arg8[%dma_start3A_669, %dma_start3A_670, %dma_start3A_677, %dma_start3A_678] : memref<2x8x32x128xf32, #tpu.memory_space<vmem>> -> memref<1x1x32x128xf32, #tpu.memory_space<vmem>>
    %dma_start3A_680 = tpu.memref_squeeze %dma_start3A_679 : memref<1x1x32x128xf32, #tpu.memory_space<vmem>> -> memref<32x128xf32, #tpu.memory_space<vmem>>
    %dma_start3A_681 = arith.constant 0 : i32
    %dma_start3A_682 = tpu.memref_slice %arg4[%dma_start3A_681, %multiple_of3A_668] : memref<32x1000000xf32, #tpu.memory_space<hbm>> -> memref<32x128xf32, #tpu.memory_space<hbm>>
    tpu.enqueue_dma source(%dma_start3A_682 : memref<32x128xf32, #tpu.memory_space<hbm>>) target(%dma_start3A_680 : memref<32x128xf32, #tpu.memory_space<vmem>>) target_semaphore(%arg12 : memref<!tpu.dma_semaphore, #tpu.memory_space<semaphore_mem>>)
    %scan3A = arith.constant 0 : i32
    %scan3A_683 = arith.constant 0 : i32
    %scan3A_684 = arith.constant 32 : i32
    %scan3A_685 = arith.addi %scan3A_683, %scan3A_684 : i32
    %scan3A_686 = arith.constant 1 : i32
    scf.for %scan3A_1386 = %scan3A_683 to %scan3A_685 step %scan3A_686  : i32 {
      %dma_wait3A = arith.constant 0 : i32
      %dma_wait3A_1387 = arith.constant 0 : i32
      %dma_wait3A_1388 = arith.constant 0 : i32
      %dma_wait3A_1389 = arith.constant 0 : i32
      %dma_wait3A_1390 = tpu.memref_slice %arg8[%dma_wait3A, %dma_wait3A_1387, %dma_wait3A_1388, %dma_wait3A_1389] : memref<2x8x32x128xf32, #tpu.memory_space<vmem>> -> memref<1x1x32x128xf32, #tpu.memory_space<vmem>>
      %dma_wait3A_1391 = tpu.memref_squeeze %dma_wait3A_1390 : memref<1x1x32x128xf32, #tpu.memory_space<vmem>> -> memref<32x128xf32, #tpu.memory_space<vmem>>
      %dma_wait3A_1392 = arith.constant 0 : i32
      %dma_wait3A_1393 = arith.constant 0 : i32
      %dma_wait3A_1394 = tpu.memref_slice %arg4[%dma_wait3A_1392, %dma_wait3A_1393] : memref<32x1000000xf32, #tpu.memory_space<hbm>> -> memref<32x128xf32, #tpu.memory_space<hbm>>
      %dma_wait3A_1395 = arith.constant 0 : i32
      %dma_wait3A_1396 = arith.constant 0 : i32
      %dma_wait3A_1397 = tpu.memref_slice %arg8[%dma_wait3A, %dma_wait3A_1387, %dma_wait3A_1395, %dma_wait3A_1396] : memref<2x8x32x128xf32, #tpu.memory_space<vmem>> -> memref<1x1x32x128xf32, #tpu.memory_space<vmem>>
      %dma_wait3A_1398 = tpu.memref_squeeze %dma_wait3A_1397 : memref<1x1x32x128xf32, #tpu.memory_space<vmem>> -> memref<32x128xf32, #tpu.memory_space<vmem>>
      %dma_wait3A_1399 = arith.constant 0 : i32
      %dma_wait3A_1400 = arith.constant 0 : i32
      %dma_wait3A_1401 = tpu.memref_slice %arg4[%dma_wait3A_1399, %dma_wait3A_1400] : memref<32x1000000xf32, #tpu.memory_space<hbm>> -> memref<32x128xf32, #tpu.memory_space<hbm>>
      tpu.wait_dma2 semaphore(%arg11 : memref<!tpu.dma_semaphore, #tpu.memory_space<semaphore_mem>>) src(%dma_wait3A_1401 : memref<32x128xf32, #tpu.memory_space<hbm>>) dst(%dma_wait3A_1398 : memref<32x128xf32, #tpu.memory_space<vmem>>)
      %dma_wait3A_1402 = arith.constant 0 : i32
      %dma_wait3A_1403 = arith.constant 1 : i32
      %dma_wait3A_1404 = arith.constant 0 : i32
      %dma_wait3A_1405 = arith.constant 0 : i32
      %dma_wait3A_1406 = tpu.memref_slice %arg8[%dma_wait3A_1402, %dma_wait3A_1403, %dma_wait3A_1404, %dma_wait3A_1405] : memref<2x8x32x128xf32, #tpu.memory_space<vmem>> -> memref<1x1x32x128xf32, #tpu.memory_space<vmem>>
      %dma_wait3A_1407 = tpu.memref_squeeze %dma_wait3A_1406 : memref<1x1x32x128xf32, #tpu.memory_space<vmem>> -> memref<32x128xf32, #tpu.memory_space<vmem>>
      %dma_wait3A_1408 = arith.constant 0 : i32
      %dma_wait3A_1409 = arith.constant 0 : i32
      %dma_wait3A_1410 = tpu.memref_slice %arg4[%dma_wait3A_1408, %dma_wait3A_1409] : memref<32x1000000xf32, #tpu.memory_space<hbm>> -> memref<32x128xf32, #tpu.memory_space<hbm>>
      %dma_wait3A_1411 = arith.constant 0 : i32
      %dma_wait3A_1412 = arith.constant 0 : i32
      %dma_wait3A_1413 = tpu.memref_slice %arg8[%dma_wait3A_1402, %dma_wait3A_1403, %dma_wait3A_1411, %dma_wait3A_1412] : memref<2x8x32x128xf32, #tpu.memory_space<vmem>> -> memref<1x1x32x128xf32, #tpu.memory_space<vmem>>
      %dma_wait3A_1414 = tpu.memref_squeeze %dma_wait3A_1413 : memref<1x1x32x128xf32, #tpu.memory_space<vmem>> -> memref<32x128xf32, #tpu.memory_space<vmem>>
      %dma_wait3A_1415 = arith.constant 0 : i32
      %dma_wait3A_1416 = arith.constant 0 : i32
      %dma_wait3A_1417 = tpu.memref_slice %arg4[%dma_wait3A_1415, %dma_wait3A_1416] : memref<32x1000000xf32, #tpu.memory_space<hbm>> -> memref<32x128xf32, #tpu.memory_space<hbm>>
      tpu.wait_dma2 semaphore(%arg11 : memref<!tpu.dma_semaphore, #tpu.memory_space<semaphore_mem>>) src(%dma_wait3A_1417 : memref<32x128xf32, #tpu.memory_space<hbm>>) dst(%dma_wait3A_1414 : memref<32x128xf32, #tpu.memory_space<vmem>>)
      %dma_wait3A_1418 = arith.constant 0 : i32
      %dma_wait3A_1419 = arith.constant 2 : i32
      %dma_wait3A_1420 = arith.constant 0 : i32
      %dma_wait3A_1421 = arith.constant 0 : i32
      %dma_wait3A_1422 = tpu.memref_slice %arg8[%dma_wait3A_1418, %dma_wait3A_1419, %dma_wait3A_1420, %dma_wait3A_1421] : memref<2x8x32x128xf32, #tpu.memory_space<vmem>> -> memref<1x1x32x128xf32, #tpu.memory_space<vmem>>
      %dma_wait3A_1423 = tpu.memref_squeeze %dma_wait3A_1422 : memref<1x1x32x128xf32, #tpu.memory_space<vmem>> -> memref<32x128xf32, #tpu.memory_space<vmem>>
      %dma_wait3A_1424 = arith.constant 0 : i32
      %dma_wait3A_1425 = arith.constant 0 : i32
      %dma_wait3A_1426 = tpu.memref_slice %arg4[%dma_wait3A_1424, %dma_wait3A_1425] : memref<32x1000000xf32, #tpu.memory_space<hbm>> -> memref<32x128xf32, #tpu.memory_space<hbm>>
      %dma_wait3A_1427 = arith.constant 0 : i32
      %dma_wait3A_1428 = arith.constant 0 : i32
      %dma_wait3A_1429 = tpu.memref_slice %arg8[%dma_wait3A_1418, %dma_wait3A_1419, %dma_wait3A_1427, %dma_wait3A_1428] : memref<2x8x32x128xf32, #tpu.memory_space<vmem>> -> memref<1x1x32x128xf32, #tpu.memory_space<vmem>>
      %dma_wait3A_1430 = tpu.memref_squeeze %dma_wait3A_1429 : memref<1x1x32x128xf32, #tpu.memory_space<vmem>> -> memref<32x128xf32, #tpu.memory_space<vmem>>
      %dma_wait3A_1431 = arith.constant 0 : i32
      %dma_wait3A_1432 = arith.constant 0 : i32
      %dma_wait3A_1433 = tpu.memref_slice %arg4[%dma_wait3A_1431, %dma_wait3A_1432] : memref<32x1000000xf32, #tpu.memory_space<hbm>> -> memref<32x128xf32, #tpu.memory_space<hbm>>
      tpu.wait_dma2 semaphore(%arg11 : memref<!tpu.dma_semaphore, #tpu.memory_space<semaphore_mem>>) src(%dma_wait3A_1433 : memref<32x128xf32, #tpu.memory_space<hbm>>) dst(%dma_wait3A_1430 : memref<32x128xf32, #tpu.memory_space<vmem>>)
      %dma_wait3A_1434 = arith.constant 0 : i32
      %dma_wait3A_1435 = arith.constant 3 : i32
      %dma_wait3A_1436 = arith.constant 0 : i32
      %dma_wait3A_1437 = arith.constant 0 : i32
      %dma_wait3A_1438 = tpu.memref_slice %arg8[%dma_wait3A_1434, %dma_wait3A_1435, %dma_wait3A_1436, %dma_wait3A_1437] : memref<2x8x32x128xf32, #tpu.memory_space<vmem>> -> memref<1x1x32x128xf32, #tpu.memory_space<vmem>>
      %dma_wait3A_1439 = tpu.memref_squeeze %dma_wait3A_1438 : memref<1x1x32x128xf32, #tpu.memory_space<vmem>> -> memref<32x128xf32, #tpu.memory_space<vmem>>
      %dma_wait3A_1440 = arith.constant 0 : i32
      %dma_wait3A_1441 = arith.constant 0 : i32
      %dma_wait3A_1442 = tpu.memref_slice %arg4[%dma_wait3A_1440, %dma_wait3A_1441] : memref<32x1000000xf32, #tpu.memory_space<hbm>> -> memref<32x128xf32, #tpu.memory_space<hbm>>
      %dma_wait3A_1443 = arith.constant 0 : i32
      %dma_wait3A_1444 = arith.constant 0 : i32
      %dma_wait3A_1445 = tpu.memref_slice %arg8[%dma_wait3A_1434, %dma_wait3A_1435, %dma_wait3A_1443, %dma_wait3A_1444] : memref<2x8x32x128xf32, #tpu.memory_space<vmem>> -> memref<1x1x32x128xf32, #tpu.memory_space<vmem>>
      %dma_wait3A_1446 = tpu.memref_squeeze %dma_wait3A_1445 : memref<1x1x32x128xf32, #tpu.memory_space<vmem>> -> memref<32x128xf32, #tpu.memory_space<vmem>>
      %dma_wait3A_1447 = arith.constant 0 : i32
      %dma_wait3A_1448 = arith.constant 0 : i32
      %dma_wait3A_1449 = tpu.memref_slice %arg4[%dma_wait3A_1447, %dma_wait3A_1448] : memref<32x1000000xf32, #tpu.memory_space<hbm>> -> memref<32x128xf32, #tpu.memory_space<hbm>>
      tpu.wait_dma2 semaphore(%arg11 : memref<!tpu.dma_semaphore, #tpu.memory_space<semaphore_mem>>) src(%dma_wait3A_1449 : memref<32x128xf32, #tpu.memory_space<hbm>>) dst(%dma_wait3A_1446 : memref<32x128xf32, #tpu.memory_space<vmem>>)
      %dma_wait3A_1450 = arith.constant 0 : i32
      %dma_wait3A_1451 = arith.constant 4 : i32
      %dma_wait3A_1452 = arith.constant 0 : i32
      %dma_wait3A_1453 = arith.constant 0 : i32
      %dma_wait3A_1454 = tpu.memref_slice %arg8[%dma_wait3A_1450, %dma_wait3A_1451, %dma_wait3A_1452, %dma_wait3A_1453] : memref<2x8x32x128xf32, #tpu.memory_space<vmem>> -> memref<1x1x32x128xf32, #tpu.memory_space<vmem>>
      %dma_wait3A_1455 = tpu.memref_squeeze %dma_wait3A_1454 : memref<1x1x32x128xf32, #tpu.memory_space<vmem>> -> memref<32x128xf32, #tpu.memory_space<vmem>>
      %dma_wait3A_1456 = arith.constant 0 : i32
      %dma_wait3A_1457 = arith.constant 0 : i32
      %dma_wait3A_1458 = tpu.memref_slice %arg4[%dma_wait3A_1456, %dma_wait3A_1457] : memref<32x1000000xf32, #tpu.memory_space<hbm>> -> memref<32x128xf32, #tpu.memory_space<hbm>>
      %dma_wait3A_1459 = arith.constant 0 : i32
      %dma_wait3A_1460 = arith.constant 0 : i32
      %dma_wait3A_1461 = tpu.memref_slice %arg8[%dma_wait3A_1450, %dma_wait3A_1451, %dma_wait3A_1459, %dma_wait3A_1460] : memref<2x8x32x128xf32, #tpu.memory_space<vmem>> -> memref<1x1x32x128xf32, #tpu.memory_space<vmem>>
      %dma_wait3A_1462 = tpu.memref_squeeze %dma_wait3A_1461 : memref<1x1x32x128xf32, #tpu.memory_space<vmem>> -> memref<32x128xf32, #tpu.memory_space<vmem>>
      %dma_wait3A_1463 = arith.constant 0 : i32
      %dma_wait3A_1464 = arith.constant 0 : i32
      %dma_wait3A_1465 = tpu.memref_slice %arg4[%dma_wait3A_1463, %dma_wait3A_1464] : memref<32x1000000xf32, #tpu.memory_space<hbm>> -> memref<32x128xf32, #tpu.memory_space<hbm>>
      tpu.wait_dma2 semaphore(%arg11 : memref<!tpu.dma_semaphore, #tpu.memory_space<semaphore_mem>>) src(%dma_wait3A_1465 : memref<32x128xf32, #tpu.memory_space<hbm>>) dst(%dma_wait3A_1462 : memref<32x128xf32, #tpu.memory_space<vmem>>)
      %dma_wait3A_1466 = arith.constant 0 : i32
      %dma_wait3A_1467 = arith.constant 5 : i32
      %dma_wait3A_1468 = arith.constant 0 : i32
      %dma_wait3A_1469 = arith.constant 0 : i32
      %dma_wait3A_1470 = tpu.memref_slice %arg8[%dma_wait3A_1466, %dma_wait3A_1467, %dma_wait3A_1468, %dma_wait3A_1469] : memref<2x8x32x128xf32, #tpu.memory_space<vmem>> -> memref<1x1x32x128xf32, #tpu.memory_space<vmem>>
      %dma_wait3A_1471 = tpu.memref_squeeze %dma_wait3A_1470 : memref<1x1x32x128xf32, #tpu.memory_space<vmem>> -> memref<32x128xf32, #tpu.memory_space<vmem>>
      %dma_wait3A_1472 = arith.constant 0 : i32
      %dma_wait3A_1473 = arith.constant 0 : i32
      %dma_wait3A_1474 = tpu.memref_slice %arg4[%dma_wait3A_1472, %dma_wait3A_1473] : memref<32x1000000xf32, #tpu.memory_space<hbm>> -> memref<32x128xf32, #tpu.memory_space<hbm>>
      %dma_wait3A_1475 = arith.constant 0 : i32
      %dma_wait3A_1476 = arith.constant 0 : i32
      %dma_wait3A_1477 = tpu.memref_slice %arg8[%dma_wait3A_1466, %dma_wait3A_1467, %dma_wait3A_1475, %dma_wait3A_1476] : memref<2x8x32x128xf32, #tpu.memory_space<vmem>> -> memref<1x1x32x128xf32, #tpu.memory_space<vmem>>
      %dma_wait3A_1478 = tpu.memref_squeeze %dma_wait3A_1477 : memref<1x1x32x128xf32, #tpu.memory_space<vmem>> -> memref<32x128xf32, #tpu.memory_space<vmem>>
      %dma_wait3A_1479 = arith.constant 0 : i32
      %dma_wait3A_1480 = arith.constant 0 : i32
      %dma_wait3A_1481 = tpu.memref_slice %arg4[%dma_wait3A_1479, %dma_wait3A_1480] : memref<32x1000000xf32, #tpu.memory_space<hbm>> -> memref<32x128xf32, #tpu.memory_space<hbm>>
      tpu.wait_dma2 semaphore(%arg11 : memref<!tpu.dma_semaphore, #tpu.memory_space<semaphore_mem>>) src(%dma_wait3A_1481 : memref<32x128xf32, #tpu.memory_space<hbm>>) dst(%dma_wait3A_1478 : memref<32x128xf32, #tpu.memory_space<vmem>>)
      %dma_wait3A_1482 = arith.constant 0 : i32
      %dma_wait3A_1483 = arith.constant 6 : i32
      %dma_wait3A_1484 = arith.constant 0 : i32
      %dma_wait3A_1485 = arith.constant 0 : i32
      %dma_wait3A_1486 = tpu.memref_slice %arg8[%dma_wait3A_1482, %dma_wait3A_1483, %dma_wait3A_1484, %dma_wait3A_1485] : memref<2x8x32x128xf32, #tpu.memory_space<vmem>> -> memref<1x1x32x128xf32, #tpu.memory_space<vmem>>
      %dma_wait3A_1487 = tpu.memref_squeeze %dma_wait3A_1486 : memref<1x1x32x128xf32, #tpu.memory_space<vmem>> -> memref<32x128xf32, #tpu.memory_space<vmem>>
      %dma_wait3A_1488 = arith.constant 0 : i32
      %dma_wait3A_1489 = arith.constant 0 : i32
      %dma_wait3A_1490 = tpu.memref_slice %arg4[%dma_wait3A_1488, %dma_wait3A_1489] : memref<32x1000000xf32, #tpu.memory_space<hbm>> -> memref<32x128xf32, #tpu.memory_space<hbm>>
      %dma_wait3A_1491 = arith.constant 0 : i32
      %dma_wait3A_1492 = arith.constant 0 : i32
      %dma_wait3A_1493 = tpu.memref_slice %arg8[%dma_wait3A_1482, %dma_wait3A_1483, %dma_wait3A_1491, %dma_wait3A_1492] : memref<2x8x32x128xf32, #tpu.memory_space<vmem>> -> memref<1x1x32x128xf32, #tpu.memory_space<vmem>>
      %dma_wait3A_1494 = tpu.memref_squeeze %dma_wait3A_1493 : memref<1x1x32x128xf32, #tpu.memory_space<vmem>> -> memref<32x128xf32, #tpu.memory_space<vmem>>
      %dma_wait3A_1495 = arith.constant 0 : i32
      %dma_wait3A_1496 = arith.constant 0 : i32
      %dma_wait3A_1497 = tpu.memref_slice %arg4[%dma_wait3A_1495, %dma_wait3A_1496] : memref<32x1000000xf32, #tpu.memory_space<hbm>> -> memref<32x128xf32, #tpu.memory_space<hbm>>
      tpu.wait_dma2 semaphore(%arg11 : memref<!tpu.dma_semaphore, #tpu.memory_space<semaphore_mem>>) src(%dma_wait3A_1497 : memref<32x128xf32, #tpu.memory_space<hbm>>) dst(%dma_wait3A_1494 : memref<32x128xf32, #tpu.memory_space<vmem>>)
      %dma_wait3A_1498 = arith.constant 0 : i32
      %dma_wait3A_1499 = arith.constant 7 : i32
      %dma_wait3A_1500 = arith.constant 0 : i32
      %dma_wait3A_1501 = arith.constant 0 : i32
      %dma_wait3A_1502 = tpu.memref_slice %arg8[%dma_wait3A_1498, %dma_wait3A_1499, %dma_wait3A_1500, %dma_wait3A_1501] : memref<2x8x32x128xf32, #tpu.memory_space<vmem>> -> memref<1x1x32x128xf32, #tpu.memory_space<vmem>>
      %dma_wait3A_1503 = tpu.memref_squeeze %dma_wait3A_1502 : memref<1x1x32x128xf32, #tpu.memory_space<vmem>> -> memref<32x128xf32, #tpu.memory_space<vmem>>
      %dma_wait3A_1504 = arith.constant 0 : i32
      %dma_wait3A_1505 = arith.constant 0 : i32
      %dma_wait3A_1506 = tpu.memref_slice %arg4[%dma_wait3A_1504, %dma_wait3A_1505] : memref<32x1000000xf32, #tpu.memory_space<hbm>> -> memref<32x128xf32, #tpu.memory_space<hbm>>
      %dma_wait3A_1507 = arith.constant 0 : i32
      %dma_wait3A_1508 = arith.constant 0 : i32
      %dma_wait3A_1509 = tpu.memref_slice %arg8[%dma_wait3A_1498, %dma_wait3A_1499, %dma_wait3A_1507, %dma_wait3A_1508] : memref<2x8x32x128xf32, #tpu.memory_space<vmem>> -> memref<1x1x32x128xf32, #tpu.memory_space<vmem>>
      %dma_wait3A_1510 = tpu.memref_squeeze %dma_wait3A_1509 : memref<1x1x32x128xf32, #tpu.memory_space<vmem>> -> memref<32x128xf32, #tpu.memory_space<vmem>>
      %dma_wait3A_1511 = arith.constant 0 : i32
      %dma_wait3A_1512 = arith.constant 0 : i32
      %dma_wait3A_1513 = tpu.memref_slice %arg4[%dma_wait3A_1511, %dma_wait3A_1512] : memref<32x1000000xf32, #tpu.memory_space<hbm>> -> memref<32x128xf32, #tpu.memory_space<hbm>>
      tpu.wait_dma2 semaphore(%arg11 : memref<!tpu.dma_semaphore, #tpu.memory_space<semaphore_mem>>) src(%dma_wait3A_1513 : memref<32x128xf32, #tpu.memory_space<hbm>>) dst(%dma_wait3A_1510 : memref<32x128xf32, #tpu.memory_space<vmem>>)
      %dma_wait3A_1514 = arith.constant 1 : i32
      %dma_wait3A_1515 = arith.constant 0 : i32
      %dma_wait3A_1516 = arith.constant 0 : i32
      %dma_wait3A_1517 = arith.constant 0 : i32
      %dma_wait3A_1518 = tpu.memref_slice %arg8[%dma_wait3A_1514, %dma_wait3A_1515, %dma_wait3A_1516, %dma_wait3A_1517] : memref<2x8x32x128xf32, #tpu.memory_space<vmem>> -> memref<1x1x32x128xf32, #tpu.memory_space<vmem>>
      %dma_wait3A_1519 = tpu.memref_squeeze %dma_wait3A_1518 : memref<1x1x32x128xf32, #tpu.memory_space<vmem>> -> memref<32x128xf32, #tpu.memory_space<vmem>>
      %dma_wait3A_1520 = arith.constant 0 : i32
      %dma_wait3A_1521 = arith.constant 0 : i32
      %dma_wait3A_1522 = tpu.memref_slice %arg4[%dma_wait3A_1520, %dma_wait3A_1521] : memref<32x1000000xf32, #tpu.memory_space<hbm>> -> memref<32x128xf32, #tpu.memory_space<hbm>>
      %dma_wait3A_1523 = arith.constant 0 : i32
      %dma_wait3A_1524 = arith.constant 0 : i32
      %dma_wait3A_1525 = tpu.memref_slice %arg8[%dma_wait3A_1514, %dma_wait3A_1515, %dma_wait3A_1523, %dma_wait3A_1524] : memref<2x8x32x128xf32, #tpu.memory_space<vmem>> -> memref<1x1x32x128xf32, #tpu.memory_space<vmem>>
      %dma_wait3A_1526 = tpu.memref_squeeze %dma_wait3A_1525 : memref<1x1x32x128xf32, #tpu.memory_space<vmem>> -> memref<32x128xf32, #tpu.memory_space<vmem>>
      %dma_wait3A_1527 = arith.constant 0 : i32
      %dma_wait3A_1528 = arith.constant 0 : i32
      %dma_wait3A_1529 = tpu.memref_slice %arg4[%dma_wait3A_1527, %dma_wait3A_1528] : memref<32x1000000xf32, #tpu.memory_space<hbm>> -> memref<32x128xf32, #tpu.memory_space<hbm>>
      tpu.wait_dma2 semaphore(%arg12 : memref<!tpu.dma_semaphore, #tpu.memory_space<semaphore_mem>>) src(%dma_wait3A_1529 : memref<32x128xf32, #tpu.memory_space<hbm>>) dst(%dma_wait3A_1526 : memref<32x128xf32, #tpu.memory_space<vmem>>)
      %dma_wait3A_1530 = arith.constant 1 : i32
      %dma_wait3A_1531 = arith.constant 1 : i32
      %dma_wait3A_1532 = arith.constant 0 : i32
      %dma_wait3A_1533 = arith.constant 0 : i32
      %dma_wait3A_1534 = tpu.memref_slice %arg8[%dma_wait3A_1530, %dma_wait3A_1531, %dma_wait3A_1532, %dma_wait3A_1533] : memref<2x8x32x128xf32, #tpu.memory_space<vmem>> -> memref<1x1x32x128xf32, #tpu.memory_space<vmem>>
      %dma_wait3A_1535 = tpu.memref_squeeze %dma_wait3A_1534 : memref<1x1x32x128xf32, #tpu.memory_space<vmem>> -> memref<32x128xf32, #tpu.memory_space<vmem>>
      %dma_wait3A_1536 = arith.constant 0 : i32
      %dma_wait3A_1537 = arith.constant 0 : i32
      %dma_wait3A_1538 = tpu.memref_slice %arg4[%dma_wait3A_1536, %dma_wait3A_1537] : memref<32x1000000xf32, #tpu.memory_space<hbm>> -> memref<32x128xf32, #tpu.memory_space<hbm>>
      %dma_wait3A_1539 = arith.constant 0 : i32
      %dma_wait3A_1540 = arith.constant 0 : i32
      %dma_wait3A_1541 = tpu.memref_slice %arg8[%dma_wait3A_1530, %dma_wait3A_1531, %dma_wait3A_1539, %dma_wait3A_1540] : memref<2x8x32x128xf32, #tpu.memory_space<vmem>> -> memref<1x1x32x128xf32, #tpu.memory_space<vmem>>
      %dma_wait3A_1542 = tpu.memref_squeeze %dma_wait3A_1541 : memref<1x1x32x128xf32, #tpu.memory_space<vmem>> -> memref<32x128xf32, #tpu.memory_space<vmem>>
      %dma_wait3A_1543 = arith.constant 0 : i32
      %dma_wait3A_1544 = arith.constant 0 : i32
      %dma_wait3A_1545 = tpu.memref_slice %arg4[%dma_wait3A_1543, %dma_wait3A_1544] : memref<32x1000000xf32, #tpu.memory_space<hbm>> -> memref<32x128xf32, #tpu.memory_space<hbm>>
      tpu.wait_dma2 semaphore(%arg12 : memref<!tpu.dma_semaphore, #tpu.memory_space<semaphore_mem>>) src(%dma_wait3A_1545 : memref<32x128xf32, #tpu.memory_space<hbm>>) dst(%dma_wait3A_1542 : memref<32x128xf32, #tpu.memory_space<vmem>>)
      %dma_wait3A_1546 = arith.constant 1 : i32
      %dma_wait3A_1547 = arith.constant 2 : i32
      %dma_wait3A_1548 = arith.constant 0 : i32
      %dma_wait3A_1549 = arith.constant 0 : i32
      %dma_wait3A_1550 = tpu.memref_slice %arg8[%dma_wait3A_1546, %dma_wait3A_1547, %dma_wait3A_1548, %dma_wait3A_1549] : memref<2x8x32x128xf32, #tpu.memory_space<vmem>> -> memref<1x1x32x128xf32, #tpu.memory_space<vmem>>
      %dma_wait3A_1551 = tpu.memref_squeeze %dma_wait3A_1550 : memref<1x1x32x128xf32, #tpu.memory_space<vmem>> -> memref<32x128xf32, #tpu.memory_space<vmem>>
      %dma_wait3A_1552 = arith.constant 0 : i32
      %dma_wait3A_1553 = arith.constant 0 : i32
      %dma_wait3A_1554 = tpu.memref_slice %arg4[%dma_wait3A_1552, %dma_wait3A_1553] : memref<32x1000000xf32, #tpu.memory_space<hbm>> -> memref<32x128xf32, #tpu.memory_space<hbm>>
      %dma_wait3A_1555 = arith.constant 0 : i32
      %dma_wait3A_1556 = arith.constant 0 : i32
      %dma_wait3A_1557 = tpu.memref_slice %arg8[%dma_wait3A_1546, %dma_wait3A_1547, %dma_wait3A_1555, %dma_wait3A_1556] : memref<2x8x32x128xf32, #tpu.memory_space<vmem>> -> memref<1x1x32x128xf32, #tpu.memory_space<vmem>>
      %dma_wait3A_1558 = tpu.memref_squeeze %dma_wait3A_1557 : memref<1x1x32x128xf32, #tpu.memory_space<vmem>> -> memref<32x128xf32, #tpu.memory_space<vmem>>
      %dma_wait3A_1559 = arith.constant 0 : i32
      %dma_wait3A_1560 = arith.constant 0 : i32
      %dma_wait3A_1561 = tpu.memref_slice %arg4[%dma_wait3A_1559, %dma_wait3A_1560] : memref<32x1000000xf32, #tpu.memory_space<hbm>> -> memref<32x128xf32, #tpu.memory_space<hbm>>
      tpu.wait_dma2 semaphore(%arg12 : memref<!tpu.dma_semaphore, #tpu.memory_space<semaphore_mem>>) src(%dma_wait3A_1561 : memref<32x128xf32, #tpu.memory_space<hbm>>) dst(%dma_wait3A_1558 : memref<32x128xf32, #tpu.memory_space<vmem>>)
      %dma_wait3A_1562 = arith.constant 1 : i32
      %dma_wait3A_1563 = arith.constant 3 : i32
      %dma_wait3A_1564 = arith.constant 0 : i32
      %dma_wait3A_1565 = arith.constant 0 : i32
      %dma_wait3A_1566 = tpu.memref_slice %arg8[%dma_wait3A_1562, %dma_wait3A_1563, %dma_wait3A_1564, %dma_wait3A_1565] : memref<2x8x32x128xf32, #tpu.memory_space<vmem>> -> memref<1x1x32x128xf32, #tpu.memory_space<vmem>>
      %dma_wait3A_1567 = tpu.memref_squeeze %dma_wait3A_1566 : memref<1x1x32x128xf32, #tpu.memory_space<vmem>> -> memref<32x128xf32, #tpu.memory_space<vmem>>
      %dma_wait3A_1568 = arith.constant 0 : i32
      %dma_wait3A_1569 = arith.constant 0 : i32
      %dma_wait3A_1570 = tpu.memref_slice %arg4[%dma_wait3A_1568, %dma_wait3A_1569] : memref<32x1000000xf32, #tpu.memory_space<hbm>> -> memref<32x128xf32, #tpu.memory_space<hbm>>
      %dma_wait3A_1571 = arith.constant 0 : i32
      %dma_wait3A_1572 = arith.constant 0 : i32
      %dma_wait3A_1573 = tpu.memref_slice %arg8[%dma_wait3A_1562, %dma_wait3A_1563, %dma_wait3A_1571, %dma_wait3A_1572] : memref<2x8x32x128xf32, #tpu.memory_space<vmem>> -> memref<1x1x32x128xf32, #tpu.memory_space<vmem>>
      %dma_wait3A_1574 = tpu.memref_squeeze %dma_wait3A_1573 : memref<1x1x32x128xf32, #tpu.memory_space<vmem>> -> memref<32x128xf32, #tpu.memory_space<vmem>>
      %dma_wait3A_1575 = arith.constant 0 : i32
      %dma_wait3A_1576 = arith.constant 0 : i32
      %dma_wait3A_1577 = tpu.memref_slice %arg4[%dma_wait3A_1575, %dma_wait3A_1576] : memref<32x1000000xf32, #tpu.memory_space<hbm>> -> memref<32x128xf32, #tpu.memory_space<hbm>>
      tpu.wait_dma2 semaphore(%arg12 : memref<!tpu.dma_semaphore, #tpu.memory_space<semaphore_mem>>) src(%dma_wait3A_1577 : memref<32x128xf32, #tpu.memory_space<hbm>>) dst(%dma_wait3A_1574 : memref<32x128xf32, #tpu.memory_space<vmem>>)
      %dma_wait3A_1578 = arith.constant 1 : i32
      %dma_wait3A_1579 = arith.constant 4 : i32
      %dma_wait3A_1580 = arith.constant 0 : i32
      %dma_wait3A_1581 = arith.constant 0 : i32
      %dma_wait3A_1582 = tpu.memref_slice %arg8[%dma_wait3A_1578, %dma_wait3A_1579, %dma_wait3A_1580, %dma_wait3A_1581] : memref<2x8x32x128xf32, #tpu.memory_space<vmem>> -> memref<1x1x32x128xf32, #tpu.memory_space<vmem>>
      %dma_wait3A_1583 = tpu.memref_squeeze %dma_wait3A_1582 : memref<1x1x32x128xf32, #tpu.memory_space<vmem>> -> memref<32x128xf32, #tpu.memory_space<vmem>>
      %dma_wait3A_1584 = arith.constant 0 : i32
      %dma_wait3A_1585 = arith.constant 0 : i32
      %dma_wait3A_1586 = tpu.memref_slice %arg4[%dma_wait3A_1584, %dma_wait3A_1585] : memref<32x1000000xf32, #tpu.memory_space<hbm>> -> memref<32x128xf32, #tpu.memory_space<hbm>>
      %dma_wait3A_1587 = arith.constant 0 : i32
      %dma_wait3A_1588 = arith.constant 0 : i32
      %dma_wait3A_1589 = tpu.memref_slice %arg8[%dma_wait3A_1578, %dma_wait3A_1579, %dma_wait3A_1587, %dma_wait3A_1588] : memref<2x8x32x128xf32, #tpu.memory_space<vmem>> -> memref<1x1x32x128xf32, #tpu.memory_space<vmem>>
      %dma_wait3A_1590 = tpu.memref_squeeze %dma_wait3A_1589 : memref<1x1x32x128xf32, #tpu.memory_space<vmem>> -> memref<32x128xf32, #tpu.memory_space<vmem>>
      %dma_wait3A_1591 = arith.constant 0 : i32
      %dma_wait3A_1592 = arith.constant 0 : i32
      %dma_wait3A_1593 = tpu.memref_slice %arg4[%dma_wait3A_1591, %dma_wait3A_1592] : memref<32x1000000xf32, #tpu.memory_space<hbm>> -> memref<32x128xf32, #tpu.memory_space<hbm>>
      tpu.wait_dma2 semaphore(%arg12 : memref<!tpu.dma_semaphore, #tpu.memory_space<semaphore_mem>>) src(%dma_wait3A_1593 : memref<32x128xf32, #tpu.memory_space<hbm>>) dst(%dma_wait3A_1590 : memref<32x128xf32, #tpu.memory_space<vmem>>)
      %dma_wait3A_1594 = arith.constant 1 : i32
      %dma_wait3A_1595 = arith.constant 5 : i32
      %dma_wait3A_1596 = arith.constant 0 : i32
      %dma_wait3A_1597 = arith.constant 0 : i32
      %dma_wait3A_1598 = tpu.memref_slice %arg8[%dma_wait3A_1594, %dma_wait3A_1595, %dma_wait3A_1596, %dma_wait3A_1597] : memref<2x8x32x128xf32, #tpu.memory_space<vmem>> -> memref<1x1x32x128xf32, #tpu.memory_space<vmem>>
      %dma_wait3A_1599 = tpu.memref_squeeze %dma_wait3A_1598 : memref<1x1x32x128xf32, #tpu.memory_space<vmem>> -> memref<32x128xf32, #tpu.memory_space<vmem>>
      %dma_wait3A_1600 = arith.constant 0 : i32
      %dma_wait3A_1601 = arith.constant 0 : i32
      %dma_wait3A_1602 = tpu.memref_slice %arg4[%dma_wait3A_1600, %dma_wait3A_1601] : memref<32x1000000xf32, #tpu.memory_space<hbm>> -> memref<32x128xf32, #tpu.memory_space<hbm>>
      %dma_wait3A_1603 = arith.constant 0 : i32
      %dma_wait3A_1604 = arith.constant 0 : i32
      %dma_wait3A_1605 = tpu.memref_slice %arg8[%dma_wait3A_1594, %dma_wait3A_1595, %dma_wait3A_1603, %dma_wait3A_1604] : memref<2x8x32x128xf32, #tpu.memory_space<vmem>> -> memref<1x1x32x128xf32, #tpu.memory_space<vmem>>
      %dma_wait3A_1606 = tpu.memref_squeeze %dma_wait3A_1605 : memref<1x1x32x128xf32, #tpu.memory_space<vmem>> -> memref<32x128xf32, #tpu.memory_space<vmem>>
      %dma_wait3A_1607 = arith.constant 0 : i32
      %dma_wait3A_1608 = arith.constant 0 : i32
      %dma_wait3A_1609 = tpu.memref_slice %arg4[%dma_wait3A_1607, %dma_wait3A_1608] : memref<32x1000000xf32, #tpu.memory_space<hbm>> -> memref<32x128xf32, #tpu.memory_space<hbm>>
      tpu.wait_dma2 semaphore(%arg12 : memref<!tpu.dma_semaphore, #tpu.memory_space<semaphore_mem>>) src(%dma_wait3A_1609 : memref<32x128xf32, #tpu.memory_space<hbm>>) dst(%dma_wait3A_1606 : memref<32x128xf32, #tpu.memory_space<vmem>>)
      %dma_wait3A_1610 = arith.constant 1 : i32
      %dma_wait3A_1611 = arith.constant 6 : i32
      %dma_wait3A_1612 = arith.constant 0 : i32
      %dma_wait3A_1613 = arith.constant 0 : i32
      %dma_wait3A_1614 = tpu.memref_slice %arg8[%dma_wait3A_1610, %dma_wait3A_1611, %dma_wait3A_1612, %dma_wait3A_1613] : memref<2x8x32x128xf32, #tpu.memory_space<vmem>> -> memref<1x1x32x128xf32, #tpu.memory_space<vmem>>
      %dma_wait3A_1615 = tpu.memref_squeeze %dma_wait3A_1614 : memref<1x1x32x128xf32, #tpu.memory_space<vmem>> -> memref<32x128xf32, #tpu.memory_space<vmem>>
      %dma_wait3A_1616 = arith.constant 0 : i32
      %dma_wait3A_1617 = arith.constant 0 : i32
      %dma_wait3A_1618 = tpu.memref_slice %arg4[%dma_wait3A_1616, %dma_wait3A_1617] : memref<32x1000000xf32, #tpu.memory_space<hbm>> -> memref<32x128xf32, #tpu.memory_space<hbm>>
      %dma_wait3A_1619 = arith.constant 0 : i32
      %dma_wait3A_1620 = arith.constant 0 : i32
      %dma_wait3A_1621 = tpu.memref_slice %arg8[%dma_wait3A_1610, %dma_wait3A_1611, %dma_wait3A_1619, %dma_wait3A_1620] : memref<2x8x32x128xf32, #tpu.memory_space<vmem>> -> memref<1x1x32x128xf32, #tpu.memory_space<vmem>>
      %dma_wait3A_1622 = tpu.memref_squeeze %dma_wait3A_1621 : memref<1x1x32x128xf32, #tpu.memory_space<vmem>> -> memref<32x128xf32, #tpu.memory_space<vmem>>
      %dma_wait3A_1623 = arith.constant 0 : i32
      %dma_wait3A_1624 = arith.constant 0 : i32
      %dma_wait3A_1625 = tpu.memref_slice %arg4[%dma_wait3A_1623, %dma_wait3A_1624] : memref<32x1000000xf32, #tpu.memory_space<hbm>> -> memref<32x128xf32, #tpu.memory_space<hbm>>
      tpu.wait_dma2 semaphore(%arg12 : memref<!tpu.dma_semaphore, #tpu.memory_space<semaphore_mem>>) src(%dma_wait3A_1625 : memref<32x128xf32, #tpu.memory_space<hbm>>) dst(%dma_wait3A_1622 : memref<32x128xf32, #tpu.memory_space<vmem>>)
      %dma_wait3A_1626 = arith.constant 1 : i32
      %dma_wait3A_1627 = arith.constant 7 : i32
      %dma_wait3A_1628 = arith.constant 0 : i32
      %dma_wait3A_1629 = arith.constant 0 : i32
      %dma_wait3A_1630 = tpu.memref_slice %arg8[%dma_wait3A_1626, %dma_wait3A_1627, %dma_wait3A_1628, %dma_wait3A_1629] : memref<2x8x32x128xf32, #tpu.memory_space<vmem>> -> memref<1x1x32x128xf32, #tpu.memory_space<vmem>>
      %dma_wait3A_1631 = tpu.memref_squeeze %dma_wait3A_1630 : memref<1x1x32x128xf32, #tpu.memory_space<vmem>> -> memref<32x128xf32, #tpu.memory_space<vmem>>
      %dma_wait3A_1632 = arith.constant 0 : i32
      %dma_wait3A_1633 = arith.constant 0 : i32
      %dma_wait3A_1634 = tpu.memref_slice %arg4[%dma_wait3A_1632, %dma_wait3A_1633] : memref<32x1000000xf32, #tpu.memory_space<hbm>> -> memref<32x128xf32, #tpu.memory_space<hbm>>
      %dma_wait3A_1635 = arith.constant 0 : i32
      %dma_wait3A_1636 = arith.constant 0 : i32
      %dma_wait3A_1637 = tpu.memref_slice %arg8[%dma_wait3A_1626, %dma_wait3A_1627, %dma_wait3A_1635, %dma_wait3A_1636] : memref<2x8x32x128xf32, #tpu.memory_space<vmem>> -> memref<1x1x32x128xf32, #tpu.memory_space<vmem>>
      %dma_wait3A_1638 = tpu.memref_squeeze %dma_wait3A_1637 : memref<1x1x32x128xf32, #tpu.memory_space<vmem>> -> memref<32x128xf32, #tpu.memory_space<vmem>>
      %dma_wait3A_1639 = arith.constant 0 : i32
      %dma_wait3A_1640 = arith.constant 0 : i32
      %dma_wait3A_1641 = tpu.memref_slice %arg4[%dma_wait3A_1639, %dma_wait3A_1640] : memref<32x1000000xf32, #tpu.memory_space<hbm>> -> memref<32x128xf32, #tpu.memory_space<hbm>>
      tpu.wait_dma2 semaphore(%arg12 : memref<!tpu.dma_semaphore, #tpu.memory_space<semaphore_mem>>) src(%dma_wait3A_1641 : memref<32x128xf32, #tpu.memory_space<hbm>>) dst(%dma_wait3A_1638 : memref<32x128xf32, #tpu.memory_space<vmem>>)
      %mul3A_1642 = arith.constant 2 : i32
      %mul3A_1643 = arith.muli %scan3A_1386, %mul3A_1642 : i32
      %mul3A_1644 = arith.constant 8 : i32
      %mul3A_1645 = arith.muli %mul3A_1643, %mul3A_1644 : i32
      %get3A_1646 = arith.constant 0 : i32
      %get3A_1647 = arith.index_cast %get3A_1646 : i32 to index
      %get3A_1648 = arith.index_cast %mul3A_1645 : i32 to index
      %get3A_1649 = tpu.vector_load %arg7[%get3A_1647, %get3A_1648] {strides = array<i32>} : memref<2x512xi32, #tpu.memory_space<vmem>>, vector<16xi32>,
      %rem3A_1650 = arith.constant 128 : i32
      %rem3A_1651 = vector.broadcast %rem3A_1650 : i32 to vector<16xi32>
      %rem3A_1652 = arith.remsi %get3A_1649, %rem3A_1651 : vector<16xi32>
      %iota3A = tpu.iota {dimensions = array<i32: 0>} : vector<16xi32>
      %jit3A_1653 = arith.constant 8 : i32
      %div3A_1654 = vector.broadcast %jit3A_1653 : i32 to vector<16xi32>
      %div3A_1655 = arith.divsi %iota3A, %div3A_1654 : vector<16xi32>
      %sign3A_1656 = arith.constant 0 : i32
      %sign3A_1657 = vector.broadcast %sign3A_1656 : i32 to vector<16xi32>
      %sign3A_1658 = arith.cmpi sgt, %iota3A, %sign3A_1657 : vector<16xi32>
      %sign3A_1659 = arith.extui %sign3A_1658 : vector<16xi1> to vector<16xi32>
      %sign3A_1660 = arith.constant 0 : i32
      %sign3A_1661 = vector.broadcast %sign3A_1660 : i32 to vector<16xi32>
      %sign3A_1662 = arith.cmpi slt, %iota3A, %sign3A_1661 : vector<16xi32>
      %sign3A_1663 = arith.extui %sign3A_1662 : vector<16xi1> to vector<16xi32>
      %sign3A_1664 = arith.subi %sign3A_1659, %sign3A_1663 : vector<16xi32>
      %sign3A_1665 = arith.constant 0 : i32
      %sign3A_1666 = arith.cmpi sgt, %jit3A_1653, %sign3A_1665 : i32
      %sign3A_1667 = arith.extui %sign3A_1666 : i1 to i32
      %sign3A_1668 = arith.constant 0 : i32
      %sign3A_1669 = arith.cmpi slt, %jit3A_1653, %sign3A_1668 : i32
      %sign3A_1670 = arith.extui %sign3A_1669 : i1 to i32
      %sign3A_1671 = arith.subi %sign3A_1667, %sign3A_1670 : i32
      %ne3A_1672 = vector.broadcast %sign3A_1671 : i32 to vector<16xi32>
      %ne3A_1673 = arith.cmpi ne, %sign3A_1664, %ne3A_1672 : vector<16xi32>
      %rem3A_1674 = vector.broadcast %jit3A_1653 : i32 to vector<16xi32>
      %rem3A_1675 = arith.remsi %iota3A, %rem3A_1674 : vector<16xi32>
      %ne3A_1676 = arith.constant 0 : i32
      %ne3A_1677 = vector.broadcast %ne3A_1676 : i32 to vector<16xi32>
      %ne3A_1678 = arith.cmpi ne, %rem3A_1675, %ne3A_1677 : vector<16xi32>
      %and3A_1679 = arith.andi %ne3A_1673, %ne3A_1678 : vector<16xi1>
      %sub3A_1680 = arith.constant 1 : i32
      %sub3A_1681 = vector.broadcast %sub3A_1680 : i32 to vector<16xi32>
      %sub3A_1682 = arith.subi %div3A_1655, %sub3A_1681 : vector<16xi32>
      %select_n3A_1683 = arith.select %and3A_1679, %sub3A_1682, %div3A_1655 : vector<16xi1>, vector<16xi32>
      %rem3A_1684 = arith.constant 8 : i32
      %rem3A_1685 = vector.broadcast %rem3A_1684 : i32 to vector<16xi32>
      %rem3A_1686 = arith.remsi %iota3A, %rem3A_1685 : vector<16xi32>
      %mul3A_1687 = arith.constant 2 : i32
      %mul3A_1688 = arith.muli %scan3A_1386, %mul3A_1687 : i32
      %mul3A_1689 = arith.constant 8 : i32
      %mul3A_1690 = arith.muli %mul3A_1688, %mul3A_1689 : i32
      %broadcast_in_dim3A = arith.constant 0 : i32
      %broadcast_in_dim3A_1691 = vector.broadcast %broadcast_in_dim3A : i32 to vector<16xi32>
      %gather3A = tpu.vector_load_idx %arg8[%select_n3A_1683, %rem3A_1686, %broadcast_in_dim3A_1691, %rem3A_1652] : memref<2x8x32x128xf32, #tpu.memory_space<vmem>>[vector<16xi32>, vector<16xi32>, vector<16xi32>, vector<16xi32>], vector<16xf32>,
      %swap3A = arith.constant 0 : i32
      %swap3A_1692 = arith.index_cast %swap3A : i32 to index
      %swap3A_1693 = arith.index_cast %mul3A_1690 : i32 to index
      %swap3A_1694 = tpu.vector_load %arg9[%swap3A_1692, %swap3A_1693] {strides = array<i32>} : memref<32x512xf32, #tpu.memory_space<vmem>>, vector<16xf32>,
      tpu.vector_store %arg9[%swap3A_1692, %swap3A_1693], %gather3A {strides = array<i32>} : memref<32x512xf32, #tpu.memory_space<vmem>>, vector<16xf32>,
      %broadcast_in_dim3A_1695 = arith.constant 1 : i32
      %broadcast_in_dim3A_1696 = vector.broadcast %broadcast_in_dim3A_1695 : i32 to vector<16xi32>
      %gather3A_1697 = tpu.vector_load_idx %arg8[%select_n3A_1683, %rem3A_1686, %broadcast_in_dim3A_1696, %rem3A_1652] : memref<2x8x32x128xf32, #tpu.memory_space<vmem>>[vector<16xi32>, vector<16xi32>, vector<16xi32>, vector<16xi32>], vector<16xf32>,
      %swap3A_1698 = arith.constant 1 : i32
      %swap3A_1699 = arith.index_cast %swap3A_1698 : i32 to index
      %swap3A_1700 = arith.index_cast %mul3A_1690 : i32 to index
      %swap3A_1701 = tpu.vector_load %arg9[%swap3A_1699, %swap3A_1700] {strides = array<i32>} : memref<32x512xf32, #tpu.memory_space<vmem>>, vector<16xf32>,
      tpu.vector_store %arg9[%swap3A_1699, %swap3A_1700], %gather3A_1697 {strides = array<i32>} : memref<32x512xf32, #tpu.memory_space<vmem>>, vector<16xf32>,
      %broadcast_in_dim3A_1702 = arith.constant 2 : i32
      %broadcast_in_dim3A_1703 = vector.broadcast %broadcast_in_dim3A_1702 : i32 to vector<16xi32>
      %gather3A_1704 = tpu.vector_load_idx %arg8[%select_n3A_1683, %rem3A_1686, %broadcast_in_dim3A_1703, %rem3A_1652] : memref<2x8x32x128xf32, #tpu.memory_space<vmem>>[vector<16xi32>, vector<16xi32>, vector<16xi32>, vector<16xi32>], vector<16xf32>,
      %swap3A_1705 = arith.constant 2 : i32
      %swap3A_1706 = arith.index_cast %swap3A_1705 : i32 to index
      %swap3A_1707 = arith.index_cast %mul3A_1690 : i32 to index
      %swap3A_1708 = tpu.vector_load %arg9[%swap3A_1706, %swap3A_1707] {strides = array<i32>} : memref<32x512xf32, #tpu.memory_space<vmem>>, vector<16xf32>,
      tpu.vector_store %arg9[%swap3A_1706, %swap3A_1707], %gather3A_1704 {strides = array<i32>} : memref<32x512xf32, #tpu.memory_space<vmem>>, vector<16xf32>,
      %broadcast_in_dim3A_1709 = arith.constant 3 : i32
      %broadcast_in_dim3A_1710 = vector.broadcast %broadcast_in_dim3A_1709 : i32 to vector<16xi32>
      %gather3A_1711 = tpu.vector_load_idx %arg8[%select_n3A_1683, %rem3A_1686, %broadcast_in_dim3A_1710, %rem3A_1652] : memref<2x8x32x128xf32, #tpu.memory_space<vmem>>[vector<16xi32>, vector<16xi32>, vector<16xi32>, vector<16xi32>], vector<16xf32>,
      %swap3A_1712 = arith.constant 3 : i32
      %swap3A_1713 = arith.index_cast %swap3A_1712 : i32 to index
      %swap3A_1714 = arith.index_cast %mul3A_1690 : i32 to index
      %swap3A_1715 = tpu.vector_load %arg9[%swap3A_1713, %swap3A_1714] {strides = array<i32>} : memref<32x512xf32, #tpu.memory_space<vmem>>, vector<16xf32>,
      tpu.vector_store %arg9[%swap3A_1713, %swap3A_1714], %gather3A_1711 {strides = array<i32>} : memref<32x512xf32, #tpu.memory_space<vmem>>, vector<16xf32>,
      %broadcast_in_dim3A_1716 = arith.constant 4 : i32
      %broadcast_in_dim3A_1717 = vector.broadcast %broadcast_in_dim3A_1716 : i32 to vector<16xi32>
      %gather3A_1718 = tpu.vector_load_idx %arg8[%select_n3A_1683, %rem3A_1686, %broadcast_in_dim3A_1717, %rem3A_1652] : memref<2x8x32x128xf32, #tpu.memory_space<vmem>>[vector<16xi32>, vector<16xi32>, vector<16xi32>, vector<16xi32>], vector<16xf32>,
      %swap3A_1719 = arith.constant 4 : i32
      %swap3A_1720 = arith.index_cast %swap3A_1719 : i32 to index
      %swap3A_1721 = arith.index_cast %mul3A_1690 : i32 to index
      %swap3A_1722 = tpu.vector_load %arg9[%swap3A_1720, %swap3A_1721] {strides = array<i32>} : memref<32x512xf32, #tpu.memory_space<vmem>>, vector<16xf32>,
      tpu.vector_store %arg9[%swap3A_1720, %swap3A_1721], %gather3A_1718 {strides = array<i32>} : memref<32x512xf32, #tpu.memory_space<vmem>>, vector<16xf32>,
      %broadcast_in_dim3A_1723 = arith.constant 5 : i32
      %broadcast_in_dim3A_1724 = vector.broadcast %broadcast_in_dim3A_1723 : i32 to vector<16xi32>
      %gather3A_1725 = tpu.vector_load_idx %arg8[%select_n3A_1683, %rem3A_1686, %broadcast_in_dim3A_1724, %rem3A_1652] : memref<2x8x32x128xf32, #tpu.memory_space<vmem>>[vector<16xi32>, vector<16xi32>, vector<16xi32>, vector<16xi32>], vector<16xf32>,
      %swap3A_1726 = arith.constant 5 : i32
      %swap3A_1727 = arith.index_cast %swap3A_1726 : i32 to index
      %swap3A_1728 = arith.index_cast %mul3A_1690 : i32 to index
      %swap3A_1729 = tpu.vector_load %arg9[%swap3A_1727, %swap3A_1728] {strides = array<i32>} : memref<32x512xf32, #tpu.memory_space<vmem>>, vector<16xf32>,
      tpu.vector_store %arg9[%swap3A_1727, %swap3A_1728], %gather3A_1725 {strides = array<i32>} : memref<32x512xf32, #tpu.memory_space<vmem>>, vector<16xf32>,
      %broadcast_in_dim3A_1730 = arith.constant 6 : i32
      %broadcast_in_dim3A_1731 = vector.broadcast %broadcast_in_dim3A_1730 : i32 to vector<16xi32>
      %gather3A_1732 = tpu.vector_load_idx %arg8[%select_n3A_1683, %rem3A_1686, %broadcast_in_dim3A_1731, %rem3A_1652] : memref<2x8x32x128xf32, #tpu.memory_space<vmem>>[vector<16xi32>, vector<16xi32>, vector<16xi32>, vector<16xi32>], vector<16xf32>,
      %swap3A_1733 = arith.constant 6 : i32
      %swap3A_1734 = arith.index_cast %swap3A_1733 : i32 to index
      %swap3A_1735 = arith.index_cast %mul3A_1690 : i32 to index
      %swap3A_1736 = tpu.vector_load %arg9[%swap3A_1734, %swap3A_1735] {strides = array<i32>} : memref<32x512xf32, #tpu.memory_space<vmem>>, vector<16xf32>,
      tpu.vector_store %arg9[%swap3A_1734, %swap3A_1735], %gather3A_1732 {strides = array<i32>} : memref<32x512xf32, #tpu.memory_space<vmem>>, vector<16xf32>,
      %broadcast_in_dim3A_1737 = arith.constant 7 : i32
      %broadcast_in_dim3A_1738 = vector.broadcast %broadcast_in_dim3A_1737 : i32 to vector<16xi32>
      %gather3A_1739 = tpu.vector_load_idx %arg8[%select_n3A_1683, %rem3A_1686, %broadcast_in_dim3A_1738, %rem3A_1652] : memref<2x8x32x128xf32, #tpu.memory_space<vmem>>[vector<16xi32>, vector<16xi32>, vector<16xi32>, vector<16xi32>], vector<16xf32>,
      %swap3A_1740 = arith.constant 7 : i32
      %swap3A_1741 = arith.index_cast %swap3A_1740 : i32 to index
      %swap3A_1742 = arith.index_cast %mul3A_1690 : i32 to index
      %swap3A_1743 = tpu.vector_load %arg9[%swap3A_1741, %swap3A_1742] {strides = array<i32>} : memref<32x512xf32, #tpu.memory_space<vmem>>, vector<16xf32>,
      tpu.vector_store %arg9[%swap3A_1741, %swap3A_1742], %gather3A_1739 {strides = array<i32>} : memref<32x512xf32, #tpu.memory_space<vmem>>, vector<16xf32>,
      %broadcast_in_dim3A_1744 = arith.constant 8 : i32
      %broadcast_in_dim3A_1745 = vector.broadcast %broadcast_in_dim3A_1744 : i32 to vector<16xi32>
      %gather3A_1746 = tpu.vector_load_idx %arg8[%select_n3A_1683, %rem3A_1686, %broadcast_in_dim3A_1745, %rem3A_1652] : memref<2x8x32x128xf32, #tpu.memory_space<vmem>>[vector<16xi32>, vector<16xi32>, vector<16xi32>, vector<16xi32>], vector<16xf32>,
      %swap3A_1747 = arith.constant 8 : i32
      %swap3A_1748 = arith.index_cast %swap3A_1747 : i32 to index
      %swap3A_1749 = arith.index_cast %mul3A_1690 : i32 to index
      %swap3A_1750 = tpu.vector_load %arg9[%swap3A_1748, %swap3A_1749] {strides = array<i32>} : memref<32x512xf32, #tpu.memory_space<vmem>>, vector<16xf32>,
      tpu.vector_store %arg9[%swap3A_1748, %swap3A_1749], %gather3A_1746 {strides = array<i32>} : memref<32x512xf32, #tpu.memory_space<vmem>>, vector<16xf32>,
      %broadcast_in_dim3A_1751 = arith.constant 9 : i32
      %broadcast_in_dim3A_1752 = vector.broadcast %broadcast_in_dim3A_1751 : i32 to vector<16xi32>
      %gather3A_1753 = tpu.vector_load_idx %arg8[%select_n3A_1683, %rem3A_1686, %broadcast_in_dim3A_1752, %rem3A_1652] : memref<2x8x32x128xf32, #tpu.memory_space<vmem>>[vector<16xi32>, vector<16xi32>, vector<16xi32>, vector<16xi32>], vector<16xf32>,
      %swap3A_1754 = arith.constant 9 : i32
      %swap3A_1755 = arith.index_cast %swap3A_1754 : i32 to index
      %swap3A_1756 = arith.index_cast %mul3A_1690 : i32 to index
      %swap3A_1757 = tpu.vector_load %arg9[%swap3A_1755, %swap3A_1756] {strides = array<i32>} : memref<32x512xf32, #tpu.memory_space<vmem>>, vector<16xf32>,
      tpu.vector_store %arg9[%swap3A_1755, %swap3A_1756], %gather3A_1753 {strides = array<i32>} : memref<32x512xf32, #tpu.memory_space<vmem>>, vector<16xf32>,
      %broadcast_in_dim3A_1758 = arith.constant 10 : i32
      %broadcast_in_dim3A_1759 = vector.broadcast %broadcast_in_dim3A_1758 : i32 to vector<16xi32>
      %gather3A_1760 = tpu.vector_load_idx %arg8[%select_n3A_1683, %rem3A_1686, %broadcast_in_dim3A_1759, %rem3A_1652] : memref<2x8x32x128xf32, #tpu.memory_space<vmem>>[vector<16xi32>, vector<16xi32>, vector<16xi32>, vector<16xi32>], vector<16xf32>,
      %swap3A_1761 = arith.constant 10 : i32
      %swap3A_1762 = arith.index_cast %swap3A_1761 : i32 to index
      %swap3A_1763 = arith.index_cast %mul3A_1690 : i32 to index
      %swap3A_1764 = tpu.vector_load %arg9[%swap3A_1762, %swap3A_1763] {strides = array<i32>} : memref<32x512xf32, #tpu.memory_space<vmem>>, vector<16xf32>,
      tpu.vector_store %arg9[%swap3A_1762, %swap3A_1763], %gather3A_1760 {strides = array<i32>} : memref<32x512xf32, #tpu.memory_space<vmem>>, vector<16xf32>,
      %broadcast_in_dim3A_1765 = arith.constant 11 : i32
      %broadcast_in_dim3A_1766 = vector.broadcast %broadcast_in_dim3A_1765 : i32 to vector<16xi32>
      %gather3A_1767 = tpu.vector_load_idx %arg8[%select_n3A_1683, %rem3A_1686, %broadcast_in_dim3A_1766, %rem3A_1652] : memref<2x8x32x128xf32, #tpu.memory_space<vmem>>[vector<16xi32>, vector<16xi32>, vector<16xi32>, vector<16xi32>], vector<16xf32>,
      %swap3A_1768 = arith.constant 11 : i32
      %swap3A_1769 = arith.index_cast %swap3A_1768 : i32 to index
      %swap3A_1770 = arith.index_cast %mul3A_1690 : i32 to index
      %swap3A_1771 = tpu.vector_load %arg9[%swap3A_1769, %swap3A_1770] {strides = array<i32>} : memref<32x512xf32, #tpu.memory_space<vmem>>, vector<16xf32>,
      tpu.vector_store %arg9[%swap3A_1769, %swap3A_1770], %gather3A_1767 {strides = array<i32>} : memref<32x512xf32, #tpu.memory_space<vmem>>, vector<16xf32>,
      %broadcast_in_dim3A_1772 = arith.constant 12 : i32
      %broadcast_in_dim3A_1773 = vector.broadcast %broadcast_in_dim3A_1772 : i32 to vector<16xi32>
      %gather3A_1774 = tpu.vector_load_idx %arg8[%select_n3A_1683, %rem3A_1686, %broadcast_in_dim3A_1773, %rem3A_1652] : memref<2x8x32x128xf32, #tpu.memory_space<vmem>>[vector<16xi32>, vector<16xi32>, vector<16xi32>, vector<16xi32>], vector<16xf32>,
      %swap3A_1775 = arith.constant 12 : i32
      %swap3A_1776 = arith.index_cast %swap3A_1775 : i32 to index
      %swap3A_1777 = arith.index_cast %mul3A_1690 : i32 to index
      %swap3A_1778 = tpu.vector_load %arg9[%swap3A_1776, %swap3A_1777] {strides = array<i32>} : memref<32x512xf32, #tpu.memory_space<vmem>>, vector<16xf32>,
      tpu.vector_store %arg9[%swap3A_1776, %swap3A_1777], %gather3A_1774 {strides = array<i32>} : memref<32x512xf32, #tpu.memory_space<vmem>>, vector<16xf32>,
      %broadcast_in_dim3A_1779 = arith.constant 13 : i32
      %broadcast_in_dim3A_1780 = vector.broadcast %broadcast_in_dim3A_1779 : i32 to vector<16xi32>
      %gather3A_1781 = tpu.vector_load_idx %arg8[%select_n3A_1683, %rem3A_1686, %broadcast_in_dim3A_1780, %rem3A_1652] : memref<2x8x32x128xf32, #tpu.memory_space<vmem>>[vector<16xi32>, vector<16xi32>, vector<16xi32>, vector<16xi32>], vector<16xf32>,
      %swap3A_1782 = arith.constant 13 : i32
      %swap3A_1783 = arith.index_cast %swap3A_1782 : i32 to index
      %swap3A_1784 = arith.index_cast %mul3A_1690 : i32 to index
      %swap3A_1785 = tpu.vector_load %arg9[%swap3A_1783, %swap3A_1784] {strides = array<i32>} : memref<32x512xf32, #tpu.memory_space<vmem>>, vector<16xf32>,
      tpu.vector_store %arg9[%swap3A_1783, %swap3A_1784], %gather3A_1781 {strides = array<i32>} : memref<32x512xf32, #tpu.memory_space<vmem>>, vector<16xf32>,
      %broadcast_in_dim3A_1786 = arith.constant 14 : i32
      %broadcast_in_dim3A_1787 = vector.broadcast %broadcast_in_dim3A_1786 : i32 to vector<16xi32>
      %gather3A_1788 = tpu.vector_load_idx %arg8[%select_n3A_1683, %rem3A_1686, %broadcast_in_dim3A_1787, %rem3A_1652] : memref<2x8x32x128xf32, #tpu.memory_space<vmem>>[vector<16xi32>, vector<16xi32>, vector<16xi32>, vector<16xi32>], vector<16xf32>,
      %swap3A_1789 = arith.constant 14 : i32
      %swap3A_1790 = arith.index_cast %swap3A_1789 : i32 to index
      %swap3A_1791 = arith.index_cast %mul3A_1690 : i32 to index
      %swap3A_1792 = tpu.vector_load %arg9[%swap3A_1790, %swap3A_1791] {strides = array<i32>} : memref<32x512xf32, #tpu.memory_space<vmem>>, vector<16xf32>,
      tpu.vector_store %arg9[%swap3A_1790, %swap3A_1791], %gather3A_1788 {strides = array<i32>} : memref<32x512xf32, #tpu.memory_space<vmem>>, vector<16xf32>,
      %broadcast_in_dim3A_1793 = arith.constant 15 : i32
      %broadcast_in_dim3A_1794 = vector.broadcast %broadcast_in_dim3A_1793 : i32 to vector<16xi32>
      %gather3A_1795 = tpu.vector_load_idx %arg8[%select_n3A_1683, %rem3A_1686, %broadcast_in_dim3A_1794, %rem3A_1652] : memref<2x8x32x128xf32, #tpu.memory_space<vmem>>[vector<16xi32>, vector<16xi32>, vector<16xi32>, vector<16xi32>], vector<16xf32>,
      %swap3A_1796 = arith.constant 15 : i32
      %swap3A_1797 = arith.index_cast %swap3A_1796 : i32 to index
      %swap3A_1798 = arith.index_cast %mul3A_1690 : i32 to index
      %swap3A_1799 = tpu.vector_load %arg9[%swap3A_1797, %swap3A_1798] {strides = array<i32>} : memref<32x512xf32, #tpu.memory_space<vmem>>, vector<16xf32>,
      tpu.vector_store %arg9[%swap3A_1797, %swap3A_1798], %gather3A_1795 {strides = array<i32>} : memref<32x512xf32, #tpu.memory_space<vmem>>, vector<16xf32>,
      %broadcast_in_dim3A_1800 = arith.constant 16 : i32
      %broadcast_in_dim3A_1801 = vector.broadcast %broadcast_in_dim3A_1800 : i32 to vector<16xi32>
      %gather3A_1802 = tpu.vector_load_idx %arg8[%select_n3A_1683, %rem3A_1686, %broadcast_in_dim3A_1801, %rem3A_1652] : memref<2x8x32x128xf32, #tpu.memory_space<vmem>>[vector<16xi32>, vector<16xi32>, vector<16xi32>, vector<16xi32>], vector<16xf32>,
      %swap3A_1803 = arith.constant 16 : i32
      %swap3A_1804 = arith.index_cast %swap3A_1803 : i32 to index
      %swap3A_1805 = arith.index_cast %mul3A_1690 : i32 to index
      %swap3A_1806 = tpu.vector_load %arg9[%swap3A_1804, %swap3A_1805] {strides = array<i32>} : memref<32x512xf32, #tpu.memory_space<vmem>>, vector<16xf32>,
      tpu.vector_store %arg9[%swap3A_1804, %swap3A_1805], %gather3A_1802 {strides = array<i32>} : memref<32x512xf32, #tpu.memory_space<vmem>>, vector<16xf32>,
      %broadcast_in_dim3A_1807 = arith.constant 17 : i32
      %broadcast_in_dim3A_1808 = vector.broadcast %broadcast_in_dim3A_1807 : i32 to vector<16xi32>
      %gather3A_1809 = tpu.vector_load_idx %arg8[%select_n3A_1683, %rem3A_1686, %broadcast_in_dim3A_1808, %rem3A_1652] : memref<2x8x32x128xf32, #tpu.memory_space<vmem>>[vector<16xi32>, vector<16xi32>, vector<16xi32>, vector<16xi32>], vector<16xf32>,
      %swap3A_1810 = arith.constant 17 : i32
      %swap3A_1811 = arith.index_cast %swap3A_1810 : i32 to index
      %swap3A_1812 = arith.index_cast %mul3A_1690 : i32 to index
      %swap3A_1813 = tpu.vector_load %arg9[%swap3A_1811, %swap3A_1812] {strides = array<i32>} : memref<32x512xf32, #tpu.memory_space<vmem>>, vector<16xf32>,
      tpu.vector_store %arg9[%swap3A_1811, %swap3A_1812], %gather3A_1809 {strides = array<i32>} : memref<32x512xf32, #tpu.memory_space<vmem>>, vector<16xf32>,
      %broadcast_in_dim3A_1814 = arith.constant 18 : i32
      %broadcast_in_dim3A_1815 = vector.broadcast %broadcast_in_dim3A_1814 : i32 to vector<16xi32>
      %gather3A_1816 = tpu.vector_load_idx %arg8[%select_n3A_1683, %rem3A_1686, %broadcast_in_dim3A_1815, %rem3A_1652] : memref<2x8x32x128xf32, #tpu.memory_space<vmem>>[vector<16xi32>, vector<16xi32>, vector<16xi32>, vector<16xi32>], vector<16xf32>,
      %swap3A_1817 = arith.constant 18 : i32
      %swap3A_1818 = arith.index_cast %swap3A_1817 : i32 to index
      %swap3A_1819 = arith.index_cast %mul3A_1690 : i32 to index
      %swap3A_1820 = tpu.vector_load %arg9[%swap3A_1818, %swap3A_1819] {strides = array<i32>} : memref<32x512xf32, #tpu.memory_space<vmem>>, vector<16xf32>,
      tpu.vector_store %arg9[%swap3A_1818, %swap3A_1819], %gather3A_1816 {strides = array<i32>} : memref<32x512xf32, #tpu.memory_space<vmem>>, vector<16xf32>,
      %broadcast_in_dim3A_1821 = arith.constant 19 : i32
      %broadcast_in_dim3A_1822 = vector.broadcast %broadcast_in_dim3A_1821 : i32 to vector<16xi32>
      %gather3A_1823 = tpu.vector_load_idx %arg8[%select_n3A_1683, %rem3A_1686, %broadcast_in_dim3A_1822, %rem3A_1652] : memref<2x8x32x128xf32, #tpu.memory_space<vmem>>[vector<16xi32>, vector<16xi32>, vector<16xi32>, vector<16xi32>], vector<16xf32>,
      %swap3A_1824 = arith.constant 19 : i32
      %swap3A_1825 = arith.index_cast %swap3A_1824 : i32 to index
      %swap3A_1826 = arith.index_cast %mul3A_1690 : i32 to index
      %swap3A_1827 = tpu.vector_load %arg9[%swap3A_1825, %swap3A_1826] {strides = array<i32>} : memref<32x512xf32, #tpu.memory_space<vmem>>, vector<16xf32>,
      tpu.vector_store %arg9[%swap3A_1825, %swap3A_1826], %gather3A_1823 {strides = array<i32>} : memref<32x512xf32, #tpu.memory_space<vmem>>, vector<16xf32>,
      %broadcast_in_dim3A_1828 = arith.constant 20 : i32
      %broadcast_in_dim3A_1829 = vector.broadcast %broadcast_in_dim3A_1828 : i32 to vector<16xi32>
      %gather3A_1830 = tpu.vector_load_idx %arg8[%select_n3A_1683, %rem3A_1686, %broadcast_in_dim3A_1829, %rem3A_1652] : memref<2x8x32x128xf32, #tpu.memory_space<vmem>>[vector<16xi32>, vector<16xi32>, vector<16xi32>, vector<16xi32>], vector<16xf32>,
      %swap3A_1831 = arith.constant 20 : i32
      %swap3A_1832 = arith.index_cast %swap3A_1831 : i32 to index
      %swap3A_1833 = arith.index_cast %mul3A_1690 : i32 to index
      %swap3A_1834 = tpu.vector_load %arg9[%swap3A_1832, %swap3A_1833] {strides = array<i32>} : memref<32x512xf32, #tpu.memory_space<vmem>>, vector<16xf32>,
      tpu.vector_store %arg9[%swap3A_1832, %swap3A_1833], %gather3A_1830 {strides = array<i32>} : memref<32x512xf32, #tpu.memory_space<vmem>>, vector<16xf32>,
      %broadcast_in_dim3A_1835 = arith.constant 21 : i32
      %broadcast_in_dim3A_1836 = vector.broadcast %broadcast_in_dim3A_1835 : i32 to vector<16xi32>
      %gather3A_1837 = tpu.vector_load_idx %arg8[%select_n3A_1683, %rem3A_1686, %broadcast_in_dim3A_1836, %rem3A_1652] : memref<2x8x32x128xf32, #tpu.memory_space<vmem>>[vector<16xi32>, vector<16xi32>, vector<16xi32>, vector<16xi32>], vector<16xf32>,
      %swap3A_1838 = arith.constant 21 : i32
      %swap3A_1839 = arith.index_cast %swap3A_1838 : i32 to index
      %swap3A_1840 = arith.index_cast %mul3A_1690 : i32 to index
      %swap3A_1841 = tpu.vector_load %arg9[%swap3A_1839, %swap3A_1840] {strides = array<i32>} : memref<32x512xf32, #tpu.memory_space<vmem>>, vector<16xf32>,
      tpu.vector_store %arg9[%swap3A_1839, %swap3A_1840], %gather3A_1837 {strides = array<i32>} : memref<32x512xf32, #tpu.memory_space<vmem>>, vector<16xf32>,
      %broadcast_in_dim3A_1842 = arith.constant 22 : i32
      %broadcast_in_dim3A_1843 = vector.broadcast %broadcast_in_dim3A_1842 : i32 to vector<16xi32>
      %gather3A_1844 = tpu.vector_load_idx %arg8[%select_n3A_1683, %rem3A_1686, %broadcast_in_dim3A_1843, %rem3A_1652] : memref<2x8x32x128xf32, #tpu.memory_space<vmem>>[vector<16xi32>, vector<16xi32>, vector<16xi32>, vector<16xi32>], vector<16xf32>,
      %swap3A_1845 = arith.constant 22 : i32
      %swap3A_1846 = arith.index_cast %swap3A_1845 : i32 to index
      %swap3A_1847 = arith.index_cast %mul3A_1690 : i32 to index
      %swap3A_1848 = tpu.vector_load %arg9[%swap3A_1846, %swap3A_1847] {strides = array<i32>} : memref<32x512xf32, #tpu.memory_space<vmem>>, vector<16xf32>,
      tpu.vector_store %arg9[%swap3A_1846, %swap3A_1847], %gather3A_1844 {strides = array<i32>} : memref<32x512xf32, #tpu.memory_space<vmem>>, vector<16xf32>,
      %broadcast_in_dim3A_1849 = arith.constant 23 : i32
      %broadcast_in_dim3A_1850 = vector.broadcast %broadcast_in_dim3A_1849 : i32 to vector<16xi32>
      %gather3A_1851 = tpu.vector_load_idx %arg8[%select_n3A_1683, %rem3A_1686, %broadcast_in_dim3A_1850, %rem3A_1652] : memref<2x8x32x128xf32, #tpu.memory_space<vmem>>[vector<16xi32>, vector<16xi32>, vector<16xi32>, vector<16xi32>], vector<16xf32>,
      %swap3A_1852 = arith.constant 23 : i32
      %swap3A_1853 = arith.index_cast %swap3A_1852 : i32 to index
      %swap3A_1854 = arith.index_cast %mul3A_1690 : i32 to index
      %swap3A_1855 = tpu.vector_load %arg9[%swap3A_1853, %swap3A_1854] {strides = array<i32>} : memref<32x512xf32, #tpu.memory_space<vmem>>, vector<16xf32>,
      tpu.vector_store %arg9[%swap3A_1853, %swap3A_1854], %gather3A_1851 {strides = array<i32>} : memref<32x512xf32, #tpu.memory_space<vmem>>, vector<16xf32>,
      %broadcast_in_dim3A_1856 = arith.constant 24 : i32
      %broadcast_in_dim3A_1857 = vector.broadcast %broadcast_in_dim3A_1856 : i32 to vector<16xi32>
      %gather3A_1858 = tpu.vector_load_idx %arg8[%select_n3A_1683, %rem3A_1686, %broadcast_in_dim3A_1857, %rem3A_1652] : memref<2x8x32x128xf32, #tpu.memory_space<vmem>>[vector<16xi32>, vector<16xi32>, vector<16xi32>, vector<16xi32>], vector<16xf32>,
      %swap3A_1859 = arith.constant 24 : i32
      %swap3A_1860 = arith.index_cast %swap3A_1859 : i32 to index
      %swap3A_1861 = arith.index_cast %mul3A_1690 : i32 to index
      %swap3A_1862 = tpu.vector_load %arg9[%swap3A_1860, %swap3A_1861] {strides = array<i32>} : memref<32x512xf32, #tpu.memory_space<vmem>>, vector<16xf32>,
      tpu.vector_store %arg9[%swap3A_1860, %swap3A_1861], %gather3A_1858 {strides = array<i32>} : memref<32x512xf32, #tpu.memory_space<vmem>>, vector<16xf32>,
      %broadcast_in_dim3A_1863 = arith.constant 25 : i32
      %broadcast_in_dim3A_1864 = vector.broadcast %broadcast_in_dim3A_1863 : i32 to vector<16xi32>
      %gather3A_1865 = tpu.vector_load_idx %arg8[%select_n3A_1683, %rem3A_1686, %broadcast_in_dim3A_1864, %rem3A_1652] : memref<2x8x32x128xf32, #tpu.memory_space<vmem>>[vector<16xi32>, vector<16xi32>, vector<16xi32>, vector<16xi32>], vector<16xf32>,
      %swap3A_1866 = arith.constant 25 : i32
      %swap3A_1867 = arith.index_cast %swap3A_1866 : i32 to index
      %swap3A_1868 = arith.index_cast %mul3A_1690 : i32 to index
      %swap3A_1869 = tpu.vector_load %arg9[%swap3A_1867, %swap3A_1868] {strides = array<i32>} : memref<32x512xf32, #tpu.memory_space<vmem>>, vector<16xf32>,
      tpu.vector_store %arg9[%swap3A_1867, %swap3A_1868], %gather3A_1865 {strides = array<i32>} : memref<32x512xf32, #tpu.memory_space<vmem>>, vector<16xf32>,
      %broadcast_in_dim3A_1870 = arith.constant 26 : i32
      %broadcast_in_dim3A_1871 = vector.broadcast %broadcast_in_dim3A_1870 : i32 to vector<16xi32>
      %gather3A_1872 = tpu.vector_load_idx %arg8[%select_n3A_1683, %rem3A_1686, %broadcast_in_dim3A_1871, %rem3A_1652] : memref<2x8x32x128xf32, #tpu.memory_space<vmem>>[vector<16xi32>, vector<16xi32>, vector<16xi32>, vector<16xi32>], vector<16xf32>,
      %swap3A_1873 = arith.constant 26 : i32
      %swap3A_1874 = arith.index_cast %swap3A_1873 : i32 to index
      %swap3A_1875 = arith.index_cast %mul3A_1690 : i32 to index
      %swap3A_1876 = tpu.vector_load %arg9[%swap3A_1874, %swap3A_1875] {strides = array<i32>} : memref<32x512xf32, #tpu.memory_space<vmem>>, vector<16xf32>,
      tpu.vector_store %arg9[%swap3A_1874, %swap3A_1875], %gather3A_1872 {strides = array<i32>} : memref<32x512xf32, #tpu.memory_space<vmem>>, vector<16xf32>,
      %broadcast_in_dim3A_1877 = arith.constant 27 : i32
      %broadcast_in_dim3A_1878 = vector.broadcast %broadcast_in_dim3A_1877 : i32 to vector<16xi32>
      %gather3A_1879 = tpu.vector_load_idx %arg8[%select_n3A_1683, %rem3A_1686, %broadcast_in_dim3A_1878, %rem3A_1652] : memref<2x8x32x128xf32, #tpu.memory_space<vmem>>[vector<16xi32>, vector<16xi32>, vector<16xi32>, vector<16xi32>], vector<16xf32>,
      %swap3A_1880 = arith.constant 27 : i32
      %swap3A_1881 = arith.index_cast %swap3A_1880 : i32 to index
      %swap3A_1882 = arith.index_cast %mul3A_1690 : i32 to index
      %swap3A_1883 = tpu.vector_load %arg9[%swap3A_1881, %swap3A_1882] {strides = array<i32>} : memref<32x512xf32, #tpu.memory_space<vmem>>, vector<16xf32>,
      tpu.vector_store %arg9[%swap3A_1881, %swap3A_1882], %gather3A_1879 {strides = array<i32>} : memref<32x512xf32, #tpu.memory_space<vmem>>, vector<16xf32>,
      %broadcast_in_dim3A_1884 = arith.constant 28 : i32
      %broadcast_in_dim3A_1885 = vector.broadcast %broadcast_in_dim3A_1884 : i32 to vector<16xi32>
      %gather3A_1886 = tpu.vector_load_idx %arg8[%select_n3A_1683, %rem3A_1686, %broadcast_in_dim3A_1885, %rem3A_1652] : memref<2x8x32x128xf32, #tpu.memory_space<vmem>>[vector<16xi32>, vector<16xi32>, vector<16xi32>, vector<16xi32>], vector<16xf32>,
      %swap3A_1887 = arith.constant 28 : i32
      %swap3A_1888 = arith.index_cast %swap3A_1887 : i32 to index
      %swap3A_1889 = arith.index_cast %mul3A_1690 : i32 to index
      %swap3A_1890 = tpu.vector_load %arg9[%swap3A_1888, %swap3A_1889] {strides = array<i32>} : memref<32x512xf32, #tpu.memory_space<vmem>>, vector<16xf32>,
      tpu.vector_store %arg9[%swap3A_1888, %swap3A_1889], %gather3A_1886 {strides = array<i32>} : memref<32x512xf32, #tpu.memory_space<vmem>>, vector<16xf32>,
      %broadcast_in_dim3A_1891 = arith.constant 29 : i32
      %broadcast_in_dim3A_1892 = vector.broadcast %broadcast_in_dim3A_1891 : i32 to vector<16xi32>
      %gather3A_1893 = tpu.vector_load_idx %arg8[%select_n3A_1683, %rem3A_1686, %broadcast_in_dim3A_1892, %rem3A_1652] : memref<2x8x32x128xf32, #tpu.memory_space<vmem>>[vector<16xi32>, vector<16xi32>, vector<16xi32>, vector<16xi32>], vector<16xf32>,
      %swap3A_1894 = arith.constant 29 : i32
      %swap3A_1895 = arith.index_cast %swap3A_1894 : i32 to index
      %swap3A_1896 = arith.index_cast %mul3A_1690 : i32 to index
      %swap3A_1897 = tpu.vector_load %arg9[%swap3A_1895, %swap3A_1896] {strides = array<i32>} : memref<32x512xf32, #tpu.memory_space<vmem>>, vector<16xf32>,
      tpu.vector_store %arg9[%swap3A_1895, %swap3A_1896], %gather3A_1893 {strides = array<i32>} : memref<32x512xf32, #tpu.memory_space<vmem>>, vector<16xf32>,
      %broadcast_in_dim3A_1898 = arith.constant 30 : i32
      %broadcast_in_dim3A_1899 = vector.broadcast %broadcast_in_dim3A_1898 : i32 to vector<16xi32>
      %gather3A_1900 = tpu.vector_load_idx %arg8[%select_n3A_1683, %rem3A_1686, %broadcast_in_dim3A_1899, %rem3A_1652] : memref<2x8x32x128xf32, #tpu.memory_space<vmem>>[vector<16xi32>, vector<16xi32>, vector<16xi32>, vector<16xi32>], vector<16xf32>,
      %swap3A_1901 = arith.constant 30 : i32
      %swap3A_1902 = arith.index_cast %swap3A_1901 : i32 to index
      %swap3A_1903 = arith.index_cast %mul3A_1690 : i32 to index
      %swap3A_1904 = tpu.vector_load %arg9[%swap3A_1902, %swap3A_1903] {strides = array<i32>} : memref<32x512xf32, #tpu.memory_space<vmem>>, vector<16xf32>,
      tpu.vector_store %arg9[%swap3A_1902, %swap3A_1903], %gather3A_1900 {strides = array<i32>} : memref<32x512xf32, #tpu.memory_space<vmem>>, vector<16xf32>,
      %broadcast_in_dim3A_1905 = arith.constant 31 : i32
      %broadcast_in_dim3A_1906 = vector.broadcast %broadcast_in_dim3A_1905 : i32 to vector<16xi32>
      %gather3A_1907 = tpu.vector_load_idx %arg8[%select_n3A_1683, %rem3A_1686, %broadcast_in_dim3A_1906, %rem3A_1652] : memref<2x8x32x128xf32, #tpu.memory_space<vmem>>[vector<16xi32>, vector<16xi32>, vector<16xi32>, vector<16xi32>], vector<16xf32>,
      %swap3A_1908 = arith.constant 31 : i32
      %swap3A_1909 = arith.index_cast %swap3A_1908 : i32 to index
      %swap3A_1910 = arith.index_cast %mul3A_1690 : i32 to index
      %swap3A_1911 = tpu.vector_load %arg9[%swap3A_1909, %swap3A_1910] {strides = array<i32>} : memref<32x512xf32, #tpu.memory_space<vmem>>, vector<16xf32>,
      tpu.vector_store %arg9[%swap3A_1909, %swap3A_1910], %gather3A_1907 {strides = array<i32>} : memref<32x512xf32, #tpu.memory_space<vmem>>, vector<16xf32>,
      %lt3A = arith.constant 31 : i32
      %lt3A_1912 = arith.cmpi slt, %scan3A_1386, %lt3A : i32
      %convert_element_type3A = arith.extui %lt3A_1912 : i1 to i32
      %cond3A = arith.constant 0 : i32
      %cond3A_1913 = arith.cmpi ne, %convert_element_type3A, %cond3A : i32
      scf.if %cond3A_1913 {
        %add3A_1914 = arith.constant 1 : i32
        %add3A_1915 = arith.addi %scan3A_1386, %add3A_1914 : i32
        %mul3A_1916 = arith.constant 2 : i32
        %mul3A_1917 = arith.muli %add3A_1915, %mul3A_1916 : i32
        %mul3A_1918 = arith.constant 8 : i32
        %mul3A_1919 = arith.muli %mul3A_1917, %mul3A_1918 : i32
        %get3A_1920 = arith.constant 0 : i32
        %get3A_1921 = arith.index_cast %get3A_1920 : i32 to index
        %get3A_1922 = arith.index_cast %mul3A_1919 : i32 to index
        %get3A_1923 = tpu.vector_load %arg7[%get3A_1921, %get3A_1922] {strides = array<i32>} : memref<2x512xi32, #tpu.memory_space<vmem>>, vector<16xi32>,
        %slice3A_1924 = vector.extract_strided_slice %get3A_1923 {offsets = [0], sizes = [1], strides = [1]} : vector<16xi32> to vector<1xi32>
        %squeeze3A_1925 = vector.extract %slice3A_1924[0] : i32 from vector<1xi32>
        %jit3A_1926 = arith.constant 128 : i32
        %div3A_1927 = arith.divsi %squeeze3A_1925, %jit3A_1926 : i32
        %sign3A_1928 = arith.constant 0 : i32
        %sign3A_1929 = arith.cmpi sgt, %squeeze3A_1925, %sign3A_1928 : i32
        %sign3A_1930 = arith.extui %sign3A_1929 : i1 to i32
        %sign3A_1931 = arith.constant 0 : i32
        %sign3A_1932 = arith.cmpi slt, %squeeze3A_1925, %sign3A_1931 : i32
        %sign3A_1933 = arith.extui %sign3A_1932 : i1 to i32
        %sign3A_1934 = arith.subi %sign3A_1930, %sign3A_1933 : i32
        %sign3A_1935 = arith.constant 0 : i32
        %sign3A_1936 = arith.cmpi sgt, %jit3A_1926, %sign3A_1935 : i32
        %sign3A_1937 = arith.extui %sign3A_1936 : i1 to i32
        %sign3A_1938 = arith.constant 0 : i32
        %sign3A_1939 = arith.cmpi slt, %jit3A_1926, %sign3A_1938 : i32
        %sign3A_1940 = arith.extui %sign3A_1939 : i1 to i32
        %sign3A_1941 = arith.subi %sign3A_1937, %sign3A_1940 : i32
        %ne3A_1942 = arith.cmpi ne, %sign3A_1934, %sign3A_1941 : i32
        %rem3A_1943 = arith.remsi %squeeze3A_1925, %jit3A_1926 : i32
        %ne3A_1944 = arith.constant 0 : i32
        %ne3A_1945 = arith.cmpi ne, %rem3A_1943, %ne3A_1944 : i32
        %and3A_1946 = arith.andi %ne3A_1942, %ne3A_1945 : i1
        %sub3A_1947 = arith.constant 1 : i32
        %sub3A_1948 = arith.subi %div3A_1927, %sub3A_1947 : i32
        %select_n3A_1949 = arith.select %and3A_1946, %sub3A_1948, %div3A_1927 : i32
        %mul3A_1950 = arith.constant 128 : i32
        %mul3A_1951 = arith.muli %select_n3A_1949, %mul3A_1950 : i32
        %multiple_of3A_1952 = tpu.assume_multiple %mul3A_1951, 128 : i32
        %dma_start3A_1953 = arith.constant 0 : i32
        %dma_start3A_1954 = arith.constant 0 : i32
        %dma_start3A_1955 = arith.constant 0 : i32
        %dma_start3A_1956 = arith.constant 0 : i32
        %dma_start3A_1957 = tpu.memref_slice %arg8[%dma_start3A_1953, %dma_start3A_1954, %dma_start3A_1955, %dma_start3A_1956] : memref<2x8x32x128xf32, #tpu.memory_space<vmem>> -> memref<1x1x32x128xf32, #tpu.memory_space<vmem>>
        %dma_start3A_1958 = tpu.memref_squeeze %dma_start3A_1957 : memref<1x1x32x128xf32, #tpu.memory_space<vmem>> -> memref<32x128xf32, #tpu.memory_space<vmem>>
        %dma_start3A_1959 = arith.constant 0 : i32
        %dma_start3A_1960 = tpu.memref_slice %arg4[%dma_start3A_1959, %multiple_of3A_1952] : memref<32x1000000xf32, #tpu.memory_space<hbm>> -> memref<32x128xf32, #tpu.memory_space<hbm>>
        %dma_start3A_1961 = arith.constant 0 : i32
        %dma_start3A_1962 = arith.constant 0 : i32
        %dma_start3A_1963 = tpu.memref_slice %arg8[%dma_start3A_1953, %dma_start3A_1954, %dma_start3A_1961, %dma_start3A_1962] : memref<2x8x32x128xf32, #tpu.memory_space<vmem>> -> memref<1x1x32x128xf32, #tpu.memory_space<vmem>>
        %dma_start3A_1964 = tpu.memref_squeeze %dma_start3A_1963 : memref<1x1x32x128xf32, #tpu.memory_space<vmem>> -> memref<32x128xf32, #tpu.memory_space<vmem>>
        %dma_start3A_1965 = arith.constant 0 : i32
        %dma_start3A_1966 = tpu.memref_slice %arg4[%dma_start3A_1965, %multiple_of3A_1952] : memref<32x1000000xf32, #tpu.memory_space<hbm>> -> memref<32x128xf32, #tpu.memory_space<hbm>>
        tpu.enqueue_dma source(%dma_start3A_1966 : memref<32x128xf32, #tpu.memory_space<hbm>>) target(%dma_start3A_1964 : memref<32x128xf32, #tpu.memory_space<vmem>>) target_semaphore(%arg11 : memref<!tpu.dma_semaphore, #tpu.memory_space<semaphore_mem>>)
        %slice3A_1967 = vector.extract_strided_slice %get3A_1923 {offsets = [1], sizes = [1], strides = [1]} : vector<16xi32> to vector<1xi32>
        %squeeze3A_1968 = vector.extract %slice3A_1967[0] : i32 from vector<1xi32>
        %jit3A_1969 = arith.constant 128 : i32
        %div3A_1970 = arith.divsi %squeeze3A_1968, %jit3A_1969 : i32
        %sign3A_1971 = arith.constant 0 : i32
        %sign3A_1972 = arith.cmpi sgt, %squeeze3A_1968, %sign3A_1971 : i32
        %sign3A_1973 = arith.extui %sign3A_1972 : i1 to i32
        %sign3A_1974 = arith.constant 0 : i32
        %sign3A_1975 = arith.cmpi slt, %squeeze3A_1968, %sign3A_1974 : i32
        %sign3A_1976 = arith.extui %sign3A_1975 : i1 to i32
        %sign3A_1977 = arith.subi %sign3A_1973, %sign3A_1976 : i32
        %sign3A_1978 = arith.constant 0 : i32
        %sign3A_1979 = arith.cmpi sgt, %jit3A_1969, %sign3A_1978 : i32
        %sign3A_1980 = arith.extui %sign3A_1979 : i1 to i32
        %sign3A_1981 = arith.constant 0 : i32
        %sign3A_1982 = arith.cmpi slt, %jit3A_1969, %sign3A_1981 : i32
        %sign3A_1983 = arith.extui %sign3A_1982 : i1 to i32
        %sign3A_1984 = arith.subi %sign3A_1980, %sign3A_1983 : i32
        %ne3A_1985 = arith.cmpi ne, %sign3A_1977, %sign3A_1984 : i32
        %rem3A_1986 = arith.remsi %squeeze3A_1968, %jit3A_1969 : i32
        %ne3A_1987 = arith.constant 0 : i32
        %ne3A_1988 = arith.cmpi ne, %rem3A_1986, %ne3A_1987 : i32
        %and3A_1989 = arith.andi %ne3A_1985, %ne3A_1988 : i1
        %sub3A_1990 = arith.constant 1 : i32
        %sub3A_1991 = arith.subi %div3A_1970, %sub3A_1990 : i32
        %select_n3A_1992 = arith.select %and3A_1989, %sub3A_1991, %div3A_1970 : i32
        %mul3A_1993 = arith.constant 128 : i32
        %mul3A_1994 = arith.muli %select_n3A_1992, %mul3A_1993 : i32
        %multiple_of3A_1995 = tpu.assume_multiple %mul3A_1994, 128 : i32
        %dma_start3A_1996 = arith.constant 0 : i32
        %dma_start3A_1997 = arith.constant 1 : i32
        %dma_start3A_1998 = arith.constant 0 : i32
        %dma_start3A_1999 = arith.constant 0 : i32
        %dma_start3A_2000 = tpu.memref_slice %arg8[%dma_start3A_1996, %dma_start3A_1997, %dma_start3A_1998, %dma_start3A_1999] : memref<2x8x32x128xf32, #tpu.memory_space<vmem>> -> memref<1x1x32x128xf32, #tpu.memory_space<vmem>>
        %dma_start3A_2001 = tpu.memref_squeeze %dma_start3A_2000 : memref<1x1x32x128xf32, #tpu.memory_space<vmem>> -> memref<32x128xf32, #tpu.memory_space<vmem>>
        %dma_start3A_2002 = arith.constant 0 : i32
        %dma_start3A_2003 = tpu.memref_slice %arg4[%dma_start3A_2002, %multiple_of3A_1995] : memref<32x1000000xf32, #tpu.memory_space<hbm>> -> memref<32x128xf32, #tpu.memory_space<hbm>>
        %dma_start3A_2004 = arith.constant 0 : i32
        %dma_start3A_2005 = arith.constant 0 : i32
        %dma_start3A_2006 = tpu.memref_slice %arg8[%dma_start3A_1996, %dma_start3A_1997, %dma_start3A_2004, %dma_start3A_2005] : memref<2x8x32x128xf32, #tpu.memory_space<vmem>> -> memref<1x1x32x128xf32, #tpu.memory_space<vmem>>
        %dma_start3A_2007 = tpu.memref_squeeze %dma_start3A_2006 : memref<1x1x32x128xf32, #tpu.memory_space<vmem>> -> memref<32x128xf32, #tpu.memory_space<vmem>>
        %dma_start3A_2008 = arith.constant 0 : i32
        %dma_start3A_2009 = tpu.memref_slice %arg4[%dma_start3A_2008, %multiple_of3A_1995] : memref<32x1000000xf32, #tpu.memory_space<hbm>> -> memref<32x128xf32, #tpu.memory_space<hbm>>
        tpu.enqueue_dma source(%dma_start3A_2009 : memref<32x128xf32, #tpu.memory_space<hbm>>) target(%dma_start3A_2007 : memref<32x128xf32, #tpu.memory_space<vmem>>) target_semaphore(%arg11 : memref<!tpu.dma_semaphore, #tpu.memory_space<semaphore_mem>>)
        %slice3A_2010 = vector.extract_strided_slice %get3A_1923 {offsets = [2], sizes = [1], strides = [1]} : vector<16xi32> to vector<1xi32>
        %squeeze3A_2011 = vector.extract %slice3A_2010[0] : i32 from vector<1xi32>
        %jit3A_2012 = arith.constant 128 : i32
        %div3A_2013 = arith.divsi %squeeze3A_2011, %jit3A_2012 : i32
        %sign3A_2014 = arith.constant 0 : i32
        %sign3A_2015 = arith.cmpi sgt, %squeeze3A_2011, %sign3A_2014 : i32
        %sign3A_2016 = arith.extui %sign3A_2015 : i1 to i32
        %sign3A_2017 = arith.constant 0 : i32
        %sign3A_2018 = arith.cmpi slt, %squeeze3A_2011, %sign3A_2017 : i32
        %sign3A_2019 = arith.extui %sign3A_2018 : i1 to i32
        %sign3A_2020 = arith.subi %sign3A_2016, %sign3A_2019 : i32
        %sign3A_2021 = arith.constant 0 : i32
        %sign3A_2022 = arith.cmpi sgt, %jit3A_2012, %sign3A_2021 : i32
        %sign3A_2023 = arith.extui %sign3A_2022 : i1 to i32
        %sign3A_2024 = arith.constant 0 : i32
        %sign3A_2025 = arith.cmpi slt, %jit3A_2012, %sign3A_2024 : i32
        %sign3A_2026 = arith.extui %sign3A_2025 : i1 to i32
        %sign3A_2027 = arith.subi %sign3A_2023, %sign3A_2026 : i32
        %ne3A_2028 = arith.cmpi ne, %sign3A_2020, %sign3A_2027 : i32
        %rem3A_2029 = arith.remsi %squeeze3A_2011, %jit3A_2012 : i32
        %ne3A_2030 = arith.constant 0 : i32
        %ne3A_2031 = arith.cmpi ne, %rem3A_2029, %ne3A_2030 : i32
        %and3A_2032 = arith.andi %ne3A_2028, %ne3A_2031 : i1
        %sub3A_2033 = arith.constant 1 : i32
        %sub3A_2034 = arith.subi %div3A_2013, %sub3A_2033 : i32
        %select_n3A_2035 = arith.select %and3A_2032, %sub3A_2034, %div3A_2013 : i32
        %mul3A_2036 = arith.constant 128 : i32
        %mul3A_2037 = arith.muli %select_n3A_2035, %mul3A_2036 : i32
        %multiple_of3A_2038 = tpu.assume_multiple %mul3A_2037, 128 : i32
        %dma_start3A_2039 = arith.constant 0 : i32
        %dma_start3A_2040 = arith.constant 2 : i32
        %dma_start3A_2041 = arith.constant 0 : i32
        %dma_start3A_2042 = arith.constant 0 : i32
        %dma_start3A_2043 = tpu.memref_slice %arg8[%dma_start3A_2039, %dma_start3A_2040, %dma_start3A_2041, %dma_start3A_2042] : memref<2x8x32x128xf32, #tpu.memory_space<vmem>> -> memref<1x1x32x128xf32, #tpu.memory_space<vmem>>
        %dma_start3A_2044 = tpu.memref_squeeze %dma_start3A_2043 : memref<1x1x32x128xf32, #tpu.memory_space<vmem>> -> memref<32x128xf32, #tpu.memory_space<vmem>>
        %dma_start3A_2045 = arith.constant 0 : i32
        %dma_start3A_2046 = tpu.memref_slice %arg4[%dma_start3A_2045, %multiple_of3A_2038] : memref<32x1000000xf32, #tpu.memory_space<hbm>> -> memref<32x128xf32, #tpu.memory_space<hbm>>
        %dma_start3A_2047 = arith.constant 0 : i32
        %dma_start3A_2048 = arith.constant 0 : i32
        %dma_start3A_2049 = tpu.memref_slice %arg8[%dma_start3A_2039, %dma_start3A_2040, %dma_start3A_2047, %dma_start3A_2048] : memref<2x8x32x128xf32, #tpu.memory_space<vmem>> -> memref<1x1x32x128xf32, #tpu.memory_space<vmem>>
        %dma_start3A_2050 = tpu.memref_squeeze %dma_start3A_2049 : memref<1x1x32x128xf32, #tpu.memory_space<vmem>> -> memref<32x128xf32, #tpu.memory_space<vmem>>
        %dma_start3A_2051 = arith.constant 0 : i32
        %dma_start3A_2052 = tpu.memref_slice %arg4[%dma_start3A_2051, %multiple_of3A_2038] : memref<32x1000000xf32, #tpu.memory_space<hbm>> -> memref<32x128xf32, #tpu.memory_space<hbm>>
        tpu.enqueue_dma source(%dma_start3A_2052 : memref<32x128xf32, #tpu.memory_space<hbm>>) target(%dma_start3A_2050 : memref<32x128xf32, #tpu.memory_space<vmem>>) target_semaphore(%arg11 : memref<!tpu.dma_semaphore, #tpu.memory_space<semaphore_mem>>)
        %slice3A_2053 = vector.extract_strided_slice %get3A_1923 {offsets = [3], sizes = [1], strides = [1]} : vector<16xi32> to vector<1xi32>
        %squeeze3A_2054 = vector.extract %slice3A_2053[0] : i32 from vector<1xi32>
        %jit3A_2055 = arith.constant 128 : i32
        %div3A_2056 = arith.divsi %squeeze3A_2054, %jit3A_2055 : i32
        %sign3A_2057 = arith.constant 0 : i32
        %sign3A_2058 = arith.cmpi sgt, %squeeze3A_2054, %sign3A_2057 : i32
        %sign3A_2059 = arith.extui %sign3A_2058 : i1 to i32
        %sign3A_2060 = arith.constant 0 : i32
        %sign3A_2061 = arith.cmpi slt, %squeeze3A_2054, %sign3A_2060 : i32
        %sign3A_2062 = arith.extui %sign3A_2061 : i1 to i32
        %sign3A_2063 = arith.subi %sign3A_2059, %sign3A_2062 : i32
        %sign3A_2064 = arith.constant 0 : i32
        %sign3A_2065 = arith.cmpi sgt, %jit3A_2055, %sign3A_2064 : i32
        %sign3A_2066 = arith.extui %sign3A_2065 : i1 to i32
        %sign3A_2067 = arith.constant 0 : i32
        %sign3A_2068 = arith.cmpi slt, %jit3A_2055, %sign3A_2067 : i32
        %sign3A_2069 = arith.extui %sign3A_2068 : i1 to i32
        %sign3A_2070 = arith.subi %sign3A_2066, %sign3A_2069 : i32
        %ne3A_2071 = arith.cmpi ne, %sign3A_2063, %sign3A_2070 : i32
        %rem3A_2072 = arith.remsi %squeeze3A_2054, %jit3A_2055 : i32
        %ne3A_2073 = arith.constant 0 : i32
        %ne3A_2074 = arith.cmpi ne, %rem3A_2072, %ne3A_2073 : i32
        %and3A_2075 = arith.andi %ne3A_2071, %ne3A_2074 : i1
        %sub3A_2076 = arith.constant 1 : i32
        %sub3A_2077 = arith.subi %div3A_2056, %sub3A_2076 : i32
        %select_n3A_2078 = arith.select %and3A_2075, %sub3A_2077, %div3A_2056 : i32
        %mul3A_2079 = arith.constant 128 : i32
        %mul3A_2080 = arith.muli %select_n3A_2078, %mul3A_2079 : i32
        %multiple_of3A_2081 = tpu.assume_multiple %mul3A_2080, 128 : i32
        %dma_start3A_2082 = arith.constant 0 : i32
        %dma_start3A_2083 = arith.constant 3 : i32
        %dma_start3A_2084 = arith.constant 0 : i32
        %dma_start3A_2085 = arith.constant 0 : i32
        %dma_start3A_2086 = tpu.memref_slice %arg8[%dma_start3A_2082, %dma_start3A_2083, %dma_start3A_2084, %dma_start3A_2085] : memref<2x8x32x128xf32, #tpu.memory_space<vmem>> -> memref<1x1x32x128xf32, #tpu.memory_space<vmem>>
        %dma_start3A_2087 = tpu.memref_squeeze %dma_start3A_2086 : memref<1x1x32x128xf32, #tpu.memory_space<vmem>> -> memref<32x128xf32, #tpu.memory_space<vmem>>
        %dma_start3A_2088 = arith.constant 0 : i32
        %dma_start3A_2089 = tpu.memref_slice %arg4[%dma_start3A_2088, %multiple_of3A_2081] : memref<32x1000000xf32, #tpu.memory_space<hbm>> -> memref<32x128xf32, #tpu.memory_space<hbm>>
        %dma_start3A_2090 = arith.constant 0 : i32
        %dma_start3A_2091 = arith.constant 0 : i32
        %dma_start3A_2092 = tpu.memref_slice %arg8[%dma_start3A_2082, %dma_start3A_2083, %dma_start3A_2090, %dma_start3A_2091] : memref<2x8x32x128xf32, #tpu.memory_space<vmem>> -> memref<1x1x32x128xf32, #tpu.memory_space<vmem>>
        %dma_start3A_2093 = tpu.memref_squeeze %dma_start3A_2092 : memref<1x1x32x128xf32, #tpu.memory_space<vmem>> -> memref<32x128xf32, #tpu.memory_space<vmem>>
        %dma_start3A_2094 = arith.constant 0 : i32
        %dma_start3A_2095 = tpu.memref_slice %arg4[%dma_start3A_2094, %multiple_of3A_2081] : memref<32x1000000xf32, #tpu.memory_space<hbm>> -> memref<32x128xf32, #tpu.memory_space<hbm>>
        tpu.enqueue_dma source(%dma_start3A_2095 : memref<32x128xf32, #tpu.memory_space<hbm>>) target(%dma_start3A_2093 : memref<32x128xf32, #tpu.memory_space<vmem>>) target_semaphore(%arg11 : memref<!tpu.dma_semaphore, #tpu.memory_space<semaphore_mem>>)
        %slice3A_2096 = vector.extract_strided_slice %get3A_1923 {offsets = [4], sizes = [1], strides = [1]} : vector<16xi32> to vector<1xi32>
        %squeeze3A_2097 = vector.extract %slice3A_2096[0] : i32 from vector<1xi32>
        %jit3A_2098 = arith.constant 128 : i32
        %div3A_2099 = arith.divsi %squeeze3A_2097, %jit3A_2098 : i32
        %sign3A_2100 = arith.constant 0 : i32
        %sign3A_2101 = arith.cmpi sgt, %squeeze3A_2097, %sign3A_2100 : i32
        %sign3A_2102 = arith.extui %sign3A_2101 : i1 to i32
        %sign3A_2103 = arith.constant 0 : i32
        %sign3A_2104 = arith.cmpi slt, %squeeze3A_2097, %sign3A_2103 : i32
        %sign3A_2105 = arith.extui %sign3A_2104 : i1 to i32
        %sign3A_2106 = arith.subi %sign3A_2102, %sign3A_2105 : i32
        %sign3A_2107 = arith.constant 0 : i32
        %sign3A_2108 = arith.cmpi sgt, %jit3A_2098, %sign3A_2107 : i32
        %sign3A_2109 = arith.extui %sign3A_2108 : i1 to i32
        %sign3A_2110 = arith.constant 0 : i32
        %sign3A_2111 = arith.cmpi slt, %jit3A_2098, %sign3A_2110 : i32
        %sign3A_2112 = arith.extui %sign3A_2111 : i1 to i32
        %sign3A_2113 = arith.subi %sign3A_2109, %sign3A_2112 : i32
        %ne3A_2114 = arith.cmpi ne, %sign3A_2106, %sign3A_2113 : i32
        %rem3A_2115 = arith.remsi %squeeze3A_2097, %jit3A_2098 : i32
        %ne3A_2116 = arith.constant 0 : i32
        %ne3A_2117 = arith.cmpi ne, %rem3A_2115, %ne3A_2116 : i32
        %and3A_2118 = arith.andi %ne3A_2114, %ne3A_2117 : i1
        %sub3A_2119 = arith.constant 1 : i32
        %sub3A_2120 = arith.subi %div3A_2099, %sub3A_2119 : i32
        %select_n3A_2121 = arith.select %and3A_2118, %sub3A_2120, %div3A_2099 : i32
        %mul3A_2122 = arith.constant 128 : i32
        %mul3A_2123 = arith.muli %select_n3A_2121, %mul3A_2122 : i32
        %multiple_of3A_2124 = tpu.assume_multiple %mul3A_2123, 128 : i32
        %dma_start3A_2125 = arith.constant 0 : i32
        %dma_start3A_2126 = arith.constant 4 : i32
        %dma_start3A_2127 = arith.constant 0 : i32
        %dma_start3A_2128 = arith.constant 0 : i32
        %dma_start3A_2129 = tpu.memref_slice %arg8[%dma_start3A_2125, %dma_start3A_2126, %dma_start3A_2127, %dma_start3A_2128] : memref<2x8x32x128xf32, #tpu.memory_space<vmem>> -> memref<1x1x32x128xf32, #tpu.memory_space<vmem>>
        %dma_start3A_2130 = tpu.memref_squeeze %dma_start3A_2129 : memref<1x1x32x128xf32, #tpu.memory_space<vmem>> -> memref<32x128xf32, #tpu.memory_space<vmem>>
        %dma_start3A_2131 = arith.constant 0 : i32
        %dma_start3A_2132 = tpu.memref_slice %arg4[%dma_start3A_2131, %multiple_of3A_2124] : memref<32x1000000xf32, #tpu.memory_space<hbm>> -> memref<32x128xf32, #tpu.memory_space<hbm>>
        %dma_start3A_2133 = arith.constant 0 : i32
        %dma_start3A_2134 = arith.constant 0 : i32
        %dma_start3A_2135 = tpu.memref_slice %arg8[%dma_start3A_2125, %dma_start3A_2126, %dma_start3A_2133, %dma_start3A_2134] : memref<2x8x32x128xf32, #tpu.memory_space<vmem>> -> memref<1x1x32x128xf32, #tpu.memory_space<vmem>>
        %dma_start3A_2136 = tpu.memref_squeeze %dma_start3A_2135 : memref<1x1x32x128xf32, #tpu.memory_space<vmem>> -> memref<32x128xf32, #tpu.memory_space<vmem>>
        %dma_start3A_2137 = arith.constant 0 : i32
        %dma_start3A_2138 = tpu.memref_slice %arg4[%dma_start3A_2137, %multiple_of3A_2124] : memref<32x1000000xf32, #tpu.memory_space<hbm>> -> memref<32x128xf32, #tpu.memory_space<hbm>>
        tpu.enqueue_dma source(%dma_start3A_2138 : memref<32x128xf32, #tpu.memory_space<hbm>>) target(%dma_start3A_2136 : memref<32x128xf32, #tpu.memory_space<vmem>>) target_semaphore(%arg11 : memref<!tpu.dma_semaphore, #tpu.memory_space<semaphore_mem>>)
        %slice3A_2139 = vector.extract_strided_slice %get3A_1923 {offsets = [5], sizes = [1], strides = [1]} : vector<16xi32> to vector<1xi32>
        %squeeze3A_2140 = vector.extract %slice3A_2139[0] : i32 from vector<1xi32>
        %jit3A_2141 = arith.constant 128 : i32
        %div3A_2142 = arith.divsi %squeeze3A_2140, %jit3A_2141 : i32
        %sign3A_2143 = arith.constant 0 : i32
        %sign3A_2144 = arith.cmpi sgt, %squeeze3A_2140, %sign3A_2143 : i32
        %sign3A_2145 = arith.extui %sign3A_2144 : i1 to i32
        %sign3A_2146 = arith.constant 0 : i32
        %sign3A_2147 = arith.cmpi slt, %squeeze3A_2140, %sign3A_2146 : i32
        %sign3A_2148 = arith.extui %sign3A_2147 : i1 to i32
        %sign3A_2149 = arith.subi %sign3A_2145, %sign3A_2148 : i32
        %sign3A_2150 = arith.constant 0 : i32
        %sign3A_2151 = arith.cmpi sgt, %jit3A_2141, %sign3A_2150 : i32
        %sign3A_2152 = arith.extui %sign3A_2151 : i1 to i32
        %sign3A_2153 = arith.constant 0 : i32
        %sign3A_2154 = arith.cmpi slt, %jit3A_2141, %sign3A_2153 : i32
        %sign3A_2155 = arith.extui %sign3A_2154 : i1 to i32
        %sign3A_2156 = arith.subi %sign3A_2152, %sign3A_2155 : i32
        %ne3A_2157 = arith.cmpi ne, %sign3A_2149, %sign3A_2156 : i32
        %rem3A_2158 = arith.remsi %squeeze3A_2140, %jit3A_2141 : i32
        %ne3A_2159 = arith.constant 0 : i32
        %ne3A_2160 = arith.cmpi ne, %rem3A_2158, %ne3A_2159 : i32
        %and3A_2161 = arith.andi %ne3A_2157, %ne3A_2160 : i1
        %sub3A_2162 = arith.constant 1 : i32
        %sub3A_2163 = arith.subi %div3A_2142, %sub3A_2162 : i32
        %select_n3A_2164 = arith.select %and3A_2161, %sub3A_2163, %div3A_2142 : i32
        %mul3A_2165 = arith.constant 128 : i32
        %mul3A_2166 = arith.muli %select_n3A_2164, %mul3A_2165 : i32
        %multiple_of3A_2167 = tpu.assume_multiple %mul3A_2166, 128 : i32
        %dma_start3A_2168 = arith.constant 0 : i32
        %dma_start3A_2169 = arith.constant 5 : i32
        %dma_start3A_2170 = arith.constant 0 : i32
        %dma_start3A_2171 = arith.constant 0 : i32
        %dma_start3A_2172 = tpu.memref_slice %arg8[%dma_start3A_2168, %dma_start3A_2169, %dma_start3A_2170, %dma_start3A_2171] : memref<2x8x32x128xf32, #tpu.memory_space<vmem>> -> memref<1x1x32x128xf32, #tpu.memory_space<vmem>>
        %dma_start3A_2173 = tpu.memref_squeeze %dma_start3A_2172 : memref<1x1x32x128xf32, #tpu.memory_space<vmem>> -> memref<32x128xf32, #tpu.memory_space<vmem>>
        %dma_start3A_2174 = arith.constant 0 : i32
        %dma_start3A_2175 = tpu.memref_slice %arg4[%dma_start3A_2174, %multiple_of3A_2167] : memref<32x1000000xf32, #tpu.memory_space<hbm>> -> memref<32x128xf32, #tpu.memory_space<hbm>>
        %dma_start3A_2176 = arith.constant 0 : i32
        %dma_start3A_2177 = arith.constant 0 : i32
        %dma_start3A_2178 = tpu.memref_slice %arg8[%dma_start3A_2168, %dma_start3A_2169, %dma_start3A_2176, %dma_start3A_2177] : memref<2x8x32x128xf32, #tpu.memory_space<vmem>> -> memref<1x1x32x128xf32, #tpu.memory_space<vmem>>
        %dma_start3A_2179 = tpu.memref_squeeze %dma_start3A_2178 : memref<1x1x32x128xf32, #tpu.memory_space<vmem>> -> memref<32x128xf32, #tpu.memory_space<vmem>>
        %dma_start3A_2180 = arith.constant 0 : i32
        %dma_start3A_2181 = tpu.memref_slice %arg4[%dma_start3A_2180, %multiple_of3A_2167] : memref<32x1000000xf32, #tpu.memory_space<hbm>> -> memref<32x128xf32, #tpu.memory_space<hbm>>
        tpu.enqueue_dma source(%dma_start3A_2181 : memref<32x128xf32, #tpu.memory_space<hbm>>) target(%dma_start3A_2179 : memref<32x128xf32, #tpu.memory_space<vmem>>) target_semaphore(%arg11 : memref<!tpu.dma_semaphore, #tpu.memory_space<semaphore_mem>>)
        %slice3A_2182 = vector.extract_strided_slice %get3A_1923 {offsets = [6], sizes = [1], strides = [1]} : vector<16xi32> to vector<1xi32>
        %squeeze3A_2183 = vector.extract %slice3A_2182[0] : i32 from vector<1xi32>
        %jit3A_2184 = arith.constant 128 : i32
        %div3A_2185 = arith.divsi %squeeze3A_2183, %jit3A_2184 : i32
        %sign3A_2186 = arith.constant 0 : i32
        %sign3A_2187 = arith.cmpi sgt, %squeeze3A_2183, %sign3A_2186 : i32
        %sign3A_2188 = arith.extui %sign3A_2187 : i1 to i32
        %sign3A_2189 = arith.constant 0 : i32
        %sign3A_2190 = arith.cmpi slt, %squeeze3A_2183, %sign3A_2189 : i32
        %sign3A_2191 = arith.extui %sign3A_2190 : i1 to i32
        %sign3A_2192 = arith.subi %sign3A_2188, %sign3A_2191 : i32
        %sign3A_2193 = arith.constant 0 : i32
        %sign3A_2194 = arith.cmpi sgt, %jit3A_2184, %sign3A_2193 : i32
        %sign3A_2195 = arith.extui %sign3A_2194 : i1 to i32
        %sign3A_2196 = arith.constant 0 : i32
        %sign3A_2197 = arith.cmpi slt, %jit3A_2184, %sign3A_2196 : i32
        %sign3A_2198 = arith.extui %sign3A_2197 : i1 to i32
        %sign3A_2199 = arith.subi %sign3A_2195, %sign3A_2198 : i32
        %ne3A_2200 = arith.cmpi ne, %sign3A_2192, %sign3A_2199 : i32
        %rem3A_2201 = arith.remsi %squeeze3A_2183, %jit3A_2184 : i32
        %ne3A_2202 = arith.constant 0 : i32
        %ne3A_2203 = arith.cmpi ne, %rem3A_2201, %ne3A_2202 : i32
        %and3A_2204 = arith.andi %ne3A_2200, %ne3A_2203 : i1
        %sub3A_2205 = arith.constant 1 : i32
        %sub3A_2206 = arith.subi %div3A_2185, %sub3A_2205 : i32
        %select_n3A_2207 = arith.select %and3A_2204, %sub3A_2206, %div3A_2185 : i32
        %mul3A_2208 = arith.constant 128 : i32
        %mul3A_2209 = arith.muli %select_n3A_2207, %mul3A_2208 : i32
        %multiple_of3A_2210 = tpu.assume_multiple %mul3A_2209, 128 : i32
        %dma_start3A_2211 = arith.constant 0 : i32
        %dma_start3A_2212 = arith.constant 6 : i32
        %dma_start3A_2213 = arith.constant 0 : i32
        %dma_start3A_2214 = arith.constant 0 : i32
        %dma_start3A_2215 = tpu.memref_slice %arg8[%dma_start3A_2211, %dma_start3A_2212, %dma_start3A_2213, %dma_start3A_2214] : memref<2x8x32x128xf32, #tpu.memory_space<vmem>> -> memref<1x1x32x128xf32, #tpu.memory_space<vmem>>
        %dma_start3A_2216 = tpu.memref_squeeze %dma_start3A_2215 : memref<1x1x32x128xf32, #tpu.memory_space<vmem>> -> memref<32x128xf32, #tpu.memory_space<vmem>>
        %dma_start3A_2217 = arith.constant 0 : i32
        %dma_start3A_2218 = tpu.memref_slice %arg4[%dma_start3A_2217, %multiple_of3A_2210] : memref<32x1000000xf32, #tpu.memory_space<hbm>> -> memref<32x128xf32, #tpu.memory_space<hbm>>
        %dma_start3A_2219 = arith.constant 0 : i32
        %dma_start3A_2220 = arith.constant 0 : i32
        %dma_start3A_2221 = tpu.memref_slice %arg8[%dma_start3A_2211, %dma_start3A_2212, %dma_start3A_2219, %dma_start3A_2220] : memref<2x8x32x128xf32, #tpu.memory_space<vmem>> -> memref<1x1x32x128xf32, #tpu.memory_space<vmem>>
        %dma_start3A_2222 = tpu.memref_squeeze %dma_start3A_2221 : memref<1x1x32x128xf32, #tpu.memory_space<vmem>> -> memref<32x128xf32, #tpu.memory_space<vmem>>
        %dma_start3A_2223 = arith.constant 0 : i32
        %dma_start3A_2224 = tpu.memref_slice %arg4[%dma_start3A_2223, %multiple_of3A_2210] : memref<32x1000000xf32, #tpu.memory_space<hbm>> -> memref<32x128xf32, #tpu.memory_space<hbm>>
        tpu.enqueue_dma source(%dma_start3A_2224 : memref<32x128xf32, #tpu.memory_space<hbm>>) target(%dma_start3A_2222 : memref<32x128xf32, #tpu.memory_space<vmem>>) target_semaphore(%arg11 : memref<!tpu.dma_semaphore, #tpu.memory_space<semaphore_mem>>)
        %slice3A_2225 = vector.extract_strided_slice %get3A_1923 {offsets = [7], sizes = [1], strides = [1]} : vector<16xi32> to vector<1xi32>
        %squeeze3A_2226 = vector.extract %slice3A_2225[0] : i32 from vector<1xi32>
        %jit3A_2227 = arith.constant 128 : i32
        %div3A_2228 = arith.divsi %squeeze3A_2226, %jit3A_2227 : i32
        %sign3A_2229 = arith.constant 0 : i32
        %sign3A_2230 = arith.cmpi sgt, %squeeze3A_2226, %sign3A_2229 : i32
        %sign3A_2231 = arith.extui %sign3A_2230 : i1 to i32
        %sign3A_2232 = arith.constant 0 : i32
        %sign3A_2233 = arith.cmpi slt, %squeeze3A_2226, %sign3A_2232 : i32
        %sign3A_2234 = arith.extui %sign3A_2233 : i1 to i32
        %sign3A_2235 = arith.subi %sign3A_2231, %sign3A_2234 : i32
        %sign3A_2236 = arith.constant 0 : i32
        %sign3A_2237 = arith.cmpi sgt, %jit3A_2227, %sign3A_2236 : i32
        %sign3A_2238 = arith.extui %sign3A_2237 : i1 to i32
        %sign3A_2239 = arith.constant 0 : i32
        %sign3A_2240 = arith.cmpi slt, %jit3A_2227, %sign3A_2239 : i32
        %sign3A_2241 = arith.extui %sign3A_2240 : i1 to i32
        %sign3A_2242 = arith.subi %sign3A_2238, %sign3A_2241 : i32
        %ne3A_2243 = arith.cmpi ne, %sign3A_2235, %sign3A_2242 : i32
        %rem3A_2244 = arith.remsi %squeeze3A_2226, %jit3A_2227 : i32
        %ne3A_2245 = arith.constant 0 : i32
        %ne3A_2246 = arith.cmpi ne, %rem3A_2244, %ne3A_2245 : i32
        %and3A_2247 = arith.andi %ne3A_2243, %ne3A_2246 : i1
        %sub3A_2248 = arith.constant 1 : i32
        %sub3A_2249 = arith.subi %div3A_2228, %sub3A_2248 : i32
        %select_n3A_2250 = arith.select %and3A_2247, %sub3A_2249, %div3A_2228 : i32
        %mul3A_2251 = arith.constant 128 : i32
        %mul3A_2252 = arith.muli %select_n3A_2250, %mul3A_2251 : i32
        %multiple_of3A_2253 = tpu.assume_multiple %mul3A_2252, 128 : i32
        %dma_start3A_2254 = arith.constant 0 : i32
        %dma_start3A_2255 = arith.constant 7 : i32
        %dma_start3A_2256 = arith.constant 0 : i32
        %dma_start3A_2257 = arith.constant 0 : i32
        %dma_start3A_2258 = tpu.memref_slice %arg8[%dma_start3A_2254, %dma_start3A_2255, %dma_start3A_2256, %dma_start3A_2257] : memref<2x8x32x128xf32, #tpu.memory_space<vmem>> -> memref<1x1x32x128xf32, #tpu.memory_space<vmem>>
        %dma_start3A_2259 = tpu.memref_squeeze %dma_start3A_2258 : memref<1x1x32x128xf32, #tpu.memory_space<vmem>> -> memref<32x128xf32, #tpu.memory_space<vmem>>
        %dma_start3A_2260 = arith.constant 0 : i32
        %dma_start3A_2261 = tpu.memref_slice %arg4[%dma_start3A_2260, %multiple_of3A_2253] : memref<32x1000000xf32, #tpu.memory_space<hbm>> -> memref<32x128xf32, #tpu.memory_space<hbm>>
        %dma_start3A_2262 = arith.constant 0 : i32
        %dma_start3A_2263 = arith.constant 0 : i32
        %dma_start3A_2264 = tpu.memref_slice %arg8[%dma_start3A_2254, %dma_start3A_2255, %dma_start3A_2262, %dma_start3A_2263] : memref<2x8x32x128xf32, #tpu.memory_space<vmem>> -> memref<1x1x32x128xf32, #tpu.memory_space<vmem>>
        %dma_start3A_2265 = tpu.memref_squeeze %dma_start3A_2264 : memref<1x1x32x128xf32, #tpu.memory_space<vmem>> -> memref<32x128xf32, #tpu.memory_space<vmem>>
        %dma_start3A_2266 = arith.constant 0 : i32
        %dma_start3A_2267 = tpu.memref_slice %arg4[%dma_start3A_2266, %multiple_of3A_2253] : memref<32x1000000xf32, #tpu.memory_space<hbm>> -> memref<32x128xf32, #tpu.memory_space<hbm>>
        tpu.enqueue_dma source(%dma_start3A_2267 : memref<32x128xf32, #tpu.memory_space<hbm>>) target(%dma_start3A_2265 : memref<32x128xf32, #tpu.memory_space<vmem>>) target_semaphore(%arg11 : memref<!tpu.dma_semaphore, #tpu.memory_space<semaphore_mem>>)
        %slice3A_2268 = vector.extract_strided_slice %get3A_1923 {offsets = [8], sizes = [1], strides = [1]} : vector<16xi32> to vector<1xi32>
        %squeeze3A_2269 = vector.extract %slice3A_2268[0] : i32 from vector<1xi32>
        %jit3A_2270 = arith.constant 128 : i32
        %div3A_2271 = arith.divsi %squeeze3A_2269, %jit3A_2270 : i32
        %sign3A_2272 = arith.constant 0 : i32
        %sign3A_2273 = arith.cmpi sgt, %squeeze3A_2269, %sign3A_2272 : i32
        %sign3A_2274 = arith.extui %sign3A_2273 : i1 to i32
        %sign3A_2275 = arith.constant 0 : i32
        %sign3A_2276 = arith.cmpi slt, %squeeze3A_2269, %sign3A_2275 : i32
        %sign3A_2277 = arith.extui %sign3A_2276 : i1 to i32
        %sign3A_2278 = arith.subi %sign3A_2274, %sign3A_2277 : i32
        %sign3A_2279 = arith.constant 0 : i32
        %sign3A_2280 = arith.cmpi sgt, %jit3A_2270, %sign3A_2279 : i32
        %sign3A_2281 = arith.extui %sign3A_2280 : i1 to i32
        %sign3A_2282 = arith.constant 0 : i32
        %sign3A_2283 = arith.cmpi slt, %jit3A_2270, %sign3A_2282 : i32
        %sign3A_2284 = arith.extui %sign3A_2283 : i1 to i32
        %sign3A_2285 = arith.subi %sign3A_2281, %sign3A_2284 : i32
        %ne3A_2286 = arith.cmpi ne, %sign3A_2278, %sign3A_2285 : i32
        %rem3A_2287 = arith.remsi %squeeze3A_2269, %jit3A_2270 : i32
        %ne3A_2288 = arith.constant 0 : i32
        %ne3A_2289 = arith.cmpi ne, %rem3A_2287, %ne3A_2288 : i32
        %and3A_2290 = arith.andi %ne3A_2286, %ne3A_2289 : i1
        %sub3A_2291 = arith.constant 1 : i32
        %sub3A_2292 = arith.subi %div3A_2271, %sub3A_2291 : i32
        %select_n3A_2293 = arith.select %and3A_2290, %sub3A_2292, %div3A_2271 : i32
        %mul3A_2294 = arith.constant 128 : i32
        %mul3A_2295 = arith.muli %select_n3A_2293, %mul3A_2294 : i32
        %multiple_of3A_2296 = tpu.assume_multiple %mul3A_2295, 128 : i32
        %dma_start3A_2297 = arith.constant 1 : i32
        %dma_start3A_2298 = arith.constant 0 : i32
        %dma_start3A_2299 = arith.constant 0 : i32
        %dma_start3A_2300 = arith.constant 0 : i32
        %dma_start3A_2301 = tpu.memref_slice %arg8[%dma_start3A_2297, %dma_start3A_2298, %dma_start3A_2299, %dma_start3A_2300] : memref<2x8x32x128xf32, #tpu.memory_space<vmem>> -> memref<1x1x32x128xf32, #tpu.memory_space<vmem>>
        %dma_start3A_2302 = tpu.memref_squeeze %dma_start3A_2301 : memref<1x1x32x128xf32, #tpu.memory_space<vmem>> -> memref<32x128xf32, #tpu.memory_space<vmem>>
        %dma_start3A_2303 = arith.constant 0 : i32
        %dma_start3A_2304 = tpu.memref_slice %arg4[%dma_start3A_2303, %multiple_of3A_2296] : memref<32x1000000xf32, #tpu.memory_space<hbm>> -> memref<32x128xf32, #tpu.memory_space<hbm>>
        %dma_start3A_2305 = arith.constant 0 : i32
        %dma_start3A_2306 = arith.constant 0 : i32
        %dma_start3A_2307 = tpu.memref_slice %arg8[%dma_start3A_2297, %dma_start3A_2298, %dma_start3A_2305, %dma_start3A_2306] : memref<2x8x32x128xf32, #tpu.memory_space<vmem>> -> memref<1x1x32x128xf32, #tpu.memory_space<vmem>>
        %dma_start3A_2308 = tpu.memref_squeeze %dma_start3A_2307 : memref<1x1x32x128xf32, #tpu.memory_space<vmem>> -> memref<32x128xf32, #tpu.memory_space<vmem>>
        %dma_start3A_2309 = arith.constant 0 : i32
        %dma_start3A_2310 = tpu.memref_slice %arg4[%dma_start3A_2309, %multiple_of3A_2296] : memref<32x1000000xf32, #tpu.memory_space<hbm>> -> memref<32x128xf32, #tpu.memory_space<hbm>>
        tpu.enqueue_dma source(%dma_start3A_2310 : memref<32x128xf32, #tpu.memory_space<hbm>>) target(%dma_start3A_2308 : memref<32x128xf32, #tpu.memory_space<vmem>>) target_semaphore(%arg12 : memref<!tpu.dma_semaphore, #tpu.memory_space<semaphore_mem>>)
        %slice3A_2311 = vector.extract_strided_slice %get3A_1923 {offsets = [9], sizes = [1], strides = [1]} : vector<16xi32> to vector<1xi32>
        %squeeze3A_2312 = vector.extract %slice3A_2311[0] : i32 from vector<1xi32>
        %jit3A_2313 = arith.constant 128 : i32
        %div3A_2314 = arith.divsi %squeeze3A_2312, %jit3A_2313 : i32
        %sign3A_2315 = arith.constant 0 : i32
        %sign3A_2316 = arith.cmpi sgt, %squeeze3A_2312, %sign3A_2315 : i32
        %sign3A_2317 = arith.extui %sign3A_2316 : i1 to i32
        %sign3A_2318 = arith.constant 0 : i32
        %sign3A_2319 = arith.cmpi slt, %squeeze3A_2312, %sign3A_2318 : i32
        %sign3A_2320 = arith.extui %sign3A_2319 : i1 to i32
        %sign3A_2321 = arith.subi %sign3A_2317, %sign3A_2320 : i32
        %sign3A_2322 = arith.constant 0 : i32
        %sign3A_2323 = arith.cmpi sgt, %jit3A_2313, %sign3A_2322 : i32
        %sign3A_2324 = arith.extui %sign3A_2323 : i1 to i32
        %sign3A_2325 = arith.constant 0 : i32
        %sign3A_2326 = arith.cmpi slt, %jit3A_2313, %sign3A_2325 : i32
        %sign3A_2327 = arith.extui %sign3A_2326 : i1 to i32
        %sign3A_2328 = arith.subi %sign3A_2324, %sign3A_2327 : i32
        %ne3A_2329 = arith.cmpi ne, %sign3A_2321, %sign3A_2328 : i32
        %rem3A_2330 = arith.remsi %squeeze3A_2312, %jit3A_2313 : i32
        %ne3A_2331 = arith.constant 0 : i32
        %ne3A_2332 = arith.cmpi ne, %rem3A_2330, %ne3A_2331 : i32
        %and3A_2333 = arith.andi %ne3A_2329, %ne3A_2332 : i1
        %sub3A_2334 = arith.constant 1 : i32
        %sub3A_2335 = arith.subi %div3A_2314, %sub3A_2334 : i32
        %select_n3A_2336 = arith.select %and3A_2333, %sub3A_2335, %div3A_2314 : i32
        %mul3A_2337 = arith.constant 128 : i32
        %mul3A_2338 = arith.muli %select_n3A_2336, %mul3A_2337 : i32
        %multiple_of3A_2339 = tpu.assume_multiple %mul3A_2338, 128 : i32
        %dma_start3A_2340 = arith.constant 1 : i32
        %dma_start3A_2341 = arith.constant 1 : i32
        %dma_start3A_2342 = arith.constant 0 : i32
        %dma_start3A_2343 = arith.constant 0 : i32
        %dma_start3A_2344 = tpu.memref_slice %arg8[%dma_start3A_2340, %dma_start3A_2341, %dma_start3A_2342, %dma_start3A_2343] : memref<2x8x32x128xf32, #tpu.memory_space<vmem>> -> memref<1x1x32x128xf32, #tpu.memory_space<vmem>>
        %dma_start3A_2345 = tpu.memref_squeeze %dma_start3A_2344 : memref<1x1x32x128xf32, #tpu.memory_space<vmem>> -> memref<32x128xf32, #tpu.memory_space<vmem>>
        %dma_start3A_2346 = arith.constant 0 : i32
        %dma_start3A_2347 = tpu.memref_slice %arg4[%dma_start3A_2346, %multiple_of3A_2339] : memref<32x1000000xf32, #tpu.memory_space<hbm>> -> memref<32x128xf32, #tpu.memory_space<hbm>>
        %dma_start3A_2348 = arith.constant 0 : i32
        %dma_start3A_2349 = arith.constant 0 : i32
        %dma_start3A_2350 = tpu.memref_slice %arg8[%dma_start3A_2340, %dma_start3A_2341, %dma_start3A_2348, %dma_start3A_2349] : memref<2x8x32x128xf32, #tpu.memory_space<vmem>> -> memref<1x1x32x128xf32, #tpu.memory_space<vmem>>
        %dma_start3A_2351 = tpu.memref_squeeze %dma_start3A_2350 : memref<1x1x32x128xf32, #tpu.memory_space<vmem>> -> memref<32x128xf32, #tpu.memory_space<vmem>>
        %dma_start3A_2352 = arith.constant 0 : i32
        %dma_start3A_2353 = tpu.memref_slice %arg4[%dma_start3A_2352, %multiple_of3A_2339] : memref<32x1000000xf32, #tpu.memory_space<hbm>> -> memref<32x128xf32, #tpu.memory_space<hbm>>
        tpu.enqueue_dma source(%dma_start3A_2353 : memref<32x128xf32, #tpu.memory_space<hbm>>) target(%dma_start3A_2351 : memref<32x128xf32, #tpu.memory_space<vmem>>) target_semaphore(%arg12 : memref<!tpu.dma_semaphore, #tpu.memory_space<semaphore_mem>>)
        %slice3A_2354 = vector.extract_strided_slice %get3A_1923 {offsets = [10], sizes = [1], strides = [1]} : vector<16xi32> to vector<1xi32>
        %squeeze3A_2355 = vector.extract %slice3A_2354[0] : i32 from vector<1xi32>
        %jit3A_2356 = arith.constant 128 : i32
        %div3A_2357 = arith.divsi %squeeze3A_2355, %jit3A_2356 : i32
        %sign3A_2358 = arith.constant 0 : i32
        %sign3A_2359 = arith.cmpi sgt, %squeeze3A_2355, %sign3A_2358 : i32
        %sign3A_2360 = arith.extui %sign3A_2359 : i1 to i32
        %sign3A_2361 = arith.constant 0 : i32
        %sign3A_2362 = arith.cmpi slt, %squeeze3A_2355, %sign3A_2361 : i32
        %sign3A_2363 = arith.extui %sign3A_2362 : i1 to i32
        %sign3A_2364 = arith.subi %sign3A_2360, %sign3A_2363 : i32
        %sign3A_2365 = arith.constant 0 : i32
        %sign3A_2366 = arith.cmpi sgt, %jit3A_2356, %sign3A_2365 : i32
        %sign3A_2367 = arith.extui %sign3A_2366 : i1 to i32
        %sign3A_2368 = arith.constant 0 : i32
        %sign3A_2369 = arith.cmpi slt, %jit3A_2356, %sign3A_2368 : i32
        %sign3A_2370 = arith.extui %sign3A_2369 : i1 to i32
        %sign3A_2371 = arith.subi %sign3A_2367, %sign3A_2370 : i32
        %ne3A_2372 = arith.cmpi ne, %sign3A_2364, %sign3A_2371 : i32
        %rem3A_2373 = arith.remsi %squeeze3A_2355, %jit3A_2356 : i32
        %ne3A_2374 = arith.constant 0 : i32
        %ne3A_2375 = arith.cmpi ne, %rem3A_2373, %ne3A_2374 : i32
        %and3A_2376 = arith.andi %ne3A_2372, %ne3A_2375 : i1
        %sub3A_2377 = arith.constant 1 : i32
        %sub3A_2378 = arith.subi %div3A_2357, %sub3A_2377 : i32
        %select_n3A_2379 = arith.select %and3A_2376, %sub3A_2378, %div3A_2357 : i32
        %mul3A_2380 = arith.constant 128 : i32
        %mul3A_2381 = arith.muli %select_n3A_2379, %mul3A_2380 : i32
        %multiple_of3A_2382 = tpu.assume_multiple %mul3A_2381, 128 : i32
        %dma_start3A_2383 = arith.constant 1 : i32
        %dma_start3A_2384 = arith.constant 2 : i32
        %dma_start3A_2385 = arith.constant 0 : i32
        %dma_start3A_2386 = arith.constant 0 : i32
        %dma_start3A_2387 = tpu.memref_slice %arg8[%dma_start3A_2383, %dma_start3A_2384, %dma_start3A_2385, %dma_start3A_2386] : memref<2x8x32x128xf32, #tpu.memory_space<vmem>> -> memref<1x1x32x128xf32, #tpu.memory_space<vmem>>
        %dma_start3A_2388 = tpu.memref_squeeze %dma_start3A_2387 : memref<1x1x32x128xf32, #tpu.memory_space<vmem>> -> memref<32x128xf32, #tpu.memory_space<vmem>>
        %dma_start3A_2389 = arith.constant 0 : i32
        %dma_start3A_2390 = tpu.memref_slice %arg4[%dma_start3A_2389, %multiple_of3A_2382] : memref<32x1000000xf32, #tpu.memory_space<hbm>> -> memref<32x128xf32, #tpu.memory_space<hbm>>
        %dma_start3A_2391 = arith.constant 0 : i32
        %dma_start3A_2392 = arith.constant 0 : i32
        %dma_start3A_2393 = tpu.memref_slice %arg8[%dma_start3A_2383, %dma_start3A_2384, %dma_start3A_2391, %dma_start3A_2392] : memref<2x8x32x128xf32, #tpu.memory_space<vmem>> -> memref<1x1x32x128xf32, #tpu.memory_space<vmem>>
        %dma_start3A_2394 = tpu.memref_squeeze %dma_start3A_2393 : memref<1x1x32x128xf32, #tpu.memory_space<vmem>> -> memref<32x128xf32, #tpu.memory_space<vmem>>
        %dma_start3A_2395 = arith.constant 0 : i32
        %dma_start3A_2396 = tpu.memref_slice %arg4[%dma_start3A_2395, %multiple_of3A_2382] : memref<32x1000000xf32, #tpu.memory_space<hbm>> -> memref<32x128xf32, #tpu.memory_space<hbm>>
        tpu.enqueue_dma source(%dma_start3A_2396 : memref<32x128xf32, #tpu.memory_space<hbm>>) target(%dma_start3A_2394 : memref<32x128xf32, #tpu.memory_space<vmem>>) target_semaphore(%arg12 : memref<!tpu.dma_semaphore, #tpu.memory_space<semaphore_mem>>)
        %slice3A_2397 = vector.extract_strided_slice %get3A_1923 {offsets = [11], sizes = [1], strides = [1]} : vector<16xi32> to vector<1xi32>
        %squeeze3A_2398 = vector.extract %slice3A_2397[0] : i32 from vector<1xi32>
        %jit3A_2399 = arith.constant 128 : i32
        %div3A_2400 = arith.divsi %squeeze3A_2398, %jit3A_2399 : i32
        %sign3A_2401 = arith.constant 0 : i32
        %sign3A_2402 = arith.cmpi sgt, %squeeze3A_2398, %sign3A_2401 : i32
        %sign3A_2403 = arith.extui %sign3A_2402 : i1 to i32
        %sign3A_2404 = arith.constant 0 : i32
        %sign3A_2405 = arith.cmpi slt, %squeeze3A_2398, %sign3A_2404 : i32
        %sign3A_2406 = arith.extui %sign3A_2405 : i1 to i32
        %sign3A_2407 = arith.subi %sign3A_2403, %sign3A_2406 : i32
        %sign3A_2408 = arith.constant 0 : i32
        %sign3A_2409 = arith.cmpi sgt, %jit3A_2399, %sign3A_2408 : i32
        %sign3A_2410 = arith.extui %sign3A_2409 : i1 to i32
        %sign3A_2411 = arith.constant 0 : i32
        %sign3A_2412 = arith.cmpi slt, %jit3A_2399, %sign3A_2411 : i32
        %sign3A_2413 = arith.extui %sign3A_2412 : i1 to i32
        %sign3A_2414 = arith.subi %sign3A_2410, %sign3A_2413 : i32
        %ne3A_2415 = arith.cmpi ne, %sign3A_2407, %sign3A_2414 : i32
        %rem3A_2416 = arith.remsi %squeeze3A_2398, %jit3A_2399 : i32
        %ne3A_2417 = arith.constant 0 : i32
        %ne3A_2418 = arith.cmpi ne, %rem3A_2416, %ne3A_2417 : i32
        %and3A_2419 = arith.andi %ne3A_2415, %ne3A_2418 : i1
        %sub3A_2420 = arith.constant 1 : i32
        %sub3A_2421 = arith.subi %div3A_2400, %sub3A_2420 : i32
        %select_n3A_2422 = arith.select %and3A_2419, %sub3A_2421, %div3A_2400 : i32
        %mul3A_2423 = arith.constant 128 : i32
        %mul3A_2424 = arith.muli %select_n3A_2422, %mul3A_2423 : i32
        %multiple_of3A_2425 = tpu.assume_multiple %mul3A_2424, 128 : i32
        %dma_start3A_2426 = arith.constant 1 : i32
        %dma_start3A_2427 = arith.constant 3 : i32
        %dma_start3A_2428 = arith.constant 0 : i32
        %dma_start3A_2429 = arith.constant 0 : i32
        %dma_start3A_2430 = tpu.memref_slice %arg8[%dma_start3A_2426, %dma_start3A_2427, %dma_start3A_2428, %dma_start3A_2429] : memref<2x8x32x128xf32, #tpu.memory_space<vmem>> -> memref<1x1x32x128xf32, #tpu.memory_space<vmem>>
        %dma_start3A_2431 = tpu.memref_squeeze %dma_start3A_2430 : memref<1x1x32x128xf32, #tpu.memory_space<vmem>> -> memref<32x128xf32, #tpu.memory_space<vmem>>
        %dma_start3A_2432 = arith.constant 0 : i32
        %dma_start3A_2433 = tpu.memref_slice %arg4[%dma_start3A_2432, %multiple_of3A_2425] : memref<32x1000000xf32, #tpu.memory_space<hbm>> -> memref<32x128xf32, #tpu.memory_space<hbm>>
        %dma_start3A_2434 = arith.constant 0 : i32
        %dma_start3A_2435 = arith.constant 0 : i32
        %dma_start3A_2436 = tpu.memref_slice %arg8[%dma_start3A_2426, %dma_start3A_2427, %dma_start3A_2434, %dma_start3A_2435] : memref<2x8x32x128xf32, #tpu.memory_space<vmem>> -> memref<1x1x32x128xf32, #tpu.memory_space<vmem>>
        %dma_start3A_2437 = tpu.memref_squeeze %dma_start3A_2436 : memref<1x1x32x128xf32, #tpu.memory_space<vmem>> -> memref<32x128xf32, #tpu.memory_space<vmem>>
        %dma_start3A_2438 = arith.constant 0 : i32
        %dma_start3A_2439 = tpu.memref_slice %arg4[%dma_start3A_2438, %multiple_of3A_2425] : memref<32x1000000xf32, #tpu.memory_space<hbm>> -> memref<32x128xf32, #tpu.memory_space<hbm>>
        tpu.enqueue_dma source(%dma_start3A_2439 : memref<32x128xf32, #tpu.memory_space<hbm>>) target(%dma_start3A_2437 : memref<32x128xf32, #tpu.memory_space<vmem>>) target_semaphore(%arg12 : memref<!tpu.dma_semaphore, #tpu.memory_space<semaphore_mem>>)
        %slice3A_2440 = vector.extract_strided_slice %get3A_1923 {offsets = [12], sizes = [1], strides = [1]} : vector<16xi32> to vector<1xi32>
        %squeeze3A_2441 = vector.extract %slice3A_2440[0] : i32 from vector<1xi32>
        %jit3A_2442 = arith.constant 128 : i32
        %div3A_2443 = arith.divsi %squeeze3A_2441, %jit3A_2442 : i32
        %sign3A_2444 = arith.constant 0 : i32
        %sign3A_2445 = arith.cmpi sgt, %squeeze3A_2441, %sign3A_2444 : i32
        %sign3A_2446 = arith.extui %sign3A_2445 : i1 to i32
        %sign3A_2447 = arith.constant 0 : i32
        %sign3A_2448 = arith.cmpi slt, %squeeze3A_2441, %sign3A_2447 : i32
        %sign3A_2449 = arith.extui %sign3A_2448 : i1 to i32
        %sign3A_2450 = arith.subi %sign3A_2446, %sign3A_2449 : i32
        %sign3A_2451 = arith.constant 0 : i32
        %sign3A_2452 = arith.cmpi sgt, %jit3A_2442, %sign3A_2451 : i32
        %sign3A_2453 = arith.extui %sign3A_2452 : i1 to i32
        %sign3A_2454 = arith.constant 0 : i32
        %sign3A_2455 = arith.cmpi slt, %jit3A_2442, %sign3A_2454 : i32
        %sign3A_2456 = arith.extui %sign3A_2455 : i1 to i32
        %sign3A_2457 = arith.subi %sign3A_2453, %sign3A_2456 : i32
        %ne3A_2458 = arith.cmpi ne, %sign3A_2450, %sign3A_2457 : i32
        %rem3A_2459 = arith.remsi %squeeze3A_2441, %jit3A_2442 : i32
        %ne3A_2460 = arith.constant 0 : i32
        %ne3A_2461 = arith.cmpi ne, %rem3A_2459, %ne3A_2460 : i32
        %and3A_2462 = arith.andi %ne3A_2458, %ne3A_2461 : i1
        %sub3A_2463 = arith.constant 1 : i32
        %sub3A_2464 = arith.subi %div3A_2443, %sub3A_2463 : i32
        %select_n3A_2465 = arith.select %and3A_2462, %sub3A_2464, %div3A_2443 : i32
        %mul3A_2466 = arith.constant 128 : i32
        %mul3A_2467 = arith.muli %select_n3A_2465, %mul3A_2466 : i32
        %multiple_of3A_2468 = tpu.assume_multiple %mul3A_2467, 128 : i32
        %dma_start3A_2469 = arith.constant 1 : i32
        %dma_start3A_2470 = arith.constant 4 : i32
        %dma_start3A_2471 = arith.constant 0 : i32
        %dma_start3A_2472 = arith.constant 0 : i32
        %dma_start3A_2473 = tpu.memref_slice %arg8[%dma_start3A_2469, %dma_start3A_2470, %dma_start3A_2471, %dma_start3A_2472] : memref<2x8x32x128xf32, #tpu.memory_space<vmem>> -> memref<1x1x32x128xf32, #tpu.memory_space<vmem>>
        %dma_start3A_2474 = tpu.memref_squeeze %dma_start3A_2473 : memref<1x1x32x128xf32, #tpu.memory_space<vmem>> -> memref<32x128xf32, #tpu.memory_space<vmem>>
        %dma_start3A_2475 = arith.constant 0 : i32
        %dma_start3A_2476 = tpu.memref_slice %arg4[%dma_start3A_2475, %multiple_of3A_2468] : memref<32x1000000xf32, #tpu.memory_space<hbm>> -> memref<32x128xf32, #tpu.memory_space<hbm>>
        %dma_start3A_2477 = arith.constant 0 : i32
        %dma_start3A_2478 = arith.constant 0 : i32
        %dma_start3A_2479 = tpu.memref_slice %arg8[%dma_start3A_2469, %dma_start3A_2470, %dma_start3A_2477, %dma_start3A_2478] : memref<2x8x32x128xf32, #tpu.memory_space<vmem>> -> memref<1x1x32x128xf32, #tpu.memory_space<vmem>>
        %dma_start3A_2480 = tpu.memref_squeeze %dma_start3A_2479 : memref<1x1x32x128xf32, #tpu.memory_space<vmem>> -> memref<32x128xf32, #tpu.memory_space<vmem>>
        %dma_start3A_2481 = arith.constant 0 : i32
        %dma_start3A_2482 = tpu.memref_slice %arg4[%dma_start3A_2481, %multiple_of3A_2468] : memref<32x1000000xf32, #tpu.memory_space<hbm>> -> memref<32x128xf32, #tpu.memory_space<hbm>>
        tpu.enqueue_dma source(%dma_start3A_2482 : memref<32x128xf32, #tpu.memory_space<hbm>>) target(%dma_start3A_2480 : memref<32x128xf32, #tpu.memory_space<vmem>>) target_semaphore(%arg12 : memref<!tpu.dma_semaphore, #tpu.memory_space<semaphore_mem>>)
        %slice3A_2483 = vector.extract_strided_slice %get3A_1923 {offsets = [13], sizes = [1], strides = [1]} : vector<16xi32> to vector<1xi32>
        %squeeze3A_2484 = vector.extract %slice3A_2483[0] : i32 from vector<1xi32>
        %jit3A_2485 = arith.constant 128 : i32
        %div3A_2486 = arith.divsi %squeeze3A_2484, %jit3A_2485 : i32
        %sign3A_2487 = arith.constant 0 : i32
        %sign3A_2488 = arith.cmpi sgt, %squeeze3A_2484, %sign3A_2487 : i32
        %sign3A_2489 = arith.extui %sign3A_2488 : i1 to i32
        %sign3A_2490 = arith.constant 0 : i32
        %sign3A_2491 = arith.cmpi slt, %squeeze3A_2484, %sign3A_2490 : i32
        %sign3A_2492 = arith.extui %sign3A_2491 : i1 to i32
        %sign3A_2493 = arith.subi %sign3A_2489, %sign3A_2492 : i32
        %sign3A_2494 = arith.constant 0 : i32
        %sign3A_2495 = arith.cmpi sgt, %jit3A_2485, %sign3A_2494 : i32
        %sign3A_2496 = arith.extui %sign3A_2495 : i1 to i32
        %sign3A_2497 = arith.constant 0 : i32
        %sign3A_2498 = arith.cmpi slt, %jit3A_2485, %sign3A_2497 : i32
        %sign3A_2499 = arith.extui %sign3A_2498 : i1 to i32
        %sign3A_2500 = arith.subi %sign3A_2496, %sign3A_2499 : i32
        %ne3A_2501 = arith.cmpi ne, %sign3A_2493, %sign3A_2500 : i32
        %rem3A_2502 = arith.remsi %squeeze3A_2484, %jit3A_2485 : i32
        %ne3A_2503 = arith.constant 0 : i32
        %ne3A_2504 = arith.cmpi ne, %rem3A_2502, %ne3A_2503 : i32
        %and3A_2505 = arith.andi %ne3A_2501, %ne3A_2504 : i1
        %sub3A_2506 = arith.constant 1 : i32
        %sub3A_2507 = arith.subi %div3A_2486, %sub3A_2506 : i32
        %select_n3A_2508 = arith.select %and3A_2505, %sub3A_2507, %div3A_2486 : i32
        %mul3A_2509 = arith.constant 128 : i32
        %mul3A_2510 = arith.muli %select_n3A_2508, %mul3A_2509 : i32
        %multiple_of3A_2511 = tpu.assume_multiple %mul3A_2510, 128 : i32
        %dma_start3A_2512 = arith.constant 1 : i32
        %dma_start3A_2513 = arith.constant 5 : i32
        %dma_start3A_2514 = arith.constant 0 : i32
        %dma_start3A_2515 = arith.constant 0 : i32
        %dma_start3A_2516 = tpu.memref_slice %arg8[%dma_start3A_2512, %dma_start3A_2513, %dma_start3A_2514, %dma_start3A_2515] : memref<2x8x32x128xf32, #tpu.memory_space<vmem>> -> memref<1x1x32x128xf32, #tpu.memory_space<vmem>>
        %dma_start3A_2517 = tpu.memref_squeeze %dma_start3A_2516 : memref<1x1x32x128xf32, #tpu.memory_space<vmem>> -> memref<32x128xf32, #tpu.memory_space<vmem>>
        %dma_start3A_2518 = arith.constant 0 : i32
        %dma_start3A_2519 = tpu.memref_slice %arg4[%dma_start3A_2518, %multiple_of3A_2511] : memref<32x1000000xf32, #tpu.memory_space<hbm>> -> memref<32x128xf32, #tpu.memory_space<hbm>>
        %dma_start3A_2520 = arith.constant 0 : i32
        %dma_start3A_2521 = arith.constant 0 : i32
        %dma_start3A_2522 = tpu.memref_slice %arg8[%dma_start3A_2512, %dma_start3A_2513, %dma_start3A_2520, %dma_start3A_2521] : memref<2x8x32x128xf32, #tpu.memory_space<vmem>> -> memref<1x1x32x128xf32, #tpu.memory_space<vmem>>
        %dma_start3A_2523 = tpu.memref_squeeze %dma_start3A_2522 : memref<1x1x32x128xf32, #tpu.memory_space<vmem>> -> memref<32x128xf32, #tpu.memory_space<vmem>>
        %dma_start3A_2524 = arith.constant 0 : i32
        %dma_start3A_2525 = tpu.memref_slice %arg4[%dma_start3A_2524, %multiple_of3A_2511] : memref<32x1000000xf32, #tpu.memory_space<hbm>> -> memref<32x128xf32, #tpu.memory_space<hbm>>
        tpu.enqueue_dma source(%dma_start3A_2525 : memref<32x128xf32, #tpu.memory_space<hbm>>) target(%dma_start3A_2523 : memref<32x128xf32, #tpu.memory_space<vmem>>) target_semaphore(%arg12 : memref<!tpu.dma_semaphore, #tpu.memory_space<semaphore_mem>>)
        %slice3A_2526 = vector.extract_strided_slice %get3A_1923 {offsets = [14], sizes = [1], strides = [1]} : vector<16xi32> to vector<1xi32>
        %squeeze3A_2527 = vector.extract %slice3A_2526[0] : i32 from vector<1xi32>
        %jit3A_2528 = arith.constant 128 : i32
        %div3A_2529 = arith.divsi %squeeze3A_2527, %jit3A_2528 : i32
        %sign3A_2530 = arith.constant 0 : i32
        %sign3A_2531 = arith.cmpi sgt, %squeeze3A_2527, %sign3A_2530 : i32
        %sign3A_2532 = arith.extui %sign3A_2531 : i1 to i32
        %sign3A_2533 = arith.constant 0 : i32
        %sign3A_2534 = arith.cmpi slt, %squeeze3A_2527, %sign3A_2533 : i32
        %sign3A_2535 = arith.extui %sign3A_2534 : i1 to i32
        %sign3A_2536 = arith.subi %sign3A_2532, %sign3A_2535 : i32
        %sign3A_2537 = arith.constant 0 : i32
        %sign3A_2538 = arith.cmpi sgt, %jit3A_2528, %sign3A_2537 : i32
        %sign3A_2539 = arith.extui %sign3A_2538 : i1 to i32
        %sign3A_2540 = arith.constant 0 : i32
        %sign3A_2541 = arith.cmpi slt, %jit3A_2528, %sign3A_2540 : i32
        %sign3A_2542 = arith.extui %sign3A_2541 : i1 to i32
        %sign3A_2543 = arith.subi %sign3A_2539, %sign3A_2542 : i32
        %ne3A_2544 = arith.cmpi ne, %sign3A_2536, %sign3A_2543 : i32
        %rem3A_2545 = arith.remsi %squeeze3A_2527, %jit3A_2528 : i32
        %ne3A_2546 = arith.constant 0 : i32
        %ne3A_2547 = arith.cmpi ne, %rem3A_2545, %ne3A_2546 : i32
        %and3A_2548 = arith.andi %ne3A_2544, %ne3A_2547 : i1
        %sub3A_2549 = arith.constant 1 : i32
        %sub3A_2550 = arith.subi %div3A_2529, %sub3A_2549 : i32
        %select_n3A_2551 = arith.select %and3A_2548, %sub3A_2550, %div3A_2529 : i32
        %mul3A_2552 = arith.constant 128 : i32
        %mul3A_2553 = arith.muli %select_n3A_2551, %mul3A_2552 : i32
        %multiple_of3A_2554 = tpu.assume_multiple %mul3A_2553, 128 : i32
        %dma_start3A_2555 = arith.constant 1 : i32
        %dma_start3A_2556 = arith.constant 6 : i32
        %dma_start3A_2557 = arith.constant 0 : i32
        %dma_start3A_2558 = arith.constant 0 : i32
        %dma_start3A_2559 = tpu.memref_slice %arg8[%dma_start3A_2555, %dma_start3A_2556, %dma_start3A_2557, %dma_start3A_2558] : memref<2x8x32x128xf32, #tpu.memory_space<vmem>> -> memref<1x1x32x128xf32, #tpu.memory_space<vmem>>
        %dma_start3A_2560 = tpu.memref_squeeze %dma_start3A_2559 : memref<1x1x32x128xf32, #tpu.memory_space<vmem>> -> memref<32x128xf32, #tpu.memory_space<vmem>>
        %dma_start3A_2561 = arith.constant 0 : i32
        %dma_start3A_2562 = tpu.memref_slice %arg4[%dma_start3A_2561, %multiple_of3A_2554] : memref<32x1000000xf32, #tpu.memory_space<hbm>> -> memref<32x128xf32, #tpu.memory_space<hbm>>
        %dma_start3A_2563 = arith.constant 0 : i32
        %dma_start3A_2564 = arith.constant 0 : i32
        %dma_start3A_2565 = tpu.memref_slice %arg8[%dma_start3A_2555, %dma_start3A_2556, %dma_start3A_2563, %dma_start3A_2564] : memref<2x8x32x128xf32, #tpu.memory_space<vmem>> -> memref<1x1x32x128xf32, #tpu.memory_space<vmem>>
        %dma_start3A_2566 = tpu.memref_squeeze %dma_start3A_2565 : memref<1x1x32x128xf32, #tpu.memory_space<vmem>> -> memref<32x128xf32, #tpu.memory_space<vmem>>
        %dma_start3A_2567 = arith.constant 0 : i32
        %dma_start3A_2568 = tpu.memref_slice %arg4[%dma_start3A_2567, %multiple_of3A_2554] : memref<32x1000000xf32, #tpu.memory_space<hbm>> -> memref<32x128xf32, #tpu.memory_space<hbm>>
        tpu.enqueue_dma source(%dma_start3A_2568 : memref<32x128xf32, #tpu.memory_space<hbm>>) target(%dma_start3A_2566 : memref<32x128xf32, #tpu.memory_space<vmem>>) target_semaphore(%arg12 : memref<!tpu.dma_semaphore, #tpu.memory_space<semaphore_mem>>)
        %slice3A_2569 = vector.extract_strided_slice %get3A_1923 {offsets = [15], sizes = [1], strides = [1]} : vector<16xi32> to vector<1xi32>
        %squeeze3A_2570 = vector.extract %slice3A_2569[0] : i32 from vector<1xi32>
        %jit3A_2571 = arith.constant 128 : i32
        %div3A_2572 = arith.divsi %squeeze3A_2570, %jit3A_2571 : i32
        %sign3A_2573 = arith.constant 0 : i32
        %sign3A_2574 = arith.cmpi sgt, %squeeze3A_2570, %sign3A_2573 : i32
        %sign3A_2575 = arith.extui %sign3A_2574 : i1 to i32
        %sign3A_2576 = arith.constant 0 : i32
        %sign3A_2577 = arith.cmpi slt, %squeeze3A_2570, %sign3A_2576 : i32
        %sign3A_2578 = arith.extui %sign3A_2577 : i1 to i32
        %sign3A_2579 = arith.subi %sign3A_2575, %sign3A_2578 : i32
        %sign3A_2580 = arith.constant 0 : i32
        %sign3A_2581 = arith.cmpi sgt, %jit3A_2571, %sign3A_2580 : i32
        %sign3A_2582 = arith.extui %sign3A_2581 : i1 to i32
        %sign3A_2583 = arith.constant 0 : i32
        %sign3A_2584 = arith.cmpi slt, %jit3A_2571, %sign3A_2583 : i32
        %sign3A_2585 = arith.extui %sign3A_2584 : i1 to i32
        %sign3A_2586 = arith.subi %sign3A_2582, %sign3A_2585 : i32
        %ne3A_2587 = arith.cmpi ne, %sign3A_2579, %sign3A_2586 : i32
        %rem3A_2588 = arith.remsi %squeeze3A_2570, %jit3A_2571 : i32
        %ne3A_2589 = arith.constant 0 : i32
        %ne3A_2590 = arith.cmpi ne, %rem3A_2588, %ne3A_2589 : i32
        %and3A_2591 = arith.andi %ne3A_2587, %ne3A_2590 : i1
        %sub3A_2592 = arith.constant 1 : i32
        %sub3A_2593 = arith.subi %div3A_2572, %sub3A_2592 : i32
        %select_n3A_2594 = arith.select %and3A_2591, %sub3A_2593, %div3A_2572 : i32
        %mul3A_2595 = arith.constant 128 : i32
        %mul3A_2596 = arith.muli %select_n3A_2594, %mul3A_2595 : i32
        %multiple_of3A_2597 = tpu.assume_multiple %mul3A_2596, 128 : i32
        %dma_start3A_2598 = arith.constant 1 : i32
        %dma_start3A_2599 = arith.constant 7 : i32
        %dma_start3A_2600 = arith.constant 0 : i32
        %dma_start3A_2601 = arith.constant 0 : i32
        %dma_start3A_2602 = tpu.memref_slice %arg8[%dma_start3A_2598, %dma_start3A_2599, %dma_start3A_2600, %dma_start3A_2601] : memref<2x8x32x128xf32, #tpu.memory_space<vmem>> -> memref<1x1x32x128xf32, #tpu.memory_space<vmem>>
        %dma_start3A_2603 = tpu.memref_squeeze %dma_start3A_2602 : memref<1x1x32x128xf32, #tpu.memory_space<vmem>> -> memref<32x128xf32, #tpu.memory_space<vmem>>
        %dma_start3A_2604 = arith.constant 0 : i32
        %dma_start3A_2605 = tpu.memref_slice %arg4[%dma_start3A_2604, %multiple_of3A_2597] : memref<32x1000000xf32, #tpu.memory_space<hbm>> -> memref<32x128xf32, #tpu.memory_space<hbm>>
        %dma_start3A_2606 = arith.constant 0 : i32
        %dma_start3A_2607 = arith.constant 0 : i32
        %dma_start3A_2608 = tpu.memref_slice %arg8[%dma_start3A_2598, %dma_start3A_2599, %dma_start3A_2606, %dma_start3A_2607] : memref<2x8x32x128xf32, #tpu.memory_space<vmem>> -> memref<1x1x32x128xf32, #tpu.memory_space<vmem>>
        %dma_start3A_2609 = tpu.memref_squeeze %dma_start3A_2608 : memref<1x1x32x128xf32, #tpu.memory_space<vmem>> -> memref<32x128xf32, #tpu.memory_space<vmem>>
        %dma_start3A_2610 = arith.constant 0 : i32
        %dma_start3A_2611 = tpu.memref_slice %arg4[%dma_start3A_2610, %multiple_of3A_2597] : memref<32x1000000xf32, #tpu.memory_space<hbm>> -> memref<32x128xf32, #tpu.memory_space<hbm>>
        tpu.enqueue_dma source(%dma_start3A_2611 : memref<32x128xf32, #tpu.memory_space<hbm>>) target(%dma_start3A_2609 : memref<32x128xf32, #tpu.memory_space<vmem>>) target_semaphore(%arg12 : memref<!tpu.dma_semaphore, #tpu.memory_space<semaphore_mem>>)
      } else {
      }
    }
    %scan3A_687 = arith.constant 32 : i32
    %get3A_688 = arith.constant 1 : i32
    %get3A_689 = arith.index_cast %get3A_688 : i32 to index
    %get3A_690 = arith.constant 0 : index
    %get3A_691 = tpu.vector_load %arg7[%get3A_689, %get3A_690] {strides = array<i32>} : memref<2x512xi32, #tpu.memory_space<vmem>>, vector<16xi32>,
    %slice3A_692 = vector.extract_strided_slice %get3A_691 {offsets = [0], sizes = [1], strides = [1]} : vector<16xi32> to vector<1xi32>
    %squeeze3A_693 = vector.extract %slice3A_692[0] : i32 from vector<1xi32>
    %jit3A_694 = arith.constant 128 : i32
    %div3A_695 = arith.divsi %squeeze3A_693, %jit3A_694 : i32
    %sign3A_696 = arith.constant 0 : i32
    %sign3A_697 = arith.cmpi sgt, %squeeze3A_693, %sign3A_696 : i32
    %sign3A_698 = arith.extui %sign3A_697 : i1 to i32
    %sign3A_699 = arith.constant 0 : i32
    %sign3A_700 = arith.cmpi slt, %squeeze3A_693, %sign3A_699 : i32
    %sign3A_701 = arith.extui %sign3A_700 : i1 to i32
    %sign3A_702 = arith.subi %sign3A_698, %sign3A_701 : i32
    %sign3A_703 = arith.constant 0 : i32
    %sign3A_704 = arith.cmpi sgt, %jit3A_694, %sign3A_703 : i32
    %sign3A_705 = arith.extui %sign3A_704 : i1 to i32
    %sign3A_706 = arith.constant 0 : i32
    %sign3A_707 = arith.cmpi slt, %jit3A_694, %sign3A_706 : i32
    %sign3A_708 = arith.extui %sign3A_707 : i1 to i32
    %sign3A_709 = arith.subi %sign3A_705, %sign3A_708 : i32
    %ne3A_710 = arith.cmpi ne, %sign3A_702, %sign3A_709 : i32
    %rem3A_711 = arith.remsi %squeeze3A_693, %jit3A_694 : i32
    %ne3A_712 = arith.constant 0 : i32
    %ne3A_713 = arith.cmpi ne, %rem3A_711, %ne3A_712 : i32
    %and3A_714 = arith.andi %ne3A_710, %ne3A_713 : i1
    %sub3A_715 = arith.constant 1 : i32
    %sub3A_716 = arith.subi %div3A_695, %sub3A_715 : i32
    %select_n3A_717 = arith.select %and3A_714, %sub3A_716, %div3A_695 : i32
    %mul3A_718 = arith.constant 128 : i32
    %mul3A_719 = arith.muli %select_n3A_717, %mul3A_718 : i32
    %multiple_of3A_720 = tpu.assume_multiple %mul3A_719, 128 : i32
    %dma_start3A_721 = arith.constant 0 : i32
    %dma_start3A_722 = arith.constant 0 : i32
    %dma_start3A_723 = arith.constant 0 : i32
    %dma_start3A_724 = arith.constant 0 : i32
    %dma_start3A_725 = tpu.memref_slice %arg8[%dma_start3A_721, %dma_start3A_722, %dma_start3A_723, %dma_start3A_724] : memref<2x8x32x128xf32, #tpu.memory_space<vmem>> -> memref<1x1x32x128xf32, #tpu.memory_space<vmem>>
    %dma_start3A_726 = tpu.memref_squeeze %dma_start3A_725 : memref<1x1x32x128xf32, #tpu.memory_space<vmem>> -> memref<32x128xf32, #tpu.memory_space<vmem>>
    %dma_start3A_727 = arith.constant 0 : i32
    %dma_start3A_728 = tpu.memref_slice %arg5[%dma_start3A_727, %multiple_of3A_720] : memref<32x1000000xf32, #tpu.memory_space<hbm>> -> memref<32x128xf32, #tpu.memory_space<hbm>>
    %dma_start3A_729 = arith.constant 0 : i32
    %dma_start3A_730 = arith.constant 0 : i32
    %dma_start3A_731 = tpu.memref_slice %arg8[%dma_start3A_721, %dma_start3A_722, %dma_start3A_729, %dma_start3A_730] : memref<2x8x32x128xf32, #tpu.memory_space<vmem>> -> memref<1x1x32x128xf32, #tpu.memory_space<vmem>>
    %dma_start3A_732 = tpu.memref_squeeze %dma_start3A_731 : memref<1x1x32x128xf32, #tpu.memory_space<vmem>> -> memref<32x128xf32, #tpu.memory_space<vmem>>
    %dma_start3A_733 = arith.constant 0 : i32
    %dma_start3A_734 = tpu.memref_slice %arg5[%dma_start3A_733, %multiple_of3A_720] : memref<32x1000000xf32, #tpu.memory_space<hbm>> -> memref<32x128xf32, #tpu.memory_space<hbm>>
    tpu.enqueue_dma source(%dma_start3A_734 : memref<32x128xf32, #tpu.memory_space<hbm>>) target(%dma_start3A_732 : memref<32x128xf32, #tpu.memory_space<vmem>>) target_semaphore(%arg11 : memref<!tpu.dma_semaphore, #tpu.memory_space<semaphore_mem>>)
    %slice3A_735 = vector.extract_strided_slice %get3A_691 {offsets = [1], sizes = [1], strides = [1]} : vector<16xi32> to vector<1xi32>
    %squeeze3A_736 = vector.extract %slice3A_735[0] : i32 from vector<1xi32>
    %jit3A_737 = arith.constant 128 : i32
    %div3A_738 = arith.divsi %squeeze3A_736, %jit3A_737 : i32
    %sign3A_739 = arith.constant 0 : i32
    %sign3A_740 = arith.cmpi sgt, %squeeze3A_736, %sign3A_739 : i32
    %sign3A_741 = arith.extui %sign3A_740 : i1 to i32
    %sign3A_742 = arith.constant 0 : i32
    %sign3A_743 = arith.cmpi slt, %squeeze3A_736, %sign3A_742 : i32
    %sign3A_744 = arith.extui %sign3A_743 : i1 to i32
    %sign3A_745 = arith.subi %sign3A_741, %sign3A_744 : i32
    %sign3A_746 = arith.constant 0 : i32
    %sign3A_747 = arith.cmpi sgt, %jit3A_737, %sign3A_746 : i32
    %sign3A_748 = arith.extui %sign3A_747 : i1 to i32
    %sign3A_749 = arith.constant 0 : i32
    %sign3A_750 = arith.cmpi slt, %jit3A_737, %sign3A_749 : i32
    %sign3A_751 = arith.extui %sign3A_750 : i1 to i32
    %sign3A_752 = arith.subi %sign3A_748, %sign3A_751 : i32
    %ne3A_753 = arith.cmpi ne, %sign3A_745, %sign3A_752 : i32
    %rem3A_754 = arith.remsi %squeeze3A_736, %jit3A_737 : i32
    %ne3A_755 = arith.constant 0 : i32
    %ne3A_756 = arith.cmpi ne, %rem3A_754, %ne3A_755 : i32
    %and3A_757 = arith.andi %ne3A_753, %ne3A_756 : i1
    %sub3A_758 = arith.constant 1 : i32
    %sub3A_759 = arith.subi %div3A_738, %sub3A_758 : i32
    %select_n3A_760 = arith.select %and3A_757, %sub3A_759, %div3A_738 : i32
    %mul3A_761 = arith.constant 128 : i32
    %mul3A_762 = arith.muli %select_n3A_760, %mul3A_761 : i32
    %multiple_of3A_763 = tpu.assume_multiple %mul3A_762, 128 : i32
    %dma_start3A_764 = arith.constant 0 : i32
    %dma_start3A_765 = arith.constant 1 : i32
    %dma_start3A_766 = arith.constant 0 : i32
    %dma_start3A_767 = arith.constant 0 : i32
    %dma_start3A_768 = tpu.memref_slice %arg8[%dma_start3A_764, %dma_start3A_765, %dma_start3A_766, %dma_start3A_767] : memref<2x8x32x128xf32, #tpu.memory_space<vmem>> -> memref<1x1x32x128xf32, #tpu.memory_space<vmem>>
    %dma_start3A_769 = tpu.memref_squeeze %dma_start3A_768 : memref<1x1x32x128xf32, #tpu.memory_space<vmem>> -> memref<32x128xf32, #tpu.memory_space<vmem>>
    %dma_start3A_770 = arith.constant 0 : i32
    %dma_start3A_771 = tpu.memref_slice %arg5[%dma_start3A_770, %multiple_of3A_763] : memref<32x1000000xf32, #tpu.memory_space<hbm>> -> memref<32x128xf32, #tpu.memory_space<hbm>>
    %dma_start3A_772 = arith.constant 0 : i32
    %dma_start3A_773 = arith.constant 0 : i32
    %dma_start3A_774 = tpu.memref_slice %arg8[%dma_start3A_764, %dma_start3A_765, %dma_start3A_772, %dma_start3A_773] : memref<2x8x32x128xf32, #tpu.memory_space<vmem>> -> memref<1x1x32x128xf32, #tpu.memory_space<vmem>>
    %dma_start3A_775 = tpu.memref_squeeze %dma_start3A_774 : memref<1x1x32x128xf32, #tpu.memory_space<vmem>> -> memref<32x128xf32, #tpu.memory_space<vmem>>
    %dma_start3A_776 = arith.constant 0 : i32
    %dma_start3A_777 = tpu.memref_slice %arg5[%dma_start3A_776, %multiple_of3A_763] : memref<32x1000000xf32, #tpu.memory_space<hbm>> -> memref<32x128xf32, #tpu.memory_space<hbm>>
    tpu.enqueue_dma source(%dma_start3A_777 : memref<32x128xf32, #tpu.memory_space<hbm>>) target(%dma_start3A_775 : memref<32x128xf32, #tpu.memory_space<vmem>>) target_semaphore(%arg11 : memref<!tpu.dma_semaphore, #tpu.memory_space<semaphore_mem>>)
    %slice3A_778 = vector.extract_strided_slice %get3A_691 {offsets = [2], sizes = [1], strides = [1]} : vector<16xi32> to vector<1xi32>
    %squeeze3A_779 = vector.extract %slice3A_778[0] : i32 from vector<1xi32>
    %jit3A_780 = arith.constant 128 : i32
    %div3A_781 = arith.divsi %squeeze3A_779, %jit3A_780 : i32
    %sign3A_782 = arith.constant 0 : i32
    %sign3A_783 = arith.cmpi sgt, %squeeze3A_779, %sign3A_782 : i32
    %sign3A_784 = arith.extui %sign3A_783 : i1 to i32
    %sign3A_785 = arith.constant 0 : i32
    %sign3A_786 = arith.cmpi slt, %squeeze3A_779, %sign3A_785 : i32
    %sign3A_787 = arith.extui %sign3A_786 : i1 to i32
    %sign3A_788 = arith.subi %sign3A_784, %sign3A_787 : i32
    %sign3A_789 = arith.constant 0 : i32
    %sign3A_790 = arith.cmpi sgt, %jit3A_780, %sign3A_789 : i32
    %sign3A_791 = arith.extui %sign3A_790 : i1 to i32
    %sign3A_792 = arith.constant 0 : i32
    %sign3A_793 = arith.cmpi slt, %jit3A_780, %sign3A_792 : i32
    %sign3A_794 = arith.extui %sign3A_793 : i1 to i32
    %sign3A_795 = arith.subi %sign3A_791, %sign3A_794 : i32
    %ne3A_796 = arith.cmpi ne, %sign3A_788, %sign3A_795 : i32
    %rem3A_797 = arith.remsi %squeeze3A_779, %jit3A_780 : i32
    %ne3A_798 = arith.constant 0 : i32
    %ne3A_799 = arith.cmpi ne, %rem3A_797, %ne3A_798 : i32
    %and3A_800 = arith.andi %ne3A_796, %ne3A_799 : i1
    %sub3A_801 = arith.constant 1 : i32
    %sub3A_802 = arith.subi %div3A_781, %sub3A_801 : i32
    %select_n3A_803 = arith.select %and3A_800, %sub3A_802, %div3A_781 : i32
    %mul3A_804 = arith.constant 128 : i32
    %mul3A_805 = arith.muli %select_n3A_803, %mul3A_804 : i32
    %multiple_of3A_806 = tpu.assume_multiple %mul3A_805, 128 : i32
    %dma_start3A_807 = arith.constant 0 : i32
    %dma_start3A_808 = arith.constant 2 : i32
    %dma_start3A_809 = arith.constant 0 : i32
    %dma_start3A_810 = arith.constant 0 : i32
    %dma_start3A_811 = tpu.memref_slice %arg8[%dma_start3A_807, %dma_start3A_808, %dma_start3A_809, %dma_start3A_810] : memref<2x8x32x128xf32, #tpu.memory_space<vmem>> -> memref<1x1x32x128xf32, #tpu.memory_space<vmem>>
    %dma_start3A_812 = tpu.memref_squeeze %dma_start3A_811 : memref<1x1x32x128xf32, #tpu.memory_space<vmem>> -> memref<32x128xf32, #tpu.memory_space<vmem>>
    %dma_start3A_813 = arith.constant 0 : i32
    %dma_start3A_814 = tpu.memref_slice %arg5[%dma_start3A_813, %multiple_of3A_806] : memref<32x1000000xf32, #tpu.memory_space<hbm>> -> memref<32x128xf32, #tpu.memory_space<hbm>>
    %dma_start3A_815 = arith.constant 0 : i32
    %dma_start3A_816 = arith.constant 0 : i32
    %dma_start3A_817 = tpu.memref_slice %arg8[%dma_start3A_807, %dma_start3A_808, %dma_start3A_815, %dma_start3A_816] : memref<2x8x32x128xf32, #tpu.memory_space<vmem>> -> memref<1x1x32x128xf32, #tpu.memory_space<vmem>>
    %dma_start3A_818 = tpu.memref_squeeze %dma_start3A_817 : memref<1x1x32x128xf32, #tpu.memory_space<vmem>> -> memref<32x128xf32, #tpu.memory_space<vmem>>
    %dma_start3A_819 = arith.constant 0 : i32
    %dma_start3A_820 = tpu.memref_slice %arg5[%dma_start3A_819, %multiple_of3A_806] : memref<32x1000000xf32, #tpu.memory_space<hbm>> -> memref<32x128xf32, #tpu.memory_space<hbm>>
    tpu.enqueue_dma source(%dma_start3A_820 : memref<32x128xf32, #tpu.memory_space<hbm>>) target(%dma_start3A_818 : memref<32x128xf32, #tpu.memory_space<vmem>>) target_semaphore(%arg11 : memref<!tpu.dma_semaphore, #tpu.memory_space<semaphore_mem>>)
    %slice3A_821 = vector.extract_strided_slice %get3A_691 {offsets = [3], sizes = [1], strides = [1]} : vector<16xi32> to vector<1xi32>
    %squeeze3A_822 = vector.extract %slice3A_821[0] : i32 from vector<1xi32>
    %jit3A_823 = arith.constant 128 : i32
    %div3A_824 = arith.divsi %squeeze3A_822, %jit3A_823 : i32
    %sign3A_825 = arith.constant 0 : i32
    %sign3A_826 = arith.cmpi sgt, %squeeze3A_822, %sign3A_825 : i32
    %sign3A_827 = arith.extui %sign3A_826 : i1 to i32
    %sign3A_828 = arith.constant 0 : i32
    %sign3A_829 = arith.cmpi slt, %squeeze3A_822, %sign3A_828 : i32
    %sign3A_830 = arith.extui %sign3A_829 : i1 to i32
    %sign3A_831 = arith.subi %sign3A_827, %sign3A_830 : i32
    %sign3A_832 = arith.constant 0 : i32
    %sign3A_833 = arith.cmpi sgt, %jit3A_823, %sign3A_832 : i32
    %sign3A_834 = arith.extui %sign3A_833 : i1 to i32
    %sign3A_835 = arith.constant 0 : i32
    %sign3A_836 = arith.cmpi slt, %jit3A_823, %sign3A_835 : i32
    %sign3A_837 = arith.extui %sign3A_836 : i1 to i32
    %sign3A_838 = arith.subi %sign3A_834, %sign3A_837 : i32
    %ne3A_839 = arith.cmpi ne, %sign3A_831, %sign3A_838 : i32
    %rem3A_840 = arith.remsi %squeeze3A_822, %jit3A_823 : i32
    %ne3A_841 = arith.constant 0 : i32
    %ne3A_842 = arith.cmpi ne, %rem3A_840, %ne3A_841 : i32
    %and3A_843 = arith.andi %ne3A_839, %ne3A_842 : i1
    %sub3A_844 = arith.constant 1 : i32
    %sub3A_845 = arith.subi %div3A_824, %sub3A_844 : i32
    %select_n3A_846 = arith.select %and3A_843, %sub3A_845, %div3A_824 : i32
    %mul3A_847 = arith.constant 128 : i32
    %mul3A_848 = arith.muli %select_n3A_846, %mul3A_847 : i32
    %multiple_of3A_849 = tpu.assume_multiple %mul3A_848, 128 : i32
    %dma_start3A_850 = arith.constant 0 : i32
    %dma_start3A_851 = arith.constant 3 : i32
    %dma_start3A_852 = arith.constant 0 : i32
    %dma_start3A_853 = arith.constant 0 : i32
    %dma_start3A_854 = tpu.memref_slice %arg8[%dma_start3A_850, %dma_start3A_851, %dma_start3A_852, %dma_start3A_853] : memref<2x8x32x128xf32, #tpu.memory_space<vmem>> -> memref<1x1x32x128xf32, #tpu.memory_space<vmem>>
    %dma_start3A_855 = tpu.memref_squeeze %dma_start3A_854 : memref<1x1x32x128xf32, #tpu.memory_space<vmem>> -> memref<32x128xf32, #tpu.memory_space<vmem>>
    %dma_start3A_856 = arith.constant 0 : i32
    %dma_start3A_857 = tpu.memref_slice %arg5[%dma_start3A_856, %multiple_of3A_849] : memref<32x1000000xf32, #tpu.memory_space<hbm>> -> memref<32x128xf32, #tpu.memory_space<hbm>>
    %dma_start3A_858 = arith.constant 0 : i32
    %dma_start3A_859 = arith.constant 0 : i32
    %dma_start3A_860 = tpu.memref_slice %arg8[%dma_start3A_850, %dma_start3A_851, %dma_start3A_858, %dma_start3A_859] : memref<2x8x32x128xf32, #tpu.memory_space<vmem>> -> memref<1x1x32x128xf32, #tpu.memory_space<vmem>>
    %dma_start3A_861 = tpu.memref_squeeze %dma_start3A_860 : memref<1x1x32x128xf32, #tpu.memory_space<vmem>> -> memref<32x128xf32, #tpu.memory_space<vmem>>
    %dma_start3A_862 = arith.constant 0 : i32
    %dma_start3A_863 = tpu.memref_slice %arg5[%dma_start3A_862, %multiple_of3A_849] : memref<32x1000000xf32, #tpu.memory_space<hbm>> -> memref<32x128xf32, #tpu.memory_space<hbm>>
    tpu.enqueue_dma source(%dma_start3A_863 : memref<32x128xf32, #tpu.memory_space<hbm>>) target(%dma_start3A_861 : memref<32x128xf32, #tpu.memory_space<vmem>>) target_semaphore(%arg11 : memref<!tpu.dma_semaphore, #tpu.memory_space<semaphore_mem>>)
    %slice3A_864 = vector.extract_strided_slice %get3A_691 {offsets = [4], sizes = [1], strides = [1]} : vector<16xi32> to vector<1xi32>
    %squeeze3A_865 = vector.extract %slice3A_864[0] : i32 from vector<1xi32>
    %jit3A_866 = arith.constant 128 : i32
    %div3A_867 = arith.divsi %squeeze3A_865, %jit3A_866 : i32
    %sign3A_868 = arith.constant 0 : i32
    %sign3A_869 = arith.cmpi sgt, %squeeze3A_865, %sign3A_868 : i32
    %sign3A_870 = arith.extui %sign3A_869 : i1 to i32
    %sign3A_871 = arith.constant 0 : i32
    %sign3A_872 = arith.cmpi slt, %squeeze3A_865, %sign3A_871 : i32
    %sign3A_873 = arith.extui %sign3A_872 : i1 to i32
    %sign3A_874 = arith.subi %sign3A_870, %sign3A_873 : i32
    %sign3A_875 = arith.constant 0 : i32
    %sign3A_876 = arith.cmpi sgt, %jit3A_866, %sign3A_875 : i32
    %sign3A_877 = arith.extui %sign3A_876 : i1 to i32
    %sign3A_878 = arith.constant 0 : i32
    %sign3A_879 = arith.cmpi slt, %jit3A_866, %sign3A_878 : i32
    %sign3A_880 = arith.extui %sign3A_879 : i1 to i32
    %sign3A_881 = arith.subi %sign3A_877, %sign3A_880 : i32
    %ne3A_882 = arith.cmpi ne, %sign3A_874, %sign3A_881 : i32
    %rem3A_883 = arith.remsi %squeeze3A_865, %jit3A_866 : i32
    %ne3A_884 = arith.constant 0 : i32
    %ne3A_885 = arith.cmpi ne, %rem3A_883, %ne3A_884 : i32
    %and3A_886 = arith.andi %ne3A_882, %ne3A_885 : i1
    %sub3A_887 = arith.constant 1 : i32
    %sub3A_888 = arith.subi %div3A_867, %sub3A_887 : i32
    %select_n3A_889 = arith.select %and3A_886, %sub3A_888, %div3A_867 : i32
    %mul3A_890 = arith.constant 128 : i32
    %mul3A_891 = arith.muli %select_n3A_889, %mul3A_890 : i32
    %multiple_of3A_892 = tpu.assume_multiple %mul3A_891, 128 : i32
    %dma_start3A_893 = arith.constant 0 : i32
    %dma_start3A_894 = arith.constant 4 : i32
    %dma_start3A_895 = arith.constant 0 : i32
    %dma_start3A_896 = arith.constant 0 : i32
    %dma_start3A_897 = tpu.memref_slice %arg8[%dma_start3A_893, %dma_start3A_894, %dma_start3A_895, %dma_start3A_896] : memref<2x8x32x128xf32, #tpu.memory_space<vmem>> -> memref<1x1x32x128xf32, #tpu.memory_space<vmem>>
    %dma_start3A_898 = tpu.memref_squeeze %dma_start3A_897 : memref<1x1x32x128xf32, #tpu.memory_space<vmem>> -> memref<32x128xf32, #tpu.memory_space<vmem>>
    %dma_start3A_899 = arith.constant 0 : i32
    %dma_start3A_900 = tpu.memref_slice %arg5[%dma_start3A_899, %multiple_of3A_892] : memref<32x1000000xf32, #tpu.memory_space<hbm>> -> memref<32x128xf32, #tpu.memory_space<hbm>>
    %dma_start3A_901 = arith.constant 0 : i32
    %dma_start3A_902 = arith.constant 0 : i32
    %dma_start3A_903 = tpu.memref_slice %arg8[%dma_start3A_893, %dma_start3A_894, %dma_start3A_901, %dma_start3A_902] : memref<2x8x32x128xf32, #tpu.memory_space<vmem>> -> memref<1x1x32x128xf32, #tpu.memory_space<vmem>>
    %dma_start3A_904 = tpu.memref_squeeze %dma_start3A_903 : memref<1x1x32x128xf32, #tpu.memory_space<vmem>> -> memref<32x128xf32, #tpu.memory_space<vmem>>
    %dma_start3A_905 = arith.constant 0 : i32
    %dma_start3A_906 = tpu.memref_slice %arg5[%dma_start3A_905, %multiple_of3A_892] : memref<32x1000000xf32, #tpu.memory_space<hbm>> -> memref<32x128xf32, #tpu.memory_space<hbm>>
    tpu.enqueue_dma source(%dma_start3A_906 : memref<32x128xf32, #tpu.memory_space<hbm>>) target(%dma_start3A_904 : memref<32x128xf32, #tpu.memory_space<vmem>>) target_semaphore(%arg11 : memref<!tpu.dma_semaphore, #tpu.memory_space<semaphore_mem>>)
    %slice3A_907 = vector.extract_strided_slice %get3A_691 {offsets = [5], sizes = [1], strides = [1]} : vector<16xi32> to vector<1xi32>
    %squeeze3A_908 = vector.extract %slice3A_907[0] : i32 from vector<1xi32>
    %jit3A_909 = arith.constant 128 : i32
    %div3A_910 = arith.divsi %squeeze3A_908, %jit3A_909 : i32
    %sign3A_911 = arith.constant 0 : i32
    %sign3A_912 = arith.cmpi sgt, %squeeze3A_908, %sign3A_911 : i32
    %sign3A_913 = arith.extui %sign3A_912 : i1 to i32
    %sign3A_914 = arith.constant 0 : i32
    %sign3A_915 = arith.cmpi slt, %squeeze3A_908, %sign3A_914 : i32
    %sign3A_916 = arith.extui %sign3A_915 : i1 to i32
    %sign3A_917 = arith.subi %sign3A_913, %sign3A_916 : i32
    %sign3A_918 = arith.constant 0 : i32
    %sign3A_919 = arith.cmpi sgt, %jit3A_909, %sign3A_918 : i32
    %sign3A_920 = arith.extui %sign3A_919 : i1 to i32
    %sign3A_921 = arith.constant 0 : i32
    %sign3A_922 = arith.cmpi slt, %jit3A_909, %sign3A_921 : i32
    %sign3A_923 = arith.extui %sign3A_922 : i1 to i32
    %sign3A_924 = arith.subi %sign3A_920, %sign3A_923 : i32
    %ne3A_925 = arith.cmpi ne, %sign3A_917, %sign3A_924 : i32
    %rem3A_926 = arith.remsi %squeeze3A_908, %jit3A_909 : i32
    %ne3A_927 = arith.constant 0 : i32
    %ne3A_928 = arith.cmpi ne, %rem3A_926, %ne3A_927 : i32
    %and3A_929 = arith.andi %ne3A_925, %ne3A_928 : i1
    %sub3A_930 = arith.constant 1 : i32
    %sub3A_931 = arith.subi %div3A_910, %sub3A_930 : i32
    %select_n3A_932 = arith.select %and3A_929, %sub3A_931, %div3A_910 : i32
    %mul3A_933 = arith.constant 128 : i32
    %mul3A_934 = arith.muli %select_n3A_932, %mul3A_933 : i32
    %multiple_of3A_935 = tpu.assume_multiple %mul3A_934, 128 : i32
    %dma_start3A_936 = arith.constant 0 : i32
    %dma_start3A_937 = arith.constant 5 : i32
    %dma_start3A_938 = arith.constant 0 : i32
    %dma_start3A_939 = arith.constant 0 : i32
    %dma_start3A_940 = tpu.memref_slice %arg8[%dma_start3A_936, %dma_start3A_937, %dma_start3A_938, %dma_start3A_939] : memref<2x8x32x128xf32, #tpu.memory_space<vmem>> -> memref<1x1x32x128xf32, #tpu.memory_space<vmem>>
    %dma_start3A_941 = tpu.memref_squeeze %dma_start3A_940 : memref<1x1x32x128xf32, #tpu.memory_space<vmem>> -> memref<32x128xf32, #tpu.memory_space<vmem>>
    %dma_start3A_942 = arith.constant 0 : i32
    %dma_start3A_943 = tpu.memref_slice %arg5[%dma_start3A_942, %multiple_of3A_935] : memref<32x1000000xf32, #tpu.memory_space<hbm>> -> memref<32x128xf32, #tpu.memory_space<hbm>>
    %dma_start3A_944 = arith.constant 0 : i32
    %dma_start3A_945 = arith.constant 0 : i32
    %dma_start3A_946 = tpu.memref_slice %arg8[%dma_start3A_936, %dma_start3A_937, %dma_start3A_944, %dma_start3A_945] : memref<2x8x32x128xf32, #tpu.memory_space<vmem>> -> memref<1x1x32x128xf32, #tpu.memory_space<vmem>>
    %dma_start3A_947 = tpu.memref_squeeze %dma_start3A_946 : memref<1x1x32x128xf32, #tpu.memory_space<vmem>> -> memref<32x128xf32, #tpu.memory_space<vmem>>
    %dma_start3A_948 = arith.constant 0 : i32
    %dma_start3A_949 = tpu.memref_slice %arg5[%dma_start3A_948, %multiple_of3A_935] : memref<32x1000000xf32, #tpu.memory_space<hbm>> -> memref<32x128xf32, #tpu.memory_space<hbm>>
    tpu.enqueue_dma source(%dma_start3A_949 : memref<32x128xf32, #tpu.memory_space<hbm>>) target(%dma_start3A_947 : memref<32x128xf32, #tpu.memory_space<vmem>>) target_semaphore(%arg11 : memref<!tpu.dma_semaphore, #tpu.memory_space<semaphore_mem>>)
    %slice3A_950 = vector.extract_strided_slice %get3A_691 {offsets = [6], sizes = [1], strides = [1]} : vector<16xi32> to vector<1xi32>
    %squeeze3A_951 = vector.extract %slice3A_950[0] : i32 from vector<1xi32>
    %jit3A_952 = arith.constant 128 : i32
    %div3A_953 = arith.divsi %squeeze3A_951, %jit3A_952 : i32
    %sign3A_954 = arith.constant 0 : i32
    %sign3A_955 = arith.cmpi sgt, %squeeze3A_951, %sign3A_954 : i32
    %sign3A_956 = arith.extui %sign3A_955 : i1 to i32
    %sign3A_957 = arith.constant 0 : i32
    %sign3A_958 = arith.cmpi slt, %squeeze3A_951, %sign3A_957 : i32
    %sign3A_959 = arith.extui %sign3A_958 : i1 to i32
    %sign3A_960 = arith.subi %sign3A_956, %sign3A_959 : i32
    %sign3A_961 = arith.constant 0 : i32
    %sign3A_962 = arith.cmpi sgt, %jit3A_952, %sign3A_961 : i32
    %sign3A_963 = arith.extui %sign3A_962 : i1 to i32
    %sign3A_964 = arith.constant 0 : i32
    %sign3A_965 = arith.cmpi slt, %jit3A_952, %sign3A_964 : i32
    %sign3A_966 = arith.extui %sign3A_965 : i1 to i32
    %sign3A_967 = arith.subi %sign3A_963, %sign3A_966 : i32
    %ne3A_968 = arith.cmpi ne, %sign3A_960, %sign3A_967 : i32
    %rem3A_969 = arith.remsi %squeeze3A_951, %jit3A_952 : i32
    %ne3A_970 = arith.constant 0 : i32
    %ne3A_971 = arith.cmpi ne, %rem3A_969, %ne3A_970 : i32
    %and3A_972 = arith.andi %ne3A_968, %ne3A_971 : i1
    %sub3A_973 = arith.constant 1 : i32
    %sub3A_974 = arith.subi %div3A_953, %sub3A_973 : i32
    %select_n3A_975 = arith.select %and3A_972, %sub3A_974, %div3A_953 : i32
    %mul3A_976 = arith.constant 128 : i32
    %mul3A_977 = arith.muli %select_n3A_975, %mul3A_976 : i32
    %multiple_of3A_978 = tpu.assume_multiple %mul3A_977, 128 : i32
    %dma_start3A_979 = arith.constant 0 : i32
    %dma_start3A_980 = arith.constant 6 : i32
    %dma_start3A_981 = arith.constant 0 : i32
    %dma_start3A_982 = arith.constant 0 : i32
    %dma_start3A_983 = tpu.memref_slice %arg8[%dma_start3A_979, %dma_start3A_980, %dma_start3A_981, %dma_start3A_982] : memref<2x8x32x128xf32, #tpu.memory_space<vmem>> -> memref<1x1x32x128xf32, #tpu.memory_space<vmem>>
    %dma_start3A_984 = tpu.memref_squeeze %dma_start3A_983 : memref<1x1x32x128xf32, #tpu.memory_space<vmem>> -> memref<32x128xf32, #tpu.memory_space<vmem>>
    %dma_start3A_985 = arith.constant 0 : i32
    %dma_start3A_986 = tpu.memref_slice %arg5[%dma_start3A_985, %multiple_of3A_978] : memref<32x1000000xf32, #tpu.memory_space<hbm>> -> memref<32x128xf32, #tpu.memory_space<hbm>>
    %dma_start3A_987 = arith.constant 0 : i32
    %dma_start3A_988 = arith.constant 0 : i32
    %dma_start3A_989 = tpu.memref_slice %arg8[%dma_start3A_979, %dma_start3A_980, %dma_start3A_987, %dma_start3A_988] : memref<2x8x32x128xf32, #tpu.memory_space<vmem>> -> memref<1x1x32x128xf32, #tpu.memory_space<vmem>>
    %dma_start3A_990 = tpu.memref_squeeze %dma_start3A_989 : memref<1x1x32x128xf32, #tpu.memory_space<vmem>> -> memref<32x128xf32, #tpu.memory_space<vmem>>
    %dma_start3A_991 = arith.constant 0 : i32
    %dma_start3A_992 = tpu.memref_slice %arg5[%dma_start3A_991, %multiple_of3A_978] : memref<32x1000000xf32, #tpu.memory_space<hbm>> -> memref<32x128xf32, #tpu.memory_space<hbm>>
    tpu.enqueue_dma source(%dma_start3A_992 : memref<32x128xf32, #tpu.memory_space<hbm>>) target(%dma_start3A_990 : memref<32x128xf32, #tpu.memory_space<vmem>>) target_semaphore(%arg11 : memref<!tpu.dma_semaphore, #tpu.memory_space<semaphore_mem>>)
    %slice3A_993 = vector.extract_strided_slice %get3A_691 {offsets = [7], sizes = [1], strides = [1]} : vector<16xi32> to vector<1xi32>
    %squeeze3A_994 = vector.extract %slice3A_993[0] : i32 from vector<1xi32>
    %jit3A_995 = arith.constant 128 : i32
    %div3A_996 = arith.divsi %squeeze3A_994, %jit3A_995 : i32
    %sign3A_997 = arith.constant 0 : i32
    %sign3A_998 = arith.cmpi sgt, %squeeze3A_994, %sign3A_997 : i32
    %sign3A_999 = arith.extui %sign3A_998 : i1 to i32
    %sign3A_1000 = arith.constant 0 : i32
    %sign3A_1001 = arith.cmpi slt, %squeeze3A_994, %sign3A_1000 : i32
    %sign3A_1002 = arith.extui %sign3A_1001 : i1 to i32
    %sign3A_1003 = arith.subi %sign3A_999, %sign3A_1002 : i32
    %sign3A_1004 = arith.constant 0 : i32
    %sign3A_1005 = arith.cmpi sgt, %jit3A_995, %sign3A_1004 : i32
    %sign3A_1006 = arith.extui %sign3A_1005 : i1 to i32
    %sign3A_1007 = arith.constant 0 : i32
    %sign3A_1008 = arith.cmpi slt, %jit3A_995, %sign3A_1007 : i32
    %sign3A_1009 = arith.extui %sign3A_1008 : i1 to i32
    %sign3A_1010 = arith.subi %sign3A_1006, %sign3A_1009 : i32
    %ne3A_1011 = arith.cmpi ne, %sign3A_1003, %sign3A_1010 : i32
    %rem3A_1012 = arith.remsi %squeeze3A_994, %jit3A_995 : i32
    %ne3A_1013 = arith.constant 0 : i32
    %ne3A_1014 = arith.cmpi ne, %rem3A_1012, %ne3A_1013 : i32
    %and3A_1015 = arith.andi %ne3A_1011, %ne3A_1014 : i1
    %sub3A_1016 = arith.constant 1 : i32
    %sub3A_1017 = arith.subi %div3A_996, %sub3A_1016 : i32
    %select_n3A_1018 = arith.select %and3A_1015, %sub3A_1017, %div3A_996 : i32
    %mul3A_1019 = arith.constant 128 : i32
    %mul3A_1020 = arith.muli %select_n3A_1018, %mul3A_1019 : i32
    %multiple_of3A_1021 = tpu.assume_multiple %mul3A_1020, 128 : i32
    %dma_start3A_1022 = arith.constant 0 : i32
    %dma_start3A_1023 = arith.constant 7 : i32
    %dma_start3A_1024 = arith.constant 0 : i32
    %dma_start3A_1025 = arith.constant 0 : i32
    %dma_start3A_1026 = tpu.memref_slice %arg8[%dma_start3A_1022, %dma_start3A_1023, %dma_start3A_1024, %dma_start3A_1025] : memref<2x8x32x128xf32, #tpu.memory_space<vmem>> -> memref<1x1x32x128xf32, #tpu.memory_space<vmem>>
    %dma_start3A_1027 = tpu.memref_squeeze %dma_start3A_1026 : memref<1x1x32x128xf32, #tpu.memory_space<vmem>> -> memref<32x128xf32, #tpu.memory_space<vmem>>
    %dma_start3A_1028 = arith.constant 0 : i32
    %dma_start3A_1029 = tpu.memref_slice %arg5[%dma_start3A_1028, %multiple_of3A_1021] : memref<32x1000000xf32, #tpu.memory_space<hbm>> -> memref<32x128xf32, #tpu.memory_space<hbm>>
    %dma_start3A_1030 = arith.constant 0 : i32
    %dma_start3A_1031 = arith.constant 0 : i32
    %dma_start3A_1032 = tpu.memref_slice %arg8[%dma_start3A_1022, %dma_start3A_1023, %dma_start3A_1030, %dma_start3A_1031] : memref<2x8x32x128xf32, #tpu.memory_space<vmem>> -> memref<1x1x32x128xf32, #tpu.memory_space<vmem>>
    %dma_start3A_1033 = tpu.memref_squeeze %dma_start3A_1032 : memref<1x1x32x128xf32, #tpu.memory_space<vmem>> -> memref<32x128xf32, #tpu.memory_space<vmem>>
    %dma_start3A_1034 = arith.constant 0 : i32
    %dma_start3A_1035 = tpu.memref_slice %arg5[%dma_start3A_1034, %multiple_of3A_1021] : memref<32x1000000xf32, #tpu.memory_space<hbm>> -> memref<32x128xf32, #tpu.memory_space<hbm>>
    tpu.enqueue_dma source(%dma_start3A_1035 : memref<32x128xf32, #tpu.memory_space<hbm>>) target(%dma_start3A_1033 : memref<32x128xf32, #tpu.memory_space<vmem>>) target_semaphore(%arg11 : memref<!tpu.dma_semaphore, #tpu.memory_space<semaphore_mem>>)
    %slice3A_1036 = vector.extract_strided_slice %get3A_691 {offsets = [8], sizes = [1], strides = [1]} : vector<16xi32> to vector<1xi32>
    %squeeze3A_1037 = vector.extract %slice3A_1036[0] : i32 from vector<1xi32>
    %jit3A_1038 = arith.constant 128 : i32
    %div3A_1039 = arith.divsi %squeeze3A_1037, %jit3A_1038 : i32
    %sign3A_1040 = arith.constant 0 : i32
    %sign3A_1041 = arith.cmpi sgt, %squeeze3A_1037, %sign3A_1040 : i32
    %sign3A_1042 = arith.extui %sign3A_1041 : i1 to i32
    %sign3A_1043 = arith.constant 0 : i32
    %sign3A_1044 = arith.cmpi slt, %squeeze3A_1037, %sign3A_1043 : i32
    %sign3A_1045 = arith.extui %sign3A_1044 : i1 to i32
    %sign3A_1046 = arith.subi %sign3A_1042, %sign3A_1045 : i32
    %sign3A_1047 = arith.constant 0 : i32
    %sign3A_1048 = arith.cmpi sgt, %jit3A_1038, %sign3A_1047 : i32
    %sign3A_1049 = arith.extui %sign3A_1048 : i1 to i32
    %sign3A_1050 = arith.constant 0 : i32
    %sign3A_1051 = arith.cmpi slt, %jit3A_1038, %sign3A_1050 : i32
    %sign3A_1052 = arith.extui %sign3A_1051 : i1 to i32
    %sign3A_1053 = arith.subi %sign3A_1049, %sign3A_1052 : i32
    %ne3A_1054 = arith.cmpi ne, %sign3A_1046, %sign3A_1053 : i32
    %rem3A_1055 = arith.remsi %squeeze3A_1037, %jit3A_1038 : i32
    %ne3A_1056 = arith.constant 0 : i32
    %ne3A_1057 = arith.cmpi ne, %rem3A_1055, %ne3A_1056 : i32
    %and3A_1058 = arith.andi %ne3A_1054, %ne3A_1057 : i1
    %sub3A_1059 = arith.constant 1 : i32
    %sub3A_1060 = arith.subi %div3A_1039, %sub3A_1059 : i32
    %select_n3A_1061 = arith.select %and3A_1058, %sub3A_1060, %div3A_1039 : i32
    %mul3A_1062 = arith.constant 128 : i32
    %mul3A_1063 = arith.muli %select_n3A_1061, %mul3A_1062 : i32
    %multiple_of3A_1064 = tpu.assume_multiple %mul3A_1063, 128 : i32
    %dma_start3A_1065 = arith.constant 1 : i32
    %dma_start3A_1066 = arith.constant 0 : i32
    %dma_start3A_1067 = arith.constant 0 : i32
    %dma_start3A_1068 = arith.constant 0 : i32
    %dma_start3A_1069 = tpu.memref_slice %arg8[%dma_start3A_1065, %dma_start3A_1066, %dma_start3A_1067, %dma_start3A_1068] : memref<2x8x32x128xf32, #tpu.memory_space<vmem>> -> memref<1x1x32x128xf32, #tpu.memory_space<vmem>>
    %dma_start3A_1070 = tpu.memref_squeeze %dma_start3A_1069 : memref<1x1x32x128xf32, #tpu.memory_space<vmem>> -> memref<32x128xf32, #tpu.memory_space<vmem>>
    %dma_start3A_1071 = arith.constant 0 : i32
    %dma_start3A_1072 = tpu.memref_slice %arg5[%dma_start3A_1071, %multiple_of3A_1064] : memref<32x1000000xf32, #tpu.memory_space<hbm>> -> memref<32x128xf32, #tpu.memory_space<hbm>>
    %dma_start3A_1073 = arith.constant 0 : i32
    %dma_start3A_1074 = arith.constant 0 : i32
    %dma_start3A_1075 = tpu.memref_slice %arg8[%dma_start3A_1065, %dma_start3A_1066, %dma_start3A_1073, %dma_start3A_1074] : memref<2x8x32x128xf32, #tpu.memory_space<vmem>> -> memref<1x1x32x128xf32, #tpu.memory_space<vmem>>
    %dma_start3A_1076 = tpu.memref_squeeze %dma_start3A_1075 : memref<1x1x32x128xf32, #tpu.memory_space<vmem>> -> memref<32x128xf32, #tpu.memory_space<vmem>>
    %dma_start3A_1077 = arith.constant 0 : i32
    %dma_start3A_1078 = tpu.memref_slice %arg5[%dma_start3A_1077, %multiple_of3A_1064] : memref<32x1000000xf32, #tpu.memory_space<hbm>> -> memref<32x128xf32, #tpu.memory_space<hbm>>
    tpu.enqueue_dma source(%dma_start3A_1078 : memref<32x128xf32, #tpu.memory_space<hbm>>) target(%dma_start3A_1076 : memref<32x128xf32, #tpu.memory_space<vmem>>) target_semaphore(%arg12 : memref<!tpu.dma_semaphore, #tpu.memory_space<semaphore_mem>>)
    %slice3A_1079 = vector.extract_strided_slice %get3A_691 {offsets = [9], sizes = [1], strides = [1]} : vector<16xi32> to vector<1xi32>
    %squeeze3A_1080 = vector.extract %slice3A_1079[0] : i32 from vector<1xi32>
    %jit3A_1081 = arith.constant 128 : i32
    %div3A_1082 = arith.divsi %squeeze3A_1080, %jit3A_1081 : i32
    %sign3A_1083 = arith.constant 0 : i32
    %sign3A_1084 = arith.cmpi sgt, %squeeze3A_1080, %sign3A_1083 : i32
    %sign3A_1085 = arith.extui %sign3A_1084 : i1 to i32
    %sign3A_1086 = arith.constant 0 : i32
    %sign3A_1087 = arith.cmpi slt, %squeeze3A_1080, %sign3A_1086 : i32
    %sign3A_1088 = arith.extui %sign3A_1087 : i1 to i32
    %sign3A_1089 = arith.subi %sign3A_1085, %sign3A_1088 : i32
    %sign3A_1090 = arith.constant 0 : i32
    %sign3A_1091 = arith.cmpi sgt, %jit3A_1081, %sign3A_1090 : i32
    %sign3A_1092 = arith.extui %sign3A_1091 : i1 to i32
    %sign3A_1093 = arith.constant 0 : i32
    %sign3A_1094 = arith.cmpi slt, %jit3A_1081, %sign3A_1093 : i32
    %sign3A_1095 = arith.extui %sign3A_1094 : i1 to i32
    %sign3A_1096 = arith.subi %sign3A_1092, %sign3A_1095 : i32
    %ne3A_1097 = arith.cmpi ne, %sign3A_1089, %sign3A_1096 : i32
    %rem3A_1098 = arith.remsi %squeeze3A_1080, %jit3A_1081 : i32
    %ne3A_1099 = arith.constant 0 : i32
    %ne3A_1100 = arith.cmpi ne, %rem3A_1098, %ne3A_1099 : i32
    %and3A_1101 = arith.andi %ne3A_1097, %ne3A_1100 : i1
    %sub3A_1102 = arith.constant 1 : i32
    %sub3A_1103 = arith.subi %div3A_1082, %sub3A_1102 : i32
    %select_n3A_1104 = arith.select %and3A_1101, %sub3A_1103, %div3A_1082 : i32
    %mul3A_1105 = arith.constant 128 : i32
    %mul3A_1106 = arith.muli %select_n3A_1104, %mul3A_1105 : i32
    %multiple_of3A_1107 = tpu.assume_multiple %mul3A_1106, 128 : i32
    %dma_start3A_1108 = arith.constant 1 : i32
    %dma_start3A_1109 = arith.constant 1 : i32
    %dma_start3A_1110 = arith.constant 0 : i32
    %dma_start3A_1111 = arith.constant 0 : i32
    %dma_start3A_1112 = tpu.memref_slice %arg8[%dma_start3A_1108, %dma_start3A_1109, %dma_start3A_1110, %dma_start3A_1111] : memref<2x8x32x128xf32, #tpu.memory_space<vmem>> -> memref<1x1x32x128xf32, #tpu.memory_space<vmem>>
    %dma_start3A_1113 = tpu.memref_squeeze %dma_start3A_1112 : memref<1x1x32x128xf32, #tpu.memory_space<vmem>> -> memref<32x128xf32, #tpu.memory_space<vmem>>
    %dma_start3A_1114 = arith.constant 0 : i32
    %dma_start3A_1115 = tpu.memref_slice %arg5[%dma_start3A_1114, %multiple_of3A_1107] : memref<32x1000000xf32, #tpu.memory_space<hbm>> -> memref<32x128xf32, #tpu.memory_space<hbm>>
    %dma_start3A_1116 = arith.constant 0 : i32
    %dma_start3A_1117 = arith.constant 0 : i32
    %dma_start3A_1118 = tpu.memref_slice %arg8[%dma_start3A_1108, %dma_start3A_1109, %dma_start3A_1116, %dma_start3A_1117] : memref<2x8x32x128xf32, #tpu.memory_space<vmem>> -> memref<1x1x32x128xf32, #tpu.memory_space<vmem>>
    %dma_start3A_1119 = tpu.memref_squeeze %dma_start3A_1118 : memref<1x1x32x128xf32, #tpu.memory_space<vmem>> -> memref<32x128xf32, #tpu.memory_space<vmem>>
    %dma_start3A_1120 = arith.constant 0 : i32
    %dma_start3A_1121 = tpu.memref_slice %arg5[%dma_start3A_1120, %multiple_of3A_1107] : memref<32x1000000xf32, #tpu.memory_space<hbm>> -> memref<32x128xf32, #tpu.memory_space<hbm>>
    tpu.enqueue_dma source(%dma_start3A_1121 : memref<32x128xf32, #tpu.memory_space<hbm>>) target(%dma_start3A_1119 : memref<32x128xf32, #tpu.memory_space<vmem>>) target_semaphore(%arg12 : memref<!tpu.dma_semaphore, #tpu.memory_space<semaphore_mem>>)
    %slice3A_1122 = vector.extract_strided_slice %get3A_691 {offsets = [10], sizes = [1], strides = [1]} : vector<16xi32> to vector<1xi32>
    %squeeze3A_1123 = vector.extract %slice3A_1122[0] : i32 from vector<1xi32>
    %jit3A_1124 = arith.constant 128 : i32
    %div3A_1125 = arith.divsi %squeeze3A_1123, %jit3A_1124 : i32
    %sign3A_1126 = arith.constant 0 : i32
    %sign3A_1127 = arith.cmpi sgt, %squeeze3A_1123, %sign3A_1126 : i32
    %sign3A_1128 = arith.extui %sign3A_1127 : i1 to i32
    %sign3A_1129 = arith.constant 0 : i32
    %sign3A_1130 = arith.cmpi slt, %squeeze3A_1123, %sign3A_1129 : i32
    %sign3A_1131 = arith.extui %sign3A_1130 : i1 to i32
    %sign3A_1132 = arith.subi %sign3A_1128, %sign3A_1131 : i32
    %sign3A_1133 = arith.constant 0 : i32
    %sign3A_1134 = arith.cmpi sgt, %jit3A_1124, %sign3A_1133 : i32
    %sign3A_1135 = arith.extui %sign3A_1134 : i1 to i32
    %sign3A_1136 = arith.constant 0 : i32
    %sign3A_1137 = arith.cmpi slt, %jit3A_1124, %sign3A_1136 : i32
    %sign3A_1138 = arith.extui %sign3A_1137 : i1 to i32
    %sign3A_1139 = arith.subi %sign3A_1135, %sign3A_1138 : i32
    %ne3A_1140 = arith.cmpi ne, %sign3A_1132, %sign3A_1139 : i32
    %rem3A_1141 = arith.remsi %squeeze3A_1123, %jit3A_1124 : i32
    %ne3A_1142 = arith.constant 0 : i32
    %ne3A_1143 = arith.cmpi ne, %rem3A_1141, %ne3A_1142 : i32
    %and3A_1144 = arith.andi %ne3A_1140, %ne3A_1143 : i1
    %sub3A_1145 = arith.constant 1 : i32
    %sub3A_1146 = arith.subi %div3A_1125, %sub3A_1145 : i32
    %select_n3A_1147 = arith.select %and3A_1144, %sub3A_1146, %div3A_1125 : i32
    %mul3A_1148 = arith.constant 128 : i32
    %mul3A_1149 = arith.muli %select_n3A_1147, %mul3A_1148 : i32
    %multiple_of3A_1150 = tpu.assume_multiple %mul3A_1149, 128 : i32
    %dma_start3A_1151 = arith.constant 1 : i32
    %dma_start3A_1152 = arith.constant 2 : i32
    %dma_start3A_1153 = arith.constant 0 : i32
    %dma_start3A_1154 = arith.constant 0 : i32
    %dma_start3A_1155 = tpu.memref_slice %arg8[%dma_start3A_1151, %dma_start3A_1152, %dma_start3A_1153, %dma_start3A_1154] : memref<2x8x32x128xf32, #tpu.memory_space<vmem>> -> memref<1x1x32x128xf32, #tpu.memory_space<vmem>>
    %dma_start3A_1156 = tpu.memref_squeeze %dma_start3A_1155 : memref<1x1x32x128xf32, #tpu.memory_space<vmem>> -> memref<32x128xf32, #tpu.memory_space<vmem>>
    %dma_start3A_1157 = arith.constant 0 : i32
    %dma_start3A_1158 = tpu.memref_slice %arg5[%dma_start3A_1157, %multiple_of3A_1150] : memref<32x1000000xf32, #tpu.memory_space<hbm>> -> memref<32x128xf32, #tpu.memory_space<hbm>>
    %dma_start3A_1159 = arith.constant 0 : i32
    %dma_start3A_1160 = arith.constant 0 : i32
    %dma_start3A_1161 = tpu.memref_slice %arg8[%dma_start3A_1151, %dma_start3A_1152, %dma_start3A_1159, %dma_start3A_1160] : memref<2x8x32x128xf32, #tpu.memory_space<vmem>> -> memref<1x1x32x128xf32, #tpu.memory_space<vmem>>
    %dma_start3A_1162 = tpu.memref_squeeze %dma_start3A_1161 : memref<1x1x32x128xf32, #tpu.memory_space<vmem>> -> memref<32x128xf32, #tpu.memory_space<vmem>>
    %dma_start3A_1163 = arith.constant 0 : i32
    %dma_start3A_1164 = tpu.memref_slice %arg5[%dma_start3A_1163, %multiple_of3A_1150] : memref<32x1000000xf32, #tpu.memory_space<hbm>> -> memref<32x128xf32, #tpu.memory_space<hbm>>
    tpu.enqueue_dma source(%dma_start3A_1164 : memref<32x128xf32, #tpu.memory_space<hbm>>) target(%dma_start3A_1162 : memref<32x128xf32, #tpu.memory_space<vmem>>) target_semaphore(%arg12 : memref<!tpu.dma_semaphore, #tpu.memory_space<semaphore_mem>>)
    %slice3A_1165 = vector.extract_strided_slice %get3A_691 {offsets = [11], sizes = [1], strides = [1]} : vector<16xi32> to vector<1xi32>
    %squeeze3A_1166 = vector.extract %slice3A_1165[0] : i32 from vector<1xi32>
    %jit3A_1167 = arith.constant 128 : i32
    %div3A_1168 = arith.divsi %squeeze3A_1166, %jit3A_1167 : i32
    %sign3A_1169 = arith.constant 0 : i32
    %sign3A_1170 = arith.cmpi sgt, %squeeze3A_1166, %sign3A_1169 : i32
    %sign3A_1171 = arith.extui %sign3A_1170 : i1 to i32
    %sign3A_1172 = arith.constant 0 : i32
    %sign3A_1173 = arith.cmpi slt, %squeeze3A_1166, %sign3A_1172 : i32
    %sign3A_1174 = arith.extui %sign3A_1173 : i1 to i32
    %sign3A_1175 = arith.subi %sign3A_1171, %sign3A_1174 : i32
    %sign3A_1176 = arith.constant 0 : i32
    %sign3A_1177 = arith.cmpi sgt, %jit3A_1167, %sign3A_1176 : i32
    %sign3A_1178 = arith.extui %sign3A_1177 : i1 to i32
    %sign3A_1179 = arith.constant 0 : i32
    %sign3A_1180 = arith.cmpi slt, %jit3A_1167, %sign3A_1179 : i32
    %sign3A_1181 = arith.extui %sign3A_1180 : i1 to i32
    %sign3A_1182 = arith.subi %sign3A_1178, %sign3A_1181 : i32
    %ne3A_1183 = arith.cmpi ne, %sign3A_1175, %sign3A_1182 : i32
    %rem3A_1184 = arith.remsi %squeeze3A_1166, %jit3A_1167 : i32
    %ne3A_1185 = arith.constant 0 : i32
    %ne3A_1186 = arith.cmpi ne, %rem3A_1184, %ne3A_1185 : i32
    %and3A_1187 = arith.andi %ne3A_1183, %ne3A_1186 : i1
    %sub3A_1188 = arith.constant 1 : i32
    %sub3A_1189 = arith.subi %div3A_1168, %sub3A_1188 : i32
    %select_n3A_1190 = arith.select %and3A_1187, %sub3A_1189, %div3A_1168 : i32
    %mul3A_1191 = arith.constant 128 : i32
    %mul3A_1192 = arith.muli %select_n3A_1190, %mul3A_1191 : i32
    %multiple_of3A_1193 = tpu.assume_multiple %mul3A_1192, 128 : i32
    %dma_start3A_1194 = arith.constant 1 : i32
    %dma_start3A_1195 = arith.constant 3 : i32
    %dma_start3A_1196 = arith.constant 0 : i32
    %dma_start3A_1197 = arith.constant 0 : i32
    %dma_start3A_1198 = tpu.memref_slice %arg8[%dma_start3A_1194, %dma_start3A_1195, %dma_start3A_1196, %dma_start3A_1197] : memref<2x8x32x128xf32, #tpu.memory_space<vmem>> -> memref<1x1x32x128xf32, #tpu.memory_space<vmem>>
    %dma_start3A_1199 = tpu.memref_squeeze %dma_start3A_1198 : memref<1x1x32x128xf32, #tpu.memory_space<vmem>> -> memref<32x128xf32, #tpu.memory_space<vmem>>
    %dma_start3A_1200 = arith.constant 0 : i32
    %dma_start3A_1201 = tpu.memref_slice %arg5[%dma_start3A_1200, %multiple_of3A_1193] : memref<32x1000000xf32, #tpu.memory_space<hbm>> -> memref<32x128xf32, #tpu.memory_space<hbm>>
    %dma_start3A_1202 = arith.constant 0 : i32
    %dma_start3A_1203 = arith.constant 0 : i32
    %dma_start3A_1204 = tpu.memref_slice %arg8[%dma_start3A_1194, %dma_start3A_1195, %dma_start3A_1202, %dma_start3A_1203] : memref<2x8x32x128xf32, #tpu.memory_space<vmem>> -> memref<1x1x32x128xf32, #tpu.memory_space<vmem>>
    %dma_start3A_1205 = tpu.memref_squeeze %dma_start3A_1204 : memref<1x1x32x128xf32, #tpu.memory_space<vmem>> -> memref<32x128xf32, #tpu.memory_space<vmem>>
    %dma_start3A_1206 = arith.constant 0 : i32
    %dma_start3A_1207 = tpu.memref_slice %arg5[%dma_start3A_1206, %multiple_of3A_1193] : memref<32x1000000xf32, #tpu.memory_space<hbm>> -> memref<32x128xf32, #tpu.memory_space<hbm>>
    tpu.enqueue_dma source(%dma_start3A_1207 : memref<32x128xf32, #tpu.memory_space<hbm>>) target(%dma_start3A_1205 : memref<32x128xf32, #tpu.memory_space<vmem>>) target_semaphore(%arg12 : memref<!tpu.dma_semaphore, #tpu.memory_space<semaphore_mem>>)
    %slice3A_1208 = vector.extract_strided_slice %get3A_691 {offsets = [12], sizes = [1], strides = [1]} : vector<16xi32> to vector<1xi32>
    %squeeze3A_1209 = vector.extract %slice3A_1208[0] : i32 from vector<1xi32>
    %jit3A_1210 = arith.constant 128 : i32
    %div3A_1211 = arith.divsi %squeeze3A_1209, %jit3A_1210 : i32
    %sign3A_1212 = arith.constant 0 : i32
    %sign3A_1213 = arith.cmpi sgt, %squeeze3A_1209, %sign3A_1212 : i32
    %sign3A_1214 = arith.extui %sign3A_1213 : i1 to i32
    %sign3A_1215 = arith.constant 0 : i32
    %sign3A_1216 = arith.cmpi slt, %squeeze3A_1209, %sign3A_1215 : i32
    %sign3A_1217 = arith.extui %sign3A_1216 : i1 to i32
    %sign3A_1218 = arith.subi %sign3A_1214, %sign3A_1217 : i32
    %sign3A_1219 = arith.constant 0 : i32
    %sign3A_1220 = arith.cmpi sgt, %jit3A_1210, %sign3A_1219 : i32
    %sign3A_1221 = arith.extui %sign3A_1220 : i1 to i32
    %sign3A_1222 = arith.constant 0 : i32
    %sign3A_1223 = arith.cmpi slt, %jit3A_1210, %sign3A_1222 : i32
    %sign3A_1224 = arith.extui %sign3A_1223 : i1 to i32
    %sign3A_1225 = arith.subi %sign3A_1221, %sign3A_1224 : i32
    %ne3A_1226 = arith.cmpi ne, %sign3A_1218, %sign3A_1225 : i32
    %rem3A_1227 = arith.remsi %squeeze3A_1209, %jit3A_1210 : i32
    %ne3A_1228 = arith.constant 0 : i32
    %ne3A_1229 = arith.cmpi ne, %rem3A_1227, %ne3A_1228 : i32
    %and3A_1230 = arith.andi %ne3A_1226, %ne3A_1229 : i1
    %sub3A_1231 = arith.constant 1 : i32
    %sub3A_1232 = arith.subi %div3A_1211, %sub3A_1231 : i32
    %select_n3A_1233 = arith.select %and3A_1230, %sub3A_1232, %div3A_1211 : i32
    %mul3A_1234 = arith.constant 128 : i32
    %mul3A_1235 = arith.muli %select_n3A_1233, %mul3A_1234 : i32
    %multiple_of3A_1236 = tpu.assume_multiple %mul3A_1235, 128 : i32
    %dma_start3A_1237 = arith.constant 1 : i32
    %dma_start3A_1238 = arith.constant 4 : i32
    %dma_start3A_1239 = arith.constant 0 : i32
    %dma_start3A_1240 = arith.constant 0 : i32
    %dma_start3A_1241 = tpu.memref_slice %arg8[%dma_start3A_1237, %dma_start3A_1238, %dma_start3A_1239, %dma_start3A_1240] : memref<2x8x32x128xf32, #tpu.memory_space<vmem>> -> memref<1x1x32x128xf32, #tpu.memory_space<vmem>>
    %dma_start3A_1242 = tpu.memref_squeeze %dma_start3A_1241 : memref<1x1x32x128xf32, #tpu.memory_space<vmem>> -> memref<32x128xf32, #tpu.memory_space<vmem>>
    %dma_start3A_1243 = arith.constant 0 : i32
    %dma_start3A_1244 = tpu.memref_slice %arg5[%dma_start3A_1243, %multiple_of3A_1236] : memref<32x1000000xf32, #tpu.memory_space<hbm>> -> memref<32x128xf32, #tpu.memory_space<hbm>>
    %dma_start3A_1245 = arith.constant 0 : i32
    %dma_start3A_1246 = arith.constant 0 : i32
    %dma_start3A_1247 = tpu.memref_slice %arg8[%dma_start3A_1237, %dma_start3A_1238, %dma_start3A_1245, %dma_start3A_1246] : memref<2x8x32x128xf32, #tpu.memory_space<vmem>> -> memref<1x1x32x128xf32, #tpu.memory_space<vmem>>
    %dma_start3A_1248 = tpu.memref_squeeze %dma_start3A_1247 : memref<1x1x32x128xf32, #tpu.memory_space<vmem>> -> memref<32x128xf32, #tpu.memory_space<vmem>>
    %dma_start3A_1249 = arith.constant 0 : i32
    %dma_start3A_1250 = tpu.memref_slice %arg5[%dma_start3A_1249, %multiple_of3A_1236] : memref<32x1000000xf32, #tpu.memory_space<hbm>> -> memref<32x128xf32, #tpu.memory_space<hbm>>
    tpu.enqueue_dma source(%dma_start3A_1250 : memref<32x128xf32, #tpu.memory_space<hbm>>) target(%dma_start3A_1248 : memref<32x128xf32, #tpu.memory_space<vmem>>) target_semaphore(%arg12 : memref<!tpu.dma_semaphore, #tpu.memory_space<semaphore_mem>>)
    %slice3A_1251 = vector.extract_strided_slice %get3A_691 {offsets = [13], sizes = [1], strides = [1]} : vector<16xi32> to vector<1xi32>
    %squeeze3A_1252 = vector.extract %slice3A_1251[0] : i32 from vector<1xi32>
    %jit3A_1253 = arith.constant 128 : i32
    %div3A_1254 = arith.divsi %squeeze3A_1252, %jit3A_1253 : i32
    %sign3A_1255 = arith.constant 0 : i32
    %sign3A_1256 = arith.cmpi sgt, %squeeze3A_1252, %sign3A_1255 : i32
    %sign3A_1257 = arith.extui %sign3A_1256 : i1 to i32
    %sign3A_1258 = arith.constant 0 : i32
    %sign3A_1259 = arith.cmpi slt, %squeeze3A_1252, %sign3A_1258 : i32
    %sign3A_1260 = arith.extui %sign3A_1259 : i1 to i32
    %sign3A_1261 = arith.subi %sign3A_1257, %sign3A_1260 : i32
    %sign3A_1262 = arith.constant 0 : i32
    %sign3A_1263 = arith.cmpi sgt, %jit3A_1253, %sign3A_1262 : i32
    %sign3A_1264 = arith.extui %sign3A_1263 : i1 to i32
    %sign3A_1265 = arith.constant 0 : i32
    %sign3A_1266 = arith.cmpi slt, %jit3A_1253, %sign3A_1265 : i32
    %sign3A_1267 = arith.extui %sign3A_1266 : i1 to i32
    %sign3A_1268 = arith.subi %sign3A_1264, %sign3A_1267 : i32
    %ne3A_1269 = arith.cmpi ne, %sign3A_1261, %sign3A_1268 : i32
    %rem3A_1270 = arith.remsi %squeeze3A_1252, %jit3A_1253 : i32
    %ne3A_1271 = arith.constant 0 : i32
    %ne3A_1272 = arith.cmpi ne, %rem3A_1270, %ne3A_1271 : i32
    %and3A_1273 = arith.andi %ne3A_1269, %ne3A_1272 : i1
    %sub3A_1274 = arith.constant 1 : i32
    %sub3A_1275 = arith.subi %div3A_1254, %sub3A_1274 : i32
    %select_n3A_1276 = arith.select %and3A_1273, %sub3A_1275, %div3A_1254 : i32
    %mul3A_1277 = arith.constant 128 : i32
    %mul3A_1278 = arith.muli %select_n3A_1276, %mul3A_1277 : i32
    %multiple_of3A_1279 = tpu.assume_multiple %mul3A_1278, 128 : i32
    %dma_start3A_1280 = arith.constant 1 : i32
    %dma_start3A_1281 = arith.constant 5 : i32
    %dma_start3A_1282 = arith.constant 0 : i32
    %dma_start3A_1283 = arith.constant 0 : i32
    %dma_start3A_1284 = tpu.memref_slice %arg8[%dma_start3A_1280, %dma_start3A_1281, %dma_start3A_1282, %dma_start3A_1283] : memref<2x8x32x128xf32, #tpu.memory_space<vmem>> -> memref<1x1x32x128xf32, #tpu.memory_space<vmem>>
    %dma_start3A_1285 = tpu.memref_squeeze %dma_start3A_1284 : memref<1x1x32x128xf32, #tpu.memory_space<vmem>> -> memref<32x128xf32, #tpu.memory_space<vmem>>
    %dma_start3A_1286 = arith.constant 0 : i32
    %dma_start3A_1287 = tpu.memref_slice %arg5[%dma_start3A_1286, %multiple_of3A_1279] : memref<32x1000000xf32, #tpu.memory_space<hbm>> -> memref<32x128xf32, #tpu.memory_space<hbm>>
    %dma_start3A_1288 = arith.constant 0 : i32
    %dma_start3A_1289 = arith.constant 0 : i32
    %dma_start3A_1290 = tpu.memref_slice %arg8[%dma_start3A_1280, %dma_start3A_1281, %dma_start3A_1288, %dma_start3A_1289] : memref<2x8x32x128xf32, #tpu.memory_space<vmem>> -> memref<1x1x32x128xf32, #tpu.memory_space<vmem>>
    %dma_start3A_1291 = tpu.memref_squeeze %dma_start3A_1290 : memref<1x1x32x128xf32, #tpu.memory_space<vmem>> -> memref<32x128xf32, #tpu.memory_space<vmem>>
    %dma_start3A_1292 = arith.constant 0 : i32
    %dma_start3A_1293 = tpu.memref_slice %arg5[%dma_start3A_1292, %multiple_of3A_1279] : memref<32x1000000xf32, #tpu.memory_space<hbm>> -> memref<32x128xf32, #tpu.memory_space<hbm>>
    tpu.enqueue_dma source(%dma_start3A_1293 : memref<32x128xf32, #tpu.memory_space<hbm>>) target(%dma_start3A_1291 : memref<32x128xf32, #tpu.memory_space<vmem>>) target_semaphore(%arg12 : memref<!tpu.dma_semaphore, #tpu.memory_space<semaphore_mem>>)
    %slice3A_1294 = vector.extract_strided_slice %get3A_691 {offsets = [14], sizes = [1], strides = [1]} : vector<16xi32> to vector<1xi32>
    %squeeze3A_1295 = vector.extract %slice3A_1294[0] : i32 from vector<1xi32>
    %jit3A_1296 = arith.constant 128 : i32
    %div3A_1297 = arith.divsi %squeeze3A_1295, %jit3A_1296 : i32
    %sign3A_1298 = arith.constant 0 : i32
    %sign3A_1299 = arith.cmpi sgt, %squeeze3A_1295, %sign3A_1298 : i32
    %sign3A_1300 = arith.extui %sign3A_1299 : i1 to i32
    %sign3A_1301 = arith.constant 0 : i32
    %sign3A_1302 = arith.cmpi slt, %squeeze3A_1295, %sign3A_1301 : i32
    %sign3A_1303 = arith.extui %sign3A_1302 : i1 to i32
    %sign3A_1304 = arith.subi %sign3A_1300, %sign3A_1303 : i32
    %sign3A_1305 = arith.constant 0 : i32
    %sign3A_1306 = arith.cmpi sgt, %jit3A_1296, %sign3A_1305 : i32
    %sign3A_1307 = arith.extui %sign3A_1306 : i1 to i32
    %sign3A_1308 = arith.constant 0 : i32
    %sign3A_1309 = arith.cmpi slt, %jit3A_1296, %sign3A_1308 : i32
    %sign3A_1310 = arith.extui %sign3A_1309 : i1 to i32
    %sign3A_1311 = arith.subi %sign3A_1307, %sign3A_1310 : i32
    %ne3A_1312 = arith.cmpi ne, %sign3A_1304, %sign3A_1311 : i32
    %rem3A_1313 = arith.remsi %squeeze3A_1295, %jit3A_1296 : i32
    %ne3A_1314 = arith.constant 0 : i32
    %ne3A_1315 = arith.cmpi ne, %rem3A_1313, %ne3A_1314 : i32
    %and3A_1316 = arith.andi %ne3A_1312, %ne3A_1315 : i1
    %sub3A_1317 = arith.constant 1 : i32
    %sub3A_1318 = arith.subi %div3A_1297, %sub3A_1317 : i32
    %select_n3A_1319 = arith.select %and3A_1316, %sub3A_1318, %div3A_1297 : i32
    %mul3A_1320 = arith.constant 128 : i32
    %mul3A_1321 = arith.muli %select_n3A_1319, %mul3A_1320 : i32
    %multiple_of3A_1322 = tpu.assume_multiple %mul3A_1321, 128 : i32
    %dma_start3A_1323 = arith.constant 1 : i32
    %dma_start3A_1324 = arith.constant 6 : i32
    %dma_start3A_1325 = arith.constant 0 : i32
    %dma_start3A_1326 = arith.constant 0 : i32
    %dma_start3A_1327 = tpu.memref_slice %arg8[%dma_start3A_1323, %dma_start3A_1324, %dma_start3A_1325, %dma_start3A_1326] : memref<2x8x32x128xf32, #tpu.memory_space<vmem>> -> memref<1x1x32x128xf32, #tpu.memory_space<vmem>>
    %dma_start3A_1328 = tpu.memref_squeeze %dma_start3A_1327 : memref<1x1x32x128xf32, #tpu.memory_space<vmem>> -> memref<32x128xf32, #tpu.memory_space<vmem>>
    %dma_start3A_1329 = arith.constant 0 : i32
    %dma_start3A_1330 = tpu.memref_slice %arg5[%dma_start3A_1329, %multiple_of3A_1322] : memref<32x1000000xf32, #tpu.memory_space<hbm>> -> memref<32x128xf32, #tpu.memory_space<hbm>>
    %dma_start3A_1331 = arith.constant 0 : i32
    %dma_start3A_1332 = arith.constant 0 : i32
    %dma_start3A_1333 = tpu.memref_slice %arg8[%dma_start3A_1323, %dma_start3A_1324, %dma_start3A_1331, %dma_start3A_1332] : memref<2x8x32x128xf32, #tpu.memory_space<vmem>> -> memref<1x1x32x128xf32, #tpu.memory_space<vmem>>
    %dma_start3A_1334 = tpu.memref_squeeze %dma_start3A_1333 : memref<1x1x32x128xf32, #tpu.memory_space<vmem>> -> memref<32x128xf32, #tpu.memory_space<vmem>>
    %dma_start3A_1335 = arith.constant 0 : i32
    %dma_start3A_1336 = tpu.memref_slice %arg5[%dma_start3A_1335, %multiple_of3A_1322] : memref<32x1000000xf32, #tpu.memory_space<hbm>> -> memref<32x128xf32, #tpu.memory_space<hbm>>
    tpu.enqueue_dma source(%dma_start3A_1336 : memref<32x128xf32, #tpu.memory_space<hbm>>) target(%dma_start3A_1334 : memref<32x128xf32, #tpu.memory_space<vmem>>) target_semaphore(%arg12 : memref<!tpu.dma_semaphore, #tpu.memory_space<semaphore_mem>>)
    %slice3A_1337 = vector.extract_strided_slice %get3A_691 {offsets = [15], sizes = [1], strides = [1]} : vector<16xi32> to vector<1xi32>
    %squeeze3A_1338 = vector.extract %slice3A_1337[0] : i32 from vector<1xi32>
    %jit3A_1339 = arith.constant 128 : i32
    %div3A_1340 = arith.divsi %squeeze3A_1338, %jit3A_1339 : i32
    %sign3A_1341 = arith.constant 0 : i32
    %sign3A_1342 = arith.cmpi sgt, %squeeze3A_1338, %sign3A_1341 : i32
    %sign3A_1343 = arith.extui %sign3A_1342 : i1 to i32
    %sign3A_1344 = arith.constant 0 : i32
    %sign3A_1345 = arith.cmpi slt, %squeeze3A_1338, %sign3A_1344 : i32
    %sign3A_1346 = arith.extui %sign3A_1345 : i1 to i32
    %sign3A_1347 = arith.subi %sign3A_1343, %sign3A_1346 : i32
    %sign3A_1348 = arith.constant 0 : i32
    %sign3A_1349 = arith.cmpi sgt, %jit3A_1339, %sign3A_1348 : i32
    %sign3A_1350 = arith.extui %sign3A_1349 : i1 to i32
    %sign3A_1351 = arith.constant 0 : i32
    %sign3A_1352 = arith.cmpi slt, %jit3A_1339, %sign3A_1351 : i32
    %sign3A_1353 = arith.extui %sign3A_1352 : i1 to i32
    %sign3A_1354 = arith.subi %sign3A_1350, %sign3A_1353 : i32
    %ne3A_1355 = arith.cmpi ne, %sign3A_1347, %sign3A_1354 : i32
    %rem3A_1356 = arith.remsi %squeeze3A_1338, %jit3A_1339 : i32
    %ne3A_1357 = arith.constant 0 : i32
    %ne3A_1358 = arith.cmpi ne, %rem3A_1356, %ne3A_1357 : i32
    %and3A_1359 = arith.andi %ne3A_1355, %ne3A_1358 : i1
    %sub3A_1360 = arith.constant 1 : i32
    %sub3A_1361 = arith.subi %div3A_1340, %sub3A_1360 : i32
    %select_n3A_1362 = arith.select %and3A_1359, %sub3A_1361, %div3A_1340 : i32
    %mul3A_1363 = arith.constant 128 : i32
    %mul3A_1364 = arith.muli %select_n3A_1362, %mul3A_1363 : i32
    %multiple_of3A_1365 = tpu.assume_multiple %mul3A_1364, 128 : i32
    %dma_start3A_1366 = arith.constant 1 : i32
    %dma_start3A_1367 = arith.constant 7 : i32
    %dma_start3A_1368 = arith.constant 0 : i32
    %dma_start3A_1369 = arith.constant 0 : i32
    %dma_start3A_1370 = tpu.memref_slice %arg8[%dma_start3A_1366, %dma_start3A_1367, %dma_start3A_1368, %dma_start3A_1369] : memref<2x8x32x128xf32, #tpu.memory_space<vmem>> -> memref<1x1x32x128xf32, #tpu.memory_space<vmem>>
    %dma_start3A_1371 = tpu.memref_squeeze %dma_start3A_1370 : memref<1x1x32x128xf32, #tpu.memory_space<vmem>> -> memref<32x128xf32, #tpu.memory_space<vmem>>
    %dma_start3A_1372 = arith.constant 0 : i32
    %dma_start3A_1373 = tpu.memref_slice %arg5[%dma_start3A_1372, %multiple_of3A_1365] : memref<32x1000000xf32, #tpu.memory_space<hbm>> -> memref<32x128xf32, #tpu.memory_space<hbm>>
    %dma_start3A_1374 = arith.constant 0 : i32
    %dma_start3A_1375 = arith.constant 0 : i32
    %dma_start3A_1376 = tpu.memref_slice %arg8[%dma_start3A_1366, %dma_start3A_1367, %dma_start3A_1374, %dma_start3A_1375] : memref<2x8x32x128xf32, #tpu.memory_space<vmem>> -> memref<1x1x32x128xf32, #tpu.memory_space<vmem>>
    %dma_start3A_1377 = tpu.memref_squeeze %dma_start3A_1376 : memref<1x1x32x128xf32, #tpu.memory_space<vmem>> -> memref<32x128xf32, #tpu.memory_space<vmem>>
    %dma_start3A_1378 = arith.constant 0 : i32
    %dma_start3A_1379 = tpu.memref_slice %arg5[%dma_start3A_1378, %multiple_of3A_1365] : memref<32x1000000xf32, #tpu.memory_space<hbm>> -> memref<32x128xf32, #tpu.memory_space<hbm>>
    tpu.enqueue_dma source(%dma_start3A_1379 : memref<32x128xf32, #tpu.memory_space<hbm>>) target(%dma_start3A_1377 : memref<32x128xf32, #tpu.memory_space<vmem>>) target_semaphore(%arg12 : memref<!tpu.dma_semaphore, #tpu.memory_space<semaphore_mem>>)
    %scan3A_1380 = arith.constant 0 : i32
    %scan3A_1381 = arith.constant 0 : i32
    %scan3A_1382 = arith.constant 32 : i32
    %scan3A_1383 = arith.addi %scan3A_1381, %scan3A_1382 : i32
    %scan3A_1384 = arith.constant 1 : i32
    scf.for %scan3A_1386 = %scan3A_1381 to %scan3A_1383 step %scan3A_1384  : i32 {
      %dma_wait3A = arith.constant 0 : i32
      %dma_wait3A_1387 = arith.constant 0 : i32
      %dma_wait3A_1388 = arith.constant 0 : i32
      %dma_wait3A_1389 = arith.constant 0 : i32
      %dma_wait3A_1390 = tpu.memref_slice %arg8[%dma_wait3A, %dma_wait3A_1387, %dma_wait3A_1388, %dma_wait3A_1389] : memref<2x8x32x128xf32, #tpu.memory_space<vmem>> -> memref<1x1x32x128xf32, #tpu.memory_space<vmem>>
      %dma_wait3A_1391 = tpu.memref_squeeze %dma_wait3A_1390 : memref<1x1x32x128xf32, #tpu.memory_space<vmem>> -> memref<32x128xf32, #tpu.memory_space<vmem>>
      %dma_wait3A_1392 = arith.constant 0 : i32
      %dma_wait3A_1393 = arith.constant 0 : i32
      %dma_wait3A_1394 = tpu.memref_slice %arg5[%dma_wait3A_1392, %dma_wait3A_1393] : memref<32x1000000xf32, #tpu.memory_space<hbm>> -> memref<32x128xf32, #tpu.memory_space<hbm>>
      %dma_wait3A_1395 = arith.constant 0 : i32
      %dma_wait3A_1396 = arith.constant 0 : i32
      %dma_wait3A_1397 = tpu.memref_slice %arg8[%dma_wait3A, %dma_wait3A_1387, %dma_wait3A_1395, %dma_wait3A_1396] : memref<2x8x32x128xf32, #tpu.memory_space<vmem>> -> memref<1x1x32x128xf32, #tpu.memory_space<vmem>>
      %dma_wait3A_1398 = tpu.memref_squeeze %dma_wait3A_1397 : memref<1x1x32x128xf32, #tpu.memory_space<vmem>> -> memref<32x128xf32, #tpu.memory_space<vmem>>
      %dma_wait3A_1399 = arith.constant 0 : i32
      %dma_wait3A_1400 = arith.constant 0 : i32
      %dma_wait3A_1401 = tpu.memref_slice %arg5[%dma_wait3A_1399, %dma_wait3A_1400] : memref<32x1000000xf32, #tpu.memory_space<hbm>> -> memref<32x128xf32, #tpu.memory_space<hbm>>
      tpu.wait_dma2 semaphore(%arg11 : memref<!tpu.dma_semaphore, #tpu.memory_space<semaphore_mem>>) src(%dma_wait3A_1401 : memref<32x128xf32, #tpu.memory_space<hbm>>) dst(%dma_wait3A_1398 : memref<32x128xf32, #tpu.memory_space<vmem>>)
      %dma_wait3A_1402 = arith.constant 0 : i32
      %dma_wait3A_1403 = arith.constant 1 : i32
      %dma_wait3A_1404 = arith.constant 0 : i32
      %dma_wait3A_1405 = arith.constant 0 : i32
      %dma_wait3A_1406 = tpu.memref_slice %arg8[%dma_wait3A_1402, %dma_wait3A_1403, %dma_wait3A_1404, %dma_wait3A_1405] : memref<2x8x32x128xf32, #tpu.memory_space<vmem>> -> memref<1x1x32x128xf32, #tpu.memory_space<vmem>>
      %dma_wait3A_1407 = tpu.memref_squeeze %dma_wait3A_1406 : memref<1x1x32x128xf32, #tpu.memory_space<vmem>> -> memref<32x128xf32, #tpu.memory_space<vmem>>
      %dma_wait3A_1408 = arith.constant 0 : i32
      %dma_wait3A_1409 = arith.constant 0 : i32
      %dma_wait3A_1410 = tpu.memref_slice %arg5[%dma_wait3A_1408, %dma_wait3A_1409] : memref<32x1000000xf32, #tpu.memory_space<hbm>> -> memref<32x128xf32, #tpu.memory_space<hbm>>
      %dma_wait3A_1411 = arith.constant 0 : i32
      %dma_wait3A_1412 = arith.constant 0 : i32
      %dma_wait3A_1413 = tpu.memref_slice %arg8[%dma_wait3A_1402, %dma_wait3A_1403, %dma_wait3A_1411, %dma_wait3A_1412] : memref<2x8x32x128xf32, #tpu.memory_space<vmem>> -> memref<1x1x32x128xf32, #tpu.memory_space<vmem>>
      %dma_wait3A_1414 = tpu.memref_squeeze %dma_wait3A_1413 : memref<1x1x32x128xf32, #tpu.memory_space<vmem>> -> memref<32x128xf32, #tpu.memory_space<vmem>>
      %dma_wait3A_1415 = arith.constant 0 : i32
      %dma_wait3A_1416 = arith.constant 0 : i32
      %dma_wait3A_1417 = tpu.memref_slice %arg5[%dma_wait3A_1415, %dma_wait3A_1416] : memref<32x1000000xf32, #tpu.memory_space<hbm>> -> memref<32x128xf32, #tpu.memory_space<hbm>>
      tpu.wait_dma2 semaphore(%arg11 : memref<!tpu.dma_semaphore, #tpu.memory_space<semaphore_mem>>) src(%dma_wait3A_1417 : memref<32x128xf32, #tpu.memory_space<hbm>>) dst(%dma_wait3A_1414 : memref<32x128xf32, #tpu.memory_space<vmem>>)
      %dma_wait3A_1418 = arith.constant 0 : i32
      %dma_wait3A_1419 = arith.constant 2 : i32
      %dma_wait3A_1420 = arith.constant 0 : i32
      %dma_wait3A_1421 = arith.constant 0 : i32
      %dma_wait3A_1422 = tpu.memref_slice %arg8[%dma_wait3A_1418, %dma_wait3A_1419, %dma_wait3A_1420, %dma_wait3A_1421] : memref<2x8x32x128xf32, #tpu.memory_space<vmem>> -> memref<1x1x32x128xf32, #tpu.memory_space<vmem>>
      %dma_wait3A_1423 = tpu.memref_squeeze %dma_wait3A_1422 : memref<1x1x32x128xf32, #tpu.memory_space<vmem>> -> memref<32x128xf32, #tpu.memory_space<vmem>>
      %dma_wait3A_1424 = arith.constant 0 : i32
      %dma_wait3A_1425 = arith.constant 0 : i32
      %dma_wait3A_1426 = tpu.memref_slice %arg5[%dma_wait3A_1424, %dma_wait3A_1425] : memref<32x1000000xf32, #tpu.memory_space<hbm>> -> memref<32x128xf32, #tpu.memory_space<hbm>>
      %dma_wait3A_1427 = arith.constant 0 : i32
      %dma_wait3A_1428 = arith.constant 0 : i32
      %dma_wait3A_1429 = tpu.memref_slice %arg8[%dma_wait3A_1418, %dma_wait3A_1419, %dma_wait3A_1427, %dma_wait3A_1428] : memref<2x8x32x128xf32, #tpu.memory_space<vmem>> -> memref<1x1x32x128xf32, #tpu.memory_space<vmem>>
      %dma_wait3A_1430 = tpu.memref_squeeze %dma_wait3A_1429 : memref<1x1x32x128xf32, #tpu.memory_space<vmem>> -> memref<32x128xf32, #tpu.memory_space<vmem>>
      %dma_wait3A_1431 = arith.constant 0 : i32
      %dma_wait3A_1432 = arith.constant 0 : i32
      %dma_wait3A_1433 = tpu.memref_slice %arg5[%dma_wait3A_1431, %dma_wait3A_1432] : memref<32x1000000xf32, #tpu.memory_space<hbm>> -> memref<32x128xf32, #tpu.memory_space<hbm>>
      tpu.wait_dma2 semaphore(%arg11 : memref<!tpu.dma_semaphore, #tpu.memory_space<semaphore_mem>>) src(%dma_wait3A_1433 : memref<32x128xf32, #tpu.memory_space<hbm>>) dst(%dma_wait3A_1430 : memref<32x128xf32, #tpu.memory_space<vmem>>)
      %dma_wait3A_1434 = arith.constant 0 : i32
      %dma_wait3A_1435 = arith.constant 3 : i32
      %dma_wait3A_1436 = arith.constant 0 : i32
      %dma_wait3A_1437 = arith.constant 0 : i32
      %dma_wait3A_1438 = tpu.memref_slice %arg8[%dma_wait3A_1434, %dma_wait3A_1435, %dma_wait3A_1436, %dma_wait3A_1437] : memref<2x8x32x128xf32, #tpu.memory_space<vmem>> -> memref<1x1x32x128xf32, #tpu.memory_space<vmem>>
      %dma_wait3A_1439 = tpu.memref_squeeze %dma_wait3A_1438 : memref<1x1x32x128xf32, #tpu.memory_space<vmem>> -> memref<32x128xf32, #tpu.memory_space<vmem>>
      %dma_wait3A_1440 = arith.constant 0 : i32
      %dma_wait3A_1441 = arith.constant 0 : i32
      %dma_wait3A_1442 = tpu.memref_slice %arg5[%dma_wait3A_1440, %dma_wait3A_1441] : memref<32x1000000xf32, #tpu.memory_space<hbm>> -> memref<32x128xf32, #tpu.memory_space<hbm>>
      %dma_wait3A_1443 = arith.constant 0 : i32
      %dma_wait3A_1444 = arith.constant 0 : i32
      %dma_wait3A_1445 = tpu.memref_slice %arg8[%dma_wait3A_1434, %dma_wait3A_1435, %dma_wait3A_1443, %dma_wait3A_1444] : memref<2x8x32x128xf32, #tpu.memory_space<vmem>> -> memref<1x1x32x128xf32, #tpu.memory_space<vmem>>
      %dma_wait3A_1446 = tpu.memref_squeeze %dma_wait3A_1445 : memref<1x1x32x128xf32, #tpu.memory_space<vmem>> -> memref<32x128xf32, #tpu.memory_space<vmem>>
      %dma_wait3A_1447 = arith.constant 0 : i32
      %dma_wait3A_1448 = arith.constant 0 : i32
      %dma_wait3A_1449 = tpu.memref_slice %arg5[%dma_wait3A_1447, %dma_wait3A_1448] : memref<32x1000000xf32, #tpu.memory_space<hbm>> -> memref<32x128xf32, #tpu.memory_space<hbm>>
      tpu.wait_dma2 semaphore(%arg11 : memref<!tpu.dma_semaphore, #tpu.memory_space<semaphore_mem>>) src(%dma_wait3A_1449 : memref<32x128xf32, #tpu.memory_space<hbm>>) dst(%dma_wait3A_1446 : memref<32x128xf32, #tpu.memory_space<vmem>>)
      %dma_wait3A_1450 = arith.constant 0 : i32
      %dma_wait3A_1451 = arith.constant 4 : i32
      %dma_wait3A_1452 = arith.constant 0 : i32
      %dma_wait3A_1453 = arith.constant 0 : i32
      %dma_wait3A_1454 = tpu.memref_slice %arg8[%dma_wait3A_1450, %dma_wait3A_1451, %dma_wait3A_1452, %dma_wait3A_1453] : memref<2x8x32x128xf32, #tpu.memory_space<vmem>> -> memref<1x1x32x128xf32, #tpu.memory_space<vmem>>
      %dma_wait3A_1455 = tpu.memref_squeeze %dma_wait3A_1454 : memref<1x1x32x128xf32, #tpu.memory_space<vmem>> -> memref<32x128xf32, #tpu.memory_space<vmem>>
      %dma_wait3A_1456 = arith.constant 0 : i32
      %dma_wait3A_1457 = arith.constant 0 : i32
      %dma_wait3A_1458 = tpu.memref_slice %arg5[%dma_wait3A_1456, %dma_wait3A_1457] : memref<32x1000000xf32, #tpu.memory_space<hbm>> -> memref<32x128xf32, #tpu.memory_space<hbm>>
      %dma_wait3A_1459 = arith.constant 0 : i32
      %dma_wait3A_1460 = arith.constant 0 : i32
      %dma_wait3A_1461 = tpu.memref_slice %arg8[%dma_wait3A_1450, %dma_wait3A_1451, %dma_wait3A_1459, %dma_wait3A_1460] : memref<2x8x32x128xf32, #tpu.memory_space<vmem>> -> memref<1x1x32x128xf32, #tpu.memory_space<vmem>>
      %dma_wait3A_1462 = tpu.memref_squeeze %dma_wait3A_1461 : memref<1x1x32x128xf32, #tpu.memory_space<vmem>> -> memref<32x128xf32, #tpu.memory_space<vmem>>
      %dma_wait3A_1463 = arith.constant 0 : i32
      %dma_wait3A_1464 = arith.constant 0 : i32
      %dma_wait3A_1465 = tpu.memref_slice %arg5[%dma_wait3A_1463, %dma_wait3A_1464] : memref<32x1000000xf32, #tpu.memory_space<hbm>> -> memref<32x128xf32, #tpu.memory_space<hbm>>
      tpu.wait_dma2 semaphore(%arg11 : memref<!tpu.dma_semaphore, #tpu.memory_space<semaphore_mem>>) src(%dma_wait3A_1465 : memref<32x128xf32, #tpu.memory_space<hbm>>) dst(%dma_wait3A_1462 : memref<32x128xf32, #tpu.memory_space<vmem>>)
      %dma_wait3A_1466 = arith.constant 0 : i32
      %dma_wait3A_1467 = arith.constant 5 : i32
      %dma_wait3A_1468 = arith.constant 0 : i32
      %dma_wait3A_1469 = arith.constant 0 : i32
      %dma_wait3A_1470 = tpu.memref_slice %arg8[%dma_wait3A_1466, %dma_wait3A_1467, %dma_wait3A_1468, %dma_wait3A_1469] : memref<2x8x32x128xf32, #tpu.memory_space<vmem>> -> memref<1x1x32x128xf32, #tpu.memory_space<vmem>>
      %dma_wait3A_1471 = tpu.memref_squeeze %dma_wait3A_1470 : memref<1x1x32x128xf32, #tpu.memory_space<vmem>> -> memref<32x128xf32, #tpu.memory_space<vmem>>
      %dma_wait3A_1472 = arith.constant 0 : i32
      %dma_wait3A_1473 = arith.constant 0 : i32
      %dma_wait3A_1474 = tpu.memref_slice %arg5[%dma_wait3A_1472, %dma_wait3A_1473] : memref<32x1000000xf32, #tpu.memory_space<hbm>> -> memref<32x128xf32, #tpu.memory_space<hbm>>
      %dma_wait3A_1475 = arith.constant 0 : i32
      %dma_wait3A_1476 = arith.constant 0 : i32
      %dma_wait3A_1477 = tpu.memref_slice %arg8[%dma_wait3A_1466, %dma_wait3A_1467, %dma_wait3A_1475, %dma_wait3A_1476] : memref<2x8x32x128xf32, #tpu.memory_space<vmem>> -> memref<1x1x32x128xf32, #tpu.memory_space<vmem>>
      %dma_wait3A_1478 = tpu.memref_squeeze %dma_wait3A_1477 : memref<1x1x32x128xf32, #tpu.memory_space<vmem>> -> memref<32x128xf32, #tpu.memory_space<vmem>>
      %dma_wait3A_1479 = arith.constant 0 : i32
      %dma_wait3A_1480 = arith.constant 0 : i32
      %dma_wait3A_1481 = tpu.memref_slice %arg5[%dma_wait3A_1479, %dma_wait3A_1480] : memref<32x1000000xf32, #tpu.memory_space<hbm>> -> memref<32x128xf32, #tpu.memory_space<hbm>>
      tpu.wait_dma2 semaphore(%arg11 : memref<!tpu.dma_semaphore, #tpu.memory_space<semaphore_mem>>) src(%dma_wait3A_1481 : memref<32x128xf32, #tpu.memory_space<hbm>>) dst(%dma_wait3A_1478 : memref<32x128xf32, #tpu.memory_space<vmem>>)
      %dma_wait3A_1482 = arith.constant 0 : i32
      %dma_wait3A_1483 = arith.constant 6 : i32
      %dma_wait3A_1484 = arith.constant 0 : i32
      %dma_wait3A_1485 = arith.constant 0 : i32
      %dma_wait3A_1486 = tpu.memref_slice %arg8[%dma_wait3A_1482, %dma_wait3A_1483, %dma_wait3A_1484, %dma_wait3A_1485] : memref<2x8x32x128xf32, #tpu.memory_space<vmem>> -> memref<1x1x32x128xf32, #tpu.memory_space<vmem>>
      %dma_wait3A_1487 = tpu.memref_squeeze %dma_wait3A_1486 : memref<1x1x32x128xf32, #tpu.memory_space<vmem>> -> memref<32x128xf32, #tpu.memory_space<vmem>>
      %dma_wait3A_1488 = arith.constant 0 : i32
      %dma_wait3A_1489 = arith.constant 0 : i32
      %dma_wait3A_1490 = tpu.memref_slice %arg5[%dma_wait3A_1488, %dma_wait3A_1489] : memref<32x1000000xf32, #tpu.memory_space<hbm>> -> memref<32x128xf32, #tpu.memory_space<hbm>>
      %dma_wait3A_1491 = arith.constant 0 : i32
      %dma_wait3A_1492 = arith.constant 0 : i32
      %dma_wait3A_1493 = tpu.memref_slice %arg8[%dma_wait3A_1482, %dma_wait3A_1483, %dma_wait3A_1491, %dma_wait3A_1492] : memref<2x8x32x128xf32, #tpu.memory_space<vmem>> -> memref<1x1x32x128xf32, #tpu.memory_space<vmem>>
      %dma_wait3A_1494 = tpu.memref_squeeze %dma_wait3A_1493 : memref<1x1x32x128xf32, #tpu.memory_space<vmem>> -> memref<32x128xf32, #tpu.memory_space<vmem>>
      %dma_wait3A_1495 = arith.constant 0 : i32
      %dma_wait3A_1496 = arith.constant 0 : i32
      %dma_wait3A_1497 = tpu.memref_slice %arg5[%dma_wait3A_1495, %dma_wait3A_1496] : memref<32x1000000xf32, #tpu.memory_space<hbm>> -> memref<32x128xf32, #tpu.memory_space<hbm>>
      tpu.wait_dma2 semaphore(%arg11 : memref<!tpu.dma_semaphore, #tpu.memory_space<semaphore_mem>>) src(%dma_wait3A_1497 : memref<32x128xf32, #tpu.memory_space<hbm>>) dst(%dma_wait3A_1494 : memref<32x128xf32, #tpu.memory_space<vmem>>)
      %dma_wait3A_1498 = arith.constant 0 : i32
      %dma_wait3A_1499 = arith.constant 7 : i32
      %dma_wait3A_1500 = arith.constant 0 : i32
      %dma_wait3A_1501 = arith.constant 0 : i32
      %dma_wait3A_1502 = tpu.memref_slice %arg8[%dma_wait3A_1498, %dma_wait3A_1499, %dma_wait3A_1500, %dma_wait3A_1501] : memref<2x8x32x128xf32, #tpu.memory_space<vmem>> -> memref<1x1x32x128xf32, #tpu.memory_space<vmem>>
      %dma_wait3A_1503 = tpu.memref_squeeze %dma_wait3A_1502 : memref<1x1x32x128xf32, #tpu.memory_space<vmem>> -> memref<32x128xf32, #tpu.memory_space<vmem>>
      %dma_wait3A_1504 = arith.constant 0 : i32
      %dma_wait3A_1505 = arith.constant 0 : i32
      %dma_wait3A_1506 = tpu.memref_slice %arg5[%dma_wait3A_1504, %dma_wait3A_1505] : memref<32x1000000xf32, #tpu.memory_space<hbm>> -> memref<32x128xf32, #tpu.memory_space<hbm>>
      %dma_wait3A_1507 = arith.constant 0 : i32
      %dma_wait3A_1508 = arith.constant 0 : i32
      %dma_wait3A_1509 = tpu.memref_slice %arg8[%dma_wait3A_1498, %dma_wait3A_1499, %dma_wait3A_1507, %dma_wait3A_1508] : memref<2x8x32x128xf32, #tpu.memory_space<vmem>> -> memref<1x1x32x128xf32, #tpu.memory_space<vmem>>
      %dma_wait3A_1510 = tpu.memref_squeeze %dma_wait3A_1509 : memref<1x1x32x128xf32, #tpu.memory_space<vmem>> -> memref<32x128xf32, #tpu.memory_space<vmem>>
      %dma_wait3A_1511 = arith.constant 0 : i32
      %dma_wait3A_1512 = arith.constant 0 : i32
      %dma_wait3A_1513 = tpu.memref_slice %arg5[%dma_wait3A_1511, %dma_wait3A_1512] : memref<32x1000000xf32, #tpu.memory_space<hbm>> -> memref<32x128xf32, #tpu.memory_space<hbm>>
      tpu.wait_dma2 semaphore(%arg11 : memref<!tpu.dma_semaphore, #tpu.memory_space<semaphore_mem>>) src(%dma_wait3A_1513 : memref<32x128xf32, #tpu.memory_space<hbm>>) dst(%dma_wait3A_1510 : memref<32x128xf32, #tpu.memory_space<vmem>>)
      %dma_wait3A_1514 = arith.constant 1 : i32
      %dma_wait3A_1515 = arith.constant 0 : i32
      %dma_wait3A_1516 = arith.constant 0 : i32
      %dma_wait3A_1517 = arith.constant 0 : i32
      %dma_wait3A_1518 = tpu.memref_slice %arg8[%dma_wait3A_1514, %dma_wait3A_1515, %dma_wait3A_1516, %dma_wait3A_1517] : memref<2x8x32x128xf32, #tpu.memory_space<vmem>> -> memref<1x1x32x128xf32, #tpu.memory_space<vmem>>
      %dma_wait3A_1519 = tpu.memref_squeeze %dma_wait3A_1518 : memref<1x1x32x128xf32, #tpu.memory_space<vmem>> -> memref<32x128xf32, #tpu.memory_space<vmem>>
      %dma_wait3A_1520 = arith.constant 0 : i32
      %dma_wait3A_1521 = arith.constant 0 : i32
      %dma_wait3A_1522 = tpu.memref_slice %arg5[%dma_wait3A_1520, %dma_wait3A_1521] : memref<32x1000000xf32, #tpu.memory_space<hbm>> -> memref<32x128xf32, #tpu.memory_space<hbm>>
      %dma_wait3A_1523 = arith.constant 0 : i32
      %dma_wait3A_1524 = arith.constant 0 : i32
      %dma_wait3A_1525 = tpu.memref_slice %arg8[%dma_wait3A_1514, %dma_wait3A_1515, %dma_wait3A_1523, %dma_wait3A_1524] : memref<2x8x32x128xf32, #tpu.memory_space<vmem>> -> memref<1x1x32x128xf32, #tpu.memory_space<vmem>>
      %dma_wait3A_1526 = tpu.memref_squeeze %dma_wait3A_1525 : memref<1x1x32x128xf32, #tpu.memory_space<vmem>> -> memref<32x128xf32, #tpu.memory_space<vmem>>
      %dma_wait3A_1527 = arith.constant 0 : i32
      %dma_wait3A_1528 = arith.constant 0 : i32
      %dma_wait3A_1529 = tpu.memref_slice %arg5[%dma_wait3A_1527, %dma_wait3A_1528] : memref<32x1000000xf32, #tpu.memory_space<hbm>> -> memref<32x128xf32, #tpu.memory_space<hbm>>
      tpu.wait_dma2 semaphore(%arg12 : memref<!tpu.dma_semaphore, #tpu.memory_space<semaphore_mem>>) src(%dma_wait3A_1529 : memref<32x128xf32, #tpu.memory_space<hbm>>) dst(%dma_wait3A_1526 : memref<32x128xf32, #tpu.memory_space<vmem>>)
      %dma_wait3A_1530 = arith.constant 1 : i32
      %dma_wait3A_1531 = arith.constant 1 : i32
      %dma_wait3A_1532 = arith.constant 0 : i32
      %dma_wait3A_1533 = arith.constant 0 : i32
      %dma_wait3A_1534 = tpu.memref_slice %arg8[%dma_wait3A_1530, %dma_wait3A_1531, %dma_wait3A_1532, %dma_wait3A_1533] : memref<2x8x32x128xf32, #tpu.memory_space<vmem>> -> memref<1x1x32x128xf32, #tpu.memory_space<vmem>>
      %dma_wait3A_1535 = tpu.memref_squeeze %dma_wait3A_1534 : memref<1x1x32x128xf32, #tpu.memory_space<vmem>> -> memref<32x128xf32, #tpu.memory_space<vmem>>
      %dma_wait3A_1536 = arith.constant 0 : i32
      %dma_wait3A_1537 = arith.constant 0 : i32
      %dma_wait3A_1538 = tpu.memref_slice %arg5[%dma_wait3A_1536, %dma_wait3A_1537] : memref<32x1000000xf32, #tpu.memory_space<hbm>> -> memref<32x128xf32, #tpu.memory_space<hbm>>
      %dma_wait3A_1539 = arith.constant 0 : i32
      %dma_wait3A_1540 = arith.constant 0 : i32
      %dma_wait3A_1541 = tpu.memref_slice %arg8[%dma_wait3A_1530, %dma_wait3A_1531, %dma_wait3A_1539, %dma_wait3A_1540] : memref<2x8x32x128xf32, #tpu.memory_space<vmem>> -> memref<1x1x32x128xf32, #tpu.memory_space<vmem>>
      %dma_wait3A_1542 = tpu.memref_squeeze %dma_wait3A_1541 : memref<1x1x32x128xf32, #tpu.memory_space<vmem>> -> memref<32x128xf32, #tpu.memory_space<vmem>>
      %dma_wait3A_1543 = arith.constant 0 : i32
      %dma_wait3A_1544 = arith.constant 0 : i32
      %dma_wait3A_1545 = tpu.memref_slice %arg5[%dma_wait3A_1543, %dma_wait3A_1544] : memref<32x1000000xf32, #tpu.memory_space<hbm>> -> memref<32x128xf32, #tpu.memory_space<hbm>>
      tpu.wait_dma2 semaphore(%arg12 : memref<!tpu.dma_semaphore, #tpu.memory_space<semaphore_mem>>) src(%dma_wait3A_1545 : memref<32x128xf32, #tpu.memory_space<hbm>>) dst(%dma_wait3A_1542 : memref<32x128xf32, #tpu.memory_space<vmem>>)
      %dma_wait3A_1546 = arith.constant 1 : i32
      %dma_wait3A_1547 = arith.constant 2 : i32
      %dma_wait3A_1548 = arith.constant 0 : i32
      %dma_wait3A_1549 = arith.constant 0 : i32
      %dma_wait3A_1550 = tpu.memref_slice %arg8[%dma_wait3A_1546, %dma_wait3A_1547, %dma_wait3A_1548, %dma_wait3A_1549] : memref<2x8x32x128xf32, #tpu.memory_space<vmem>> -> memref<1x1x32x128xf32, #tpu.memory_space<vmem>>
      %dma_wait3A_1551 = tpu.memref_squeeze %dma_wait3A_1550 : memref<1x1x32x128xf32, #tpu.memory_space<vmem>> -> memref<32x128xf32, #tpu.memory_space<vmem>>
      %dma_wait3A_1552 = arith.constant 0 : i32
      %dma_wait3A_1553 = arith.constant 0 : i32
      %dma_wait3A_1554 = tpu.memref_slice %arg5[%dma_wait3A_1552, %dma_wait3A_1553] : memref<32x1000000xf32, #tpu.memory_space<hbm>> -> memref<32x128xf32, #tpu.memory_space<hbm>>
      %dma_wait3A_1555 = arith.constant 0 : i32
      %dma_wait3A_1556 = arith.constant 0 : i32
      %dma_wait3A_1557 = tpu.memref_slice %arg8[%dma_wait3A_1546, %dma_wait3A_1547, %dma_wait3A_1555, %dma_wait3A_1556] : memref<2x8x32x128xf32, #tpu.memory_space<vmem>> -> memref<1x1x32x128xf32, #tpu.memory_space<vmem>>
      %dma_wait3A_1558 = tpu.memref_squeeze %dma_wait3A_1557 : memref<1x1x32x128xf32, #tpu.memory_space<vmem>> -> memref<32x128xf32, #tpu.memory_space<vmem>>
      %dma_wait3A_1559 = arith.constant 0 : i32
      %dma_wait3A_1560 = arith.constant 0 : i32
      %dma_wait3A_1561 = tpu.memref_slice %arg5[%dma_wait3A_1559, %dma_wait3A_1560] : memref<32x1000000xf32, #tpu.memory_space<hbm>> -> memref<32x128xf32, #tpu.memory_space<hbm>>
      tpu.wait_dma2 semaphore(%arg12 : memref<!tpu.dma_semaphore, #tpu.memory_space<semaphore_mem>>) src(%dma_wait3A_1561 : memref<32x128xf32, #tpu.memory_space<hbm>>) dst(%dma_wait3A_1558 : memref<32x128xf32, #tpu.memory_space<vmem>>)
      %dma_wait3A_1562 = arith.constant 1 : i32
      %dma_wait3A_1563 = arith.constant 3 : i32
      %dma_wait3A_1564 = arith.constant 0 : i32
      %dma_wait3A_1565 = arith.constant 0 : i32
      %dma_wait3A_1566 = tpu.memref_slice %arg8[%dma_wait3A_1562, %dma_wait3A_1563, %dma_wait3A_1564, %dma_wait3A_1565] : memref<2x8x32x128xf32, #tpu.memory_space<vmem>> -> memref<1x1x32x128xf32, #tpu.memory_space<vmem>>
      %dma_wait3A_1567 = tpu.memref_squeeze %dma_wait3A_1566 : memref<1x1x32x128xf32, #tpu.memory_space<vmem>> -> memref<32x128xf32, #tpu.memory_space<vmem>>
      %dma_wait3A_1568 = arith.constant 0 : i32
      %dma_wait3A_1569 = arith.constant 0 : i32
      %dma_wait3A_1570 = tpu.memref_slice %arg5[%dma_wait3A_1568, %dma_wait3A_1569] : memref<32x1000000xf32, #tpu.memory_space<hbm>> -> memref<32x128xf32, #tpu.memory_space<hbm>>
      %dma_wait3A_1571 = arith.constant 0 : i32
      %dma_wait3A_1572 = arith.constant 0 : i32
      %dma_wait3A_1573 = tpu.memref_slice %arg8[%dma_wait3A_1562, %dma_wait3A_1563, %dma_wait3A_1571, %dma_wait3A_1572] : memref<2x8x32x128xf32, #tpu.memory_space<vmem>> -> memref<1x1x32x128xf32, #tpu.memory_space<vmem>>
      %dma_wait3A_1574 = tpu.memref_squeeze %dma_wait3A_1573 : memref<1x1x32x128xf32, #tpu.memory_space<vmem>> -> memref<32x128xf32, #tpu.memory_space<vmem>>
      %dma_wait3A_1575 = arith.constant 0 : i32
      %dma_wait3A_1576 = arith.constant 0 : i32
      %dma_wait3A_1577 = tpu.memref_slice %arg5[%dma_wait3A_1575, %dma_wait3A_1576] : memref<32x1000000xf32, #tpu.memory_space<hbm>> -> memref<32x128xf32, #tpu.memory_space<hbm>>
      tpu.wait_dma2 semaphore(%arg12 : memref<!tpu.dma_semaphore, #tpu.memory_space<semaphore_mem>>) src(%dma_wait3A_1577 : memref<32x128xf32, #tpu.memory_space<hbm>>) dst(%dma_wait3A_1574 : memref<32x128xf32, #tpu.memory_space<vmem>>)
      %dma_wait3A_1578 = arith.constant 1 : i32
      %dma_wait3A_1579 = arith.constant 4 : i32
      %dma_wait3A_1580 = arith.constant 0 : i32
      %dma_wait3A_1581 = arith.constant 0 : i32
      %dma_wait3A_1582 = tpu.memref_slice %arg8[%dma_wait3A_1578, %dma_wait3A_1579, %dma_wait3A_1580, %dma_wait3A_1581] : memref<2x8x32x128xf32, #tpu.memory_space<vmem>> -> memref<1x1x32x128xf32, #tpu.memory_space<vmem>>
      %dma_wait3A_1583 = tpu.memref_squeeze %dma_wait3A_1582 : memref<1x1x32x128xf32, #tpu.memory_space<vmem>> -> memref<32x128xf32, #tpu.memory_space<vmem>>
      %dma_wait3A_1584 = arith.constant 0 : i32
      %dma_wait3A_1585 = arith.constant 0 : i32
      %dma_wait3A_1586 = tpu.memref_slice %arg5[%dma_wait3A_1584, %dma_wait3A_1585] : memref<32x1000000xf32, #tpu.memory_space<hbm>> -> memref<32x128xf32, #tpu.memory_space<hbm>>
      %dma_wait3A_1587 = arith.constant 0 : i32
      %dma_wait3A_1588 = arith.constant 0 : i32
      %dma_wait3A_1589 = tpu.memref_slice %arg8[%dma_wait3A_1578, %dma_wait3A_1579, %dma_wait3A_1587, %dma_wait3A_1588] : memref<2x8x32x128xf32, #tpu.memory_space<vmem>> -> memref<1x1x32x128xf32, #tpu.memory_space<vmem>>
      %dma_wait3A_1590 = tpu.memref_squeeze %dma_wait3A_1589 : memref<1x1x32x128xf32, #tpu.memory_space<vmem>> -> memref<32x128xf32, #tpu.memory_space<vmem>>
      %dma_wait3A_1591 = arith.constant 0 : i32
      %dma_wait3A_1592 = arith.constant 0 : i32
      %dma_wait3A_1593 = tpu.memref_slice %arg5[%dma_wait3A_1591, %dma_wait3A_1592] : memref<32x1000000xf32, #tpu.memory_space<hbm>> -> memref<32x128xf32, #tpu.memory_space<hbm>>
      tpu.wait_dma2 semaphore(%arg12 : memref<!tpu.dma_semaphore, #tpu.memory_space<semaphore_mem>>) src(%dma_wait3A_1593 : memref<32x128xf32, #tpu.memory_space<hbm>>) dst(%dma_wait3A_1590 : memref<32x128xf32, #tpu.memory_space<vmem>>)
      %dma_wait3A_1594 = arith.constant 1 : i32
      %dma_wait3A_1595 = arith.constant 5 : i32
      %dma_wait3A_1596 = arith.constant 0 : i32
      %dma_wait3A_1597 = arith.constant 0 : i32
      %dma_wait3A_1598 = tpu.memref_slice %arg8[%dma_wait3A_1594, %dma_wait3A_1595, %dma_wait3A_1596, %dma_wait3A_1597] : memref<2x8x32x128xf32, #tpu.memory_space<vmem>> -> memref<1x1x32x128xf32, #tpu.memory_space<vmem>>
      %dma_wait3A_1599 = tpu.memref_squeeze %dma_wait3A_1598 : memref<1x1x32x128xf32, #tpu.memory_space<vmem>> -> memref<32x128xf32, #tpu.memory_space<vmem>>
      %dma_wait3A_1600 = arith.constant 0 : i32
      %dma_wait3A_1601 = arith.constant 0 : i32
      %dma_wait3A_1602 = tpu.memref_slice %arg5[%dma_wait3A_1600, %dma_wait3A_1601] : memref<32x1000000xf32, #tpu.memory_space<hbm>> -> memref<32x128xf32, #tpu.memory_space<hbm>>
      %dma_wait3A_1603 = arith.constant 0 : i32
      %dma_wait3A_1604 = arith.constant 0 : i32
      %dma_wait3A_1605 = tpu.memref_slice %arg8[%dma_wait3A_1594, %dma_wait3A_1595, %dma_wait3A_1603, %dma_wait3A_1604] : memref<2x8x32x128xf32, #tpu.memory_space<vmem>> -> memref<1x1x32x128xf32, #tpu.memory_space<vmem>>
      %dma_wait3A_1606 = tpu.memref_squeeze %dma_wait3A_1605 : memref<1x1x32x128xf32, #tpu.memory_space<vmem>> -> memref<32x128xf32, #tpu.memory_space<vmem>>
      %dma_wait3A_1607 = arith.constant 0 : i32
      %dma_wait3A_1608 = arith.constant 0 : i32
      %dma_wait3A_1609 = tpu.memref_slice %arg5[%dma_wait3A_1607, %dma_wait3A_1608] : memref<32x1000000xf32, #tpu.memory_space<hbm>> -> memref<32x128xf32, #tpu.memory_space<hbm>>
      tpu.wait_dma2 semaphore(%arg12 : memref<!tpu.dma_semaphore, #tpu.memory_space<semaphore_mem>>) src(%dma_wait3A_1609 : memref<32x128xf32, #tpu.memory_space<hbm>>) dst(%dma_wait3A_1606 : memref<32x128xf32, #tpu.memory_space<vmem>>)
      %dma_wait3A_1610 = arith.constant 1 : i32
      %dma_wait3A_1611 = arith.constant 6 : i32
      %dma_wait3A_1612 = arith.constant 0 : i32
      %dma_wait3A_1613 = arith.constant 0 : i32
      %dma_wait3A_1614 = tpu.memref_slice %arg8[%dma_wait3A_1610, %dma_wait3A_1611, %dma_wait3A_1612, %dma_wait3A_1613] : memref<2x8x32x128xf32, #tpu.memory_space<vmem>> -> memref<1x1x32x128xf32, #tpu.memory_space<vmem>>
      %dma_wait3A_1615 = tpu.memref_squeeze %dma_wait3A_1614 : memref<1x1x32x128xf32, #tpu.memory_space<vmem>> -> memref<32x128xf32, #tpu.memory_space<vmem>>
      %dma_wait3A_1616 = arith.constant 0 : i32
      %dma_wait3A_1617 = arith.constant 0 : i32
      %dma_wait3A_1618 = tpu.memref_slice %arg5[%dma_wait3A_1616, %dma_wait3A_1617] : memref<32x1000000xf32, #tpu.memory_space<hbm>> -> memref<32x128xf32, #tpu.memory_space<hbm>>
      %dma_wait3A_1619 = arith.constant 0 : i32
      %dma_wait3A_1620 = arith.constant 0 : i32
      %dma_wait3A_1621 = tpu.memref_slice %arg8[%dma_wait3A_1610, %dma_wait3A_1611, %dma_wait3A_1619, %dma_wait3A_1620] : memref<2x8x32x128xf32, #tpu.memory_space<vmem>> -> memref<1x1x32x128xf32, #tpu.memory_space<vmem>>
      %dma_wait3A_1622 = tpu.memref_squeeze %dma_wait3A_1621 : memref<1x1x32x128xf32, #tpu.memory_space<vmem>> -> memref<32x128xf32, #tpu.memory_space<vmem>>
      %dma_wait3A_1623 = arith.constant 0 : i32
      %dma_wait3A_1624 = arith.constant 0 : i32
      %dma_wait3A_1625 = tpu.memref_slice %arg5[%dma_wait3A_1623, %dma_wait3A_1624] : memref<32x1000000xf32, #tpu.memory_space<hbm>> -> memref<32x128xf32, #tpu.memory_space<hbm>>
      tpu.wait_dma2 semaphore(%arg12 : memref<!tpu.dma_semaphore, #tpu.memory_space<semaphore_mem>>) src(%dma_wait3A_1625 : memref<32x128xf32, #tpu.memory_space<hbm>>) dst(%dma_wait3A_1622 : memref<32x128xf32, #tpu.memory_space<vmem>>)
      %dma_wait3A_1626 = arith.constant 1 : i32
      %dma_wait3A_1627 = arith.constant 7 : i32
      %dma_wait3A_1628 = arith.constant 0 : i32
      %dma_wait3A_1629 = arith.constant 0 : i32
      %dma_wait3A_1630 = tpu.memref_slice %arg8[%dma_wait3A_1626, %dma_wait3A_1627, %dma_wait3A_1628, %dma_wait3A_1629] : memref<2x8x32x128xf32, #tpu.memory_space<vmem>> -> memref<1x1x32x128xf32, #tpu.memory_space<vmem>>
      %dma_wait3A_1631 = tpu.memref_squeeze %dma_wait3A_1630 : memref<1x1x32x128xf32, #tpu.memory_space<vmem>> -> memref<32x128xf32, #tpu.memory_space<vmem>>
      %dma_wait3A_1632 = arith.constant 0 : i32
      %dma_wait3A_1633 = arith.constant 0 : i32
      %dma_wait3A_1634 = tpu.memref_slice %arg5[%dma_wait3A_1632, %dma_wait3A_1633] : memref<32x1000000xf32, #tpu.memory_space<hbm>> -> memref<32x128xf32, #tpu.memory_space<hbm>>
      %dma_wait3A_1635 = arith.constant 0 : i32
      %dma_wait3A_1636 = arith.constant 0 : i32
      %dma_wait3A_1637 = tpu.memref_slice %arg8[%dma_wait3A_1626, %dma_wait3A_1627, %dma_wait3A_1635, %dma_wait3A_1636] : memref<2x8x32x128xf32, #tpu.memory_space<vmem>> -> memref<1x1x32x128xf32, #tpu.memory_space<vmem>>
      %dma_wait3A_1638 = tpu.memref_squeeze %dma_wait3A_1637 : memref<1x1x32x128xf32, #tpu.memory_space<vmem>> -> memref<32x128xf32, #tpu.memory_space<vmem>>
      %dma_wait3A_1639 = arith.constant 0 : i32
      %dma_wait3A_1640 = arith.constant 0 : i32
      %dma_wait3A_1641 = tpu.memref_slice %arg5[%dma_wait3A_1639, %dma_wait3A_1640] : memref<32x1000000xf32, #tpu.memory_space<hbm>> -> memref<32x128xf32, #tpu.memory_space<hbm>>
      tpu.wait_dma2 semaphore(%arg12 : memref<!tpu.dma_semaphore, #tpu.memory_space<semaphore_mem>>) src(%dma_wait3A_1641 : memref<32x128xf32, #tpu.memory_space<hbm>>) dst(%dma_wait3A_1638 : memref<32x128xf32, #tpu.memory_space<vmem>>)
      %mul3A_1642 = arith.constant 2 : i32
      %mul3A_1643 = arith.muli %scan3A_1386, %mul3A_1642 : i32
      %mul3A_1644 = arith.constant 8 : i32
      %mul3A_1645 = arith.muli %mul3A_1643, %mul3A_1644 : i32
      %get3A_1646 = arith.constant 1 : i32
      %get3A_1647 = arith.index_cast %get3A_1646 : i32 to index
      %get3A_1648 = arith.index_cast %mul3A_1645 : i32 to index
      %get3A_1649 = tpu.vector_load %arg7[%get3A_1647, %get3A_1648] {strides = array<i32>} : memref<2x512xi32, #tpu.memory_space<vmem>>, vector<16xi32>,
      %rem3A_1650 = arith.constant 128 : i32
      %rem3A_1651 = vector.broadcast %rem3A_1650 : i32 to vector<16xi32>
      %rem3A_1652 = arith.remsi %get3A_1649, %rem3A_1651 : vector<16xi32>
      %iota3A = tpu.iota {dimensions = array<i32: 0>} : vector<16xi32>
      %jit3A_1653 = arith.constant 8 : i32
      %div3A_1654 = vector.broadcast %jit3A_1653 : i32 to vector<16xi32>
      %div3A_1655 = arith.divsi %iota3A, %div3A_1654 : vector<16xi32>
      %sign3A_1656 = arith.constant 0 : i32
      %sign3A_1657 = vector.broadcast %sign3A_1656 : i32 to vector<16xi32>
      %sign3A_1658 = arith.cmpi sgt, %iota3A, %sign3A_1657 : vector<16xi32>
      %sign3A_1659 = arith.extui %sign3A_1658 : vector<16xi1> to vector<16xi32>
      %sign3A_1660 = arith.constant 0 : i32
      %sign3A_1661 = vector.broadcast %sign3A_1660 : i32 to vector<16xi32>
      %sign3A_1662 = arith.cmpi slt, %iota3A, %sign3A_1661 : vector<16xi32>
      %sign3A_1663 = arith.extui %sign3A_1662 : vector<16xi1> to vector<16xi32>
      %sign3A_1664 = arith.subi %sign3A_1659, %sign3A_1663 : vector<16xi32>
      %sign3A_1665 = arith.constant 0 : i32
      %sign3A_1666 = arith.cmpi sgt, %jit3A_1653, %sign3A_1665 : i32
      %sign3A_1667 = arith.extui %sign3A_1666 : i1 to i32
      %sign3A_1668 = arith.constant 0 : i32
      %sign3A_1669 = arith.cmpi slt, %jit3A_1653, %sign3A_1668 : i32
      %sign3A_1670 = arith.extui %sign3A_1669 : i1 to i32
      %sign3A_1671 = arith.subi %sign3A_1667, %sign3A_1670 : i32
      %ne3A_1672 = vector.broadcast %sign3A_1671 : i32 to vector<16xi32>
      %ne3A_1673 = arith.cmpi ne, %sign3A_1664, %ne3A_1672 : vector<16xi32>
      %rem3A_1674 = vector.broadcast %jit3A_1653 : i32 to vector<16xi32>
      %rem3A_1675 = arith.remsi %iota3A, %rem3A_1674 : vector<16xi32>
      %ne3A_1676 = arith.constant 0 : i32
      %ne3A_1677 = vector.broadcast %ne3A_1676 : i32 to vector<16xi32>
      %ne3A_1678 = arith.cmpi ne, %rem3A_1675, %ne3A_1677 : vector<16xi32>
      %and3A_1679 = arith.andi %ne3A_1673, %ne3A_1678 : vector<16xi1>
      %sub3A_1680 = arith.constant 1 : i32
      %sub3A_1681 = vector.broadcast %sub3A_1680 : i32 to vector<16xi32>
      %sub3A_1682 = arith.subi %div3A_1655, %sub3A_1681 : vector<16xi32>
      %select_n3A_1683 = arith.select %and3A_1679, %sub3A_1682, %div3A_1655 : vector<16xi1>, vector<16xi32>
      %rem3A_1684 = arith.constant 8 : i32
      %rem3A_1685 = vector.broadcast %rem3A_1684 : i32 to vector<16xi32>
      %rem3A_1686 = arith.remsi %iota3A, %rem3A_1685 : vector<16xi32>
      %mul3A_1687 = arith.constant 2 : i32
      %mul3A_1688 = arith.muli %scan3A_1386, %mul3A_1687 : i32
      %mul3A_1689 = arith.constant 8 : i32
      %mul3A_1690 = arith.muli %mul3A_1688, %mul3A_1689 : i32
      %broadcast_in_dim3A = arith.constant 0.000000e+00 : f32
      %broadcast_in_dim3A_1691 = vector.broadcast %broadcast_in_dim3A : f32 to vector<16xf32>
      %broadcast_in_dim3A_1692 = arith.constant 0 : i32
      %broadcast_in_dim3A_1693 = vector.broadcast %broadcast_in_dim3A_1692 : i32 to vector<16xi32>
      %gather3A = tpu.vector_load_idx %arg8[%select_n3A_1683, %rem3A_1686, %broadcast_in_dim3A_1693, %rem3A_1652] : memref<2x8x32x128xf32, #tpu.memory_space<vmem>>[vector<16xi32>, vector<16xi32>, vector<16xi32>, vector<16xi32>], vector<16xf32>,
      %get3A_1694 = arith.constant 0 : i32
      %get3A_1695 = arith.index_cast %get3A_1694 : i32 to index
      %get3A_1696 = arith.index_cast %mul3A_1690 : i32 to index
      %get3A_1697 = tpu.vector_load %arg9[%get3A_1695, %get3A_1696] {strides = array<i32>} : memref<32x512xf32, #tpu.memory_space<vmem>>, vector<16xf32>,
      %mul3A_1698 = arith.mulf %get3A_1697, %gather3A : vector<16xf32>
      %add3A_1699 = arith.addf %broadcast_in_dim3A_1691, %mul3A_1698 : vector<16xf32>
      %broadcast_in_dim3A_1700 = arith.constant 1 : i32
      %broadcast_in_dim3A_1701 = vector.broadcast %broadcast_in_dim3A_1700 : i32 to vector<16xi32>
      %gather3A_1702 = tpu.vector_load_idx %arg8[%select_n3A_1683, %rem3A_1686, %broadcast_in_dim3A_1701, %rem3A_1652] : memref<2x8x32x128xf32, #tpu.memory_space<vmem>>[vector<16xi32>, vector<16xi32>, vector<16xi32>, vector<16xi32>], vector<16xf32>,
      %get3A_1703 = arith.constant 1 : i32
      %get3A_1704 = arith.index_cast %get3A_1703 : i32 to index
      %get3A_1705 = arith.index_cast %mul3A_1690 : i32 to index
      %get3A_1706 = tpu.vector_load %arg9[%get3A_1704, %get3A_1705] {strides = array<i32>} : memref<32x512xf32, #tpu.memory_space<vmem>>, vector<16xf32>,
      %mul3A_1707 = arith.mulf %get3A_1706, %gather3A_1702 : vector<16xf32>
      %add3A_1708 = arith.addf %add3A_1699, %mul3A_1707 : vector<16xf32>
      %broadcast_in_dim3A_1709 = arith.constant 2 : i32
      %broadcast_in_dim3A_1710 = vector.broadcast %broadcast_in_dim3A_1709 : i32 to vector<16xi32>
      %gather3A_1711 = tpu.vector_load_idx %arg8[%select_n3A_1683, %rem3A_1686, %broadcast_in_dim3A_1710, %rem3A_1652] : memref<2x8x32x128xf32, #tpu.memory_space<vmem>>[vector<16xi32>, vector<16xi32>, vector<16xi32>, vector<16xi32>], vector<16xf32>,
      %get3A_1712 = arith.constant 2 : i32
      %get3A_1713 = arith.index_cast %get3A_1712 : i32 to index
      %get3A_1714 = arith.index_cast %mul3A_1690 : i32 to index
      %get3A_1715 = tpu.vector_load %arg9[%get3A_1713, %get3A_1714] {strides = array<i32>} : memref<32x512xf32, #tpu.memory_space<vmem>>, vector<16xf32>,
      %mul3A_1716 = arith.mulf %get3A_1715, %gather3A_1711 : vector<16xf32>
      %add3A_1717 = arith.addf %add3A_1708, %mul3A_1716 : vector<16xf32>
      %broadcast_in_dim3A_1718 = arith.constant 3 : i32
      %broadcast_in_dim3A_1719 = vector.broadcast %broadcast_in_dim3A_1718 : i32 to vector<16xi32>
      %gather3A_1720 = tpu.vector_load_idx %arg8[%select_n3A_1683, %rem3A_1686, %broadcast_in_dim3A_1719, %rem3A_1652] : memref<2x8x32x128xf32, #tpu.memory_space<vmem>>[vector<16xi32>, vector<16xi32>, vector<16xi32>, vector<16xi32>], vector<16xf32>,
      %get3A_1721 = arith.constant 3 : i32
      %get3A_1722 = arith.index_cast %get3A_1721 : i32 to index
      %get3A_1723 = arith.index_cast %mul3A_1690 : i32 to index
      %get3A_1724 = tpu.vector_load %arg9[%get3A_1722, %get3A_1723] {strides = array<i32>} : memref<32x512xf32, #tpu.memory_space<vmem>>, vector<16xf32>,
      %mul3A_1725 = arith.mulf %get3A_1724, %gather3A_1720 : vector<16xf32>
      %add3A_1726 = arith.addf %add3A_1717, %mul3A_1725 : vector<16xf32>
      %broadcast_in_dim3A_1727 = arith.constant 4 : i32
      %broadcast_in_dim3A_1728 = vector.broadcast %broadcast_in_dim3A_1727 : i32 to vector<16xi32>
      %gather3A_1729 = tpu.vector_load_idx %arg8[%select_n3A_1683, %rem3A_1686, %broadcast_in_dim3A_1728, %rem3A_1652] : memref<2x8x32x128xf32, #tpu.memory_space<vmem>>[vector<16xi32>, vector<16xi32>, vector<16xi32>, vector<16xi32>], vector<16xf32>,
      %get3A_1730 = arith.constant 4 : i32
      %get3A_1731 = arith.index_cast %get3A_1730 : i32 to index
      %get3A_1732 = arith.index_cast %mul3A_1690 : i32 to index
      %get3A_1733 = tpu.vector_load %arg9[%get3A_1731, %get3A_1732] {strides = array<i32>} : memref<32x512xf32, #tpu.memory_space<vmem>>, vector<16xf32>,
      %mul3A_1734 = arith.mulf %get3A_1733, %gather3A_1729 : vector<16xf32>
      %add3A_1735 = arith.addf %add3A_1726, %mul3A_1734 : vector<16xf32>
      %broadcast_in_dim3A_1736 = arith.constant 5 : i32
      %broadcast_in_dim3A_1737 = vector.broadcast %broadcast_in_dim3A_1736 : i32 to vector<16xi32>
      %gather3A_1738 = tpu.vector_load_idx %arg8[%select_n3A_1683, %rem3A_1686, %broadcast_in_dim3A_1737, %rem3A_1652] : memref<2x8x32x128xf32, #tpu.memory_space<vmem>>[vector<16xi32>, vector<16xi32>, vector<16xi32>, vector<16xi32>], vector<16xf32>,
      %get3A_1739 = arith.constant 5 : i32
      %get3A_1740 = arith.index_cast %get3A_1739 : i32 to index
      %get3A_1741 = arith.index_cast %mul3A_1690 : i32 to index
      %get3A_1742 = tpu.vector_load %arg9[%get3A_1740, %get3A_1741] {strides = array<i32>} : memref<32x512xf32, #tpu.memory_space<vmem>>, vector<16xf32>,
      %mul3A_1743 = arith.mulf %get3A_1742, %gather3A_1738 : vector<16xf32>
      %add3A_1744 = arith.addf %add3A_1735, %mul3A_1743 : vector<16xf32>
      %broadcast_in_dim3A_1745 = arith.constant 6 : i32
      %broadcast_in_dim3A_1746 = vector.broadcast %broadcast_in_dim3A_1745 : i32 to vector<16xi32>
      %gather3A_1747 = tpu.vector_load_idx %arg8[%select_n3A_1683, %rem3A_1686, %broadcast_in_dim3A_1746, %rem3A_1652] : memref<2x8x32x128xf32, #tpu.memory_space<vmem>>[vector<16xi32>, vector<16xi32>, vector<16xi32>, vector<16xi32>], vector<16xf32>,
      %get3A_1748 = arith.constant 6 : i32
      %get3A_1749 = arith.index_cast %get3A_1748 : i32 to index
      %get3A_1750 = arith.index_cast %mul3A_1690 : i32 to index
      %get3A_1751 = tpu.vector_load %arg9[%get3A_1749, %get3A_1750] {strides = array<i32>} : memref<32x512xf32, #tpu.memory_space<vmem>>, vector<16xf32>,
      %mul3A_1752 = arith.mulf %get3A_1751, %gather3A_1747 : vector<16xf32>
      %add3A_1753 = arith.addf %add3A_1744, %mul3A_1752 : vector<16xf32>
      %broadcast_in_dim3A_1754 = arith.constant 7 : i32
      %broadcast_in_dim3A_1755 = vector.broadcast %broadcast_in_dim3A_1754 : i32 to vector<16xi32>
      %gather3A_1756 = tpu.vector_load_idx %arg8[%select_n3A_1683, %rem3A_1686, %broadcast_in_dim3A_1755, %rem3A_1652] : memref<2x8x32x128xf32, #tpu.memory_space<vmem>>[vector<16xi32>, vector<16xi32>, vector<16xi32>, vector<16xi32>], vector<16xf32>,
      %get3A_1757 = arith.constant 7 : i32
      %get3A_1758 = arith.index_cast %get3A_1757 : i32 to index
      %get3A_1759 = arith.index_cast %mul3A_1690 : i32 to index
      %get3A_1760 = tpu.vector_load %arg9[%get3A_1758, %get3A_1759] {strides = array<i32>} : memref<32x512xf32, #tpu.memory_space<vmem>>, vector<16xf32>,
      %mul3A_1761 = arith.mulf %get3A_1760, %gather3A_1756 : vector<16xf32>
      %add3A_1762 = arith.addf %add3A_1753, %mul3A_1761 : vector<16xf32>
      %broadcast_in_dim3A_1763 = arith.constant 8 : i32
      %broadcast_in_dim3A_1764 = vector.broadcast %broadcast_in_dim3A_1763 : i32 to vector<16xi32>
      %gather3A_1765 = tpu.vector_load_idx %arg8[%select_n3A_1683, %rem3A_1686, %broadcast_in_dim3A_1764, %rem3A_1652] : memref<2x8x32x128xf32, #tpu.memory_space<vmem>>[vector<16xi32>, vector<16xi32>, vector<16xi32>, vector<16xi32>], vector<16xf32>,
      %get3A_1766 = arith.constant 8 : i32
      %get3A_1767 = arith.index_cast %get3A_1766 : i32 to index
      %get3A_1768 = arith.index_cast %mul3A_1690 : i32 to index
      %get3A_1769 = tpu.vector_load %arg9[%get3A_1767, %get3A_1768] {strides = array<i32>} : memref<32x512xf32, #tpu.memory_space<vmem>>, vector<16xf32>,
      %mul3A_1770 = arith.mulf %get3A_1769, %gather3A_1765 : vector<16xf32>
      %add3A_1771 = arith.addf %add3A_1762, %mul3A_1770 : vector<16xf32>
      %broadcast_in_dim3A_1772 = arith.constant 9 : i32
      %broadcast_in_dim3A_1773 = vector.broadcast %broadcast_in_dim3A_1772 : i32 to vector<16xi32>
      %gather3A_1774 = tpu.vector_load_idx %arg8[%select_n3A_1683, %rem3A_1686, %broadcast_in_dim3A_1773, %rem3A_1652] : memref<2x8x32x128xf32, #tpu.memory_space<vmem>>[vector<16xi32>, vector<16xi32>, vector<16xi32>, vector<16xi32>], vector<16xf32>,
      %get3A_1775 = arith.constant 9 : i32
      %get3A_1776 = arith.index_cast %get3A_1775 : i32 to index
      %get3A_1777 = arith.index_cast %mul3A_1690 : i32 to index
      %get3A_1778 = tpu.vector_load %arg9[%get3A_1776, %get3A_1777] {strides = array<i32>} : memref<32x512xf32, #tpu.memory_space<vmem>>, vector<16xf32>,
      %mul3A_1779 = arith.mulf %get3A_1778, %gather3A_1774 : vector<16xf32>
      %add3A_1780 = arith.addf %add3A_1771, %mul3A_1779 : vector<16xf32>
      %broadcast_in_dim3A_1781 = arith.constant 10 : i32
      %broadcast_in_dim3A_1782 = vector.broadcast %broadcast_in_dim3A_1781 : i32 to vector<16xi32>
      %gather3A_1783 = tpu.vector_load_idx %arg8[%select_n3A_1683, %rem3A_1686, %broadcast_in_dim3A_1782, %rem3A_1652] : memref<2x8x32x128xf32, #tpu.memory_space<vmem>>[vector<16xi32>, vector<16xi32>, vector<16xi32>, vector<16xi32>], vector<16xf32>,
      %get3A_1784 = arith.constant 10 : i32
      %get3A_1785 = arith.index_cast %get3A_1784 : i32 to index
      %get3A_1786 = arith.index_cast %mul3A_1690 : i32 to index
      %get3A_1787 = tpu.vector_load %arg9[%get3A_1785, %get3A_1786] {strides = array<i32>} : memref<32x512xf32, #tpu.memory_space<vmem>>, vector<16xf32>,
      %mul3A_1788 = arith.mulf %get3A_1787, %gather3A_1783 : vector<16xf32>
      %add3A_1789 = arith.addf %add3A_1780, %mul3A_1788 : vector<16xf32>
      %broadcast_in_dim3A_1790 = arith.constant 11 : i32
      %broadcast_in_dim3A_1791 = vector.broadcast %broadcast_in_dim3A_1790 : i32 to vector<16xi32>
      %gather3A_1792 = tpu.vector_load_idx %arg8[%select_n3A_1683, %rem3A_1686, %broadcast_in_dim3A_1791, %rem3A_1652] : memref<2x8x32x128xf32, #tpu.memory_space<vmem>>[vector<16xi32>, vector<16xi32>, vector<16xi32>, vector<16xi32>], vector<16xf32>,
      %get3A_1793 = arith.constant 11 : i32
      %get3A_1794 = arith.index_cast %get3A_1793 : i32 to index
      %get3A_1795 = arith.index_cast %mul3A_1690 : i32 to index
      %get3A_1796 = tpu.vector_load %arg9[%get3A_1794, %get3A_1795] {strides = array<i32>} : memref<32x512xf32, #tpu.memory_space<vmem>>, vector<16xf32>,
      %mul3A_1797 = arith.mulf %get3A_1796, %gather3A_1792 : vector<16xf32>
      %add3A_1798 = arith.addf %add3A_1789, %mul3A_1797 : vector<16xf32>
      %broadcast_in_dim3A_1799 = arith.constant 12 : i32
      %broadcast_in_dim3A_1800 = vector.broadcast %broadcast_in_dim3A_1799 : i32 to vector<16xi32>
      %gather3A_1801 = tpu.vector_load_idx %arg8[%select_n3A_1683, %rem3A_1686, %broadcast_in_dim3A_1800, %rem3A_1652] : memref<2x8x32x128xf32, #tpu.memory_space<vmem>>[vector<16xi32>, vector<16xi32>, vector<16xi32>, vector<16xi32>], vector<16xf32>,
      %get3A_1802 = arith.constant 12 : i32
      %get3A_1803 = arith.index_cast %get3A_1802 : i32 to index
      %get3A_1804 = arith.index_cast %mul3A_1690 : i32 to index
      %get3A_1805 = tpu.vector_load %arg9[%get3A_1803, %get3A_1804] {strides = array<i32>} : memref<32x512xf32, #tpu.memory_space<vmem>>, vector<16xf32>,
      %mul3A_1806 = arith.mulf %get3A_1805, %gather3A_1801 : vector<16xf32>
      %add3A_1807 = arith.addf %add3A_1798, %mul3A_1806 : vector<16xf32>
      %broadcast_in_dim3A_1808 = arith.constant 13 : i32
      %broadcast_in_dim3A_1809 = vector.broadcast %broadcast_in_dim3A_1808 : i32 to vector<16xi32>
      %gather3A_1810 = tpu.vector_load_idx %arg8[%select_n3A_1683, %rem3A_1686, %broadcast_in_dim3A_1809, %rem3A_1652] : memref<2x8x32x128xf32, #tpu.memory_space<vmem>>[vector<16xi32>, vector<16xi32>, vector<16xi32>, vector<16xi32>], vector<16xf32>,
      %get3A_1811 = arith.constant 13 : i32
      %get3A_1812 = arith.index_cast %get3A_1811 : i32 to index
      %get3A_1813 = arith.index_cast %mul3A_1690 : i32 to index
      %get3A_1814 = tpu.vector_load %arg9[%get3A_1812, %get3A_1813] {strides = array<i32>} : memref<32x512xf32, #tpu.memory_space<vmem>>, vector<16xf32>,
      %mul3A_1815 = arith.mulf %get3A_1814, %gather3A_1810 : vector<16xf32>
      %add3A_1816 = arith.addf %add3A_1807, %mul3A_1815 : vector<16xf32>
      %broadcast_in_dim3A_1817 = arith.constant 14 : i32
      %broadcast_in_dim3A_1818 = vector.broadcast %broadcast_in_dim3A_1817 : i32 to vector<16xi32>
      %gather3A_1819 = tpu.vector_load_idx %arg8[%select_n3A_1683, %rem3A_1686, %broadcast_in_dim3A_1818, %rem3A_1652] : memref<2x8x32x128xf32, #tpu.memory_space<vmem>>[vector<16xi32>, vector<16xi32>, vector<16xi32>, vector<16xi32>], vector<16xf32>,
      %get3A_1820 = arith.constant 14 : i32
      %get3A_1821 = arith.index_cast %get3A_1820 : i32 to index
      %get3A_1822 = arith.index_cast %mul3A_1690 : i32 to index
      %get3A_1823 = tpu.vector_load %arg9[%get3A_1821, %get3A_1822] {strides = array<i32>} : memref<32x512xf32, #tpu.memory_space<vmem>>, vector<16xf32>,
      %mul3A_1824 = arith.mulf %get3A_1823, %gather3A_1819 : vector<16xf32>
      %add3A_1825 = arith.addf %add3A_1816, %mul3A_1824 : vector<16xf32>
      %broadcast_in_dim3A_1826 = arith.constant 15 : i32
      %broadcast_in_dim3A_1827 = vector.broadcast %broadcast_in_dim3A_1826 : i32 to vector<16xi32>
      %gather3A_1828 = tpu.vector_load_idx %arg8[%select_n3A_1683, %rem3A_1686, %broadcast_in_dim3A_1827, %rem3A_1652] : memref<2x8x32x128xf32, #tpu.memory_space<vmem>>[vector<16xi32>, vector<16xi32>, vector<16xi32>, vector<16xi32>], vector<16xf32>,
      %get3A_1829 = arith.constant 15 : i32
      %get3A_1830 = arith.index_cast %get3A_1829 : i32 to index
      %get3A_1831 = arith.index_cast %mul3A_1690 : i32 to index
      %get3A_1832 = tpu.vector_load %arg9[%get3A_1830, %get3A_1831] {strides = array<i32>} : memref<32x512xf32, #tpu.memory_space<vmem>>, vector<16xf32>,
      %mul3A_1833 = arith.mulf %get3A_1832, %gather3A_1828 : vector<16xf32>
      %add3A_1834 = arith.addf %add3A_1825, %mul3A_1833 : vector<16xf32>
      %broadcast_in_dim3A_1835 = arith.constant 16 : i32
      %broadcast_in_dim3A_1836 = vector.broadcast %broadcast_in_dim3A_1835 : i32 to vector<16xi32>
      %gather3A_1837 = tpu.vector_load_idx %arg8[%select_n3A_1683, %rem3A_1686, %broadcast_in_dim3A_1836, %rem3A_1652] : memref<2x8x32x128xf32, #tpu.memory_space<vmem>>[vector<16xi32>, vector<16xi32>, vector<16xi32>, vector<16xi32>], vector<16xf32>,
      %get3A_1838 = arith.constant 16 : i32
      %get3A_1839 = arith.index_cast %get3A_1838 : i32 to index
      %get3A_1840 = arith.index_cast %mul3A_1690 : i32 to index
      %get3A_1841 = tpu.vector_load %arg9[%get3A_1839, %get3A_1840] {strides = array<i32>} : memref<32x512xf32, #tpu.memory_space<vmem>>, vector<16xf32>,
      %mul3A_1842 = arith.mulf %get3A_1841, %gather3A_1837 : vector<16xf32>
      %add3A_1843 = arith.addf %add3A_1834, %mul3A_1842 : vector<16xf32>
      %broadcast_in_dim3A_1844 = arith.constant 17 : i32
      %broadcast_in_dim3A_1845 = vector.broadcast %broadcast_in_dim3A_1844 : i32 to vector<16xi32>
      %gather3A_1846 = tpu.vector_load_idx %arg8[%select_n3A_1683, %rem3A_1686, %broadcast_in_dim3A_1845, %rem3A_1652] : memref<2x8x32x128xf32, #tpu.memory_space<vmem>>[vector<16xi32>, vector<16xi32>, vector<16xi32>, vector<16xi32>], vector<16xf32>,
      %get3A_1847 = arith.constant 17 : i32
      %get3A_1848 = arith.index_cast %get3A_1847 : i32 to index
      %get3A_1849 = arith.index_cast %mul3A_1690 : i32 to index
      %get3A_1850 = tpu.vector_load %arg9[%get3A_1848, %get3A_1849] {strides = array<i32>} : memref<32x512xf32, #tpu.memory_space<vmem>>, vector<16xf32>,
      %mul3A_1851 = arith.mulf %get3A_1850, %gather3A_1846 : vector<16xf32>
      %add3A_1852 = arith.addf %add3A_1843, %mul3A_1851 : vector<16xf32>
      %broadcast_in_dim3A_1853 = arith.constant 18 : i32
      %broadcast_in_dim3A_1854 = vector.broadcast %broadcast_in_dim3A_1853 : i32 to vector<16xi32>
      %gather3A_1855 = tpu.vector_load_idx %arg8[%select_n3A_1683, %rem3A_1686, %broadcast_in_dim3A_1854, %rem3A_1652] : memref<2x8x32x128xf32, #tpu.memory_space<vmem>>[vector<16xi32>, vector<16xi32>, vector<16xi32>, vector<16xi32>], vector<16xf32>,
      %get3A_1856 = arith.constant 18 : i32
      %get3A_1857 = arith.index_cast %get3A_1856 : i32 to index
      %get3A_1858 = arith.index_cast %mul3A_1690 : i32 to index
      %get3A_1859 = tpu.vector_load %arg9[%get3A_1857, %get3A_1858] {strides = array<i32>} : memref<32x512xf32, #tpu.memory_space<vmem>>, vector<16xf32>,
      %mul3A_1860 = arith.mulf %get3A_1859, %gather3A_1855 : vector<16xf32>
      %add3A_1861 = arith.addf %add3A_1852, %mul3A_1860 : vector<16xf32>
      %broadcast_in_dim3A_1862 = arith.constant 19 : i32
      %broadcast_in_dim3A_1863 = vector.broadcast %broadcast_in_dim3A_1862 : i32 to vector<16xi32>
      %gather3A_1864 = tpu.vector_load_idx %arg8[%select_n3A_1683, %rem3A_1686, %broadcast_in_dim3A_1863, %rem3A_1652] : memref<2x8x32x128xf32, #tpu.memory_space<vmem>>[vector<16xi32>, vector<16xi32>, vector<16xi32>, vector<16xi32>], vector<16xf32>,
      %get3A_1865 = arith.constant 19 : i32
      %get3A_1866 = arith.index_cast %get3A_1865 : i32 to index
      %get3A_1867 = arith.index_cast %mul3A_1690 : i32 to index
      %get3A_1868 = tpu.vector_load %arg9[%get3A_1866, %get3A_1867] {strides = array<i32>} : memref<32x512xf32, #tpu.memory_space<vmem>>, vector<16xf32>,
      %mul3A_1869 = arith.mulf %get3A_1868, %gather3A_1864 : vector<16xf32>
      %add3A_1870 = arith.addf %add3A_1861, %mul3A_1869 : vector<16xf32>
      %broadcast_in_dim3A_1871 = arith.constant 20 : i32
      %broadcast_in_dim3A_1872 = vector.broadcast %broadcast_in_dim3A_1871 : i32 to vector<16xi32>
      %gather3A_1873 = tpu.vector_load_idx %arg8[%select_n3A_1683, %rem3A_1686, %broadcast_in_dim3A_1872, %rem3A_1652] : memref<2x8x32x128xf32, #tpu.memory_space<vmem>>[vector<16xi32>, vector<16xi32>, vector<16xi32>, vector<16xi32>], vector<16xf32>,
      %get3A_1874 = arith.constant 20 : i32
      %get3A_1875 = arith.index_cast %get3A_1874 : i32 to index
      %get3A_1876 = arith.index_cast %mul3A_1690 : i32 to index
      %get3A_1877 = tpu.vector_load %arg9[%get3A_1875, %get3A_1876] {strides = array<i32>} : memref<32x512xf32, #tpu.memory_space<vmem>>, vector<16xf32>,
      %mul3A_1878 = arith.mulf %get3A_1877, %gather3A_1873 : vector<16xf32>
      %add3A_1879 = arith.addf %add3A_1870, %mul3A_1878 : vector<16xf32>
      %broadcast_in_dim3A_1880 = arith.constant 21 : i32
      %broadcast_in_dim3A_1881 = vector.broadcast %broadcast_in_dim3A_1880 : i32 to vector<16xi32>
      %gather3A_1882 = tpu.vector_load_idx %arg8[%select_n3A_1683, %rem3A_1686, %broadcast_in_dim3A_1881, %rem3A_1652] : memref<2x8x32x128xf32, #tpu.memory_space<vmem>>[vector<16xi32>, vector<16xi32>, vector<16xi32>, vector<16xi32>], vector<16xf32>,
      %get3A_1883 = arith.constant 21 : i32
      %get3A_1884 = arith.index_cast %get3A_1883 : i32 to index
      %get3A_1885 = arith.index_cast %mul3A_1690 : i32 to index
      %get3A_1886 = tpu.vector_load %arg9[%get3A_1884, %get3A_1885] {strides = array<i32>} : memref<32x512xf32, #tpu.memory_space<vmem>>, vector<16xf32>,
      %mul3A_1887 = arith.mulf %get3A_1886, %gather3A_1882 : vector<16xf32>
      %add3A_1888 = arith.addf %add3A_1879, %mul3A_1887 : vector<16xf32>
      %broadcast_in_dim3A_1889 = arith.constant 22 : i32
      %broadcast_in_dim3A_1890 = vector.broadcast %broadcast_in_dim3A_1889 : i32 to vector<16xi32>
      %gather3A_1891 = tpu.vector_load_idx %arg8[%select_n3A_1683, %rem3A_1686, %broadcast_in_dim3A_1890, %rem3A_1652] : memref<2x8x32x128xf32, #tpu.memory_space<vmem>>[vector<16xi32>, vector<16xi32>, vector<16xi32>, vector<16xi32>], vector<16xf32>,
      %get3A_1892 = arith.constant 22 : i32
      %get3A_1893 = arith.index_cast %get3A_1892 : i32 to index
      %get3A_1894 = arith.index_cast %mul3A_1690 : i32 to index
      %get3A_1895 = tpu.vector_load %arg9[%get3A_1893, %get3A_1894] {strides = array<i32>} : memref<32x512xf32, #tpu.memory_space<vmem>>, vector<16xf32>,
      %mul3A_1896 = arith.mulf %get3A_1895, %gather3A_1891 : vector<16xf32>
      %add3A_1897 = arith.addf %add3A_1888, %mul3A_1896 : vector<16xf32>
      %broadcast_in_dim3A_1898 = arith.constant 23 : i32
      %broadcast_in_dim3A_1899 = vector.broadcast %broadcast_in_dim3A_1898 : i32 to vector<16xi32>
      %gather3A_1900 = tpu.vector_load_idx %arg8[%select_n3A_1683, %rem3A_1686, %broadcast_in_dim3A_1899, %rem3A_1652] : memref<2x8x32x128xf32, #tpu.memory_space<vmem>>[vector<16xi32>, vector<16xi32>, vector<16xi32>, vector<16xi32>], vector<16xf32>,
      %get3A_1901 = arith.constant 23 : i32
      %get3A_1902 = arith.index_cast %get3A_1901 : i32 to index
      %get3A_1903 = arith.index_cast %mul3A_1690 : i32 to index
      %get3A_1904 = tpu.vector_load %arg9[%get3A_1902, %get3A_1903] {strides = array<i32>} : memref<32x512xf32, #tpu.memory_space<vmem>>, vector<16xf32>,
      %mul3A_1905 = arith.mulf %get3A_1904, %gather3A_1900 : vector<16xf32>
      %add3A_1906 = arith.addf %add3A_1897, %mul3A_1905 : vector<16xf32>
      %broadcast_in_dim3A_1907 = arith.constant 24 : i32
      %broadcast_in_dim3A_1908 = vector.broadcast %broadcast_in_dim3A_1907 : i32 to vector<16xi32>
      %gather3A_1909 = tpu.vector_load_idx %arg8[%select_n3A_1683, %rem3A_1686, %broadcast_in_dim3A_1908, %rem3A_1652] : memref<2x8x32x128xf32, #tpu.memory_space<vmem>>[vector<16xi32>, vector<16xi32>, vector<16xi32>, vector<16xi32>], vector<16xf32>,
      %get3A_1910 = arith.constant 24 : i32
      %get3A_1911 = arith.index_cast %get3A_1910 : i32 to index
      %get3A_1912 = arith.index_cast %mul3A_1690 : i32 to index
      %get3A_1913 = tpu.vector_load %arg9[%get3A_1911, %get3A_1912] {strides = array<i32>} : memref<32x512xf32, #tpu.memory_space<vmem>>, vector<16xf32>,
      %mul3A_1914 = arith.mulf %get3A_1913, %gather3A_1909 : vector<16xf32>
      %add3A_1915 = arith.addf %add3A_1906, %mul3A_1914 : vector<16xf32>
      %broadcast_in_dim3A_1916 = arith.constant 25 : i32
      %broadcast_in_dim3A_1917 = vector.broadcast %broadcast_in_dim3A_1916 : i32 to vector<16xi32>
      %gather3A_1918 = tpu.vector_load_idx %arg8[%select_n3A_1683, %rem3A_1686, %broadcast_in_dim3A_1917, %rem3A_1652] : memref<2x8x32x128xf32, #tpu.memory_space<vmem>>[vector<16xi32>, vector<16xi32>, vector<16xi32>, vector<16xi32>], vector<16xf32>,
      %get3A_1919 = arith.constant 25 : i32
      %get3A_1920 = arith.index_cast %get3A_1919 : i32 to index
      %get3A_1921 = arith.index_cast %mul3A_1690 : i32 to index
      %get3A_1922 = tpu.vector_load %arg9[%get3A_1920, %get3A_1921] {strides = array<i32>} : memref<32x512xf32, #tpu.memory_space<vmem>>, vector<16xf32>,
      %mul3A_1923 = arith.mulf %get3A_1922, %gather3A_1918 : vector<16xf32>
      %add3A_1924 = arith.addf %add3A_1915, %mul3A_1923 : vector<16xf32>
      %broadcast_in_dim3A_1925 = arith.constant 26 : i32
      %broadcast_in_dim3A_1926 = vector.broadcast %broadcast_in_dim3A_1925 : i32 to vector<16xi32>
      %gather3A_1927 = tpu.vector_load_idx %arg8[%select_n3A_1683, %rem3A_1686, %broadcast_in_dim3A_1926, %rem3A_1652] : memref<2x8x32x128xf32, #tpu.memory_space<vmem>>[vector<16xi32>, vector<16xi32>, vector<16xi32>, vector<16xi32>], vector<16xf32>,
      %get3A_1928 = arith.constant 26 : i32
      %get3A_1929 = arith.index_cast %get3A_1928 : i32 to index
      %get3A_1930 = arith.index_cast %mul3A_1690 : i32 to index
      %get3A_1931 = tpu.vector_load %arg9[%get3A_1929, %get3A_1930] {strides = array<i32>} : memref<32x512xf32, #tpu.memory_space<vmem>>, vector<16xf32>,
      %mul3A_1932 = arith.mulf %get3A_1931, %gather3A_1927 : vector<16xf32>
      %add3A_1933 = arith.addf %add3A_1924, %mul3A_1932 : vector<16xf32>
      %broadcast_in_dim3A_1934 = arith.constant 27 : i32
      %broadcast_in_dim3A_1935 = vector.broadcast %broadcast_in_dim3A_1934 : i32 to vector<16xi32>
      %gather3A_1936 = tpu.vector_load_idx %arg8[%select_n3A_1683, %rem3A_1686, %broadcast_in_dim3A_1935, %rem3A_1652] : memref<2x8x32x128xf32, #tpu.memory_space<vmem>>[vector<16xi32>, vector<16xi32>, vector<16xi32>, vector<16xi32>], vector<16xf32>,
      %get3A_1937 = arith.constant 27 : i32
      %get3A_1938 = arith.index_cast %get3A_1937 : i32 to index
      %get3A_1939 = arith.index_cast %mul3A_1690 : i32 to index
      %get3A_1940 = tpu.vector_load %arg9[%get3A_1938, %get3A_1939] {strides = array<i32>} : memref<32x512xf32, #tpu.memory_space<vmem>>, vector<16xf32>,
      %mul3A_1941 = arith.mulf %get3A_1940, %gather3A_1936 : vector<16xf32>
      %add3A_1942 = arith.addf %add3A_1933, %mul3A_1941 : vector<16xf32>
      %broadcast_in_dim3A_1943 = arith.constant 28 : i32
      %broadcast_in_dim3A_1944 = vector.broadcast %broadcast_in_dim3A_1943 : i32 to vector<16xi32>
      %gather3A_1945 = tpu.vector_load_idx %arg8[%select_n3A_1683, %rem3A_1686, %broadcast_in_dim3A_1944, %rem3A_1652] : memref<2x8x32x128xf32, #tpu.memory_space<vmem>>[vector<16xi32>, vector<16xi32>, vector<16xi32>, vector<16xi32>], vector<16xf32>,
      %get3A_1946 = arith.constant 28 : i32
      %get3A_1947 = arith.index_cast %get3A_1946 : i32 to index
      %get3A_1948 = arith.index_cast %mul3A_1690 : i32 to index
      %get3A_1949 = tpu.vector_load %arg9[%get3A_1947, %get3A_1948] {strides = array<i32>} : memref<32x512xf32, #tpu.memory_space<vmem>>, vector<16xf32>,
      %mul3A_1950 = arith.mulf %get3A_1949, %gather3A_1945 : vector<16xf32>
      %add3A_1951 = arith.addf %add3A_1942, %mul3A_1950 : vector<16xf32>
      %broadcast_in_dim3A_1952 = arith.constant 29 : i32
      %broadcast_in_dim3A_1953 = vector.broadcast %broadcast_in_dim3A_1952 : i32 to vector<16xi32>
      %gather3A_1954 = tpu.vector_load_idx %arg8[%select_n3A_1683, %rem3A_1686, %broadcast_in_dim3A_1953, %rem3A_1652] : memref<2x8x32x128xf32, #tpu.memory_space<vmem>>[vector<16xi32>, vector<16xi32>, vector<16xi32>, vector<16xi32>], vector<16xf32>,
      %get3A_1955 = arith.constant 29 : i32
      %get3A_1956 = arith.index_cast %get3A_1955 : i32 to index
      %get3A_1957 = arith.index_cast %mul3A_1690 : i32 to index
      %get3A_1958 = tpu.vector_load %arg9[%get3A_1956, %get3A_1957] {strides = array<i32>} : memref<32x512xf32, #tpu.memory_space<vmem>>, vector<16xf32>,
      %mul3A_1959 = arith.mulf %get3A_1958, %gather3A_1954 : vector<16xf32>
      %add3A_1960 = arith.addf %add3A_1951, %mul3A_1959 : vector<16xf32>
      %broadcast_in_dim3A_1961 = arith.constant 30 : i32
      %broadcast_in_dim3A_1962 = vector.broadcast %broadcast_in_dim3A_1961 : i32 to vector<16xi32>
      %gather3A_1963 = tpu.vector_load_idx %arg8[%select_n3A_1683, %rem3A_1686, %broadcast_in_dim3A_1962, %rem3A_1652] : memref<2x8x32x128xf32, #tpu.memory_space<vmem>>[vector<16xi32>, vector<16xi32>, vector<16xi32>, vector<16xi32>], vector<16xf32>,
      %get3A_1964 = arith.constant 30 : i32
      %get3A_1965 = arith.index_cast %get3A_1964 : i32 to index
      %get3A_1966 = arith.index_cast %mul3A_1690 : i32 to index
      %get3A_1967 = tpu.vector_load %arg9[%get3A_1965, %get3A_1966] {strides = array<i32>} : memref<32x512xf32, #tpu.memory_space<vmem>>, vector<16xf32>,
      %mul3A_1968 = arith.mulf %get3A_1967, %gather3A_1963 : vector<16xf32>
      %add3A_1969 = arith.addf %add3A_1960, %mul3A_1968 : vector<16xf32>
      %broadcast_in_dim3A_1970 = arith.constant 31 : i32
      %broadcast_in_dim3A_1971 = vector.broadcast %broadcast_in_dim3A_1970 : i32 to vector<16xi32>
      %gather3A_1972 = tpu.vector_load_idx %arg8[%select_n3A_1683, %rem3A_1686, %broadcast_in_dim3A_1971, %rem3A_1652] : memref<2x8x32x128xf32, #tpu.memory_space<vmem>>[vector<16xi32>, vector<16xi32>, vector<16xi32>, vector<16xi32>], vector<16xf32>,
      %get3A_1973 = arith.constant 31 : i32
      %get3A_1974 = arith.index_cast %get3A_1973 : i32 to index
      %get3A_1975 = arith.index_cast %mul3A_1690 : i32 to index
      %get3A_1976 = tpu.vector_load %arg9[%get3A_1974, %get3A_1975] {strides = array<i32>} : memref<32x512xf32, #tpu.memory_space<vmem>>, vector<16xf32>,
      %mul3A_1977 = arith.mulf %get3A_1976, %gather3A_1972 : vector<16xf32>
      %add3A_1978 = arith.addf %add3A_1969, %mul3A_1977 : vector<16xf32>
      %swap3A = arith.index_cast %mul3A_1690 : i32 to index
      %swap3A_1979 = tpu.vector_load %arg10[%swap3A] {strides = array<i32>} : memref<512xf32, #tpu.memory_space<vmem>>, vector<16xf32>,
      tpu.vector_store %arg10[%swap3A], %add3A_1978 {strides = array<i32>} : memref<512xf32, #tpu.memory_space<vmem>>, vector<16xf32>,
      %lt3A = arith.constant 31 : i32
      %lt3A_1980 = arith.cmpi slt, %scan3A_1386, %lt3A : i32
      %convert_element_type3A = arith.extui %lt3A_1980 : i1 to i32
      %cond3A = arith.constant 0 : i32
      %cond3A_1981 = arith.cmpi ne, %convert_element_type3A, %cond3A : i32
      scf.if %cond3A_1981 {
        %add3A_1982 = arith.constant 1 : i32
        %add3A_1983 = arith.addi %scan3A_1386, %add3A_1982 : i32
        %mul3A_1984 = arith.constant 2 : i32
        %mul3A_1985 = arith.muli %add3A_1983, %mul3A_1984 : i32
        %mul3A_1986 = arith.constant 8 : i32
        %mul3A_1987 = arith.muli %mul3A_1985, %mul3A_1986 : i32
        %get3A_1988 = arith.constant 1 : i32
        %get3A_1989 = arith.index_cast %get3A_1988 : i32 to index
        %get3A_1990 = arith.index_cast %mul3A_1987 : i32 to index
        %get3A_1991 = tpu.vector_load %arg7[%get3A_1989, %get3A_1990] {strides = array<i32>} : memref<2x512xi32, #tpu.memory_space<vmem>>, vector<16xi32>,
        %slice3A_1992 = vector.extract_strided_slice %get3A_1991 {offsets = [0], sizes = [1], strides = [1]} : vector<16xi32> to vector<1xi32>
        %squeeze3A_1993 = vector.extract %slice3A_1992[0] : i32 from vector<1xi32>
        %jit3A_1994 = arith.constant 128 : i32
        %div3A_1995 = arith.divsi %squeeze3A_1993, %jit3A_1994 : i32
        %sign3A_1996 = arith.constant 0 : i32
        %sign3A_1997 = arith.cmpi sgt, %squeeze3A_1993, %sign3A_1996 : i32
        %sign3A_1998 = arith.extui %sign3A_1997 : i1 to i32
        %sign3A_1999 = arith.constant 0 : i32
        %sign3A_2000 = arith.cmpi slt, %squeeze3A_1993, %sign3A_1999 : i32
        %sign3A_2001 = arith.extui %sign3A_2000 : i1 to i32
        %sign3A_2002 = arith.subi %sign3A_1998, %sign3A_2001 : i32
        %sign3A_2003 = arith.constant 0 : i32
        %sign3A_2004 = arith.cmpi sgt, %jit3A_1994, %sign3A_2003 : i32
        %sign3A_2005 = arith.extui %sign3A_2004 : i1 to i32
        %sign3A_2006 = arith.constant 0 : i32
        %sign3A_2007 = arith.cmpi slt, %jit3A_1994, %sign3A_2006 : i32
        %sign3A_2008 = arith.extui %sign3A_2007 : i1 to i32
        %sign3A_2009 = arith.subi %sign3A_2005, %sign3A_2008 : i32
        %ne3A_2010 = arith.cmpi ne, %sign3A_2002, %sign3A_2009 : i32
        %rem3A_2011 = arith.remsi %squeeze3A_1993, %jit3A_1994 : i32
        %ne3A_2012 = arith.constant 0 : i32
        %ne3A_2013 = arith.cmpi ne, %rem3A_2011, %ne3A_2012 : i32
        %and3A_2014 = arith.andi %ne3A_2010, %ne3A_2013 : i1
        %sub3A_2015 = arith.constant 1 : i32
        %sub3A_2016 = arith.subi %div3A_1995, %sub3A_2015 : i32
        %select_n3A_2017 = arith.select %and3A_2014, %sub3A_2016, %div3A_1995 : i32
        %mul3A_2018 = arith.constant 128 : i32
        %mul3A_2019 = arith.muli %select_n3A_2017, %mul3A_2018 : i32
        %multiple_of3A_2020 = tpu.assume_multiple %mul3A_2019, 128 : i32
        %dma_start3A_2021 = arith.constant 0 : i32
        %dma_start3A_2022 = arith.constant 0 : i32
        %dma_start3A_2023 = arith.constant 0 : i32
        %dma_start3A_2024 = arith.constant 0 : i32
        %dma_start3A_2025 = tpu.memref_slice %arg8[%dma_start3A_2021, %dma_start3A_2022, %dma_start3A_2023, %dma_start3A_2024] : memref<2x8x32x128xf32, #tpu.memory_space<vmem>> -> memref<1x1x32x128xf32, #tpu.memory_space<vmem>>
        %dma_start3A_2026 = tpu.memref_squeeze %dma_start3A_2025 : memref<1x1x32x128xf32, #tpu.memory_space<vmem>> -> memref<32x128xf32, #tpu.memory_space<vmem>>
        %dma_start3A_2027 = arith.constant 0 : i32
        %dma_start3A_2028 = tpu.memref_slice %arg5[%dma_start3A_2027, %multiple_of3A_2020] : memref<32x1000000xf32, #tpu.memory_space<hbm>> -> memref<32x128xf32, #tpu.memory_space<hbm>>
        %dma_start3A_2029 = arith.constant 0 : i32
        %dma_start3A_2030 = arith.constant 0 : i32
        %dma_start3A_2031 = tpu.memref_slice %arg8[%dma_start3A_2021, %dma_start3A_2022, %dma_start3A_2029, %dma_start3A_2030] : memref<2x8x32x128xf32, #tpu.memory_space<vmem>> -> memref<1x1x32x128xf32, #tpu.memory_space<vmem>>
        %dma_start3A_2032 = tpu.memref_squeeze %dma_start3A_2031 : memref<1x1x32x128xf32, #tpu.memory_space<vmem>> -> memref<32x128xf32, #tpu.memory_space<vmem>>
        %dma_start3A_2033 = arith.constant 0 : i32
        %dma_start3A_2034 = tpu.memref_slice %arg5[%dma_start3A_2033, %multiple_of3A_2020] : memref<32x1000000xf32, #tpu.memory_space<hbm>> -> memref<32x128xf32, #tpu.memory_space<hbm>>
        tpu.enqueue_dma source(%dma_start3A_2034 : memref<32x128xf32, #tpu.memory_space<hbm>>) target(%dma_start3A_2032 : memref<32x128xf32, #tpu.memory_space<vmem>>) target_semaphore(%arg11 : memref<!tpu.dma_semaphore, #tpu.memory_space<semaphore_mem>>)
        %slice3A_2035 = vector.extract_strided_slice %get3A_1991 {offsets = [1], sizes = [1], strides = [1]} : vector<16xi32> to vector<1xi32>
        %squeeze3A_2036 = vector.extract %slice3A_2035[0] : i32 from vector<1xi32>
        %jit3A_2037 = arith.constant 128 : i32
        %div3A_2038 = arith.divsi %squeeze3A_2036, %jit3A_2037 : i32
        %sign3A_2039 = arith.constant 0 : i32
        %sign3A_2040 = arith.cmpi sgt, %squeeze3A_2036, %sign3A_2039 : i32
        %sign3A_2041 = arith.extui %sign3A_2040 : i1 to i32
        %sign3A_2042 = arith.constant 0 : i32
        %sign3A_2043 = arith.cmpi slt, %squeeze3A_2036, %sign3A_2042 : i32
        %sign3A_2044 = arith.extui %sign3A_2043 : i1 to i32
        %sign3A_2045 = arith.subi %sign3A_2041, %sign3A_2044 : i32
        %sign3A_2046 = arith.constant 0 : i32
        %sign3A_2047 = arith.cmpi sgt, %jit3A_2037, %sign3A_2046 : i32
        %sign3A_2048 = arith.extui %sign3A_2047 : i1 to i32
        %sign3A_2049 = arith.constant 0 : i32
        %sign3A_2050 = arith.cmpi slt, %jit3A_2037, %sign3A_2049 : i32
        %sign3A_2051 = arith.extui %sign3A_2050 : i1 to i32
        %sign3A_2052 = arith.subi %sign3A_2048, %sign3A_2051 : i32
        %ne3A_2053 = arith.cmpi ne, %sign3A_2045, %sign3A_2052 : i32
        %rem3A_2054 = arith.remsi %squeeze3A_2036, %jit3A_2037 : i32
        %ne3A_2055 = arith.constant 0 : i32
        %ne3A_2056 = arith.cmpi ne, %rem3A_2054, %ne3A_2055 : i32
        %and3A_2057 = arith.andi %ne3A_2053, %ne3A_2056 : i1
        %sub3A_2058 = arith.constant 1 : i32
        %sub3A_2059 = arith.subi %div3A_2038, %sub3A_2058 : i32
        %select_n3A_2060 = arith.select %and3A_2057, %sub3A_2059, %div3A_2038 : i32
        %mul3A_2061 = arith.constant 128 : i32
        %mul3A_2062 = arith.muli %select_n3A_2060, %mul3A_2061 : i32
        %multiple_of3A_2063 = tpu.assume_multiple %mul3A_2062, 128 : i32
        %dma_start3A_2064 = arith.constant 0 : i32
        %dma_start3A_2065 = arith.constant 1 : i32
        %dma_start3A_2066 = arith.constant 0 : i32
        %dma_start3A_2067 = arith.constant 0 : i32
        %dma_start3A_2068 = tpu.memref_slice %arg8[%dma_start3A_2064, %dma_start3A_2065, %dma_start3A_2066, %dma_start3A_2067] : memref<2x8x32x128xf32, #tpu.memory_space<vmem>> -> memref<1x1x32x128xf32, #tpu.memory_space<vmem>>
        %dma_start3A_2069 = tpu.memref_squeeze %dma_start3A_2068 : memref<1x1x32x128xf32, #tpu.memory_space<vmem>> -> memref<32x128xf32, #tpu.memory_space<vmem>>
        %dma_start3A_2070 = arith.constant 0 : i32
        %dma_start3A_2071 = tpu.memref_slice %arg5[%dma_start3A_2070, %multiple_of3A_2063] : memref<32x1000000xf32, #tpu.memory_space<hbm>> -> memref<32x128xf32, #tpu.memory_space<hbm>>
        %dma_start3A_2072 = arith.constant 0 : i32
        %dma_start3A_2073 = arith.constant 0 : i32
        %dma_start3A_2074 = tpu.memref_slice %arg8[%dma_start3A_2064, %dma_start3A_2065, %dma_start3A_2072, %dma_start3A_2073] : memref<2x8x32x128xf32, #tpu.memory_space<vmem>> -> memref<1x1x32x128xf32, #tpu.memory_space<vmem>>
        %dma_start3A_2075 = tpu.memref_squeeze %dma_start3A_2074 : memref<1x1x32x128xf32, #tpu.memory_space<vmem>> -> memref<32x128xf32, #tpu.memory_space<vmem>>
        %dma_start3A_2076 = arith.constant 0 : i32
        %dma_start3A_2077 = tpu.memref_slice %arg5[%dma_start3A_2076, %multiple_of3A_2063] : memref<32x1000000xf32, #tpu.memory_space<hbm>> -> memref<32x128xf32, #tpu.memory_space<hbm>>
        tpu.enqueue_dma source(%dma_start3A_2077 : memref<32x128xf32, #tpu.memory_space<hbm>>) target(%dma_start3A_2075 : memref<32x128xf32, #tpu.memory_space<vmem>>) target_semaphore(%arg11 : memref<!tpu.dma_semaphore, #tpu.memory_space<semaphore_mem>>)
        %slice3A_2078 = vector.extract_strided_slice %get3A_1991 {offsets = [2], sizes = [1], strides = [1]} : vector<16xi32> to vector<1xi32>
        %squeeze3A_2079 = vector.extract %slice3A_2078[0] : i32 from vector<1xi32>
        %jit3A_2080 = arith.constant 128 : i32
        %div3A_2081 = arith.divsi %squeeze3A_2079, %jit3A_2080 : i32
        %sign3A_2082 = arith.constant 0 : i32
        %sign3A_2083 = arith.cmpi sgt, %squeeze3A_2079, %sign3A_2082 : i32
        %sign3A_2084 = arith.extui %sign3A_2083 : i1 to i32
        %sign3A_2085 = arith.constant 0 : i32
        %sign3A_2086 = arith.cmpi slt, %squeeze3A_2079, %sign3A_2085 : i32
        %sign3A_2087 = arith.extui %sign3A_2086 : i1 to i32
        %sign3A_2088 = arith.subi %sign3A_2084, %sign3A_2087 : i32
        %sign3A_2089 = arith.constant 0 : i32
        %sign3A_2090 = arith.cmpi sgt, %jit3A_2080, %sign3A_2089 : i32
        %sign3A_2091 = arith.extui %sign3A_2090 : i1 to i32
        %sign3A_2092 = arith.constant 0 : i32
        %sign3A_2093 = arith.cmpi slt, %jit3A_2080, %sign3A_2092 : i32
        %sign3A_2094 = arith.extui %sign3A_2093 : i1 to i32
        %sign3A_2095 = arith.subi %sign3A_2091, %sign3A_2094 : i32
        %ne3A_2096 = arith.cmpi ne, %sign3A_2088, %sign3A_2095 : i32
        %rem3A_2097 = arith.remsi %squeeze3A_2079, %jit3A_2080 : i32
        %ne3A_2098 = arith.constant 0 : i32
        %ne3A_2099 = arith.cmpi ne, %rem3A_2097, %ne3A_2098 : i32
        %and3A_2100 = arith.andi %ne3A_2096, %ne3A_2099 : i1
        %sub3A_2101 = arith.constant 1 : i32
        %sub3A_2102 = arith.subi %div3A_2081, %sub3A_2101 : i32
        %select_n3A_2103 = arith.select %and3A_2100, %sub3A_2102, %div3A_2081 : i32
        %mul3A_2104 = arith.constant 128 : i32
        %mul3A_2105 = arith.muli %select_n3A_2103, %mul3A_2104 : i32
        %multiple_of3A_2106 = tpu.assume_multiple %mul3A_2105, 128 : i32
        %dma_start3A_2107 = arith.constant 0 : i32
        %dma_start3A_2108 = arith.constant 2 : i32
        %dma_start3A_2109 = arith.constant 0 : i32
        %dma_start3A_2110 = arith.constant 0 : i32
        %dma_start3A_2111 = tpu.memref_slice %arg8[%dma_start3A_2107, %dma_start3A_2108, %dma_start3A_2109, %dma_start3A_2110] : memref<2x8x32x128xf32, #tpu.memory_space<vmem>> -> memref<1x1x32x128xf32, #tpu.memory_space<vmem>>
        %dma_start3A_2112 = tpu.memref_squeeze %dma_start3A_2111 : memref<1x1x32x128xf32, #tpu.memory_space<vmem>> -> memref<32x128xf32, #tpu.memory_space<vmem>>
        %dma_start3A_2113 = arith.constant 0 : i32
        %dma_start3A_2114 = tpu.memref_slice %arg5[%dma_start3A_2113, %multiple_of3A_2106] : memref<32x1000000xf32, #tpu.memory_space<hbm>> -> memref<32x128xf32, #tpu.memory_space<hbm>>
        %dma_start3A_2115 = arith.constant 0 : i32
        %dma_start3A_2116 = arith.constant 0 : i32
        %dma_start3A_2117 = tpu.memref_slice %arg8[%dma_start3A_2107, %dma_start3A_2108, %dma_start3A_2115, %dma_start3A_2116] : memref<2x8x32x128xf32, #tpu.memory_space<vmem>> -> memref<1x1x32x128xf32, #tpu.memory_space<vmem>>
        %dma_start3A_2118 = tpu.memref_squeeze %dma_start3A_2117 : memref<1x1x32x128xf32, #tpu.memory_space<vmem>> -> memref<32x128xf32, #tpu.memory_space<vmem>>
        %dma_start3A_2119 = arith.constant 0 : i32
        %dma_start3A_2120 = tpu.memref_slice %arg5[%dma_start3A_2119, %multiple_of3A_2106] : memref<32x1000000xf32, #tpu.memory_space<hbm>> -> memref<32x128xf32, #tpu.memory_space<hbm>>
        tpu.enqueue_dma source(%dma_start3A_2120 : memref<32x128xf32, #tpu.memory_space<hbm>>) target(%dma_start3A_2118 : memref<32x128xf32, #tpu.memory_space<vmem>>) target_semaphore(%arg11 : memref<!tpu.dma_semaphore, #tpu.memory_space<semaphore_mem>>)
        %slice3A_2121 = vector.extract_strided_slice %get3A_1991 {offsets = [3], sizes = [1], strides = [1]} : vector<16xi32> to vector<1xi32>
        %squeeze3A_2122 = vector.extract %slice3A_2121[0] : i32 from vector<1xi32>
        %jit3A_2123 = arith.constant 128 : i32
        %div3A_2124 = arith.divsi %squeeze3A_2122, %jit3A_2123 : i32
        %sign3A_2125 = arith.constant 0 : i32
        %sign3A_2126 = arith.cmpi sgt, %squeeze3A_2122, %sign3A_2125 : i32
        %sign3A_2127 = arith.extui %sign3A_2126 : i1 to i32
        %sign3A_2128 = arith.constant 0 : i32
        %sign3A_2129 = arith.cmpi slt, %squeeze3A_2122, %sign3A_2128 : i32
        %sign3A_2130 = arith.extui %sign3A_2129 : i1 to i32
        %sign3A_2131 = arith.subi %sign3A_2127, %sign3A_2130 : i32
        %sign3A_2132 = arith.constant 0 : i32
        %sign3A_2133 = arith.cmpi sgt, %jit3A_2123, %sign3A_2132 : i32
        %sign3A_2134 = arith.extui %sign3A_2133 : i1 to i32
        %sign3A_2135 = arith.constant 0 : i32
        %sign3A_2136 = arith.cmpi slt, %jit3A_2123, %sign3A_2135 : i32
        %sign3A_2137 = arith.extui %sign3A_2136 : i1 to i32
        %sign3A_2138 = arith.subi %sign3A_2134, %sign3A_2137 : i32
        %ne3A_2139 = arith.cmpi ne, %sign3A_2131, %sign3A_2138 : i32
        %rem3A_2140 = arith.remsi %squeeze3A_2122, %jit3A_2123 : i32
        %ne3A_2141 = arith.constant 0 : i32
        %ne3A_2142 = arith.cmpi ne, %rem3A_2140, %ne3A_2141 : i32
        %and3A_2143 = arith.andi %ne3A_2139, %ne3A_2142 : i1
        %sub3A_2144 = arith.constant 1 : i32
        %sub3A_2145 = arith.subi %div3A_2124, %sub3A_2144 : i32
        %select_n3A_2146 = arith.select %and3A_2143, %sub3A_2145, %div3A_2124 : i32
        %mul3A_2147 = arith.constant 128 : i32
        %mul3A_2148 = arith.muli %select_n3A_2146, %mul3A_2147 : i32
        %multiple_of3A_2149 = tpu.assume_multiple %mul3A_2148, 128 : i32
        %dma_start3A_2150 = arith.constant 0 : i32
        %dma_start3A_2151 = arith.constant 3 : i32
        %dma_start3A_2152 = arith.constant 0 : i32
        %dma_start3A_2153 = arith.constant 0 : i32
        %dma_start3A_2154 = tpu.memref_slice %arg8[%dma_start3A_2150, %dma_start3A_2151, %dma_start3A_2152, %dma_start3A_2153] : memref<2x8x32x128xf32, #tpu.memory_space<vmem>> -> memref<1x1x32x128xf32, #tpu.memory_space<vmem>>
        %dma_start3A_2155 = tpu.memref_squeeze %dma_start3A_2154 : memref<1x1x32x128xf32, #tpu.memory_space<vmem>> -> memref<32x128xf32, #tpu.memory_space<vmem>>
        %dma_start3A_2156 = arith.constant 0 : i32
        %dma_start3A_2157 = tpu.memref_slice %arg5[%dma_start3A_2156, %multiple_of3A_2149] : memref<32x1000000xf32, #tpu.memory_space<hbm>> -> memref<32x128xf32, #tpu.memory_space<hbm>>
        %dma_start3A_2158 = arith.constant 0 : i32
        %dma_start3A_2159 = arith.constant 0 : i32
        %dma_start3A_2160 = tpu.memref_slice %arg8[%dma_start3A_2150, %dma_start3A_2151, %dma_start3A_2158, %dma_start3A_2159] : memref<2x8x32x128xf32, #tpu.memory_space<vmem>> -> memref<1x1x32x128xf32, #tpu.memory_space<vmem>>
        %dma_start3A_2161 = tpu.memref_squeeze %dma_start3A_2160 : memref<1x1x32x128xf32, #tpu.memory_space<vmem>> -> memref<32x128xf32, #tpu.memory_space<vmem>>
        %dma_start3A_2162 = arith.constant 0 : i32
        %dma_start3A_2163 = tpu.memref_slice %arg5[%dma_start3A_2162, %multiple_of3A_2149] : memref<32x1000000xf32, #tpu.memory_space<hbm>> -> memref<32x128xf32, #tpu.memory_space<hbm>>
        tpu.enqueue_dma source(%dma_start3A_2163 : memref<32x128xf32, #tpu.memory_space<hbm>>) target(%dma_start3A_2161 : memref<32x128xf32, #tpu.memory_space<vmem>>) target_semaphore(%arg11 : memref<!tpu.dma_semaphore, #tpu.memory_space<semaphore_mem>>)
        %slice3A_2164 = vector.extract_strided_slice %get3A_1991 {offsets = [4], sizes = [1], strides = [1]} : vector<16xi32> to vector<1xi32>
        %squeeze3A_2165 = vector.extract %slice3A_2164[0] : i32 from vector<1xi32>
        %jit3A_2166 = arith.constant 128 : i32
        %div3A_2167 = arith.divsi %squeeze3A_2165, %jit3A_2166 : i32
        %sign3A_2168 = arith.constant 0 : i32
        %sign3A_2169 = arith.cmpi sgt, %squeeze3A_2165, %sign3A_2168 : i32
        %sign3A_2170 = arith.extui %sign3A_2169 : i1 to i32
        %sign3A_2171 = arith.constant 0 : i32
        %sign3A_2172 = arith.cmpi slt, %squeeze3A_2165, %sign3A_2171 : i32
        %sign3A_2173 = arith.extui %sign3A_2172 : i1 to i32
        %sign3A_2174 = arith.subi %sign3A_2170, %sign3A_2173 : i32
        %sign3A_2175 = arith.constant 0 : i32
        %sign3A_2176 = arith.cmpi sgt, %jit3A_2166, %sign3A_2175 : i32
        %sign3A_2177 = arith.extui %sign3A_2176 : i1 to i32
        %sign3A_2178 = arith.constant 0 : i32
        %sign3A_2179 = arith.cmpi slt, %jit3A_2166, %sign3A_2178 : i32
        %sign3A_2180 = arith.extui %sign3A_2179 : i1 to i32
        %sign3A_2181 = arith.subi %sign3A_2177, %sign3A_2180 : i32
        %ne3A_2182 = arith.cmpi ne, %sign3A_2174, %sign3A_2181 : i32
        %rem3A_2183 = arith.remsi %squeeze3A_2165, %jit3A_2166 : i32
        %ne3A_2184 = arith.constant 0 : i32
        %ne3A_2185 = arith.cmpi ne, %rem3A_2183, %ne3A_2184 : i32
        %and3A_2186 = arith.andi %ne3A_2182, %ne3A_2185 : i1
        %sub3A_2187 = arith.constant 1 : i32
        %sub3A_2188 = arith.subi %div3A_2167, %sub3A_2187 : i32
        %select_n3A_2189 = arith.select %and3A_2186, %sub3A_2188, %div3A_2167 : i32
        %mul3A_2190 = arith.constant 128 : i32
        %mul3A_2191 = arith.muli %select_n3A_2189, %mul3A_2190 : i32
        %multiple_of3A_2192 = tpu.assume_multiple %mul3A_2191, 128 : i32
        %dma_start3A_2193 = arith.constant 0 : i32
        %dma_start3A_2194 = arith.constant 4 : i32
        %dma_start3A_2195 = arith.constant 0 : i32
        %dma_start3A_2196 = arith.constant 0 : i32
        %dma_start3A_2197 = tpu.memref_slice %arg8[%dma_start3A_2193, %dma_start3A_2194, %dma_start3A_2195, %dma_start3A_2196] : memref<2x8x32x128xf32, #tpu.memory_space<vmem>> -> memref<1x1x32x128xf32, #tpu.memory_space<vmem>>
        %dma_start3A_2198 = tpu.memref_squeeze %dma_start3A_2197 : memref<1x1x32x128xf32, #tpu.memory_space<vmem>> -> memref<32x128xf32, #tpu.memory_space<vmem>>
        %dma_start3A_2199 = arith.constant 0 : i32
        %dma_start3A_2200 = tpu.memref_slice %arg5[%dma_start3A_2199, %multiple_of3A_2192] : memref<32x1000000xf32, #tpu.memory_space<hbm>> -> memref<32x128xf32, #tpu.memory_space<hbm>>
        %dma_start3A_2201 = arith.constant 0 : i32
        %dma_start3A_2202 = arith.constant 0 : i32
        %dma_start3A_2203 = tpu.memref_slice %arg8[%dma_start3A_2193, %dma_start3A_2194, %dma_start3A_2201, %dma_start3A_2202] : memref<2x8x32x128xf32, #tpu.memory_space<vmem>> -> memref<1x1x32x128xf32, #tpu.memory_space<vmem>>
        %dma_start3A_2204 = tpu.memref_squeeze %dma_start3A_2203 : memref<1x1x32x128xf32, #tpu.memory_space<vmem>> -> memref<32x128xf32, #tpu.memory_space<vmem>>
        %dma_start3A_2205 = arith.constant 0 : i32
        %dma_start3A_2206 = tpu.memref_slice %arg5[%dma_start3A_2205, %multiple_of3A_2192] : memref<32x1000000xf32, #tpu.memory_space<hbm>> -> memref<32x128xf32, #tpu.memory_space<hbm>>
        tpu.enqueue_dma source(%dma_start3A_2206 : memref<32x128xf32, #tpu.memory_space<hbm>>) target(%dma_start3A_2204 : memref<32x128xf32, #tpu.memory_space<vmem>>) target_semaphore(%arg11 : memref<!tpu.dma_semaphore, #tpu.memory_space<semaphore_mem>>)
        %slice3A_2207 = vector.extract_strided_slice %get3A_1991 {offsets = [5], sizes = [1], strides = [1]} : vector<16xi32> to vector<1xi32>
        %squeeze3A_2208 = vector.extract %slice3A_2207[0] : i32 from vector<1xi32>
        %jit3A_2209 = arith.constant 128 : i32
        %div3A_2210 = arith.divsi %squeeze3A_2208, %jit3A_2209 : i32
        %sign3A_2211 = arith.constant 0 : i32
        %sign3A_2212 = arith.cmpi sgt, %squeeze3A_2208, %sign3A_2211 : i32
        %sign3A_2213 = arith.extui %sign3A_2212 : i1 to i32
        %sign3A_2214 = arith.constant 0 : i32
        %sign3A_2215 = arith.cmpi slt, %squeeze3A_2208, %sign3A_2214 : i32
        %sign3A_2216 = arith.extui %sign3A_2215 : i1 to i32
        %sign3A_2217 = arith.subi %sign3A_2213, %sign3A_2216 : i32
        %sign3A_2218 = arith.constant 0 : i32
        %sign3A_2219 = arith.cmpi sgt, %jit3A_2209, %sign3A_2218 : i32
        %sign3A_2220 = arith.extui %sign3A_2219 : i1 to i32
        %sign3A_2221 = arith.constant 0 : i32
        %sign3A_2222 = arith.cmpi slt, %jit3A_2209, %sign3A_2221 : i32
        %sign3A_2223 = arith.extui %sign3A_2222 : i1 to i32
        %sign3A_2224 = arith.subi %sign3A_2220, %sign3A_2223 : i32
        %ne3A_2225 = arith.cmpi ne, %sign3A_2217, %sign3A_2224 : i32
        %rem3A_2226 = arith.remsi %squeeze3A_2208, %jit3A_2209 : i32
        %ne3A_2227 = arith.constant 0 : i32
        %ne3A_2228 = arith.cmpi ne, %rem3A_2226, %ne3A_2227 : i32
        %and3A_2229 = arith.andi %ne3A_2225, %ne3A_2228 : i1
        %sub3A_2230 = arith.constant 1 : i32
        %sub3A_2231 = arith.subi %div3A_2210, %sub3A_2230 : i32
        %select_n3A_2232 = arith.select %and3A_2229, %sub3A_2231, %div3A_2210 : i32
        %mul3A_2233 = arith.constant 128 : i32
        %mul3A_2234 = arith.muli %select_n3A_2232, %mul3A_2233 : i32
        %multiple_of3A_2235 = tpu.assume_multiple %mul3A_2234, 128 : i32
        %dma_start3A_2236 = arith.constant 0 : i32
        %dma_start3A_2237 = arith.constant 5 : i32
        %dma_start3A_2238 = arith.constant 0 : i32
        %dma_start3A_2239 = arith.constant 0 : i32
        %dma_start3A_2240 = tpu.memref_slice %arg8[%dma_start3A_2236, %dma_start3A_2237, %dma_start3A_2238, %dma_start3A_2239] : memref<2x8x32x128xf32, #tpu.memory_space<vmem>> -> memref<1x1x32x128xf32, #tpu.memory_space<vmem>>
        %dma_start3A_2241 = tpu.memref_squeeze %dma_start3A_2240 : memref<1x1x32x128xf32, #tpu.memory_space<vmem>> -> memref<32x128xf32, #tpu.memory_space<vmem>>
        %dma_start3A_2242 = arith.constant 0 : i32
        %dma_start3A_2243 = tpu.memref_slice %arg5[%dma_start3A_2242, %multiple_of3A_2235] : memref<32x1000000xf32, #tpu.memory_space<hbm>> -> memref<32x128xf32, #tpu.memory_space<hbm>>
        %dma_start3A_2244 = arith.constant 0 : i32
        %dma_start3A_2245 = arith.constant 0 : i32
        %dma_start3A_2246 = tpu.memref_slice %arg8[%dma_start3A_2236, %dma_start3A_2237, %dma_start3A_2244, %dma_start3A_2245] : memref<2x8x32x128xf32, #tpu.memory_space<vmem>> -> memref<1x1x32x128xf32, #tpu.memory_space<vmem>>
        %dma_start3A_2247 = tpu.memref_squeeze %dma_start3A_2246 : memref<1x1x32x128xf32, #tpu.memory_space<vmem>> -> memref<32x128xf32, #tpu.memory_space<vmem>>
        %dma_start3A_2248 = arith.constant 0 : i32
        %dma_start3A_2249 = tpu.memref_slice %arg5[%dma_start3A_2248, %multiple_of3A_2235] : memref<32x1000000xf32, #tpu.memory_space<hbm>> -> memref<32x128xf32, #tpu.memory_space<hbm>>
        tpu.enqueue_dma source(%dma_start3A_2249 : memref<32x128xf32, #tpu.memory_space<hbm>>) target(%dma_start3A_2247 : memref<32x128xf32, #tpu.memory_space<vmem>>) target_semaphore(%arg11 : memref<!tpu.dma_semaphore, #tpu.memory_space<semaphore_mem>>)
        %slice3A_2250 = vector.extract_strided_slice %get3A_1991 {offsets = [6], sizes = [1], strides = [1]} : vector<16xi32> to vector<1xi32>
        %squeeze3A_2251 = vector.extract %slice3A_2250[0] : i32 from vector<1xi32>
        %jit3A_2252 = arith.constant 128 : i32
        %div3A_2253 = arith.divsi %squeeze3A_2251, %jit3A_2252 : i32
        %sign3A_2254 = arith.constant 0 : i32
        %sign3A_2255 = arith.cmpi sgt, %squeeze3A_2251, %sign3A_2254 : i32
        %sign3A_2256 = arith.extui %sign3A_2255 : i1 to i32
        %sign3A_2257 = arith.constant 0 : i32
        %sign3A_2258 = arith.cmpi slt, %squeeze3A_2251, %sign3A_2257 : i32
        %sign3A_2259 = arith.extui %sign3A_2258 : i1 to i32
        %sign3A_2260 = arith.subi %sign3A_2256, %sign3A_2259 : i32
        %sign3A_2261 = arith.constant 0 : i32
        %sign3A_2262 = arith.cmpi sgt, %jit3A_2252, %sign3A_2261 : i32
        %sign3A_2263 = arith.extui %sign3A_2262 : i1 to i32
        %sign3A_2264 = arith.constant 0 : i32
        %sign3A_2265 = arith.cmpi slt, %jit3A_2252, %sign3A_2264 : i32
        %sign3A_2266 = arith.extui %sign3A_2265 : i1 to i32
        %sign3A_2267 = arith.subi %sign3A_2263, %sign3A_2266 : i32
        %ne3A_2268 = arith.cmpi ne, %sign3A_2260, %sign3A_2267 : i32
        %rem3A_2269 = arith.remsi %squeeze3A_2251, %jit3A_2252 : i32
        %ne3A_2270 = arith.constant 0 : i32
        %ne3A_2271 = arith.cmpi ne, %rem3A_2269, %ne3A_2270 : i32
        %and3A_2272 = arith.andi %ne3A_2268, %ne3A_2271 : i1
        %sub3A_2273 = arith.constant 1 : i32
        %sub3A_2274 = arith.subi %div3A_2253, %sub3A_2273 : i32
        %select_n3A_2275 = arith.select %and3A_2272, %sub3A_2274, %div3A_2253 : i32
        %mul3A_2276 = arith.constant 128 : i32
        %mul3A_2277 = arith.muli %select_n3A_2275, %mul3A_2276 : i32
        %multiple_of3A_2278 = tpu.assume_multiple %mul3A_2277, 128 : i32
        %dma_start3A_2279 = arith.constant 0 : i32
        %dma_start3A_2280 = arith.constant 6 : i32
        %dma_start3A_2281 = arith.constant 0 : i32
        %dma_start3A_2282 = arith.constant 0 : i32
        %dma_start3A_2283 = tpu.memref_slice %arg8[%dma_start3A_2279, %dma_start3A_2280, %dma_start3A_2281, %dma_start3A_2282] : memref<2x8x32x128xf32, #tpu.memory_space<vmem>> -> memref<1x1x32x128xf32, #tpu.memory_space<vmem>>
        %dma_start3A_2284 = tpu.memref_squeeze %dma_start3A_2283 : memref<1x1x32x128xf32, #tpu.memory_space<vmem>> -> memref<32x128xf32, #tpu.memory_space<vmem>>
        %dma_start3A_2285 = arith.constant 0 : i32
        %dma_start3A_2286 = tpu.memref_slice %arg5[%dma_start3A_2285, %multiple_of3A_2278] : memref<32x1000000xf32, #tpu.memory_space<hbm>> -> memref<32x128xf32, #tpu.memory_space<hbm>>
        %dma_start3A_2287 = arith.constant 0 : i32
        %dma_start3A_2288 = arith.constant 0 : i32
        %dma_start3A_2289 = tpu.memref_slice %arg8[%dma_start3A_2279, %dma_start3A_2280, %dma_start3A_2287, %dma_start3A_2288] : memref<2x8x32x128xf32, #tpu.memory_space<vmem>> -> memref<1x1x32x128xf32, #tpu.memory_space<vmem>>
        %dma_start3A_2290 = tpu.memref_squeeze %dma_start3A_2289 : memref<1x1x32x128xf32, #tpu.memory_space<vmem>> -> memref<32x128xf32, #tpu.memory_space<vmem>>
        %dma_start3A_2291 = arith.constant 0 : i32
        %dma_start3A_2292 = tpu.memref_slice %arg5[%dma_start3A_2291, %multiple_of3A_2278] : memref<32x1000000xf32, #tpu.memory_space<hbm>> -> memref<32x128xf32, #tpu.memory_space<hbm>>
        tpu.enqueue_dma source(%dma_start3A_2292 : memref<32x128xf32, #tpu.memory_space<hbm>>) target(%dma_start3A_2290 : memref<32x128xf32, #tpu.memory_space<vmem>>) target_semaphore(%arg11 : memref<!tpu.dma_semaphore, #tpu.memory_space<semaphore_mem>>)
        %slice3A_2293 = vector.extract_strided_slice %get3A_1991 {offsets = [7], sizes = [1], strides = [1]} : vector<16xi32> to vector<1xi32>
        %squeeze3A_2294 = vector.extract %slice3A_2293[0] : i32 from vector<1xi32>
        %jit3A_2295 = arith.constant 128 : i32
        %div3A_2296 = arith.divsi %squeeze3A_2294, %jit3A_2295 : i32
        %sign3A_2297 = arith.constant 0 : i32
        %sign3A_2298 = arith.cmpi sgt, %squeeze3A_2294, %sign3A_2297 : i32
        %sign3A_2299 = arith.extui %sign3A_2298 : i1 to i32
        %sign3A_2300 = arith.constant 0 : i32
        %sign3A_2301 = arith.cmpi slt, %squeeze3A_2294, %sign3A_2300 : i32
        %sign3A_2302 = arith.extui %sign3A_2301 : i1 to i32
        %sign3A_2303 = arith.subi %sign3A_2299, %sign3A_2302 : i32
        %sign3A_2304 = arith.constant 0 : i32
        %sign3A_2305 = arith.cmpi sgt, %jit3A_2295, %sign3A_2304 : i32
        %sign3A_2306 = arith.extui %sign3A_2305 : i1 to i32
        %sign3A_2307 = arith.constant 0 : i32
        %sign3A_2308 = arith.cmpi slt, %jit3A_2295, %sign3A_2307 : i32
        %sign3A_2309 = arith.extui %sign3A_2308 : i1 to i32
        %sign3A_2310 = arith.subi %sign3A_2306, %sign3A_2309 : i32
        %ne3A_2311 = arith.cmpi ne, %sign3A_2303, %sign3A_2310 : i32
        %rem3A_2312 = arith.remsi %squeeze3A_2294, %jit3A_2295 : i32
        %ne3A_2313 = arith.constant 0 : i32
        %ne3A_2314 = arith.cmpi ne, %rem3A_2312, %ne3A_2313 : i32
        %and3A_2315 = arith.andi %ne3A_2311, %ne3A_2314 : i1
        %sub3A_2316 = arith.constant 1 : i32
        %sub3A_2317 = arith.subi %div3A_2296, %sub3A_2316 : i32
        %select_n3A_2318 = arith.select %and3A_2315, %sub3A_2317, %div3A_2296 : i32
        %mul3A_2319 = arith.constant 128 : i32
        %mul3A_2320 = arith.muli %select_n3A_2318, %mul3A_2319 : i32
        %multiple_of3A_2321 = tpu.assume_multiple %mul3A_2320, 128 : i32
        %dma_start3A_2322 = arith.constant 0 : i32
        %dma_start3A_2323 = arith.constant 7 : i32
        %dma_start3A_2324 = arith.constant 0 : i32
        %dma_start3A_2325 = arith.constant 0 : i32
        %dma_start3A_2326 = tpu.memref_slice %arg8[%dma_start3A_2322, %dma_start3A_2323, %dma_start3A_2324, %dma_start3A_2325] : memref<2x8x32x128xf32, #tpu.memory_space<vmem>> -> memref<1x1x32x128xf32, #tpu.memory_space<vmem>>
        %dma_start3A_2327 = tpu.memref_squeeze %dma_start3A_2326 : memref<1x1x32x128xf32, #tpu.memory_space<vmem>> -> memref<32x128xf32, #tpu.memory_space<vmem>>
        %dma_start3A_2328 = arith.constant 0 : i32
        %dma_start3A_2329 = tpu.memref_slice %arg5[%dma_start3A_2328, %multiple_of3A_2321] : memref<32x1000000xf32, #tpu.memory_space<hbm>> -> memref<32x128xf32, #tpu.memory_space<hbm>>
        %dma_start3A_2330 = arith.constant 0 : i32
        %dma_start3A_2331 = arith.constant 0 : i32
        %dma_start3A_2332 = tpu.memref_slice %arg8[%dma_start3A_2322, %dma_start3A_2323, %dma_start3A_2330, %dma_start3A_2331] : memref<2x8x32x128xf32, #tpu.memory_space<vmem>> -> memref<1x1x32x128xf32, #tpu.memory_space<vmem>>
        %dma_start3A_2333 = tpu.memref_squeeze %dma_start3A_2332 : memref<1x1x32x128xf32, #tpu.memory_space<vmem>> -> memref<32x128xf32, #tpu.memory_space<vmem>>
        %dma_start3A_2334 = arith.constant 0 : i32
        %dma_start3A_2335 = tpu.memref_slice %arg5[%dma_start3A_2334, %multiple_of3A_2321] : memref<32x1000000xf32, #tpu.memory_space<hbm>> -> memref<32x128xf32, #tpu.memory_space<hbm>>
        tpu.enqueue_dma source(%dma_start3A_2335 : memref<32x128xf32, #tpu.memory_space<hbm>>) target(%dma_start3A_2333 : memref<32x128xf32, #tpu.memory_space<vmem>>) target_semaphore(%arg11 : memref<!tpu.dma_semaphore, #tpu.memory_space<semaphore_mem>>)
        %slice3A_2336 = vector.extract_strided_slice %get3A_1991 {offsets = [8], sizes = [1], strides = [1]} : vector<16xi32> to vector<1xi32>
        %squeeze3A_2337 = vector.extract %slice3A_2336[0] : i32 from vector<1xi32>
        %jit3A_2338 = arith.constant 128 : i32
        %div3A_2339 = arith.divsi %squeeze3A_2337, %jit3A_2338 : i32
        %sign3A_2340 = arith.constant 0 : i32
        %sign3A_2341 = arith.cmpi sgt, %squeeze3A_2337, %sign3A_2340 : i32
        %sign3A_2342 = arith.extui %sign3A_2341 : i1 to i32
        %sign3A_2343 = arith.constant 0 : i32
        %sign3A_2344 = arith.cmpi slt, %squeeze3A_2337, %sign3A_2343 : i32
        %sign3A_2345 = arith.extui %sign3A_2344 : i1 to i32
        %sign3A_2346 = arith.subi %sign3A_2342, %sign3A_2345 : i32
        %sign3A_2347 = arith.constant 0 : i32
        %sign3A_2348 = arith.cmpi sgt, %jit3A_2338, %sign3A_2347 : i32
        %sign3A_2349 = arith.extui %sign3A_2348 : i1 to i32
        %sign3A_2350 = arith.constant 0 : i32
        %sign3A_2351 = arith.cmpi slt, %jit3A_2338, %sign3A_2350 : i32
        %sign3A_2352 = arith.extui %sign3A_2351 : i1 to i32
        %sign3A_2353 = arith.subi %sign3A_2349, %sign3A_2352 : i32
        %ne3A_2354 = arith.cmpi ne, %sign3A_2346, %sign3A_2353 : i32
        %rem3A_2355 = arith.remsi %squeeze3A_2337, %jit3A_2338 : i32
        %ne3A_2356 = arith.constant 0 : i32
        %ne3A_2357 = arith.cmpi ne, %rem3A_2355, %ne3A_2356 : i32
        %and3A_2358 = arith.andi %ne3A_2354, %ne3A_2357 : i1
        %sub3A_2359 = arith.constant 1 : i32
        %sub3A_2360 = arith.subi %div3A_2339, %sub3A_2359 : i32
        %select_n3A_2361 = arith.select %and3A_2358, %sub3A_2360, %div3A_2339 : i32
        %mul3A_2362 = arith.constant 128 : i32
        %mul3A_2363 = arith.muli %select_n3A_2361, %mul3A_2362 : i32
        %multiple_of3A_2364 = tpu.assume_multiple %mul3A_2363, 128 : i32
        %dma_start3A_2365 = arith.constant 1 : i32
        %dma_start3A_2366 = arith.constant 0 : i32
        %dma_start3A_2367 = arith.constant 0 : i32
        %dma_start3A_2368 = arith.constant 0 : i32
        %dma_start3A_2369 = tpu.memref_slice %arg8[%dma_start3A_2365, %dma_start3A_2366, %dma_start3A_2367, %dma_start3A_2368] : memref<2x8x32x128xf32, #tpu.memory_space<vmem>> -> memref<1x1x32x128xf32, #tpu.memory_space<vmem>>
        %dma_start3A_2370 = tpu.memref_squeeze %dma_start3A_2369 : memref<1x1x32x128xf32, #tpu.memory_space<vmem>> -> memref<32x128xf32, #tpu.memory_space<vmem>>
        %dma_start3A_2371 = arith.constant 0 : i32
        %dma_start3A_2372 = tpu.memref_slice %arg5[%dma_start3A_2371, %multiple_of3A_2364] : memref<32x1000000xf32, #tpu.memory_space<hbm>> -> memref<32x128xf32, #tpu.memory_space<hbm>>
        %dma_start3A_2373 = arith.constant 0 : i32
        %dma_start3A_2374 = arith.constant 0 : i32
        %dma_start3A_2375 = tpu.memref_slice %arg8[%dma_start3A_2365, %dma_start3A_2366, %dma_start3A_2373, %dma_start3A_2374] : memref<2x8x32x128xf32, #tpu.memory_space<vmem>> -> memref<1x1x32x128xf32, #tpu.memory_space<vmem>>
        %dma_start3A_2376 = tpu.memref_squeeze %dma_start3A_2375 : memref<1x1x32x128xf32, #tpu.memory_space<vmem>> -> memref<32x128xf32, #tpu.memory_space<vmem>>
        %dma_start3A_2377 = arith.constant 0 : i32
        %dma_start3A_2378 = tpu.memref_slice %arg5[%dma_start3A_2377, %multiple_of3A_2364] : memref<32x1000000xf32, #tpu.memory_space<hbm>> -> memref<32x128xf32, #tpu.memory_space<hbm>>
        tpu.enqueue_dma source(%dma_start3A_2378 : memref<32x128xf32, #tpu.memory_space<hbm>>) target(%dma_start3A_2376 : memref<32x128xf32, #tpu.memory_space<vmem>>) target_semaphore(%arg12 : memref<!tpu.dma_semaphore, #tpu.memory_space<semaphore_mem>>)
        %slice3A_2379 = vector.extract_strided_slice %get3A_1991 {offsets = [9], sizes = [1], strides = [1]} : vector<16xi32> to vector<1xi32>
        %squeeze3A_2380 = vector.extract %slice3A_2379[0] : i32 from vector<1xi32>
        %jit3A_2381 = arith.constant 128 : i32
        %div3A_2382 = arith.divsi %squeeze3A_2380, %jit3A_2381 : i32
        %sign3A_2383 = arith.constant 0 : i32
        %sign3A_2384 = arith.cmpi sgt, %squeeze3A_2380, %sign3A_2383 : i32
        %sign3A_2385 = arith.extui %sign3A_2384 : i1 to i32
        %sign3A_2386 = arith.constant 0 : i32
        %sign3A_2387 = arith.cmpi slt, %squeeze3A_2380, %sign3A_2386 : i32
        %sign3A_2388 = arith.extui %sign3A_2387 : i1 to i32
        %sign3A_2389 = arith.subi %sign3A_2385, %sign3A_2388 : i32
        %sign3A_2390 = arith.constant 0 : i32
        %sign3A_2391 = arith.cmpi sgt, %jit3A_2381, %sign3A_2390 : i32
        %sign3A_2392 = arith.extui %sign3A_2391 : i1 to i32
        %sign3A_2393 = arith.constant 0 : i32
        %sign3A_2394 = arith.cmpi slt, %jit3A_2381, %sign3A_2393 : i32
        %sign3A_2395 = arith.extui %sign3A_2394 : i1 to i32
        %sign3A_2396 = arith.subi %sign3A_2392, %sign3A_2395 : i32
        %ne3A_2397 = arith.cmpi ne, %sign3A_2389, %sign3A_2396 : i32
        %rem3A_2398 = arith.remsi %squeeze3A_2380, %jit3A_2381 : i32
        %ne3A_2399 = arith.constant 0 : i32
        %ne3A_2400 = arith.cmpi ne, %rem3A_2398, %ne3A_2399 : i32
        %and3A_2401 = arith.andi %ne3A_2397, %ne3A_2400 : i1
        %sub3A_2402 = arith.constant 1 : i32
        %sub3A_2403 = arith.subi %div3A_2382, %sub3A_2402 : i32
        %select_n3A_2404 = arith.select %and3A_2401, %sub3A_2403, %div3A_2382 : i32
        %mul3A_2405 = arith.constant 128 : i32
        %mul3A_2406 = arith.muli %select_n3A_2404, %mul3A_2405 : i32
        %multiple_of3A_2407 = tpu.assume_multiple %mul3A_2406, 128 : i32
        %dma_start3A_2408 = arith.constant 1 : i32
        %dma_start3A_2409 = arith.constant 1 : i32
        %dma_start3A_2410 = arith.constant 0 : i32
        %dma_start3A_2411 = arith.constant 0 : i32
        %dma_start3A_2412 = tpu.memref_slice %arg8[%dma_start3A_2408, %dma_start3A_2409, %dma_start3A_2410, %dma_start3A_2411] : memref<2x8x32x128xf32, #tpu.memory_space<vmem>> -> memref<1x1x32x128xf32, #tpu.memory_space<vmem>>
        %dma_start3A_2413 = tpu.memref_squeeze %dma_start3A_2412 : memref<1x1x32x128xf32, #tpu.memory_space<vmem>> -> memref<32x128xf32, #tpu.memory_space<vmem>>
        %dma_start3A_2414 = arith.constant 0 : i32
        %dma_start3A_2415 = tpu.memref_slice %arg5[%dma_start3A_2414, %multiple_of3A_2407] : memref<32x1000000xf32, #tpu.memory_space<hbm>> -> memref<32x128xf32, #tpu.memory_space<hbm>>
        %dma_start3A_2416 = arith.constant 0 : i32
        %dma_start3A_2417 = arith.constant 0 : i32
        %dma_start3A_2418 = tpu.memref_slice %arg8[%dma_start3A_2408, %dma_start3A_2409, %dma_start3A_2416, %dma_start3A_2417] : memref<2x8x32x128xf32, #tpu.memory_space<vmem>> -> memref<1x1x32x128xf32, #tpu.memory_space<vmem>>
        %dma_start3A_2419 = tpu.memref_squeeze %dma_start3A_2418 : memref<1x1x32x128xf32, #tpu.memory_space<vmem>> -> memref<32x128xf32, #tpu.memory_space<vmem>>
        %dma_start3A_2420 = arith.constant 0 : i32
        %dma_start3A_2421 = tpu.memref_slice %arg5[%dma_start3A_2420, %multiple_of3A_2407] : memref<32x1000000xf32, #tpu.memory_space<hbm>> -> memref<32x128xf32, #tpu.memory_space<hbm>>
        tpu.enqueue_dma source(%dma_start3A_2421 : memref<32x128xf32, #tpu.memory_space<hbm>>) target(%dma_start3A_2419 : memref<32x128xf32, #tpu.memory_space<vmem>>) target_semaphore(%arg12 : memref<!tpu.dma_semaphore, #tpu.memory_space<semaphore_mem>>)
        %slice3A_2422 = vector.extract_strided_slice %get3A_1991 {offsets = [10], sizes = [1], strides = [1]} : vector<16xi32> to vector<1xi32>
        %squeeze3A_2423 = vector.extract %slice3A_2422[0] : i32 from vector<1xi32>
        %jit3A_2424 = arith.constant 128 : i32
        %div3A_2425 = arith.divsi %squeeze3A_2423, %jit3A_2424 : i32
        %sign3A_2426 = arith.constant 0 : i32
        %sign3A_2427 = arith.cmpi sgt, %squeeze3A_2423, %sign3A_2426 : i32
        %sign3A_2428 = arith.extui %sign3A_2427 : i1 to i32
        %sign3A_2429 = arith.constant 0 : i32
        %sign3A_2430 = arith.cmpi slt, %squeeze3A_2423, %sign3A_2429 : i32
        %sign3A_2431 = arith.extui %sign3A_2430 : i1 to i32
        %sign3A_2432 = arith.subi %sign3A_2428, %sign3A_2431 : i32
        %sign3A_2433 = arith.constant 0 : i32
        %sign3A_2434 = arith.cmpi sgt, %jit3A_2424, %sign3A_2433 : i32
        %sign3A_2435 = arith.extui %sign3A_2434 : i1 to i32
        %sign3A_2436 = arith.constant 0 : i32
        %sign3A_2437 = arith.cmpi slt, %jit3A_2424, %sign3A_2436 : i32
        %sign3A_2438 = arith.extui %sign3A_2437 : i1 to i32
        %sign3A_2439 = arith.subi %sign3A_2435, %sign3A_2438 : i32
        %ne3A_2440 = arith.cmpi ne, %sign3A_2432, %sign3A_2439 : i32
        %rem3A_2441 = arith.remsi %squeeze3A_2423, %jit3A_2424 : i32
        %ne3A_2442 = arith.constant 0 : i32
        %ne3A_2443 = arith.cmpi ne, %rem3A_2441, %ne3A_2442 : i32
        %and3A_2444 = arith.andi %ne3A_2440, %ne3A_2443 : i1
        %sub3A_2445 = arith.constant 1 : i32
        %sub3A_2446 = arith.subi %div3A_2425, %sub3A_2445 : i32
        %select_n3A_2447 = arith.select %and3A_2444, %sub3A_2446, %div3A_2425 : i32
        %mul3A_2448 = arith.constant 128 : i32
        %mul3A_2449 = arith.muli %select_n3A_2447, %mul3A_2448 : i32
        %multiple_of3A_2450 = tpu.assume_multiple %mul3A_2449, 128 : i32
        %dma_start3A_2451 = arith.constant 1 : i32
        %dma_start3A_2452 = arith.constant 2 : i32
        %dma_start3A_2453 = arith.constant 0 : i32
        %dma_start3A_2454 = arith.constant 0 : i32
        %dma_start3A_2455 = tpu.memref_slice %arg8[%dma_start3A_2451, %dma_start3A_2452, %dma_start3A_2453, %dma_start3A_2454] : memref<2x8x32x128xf32, #tpu.memory_space<vmem>> -> memref<1x1x32x128xf32, #tpu.memory_space<vmem>>
        %dma_start3A_2456 = tpu.memref_squeeze %dma_start3A_2455 : memref<1x1x32x128xf32, #tpu.memory_space<vmem>> -> memref<32x128xf32, #tpu.memory_space<vmem>>
        %dma_start3A_2457 = arith.constant 0 : i32
        %dma_start3A_2458 = tpu.memref_slice %arg5[%dma_start3A_2457, %multiple_of3A_2450] : memref<32x1000000xf32, #tpu.memory_space<hbm>> -> memref<32x128xf32, #tpu.memory_space<hbm>>
        %dma_start3A_2459 = arith.constant 0 : i32
        %dma_start3A_2460 = arith.constant 0 : i32
        %dma_start3A_2461 = tpu.memref_slice %arg8[%dma_start3A_2451, %dma_start3A_2452, %dma_start3A_2459, %dma_start3A_2460] : memref<2x8x32x128xf32, #tpu.memory_space<vmem>> -> memref<1x1x32x128xf32, #tpu.memory_space<vmem>>
        %dma_start3A_2462 = tpu.memref_squeeze %dma_start3A_2461 : memref<1x1x32x128xf32, #tpu.memory_space<vmem>> -> memref<32x128xf32, #tpu.memory_space<vmem>>
        %dma_start3A_2463 = arith.constant 0 : i32
        %dma_start3A_2464 = tpu.memref_slice %arg5[%dma_start3A_2463, %multiple_of3A_2450] : memref<32x1000000xf32, #tpu.memory_space<hbm>> -> memref<32x128xf32, #tpu.memory_space<hbm>>
        tpu.enqueue_dma source(%dma_start3A_2464 : memref<32x128xf32, #tpu.memory_space<hbm>>) target(%dma_start3A_2462 : memref<32x128xf32, #tpu.memory_space<vmem>>) target_semaphore(%arg12 : memref<!tpu.dma_semaphore, #tpu.memory_space<semaphore_mem>>)
        %slice3A_2465 = vector.extract_strided_slice %get3A_1991 {offsets = [11], sizes = [1], strides = [1]} : vector<16xi32> to vector<1xi32>
        %squeeze3A_2466 = vector.extract %slice3A_2465[0] : i32 from vector<1xi32>
        %jit3A_2467 = arith.constant 128 : i32
        %div3A_2468 = arith.divsi %squeeze3A_2466, %jit3A_2467 : i32
        %sign3A_2469 = arith.constant 0 : i32
        %sign3A_2470 = arith.cmpi sgt, %squeeze3A_2466, %sign3A_2469 : i32
        %sign3A_2471 = arith.extui %sign3A_2470 : i1 to i32
        %sign3A_2472 = arith.constant 0 : i32
        %sign3A_2473 = arith.cmpi slt, %squeeze3A_2466, %sign3A_2472 : i32
        %sign3A_2474 = arith.extui %sign3A_2473 : i1 to i32
        %sign3A_2475 = arith.subi %sign3A_2471, %sign3A_2474 : i32
        %sign3A_2476 = arith.constant 0 : i32
        %sign3A_2477 = arith.cmpi sgt, %jit3A_2467, %sign3A_2476 : i32
        %sign3A_2478 = arith.extui %sign3A_2477 : i1 to i32
        %sign3A_2479 = arith.constant 0 : i32
        %sign3A_2480 = arith.cmpi slt, %jit3A_2467, %sign3A_2479 : i32
        %sign3A_2481 = arith.extui %sign3A_2480 : i1 to i32
        %sign3A_2482 = arith.subi %sign3A_2478, %sign3A_2481 : i32
        %ne3A_2483 = arith.cmpi ne, %sign3A_2475, %sign3A_2482 : i32
        %rem3A_2484 = arith.remsi %squeeze3A_2466, %jit3A_2467 : i32
        %ne3A_2485 = arith.constant 0 : i32
        %ne3A_2486 = arith.cmpi ne, %rem3A_2484, %ne3A_2485 : i32
        %and3A_2487 = arith.andi %ne3A_2483, %ne3A_2486 : i1
        %sub3A_2488 = arith.constant 1 : i32
        %sub3A_2489 = arith.subi %div3A_2468, %sub3A_2488 : i32
        %select_n3A_2490 = arith.select %and3A_2487, %sub3A_2489, %div3A_2468 : i32
        %mul3A_2491 = arith.constant 128 : i32
        %mul3A_2492 = arith.muli %select_n3A_2490, %mul3A_2491 : i32
        %multiple_of3A_2493 = tpu.assume_multiple %mul3A_2492, 128 : i32
        %dma_start3A_2494 = arith.constant 1 : i32
        %dma_start3A_2495 = arith.constant 3 : i32
        %dma_start3A_2496 = arith.constant 0 : i32
        %dma_start3A_2497 = arith.constant 0 : i32
        %dma_start3A_2498 = tpu.memref_slice %arg8[%dma_start3A_2494, %dma_start3A_2495, %dma_start3A_2496, %dma_start3A_2497] : memref<2x8x32x128xf32, #tpu.memory_space<vmem>> -> memref<1x1x32x128xf32, #tpu.memory_space<vmem>>
        %dma_start3A_2499 = tpu.memref_squeeze %dma_start3A_2498 : memref<1x1x32x128xf32, #tpu.memory_space<vmem>> -> memref<32x128xf32, #tpu.memory_space<vmem>>
        %dma_start3A_2500 = arith.constant 0 : i32
        %dma_start3A_2501 = tpu.memref_slice %arg5[%dma_start3A_2500, %multiple_of3A_2493] : memref<32x1000000xf32, #tpu.memory_space<hbm>> -> memref<32x128xf32, #tpu.memory_space<hbm>>
        %dma_start3A_2502 = arith.constant 0 : i32
        %dma_start3A_2503 = arith.constant 0 : i32
        %dma_start3A_2504 = tpu.memref_slice %arg8[%dma_start3A_2494, %dma_start3A_2495, %dma_start3A_2502, %dma_start3A_2503] : memref<2x8x32x128xf32, #tpu.memory_space<vmem>> -> memref<1x1x32x128xf32, #tpu.memory_space<vmem>>
        %dma_start3A_2505 = tpu.memref_squeeze %dma_start3A_2504 : memref<1x1x32x128xf32, #tpu.memory_space<vmem>> -> memref<32x128xf32, #tpu.memory_space<vmem>>
        %dma_start3A_2506 = arith.constant 0 : i32
        %dma_start3A_2507 = tpu.memref_slice %arg5[%dma_start3A_2506, %multiple_of3A_2493] : memref<32x1000000xf32, #tpu.memory_space<hbm>> -> memref<32x128xf32, #tpu.memory_space<hbm>>
        tpu.enqueue_dma source(%dma_start3A_2507 : memref<32x128xf32, #tpu.memory_space<hbm>>) target(%dma_start3A_2505 : memref<32x128xf32, #tpu.memory_space<vmem>>) target_semaphore(%arg12 : memref<!tpu.dma_semaphore, #tpu.memory_space<semaphore_mem>>)
        %slice3A_2508 = vector.extract_strided_slice %get3A_1991 {offsets = [12], sizes = [1], strides = [1]} : vector<16xi32> to vector<1xi32>
        %squeeze3A_2509 = vector.extract %slice3A_2508[0] : i32 from vector<1xi32>
        %jit3A_2510 = arith.constant 128 : i32
        %div3A_2511 = arith.divsi %squeeze3A_2509, %jit3A_2510 : i32
        %sign3A_2512 = arith.constant 0 : i32
        %sign3A_2513 = arith.cmpi sgt, %squeeze3A_2509, %sign3A_2512 : i32
        %sign3A_2514 = arith.extui %sign3A_2513 : i1 to i32
        %sign3A_2515 = arith.constant 0 : i32
        %sign3A_2516 = arith.cmpi slt, %squeeze3A_2509, %sign3A_2515 : i32
        %sign3A_2517 = arith.extui %sign3A_2516 : i1 to i32
        %sign3A_2518 = arith.subi %sign3A_2514, %sign3A_2517 : i32
        %sign3A_2519 = arith.constant 0 : i32
        %sign3A_2520 = arith.cmpi sgt, %jit3A_2510, %sign3A_2519 : i32
        %sign3A_2521 = arith.extui %sign3A_2520 : i1 to i32
        %sign3A_2522 = arith.constant 0 : i32
        %sign3A_2523 = arith.cmpi slt, %jit3A_2510, %sign3A_2522 : i32
        %sign3A_2524 = arith.extui %sign3A_2523 : i1 to i32
        %sign3A_2525 = arith.subi %sign3A_2521, %sign3A_2524 : i32
        %ne3A_2526 = arith.cmpi ne, %sign3A_2518, %sign3A_2525 : i32
        %rem3A_2527 = arith.remsi %squeeze3A_2509, %jit3A_2510 : i32
        %ne3A_2528 = arith.constant 0 : i32
        %ne3A_2529 = arith.cmpi ne, %rem3A_2527, %ne3A_2528 : i32
        %and3A_2530 = arith.andi %ne3A_2526, %ne3A_2529 : i1
        %sub3A_2531 = arith.constant 1 : i32
        %sub3A_2532 = arith.subi %div3A_2511, %sub3A_2531 : i32
        %select_n3A_2533 = arith.select %and3A_2530, %sub3A_2532, %div3A_2511 : i32
        %mul3A_2534 = arith.constant 128 : i32
        %mul3A_2535 = arith.muli %select_n3A_2533, %mul3A_2534 : i32
        %multiple_of3A_2536 = tpu.assume_multiple %mul3A_2535, 128 : i32
        %dma_start3A_2537 = arith.constant 1 : i32
        %dma_start3A_2538 = arith.constant 4 : i32
        %dma_start3A_2539 = arith.constant 0 : i32
        %dma_start3A_2540 = arith.constant 0 : i32
        %dma_start3A_2541 = tpu.memref_slice %arg8[%dma_start3A_2537, %dma_start3A_2538, %dma_start3A_2539, %dma_start3A_2540] : memref<2x8x32x128xf32, #tpu.memory_space<vmem>> -> memref<1x1x32x128xf32, #tpu.memory_space<vmem>>
        %dma_start3A_2542 = tpu.memref_squeeze %dma_start3A_2541 : memref<1x1x32x128xf32, #tpu.memory_space<vmem>> -> memref<32x128xf32, #tpu.memory_space<vmem>>
        %dma_start3A_2543 = arith.constant 0 : i32
        %dma_start3A_2544 = tpu.memref_slice %arg5[%dma_start3A_2543, %multiple_of3A_2536] : memref<32x1000000xf32, #tpu.memory_space<hbm>> -> memref<32x128xf32, #tpu.memory_space<hbm>>
        %dma_start3A_2545 = arith.constant 0 : i32
        %dma_start3A_2546 = arith.constant 0 : i32
        %dma_start3A_2547 = tpu.memref_slice %arg8[%dma_start3A_2537, %dma_start3A_2538, %dma_start3A_2545, %dma_start3A_2546] : memref<2x8x32x128xf32, #tpu.memory_space<vmem>> -> memref<1x1x32x128xf32, #tpu.memory_space<vmem>>
        %dma_start3A_2548 = tpu.memref_squeeze %dma_start3A_2547 : memref<1x1x32x128xf32, #tpu.memory_space<vmem>> -> memref<32x128xf32, #tpu.memory_space<vmem>>
        %dma_start3A_2549 = arith.constant 0 : i32
        %dma_start3A_2550 = tpu.memref_slice %arg5[%dma_start3A_2549, %multiple_of3A_2536] : memref<32x1000000xf32, #tpu.memory_space<hbm>> -> memref<32x128xf32, #tpu.memory_space<hbm>>
        tpu.enqueue_dma source(%dma_start3A_2550 : memref<32x128xf32, #tpu.memory_space<hbm>>) target(%dma_start3A_2548 : memref<32x128xf32, #tpu.memory_space<vmem>>) target_semaphore(%arg12 : memref<!tpu.dma_semaphore, #tpu.memory_space<semaphore_mem>>)
        %slice3A_2551 = vector.extract_strided_slice %get3A_1991 {offsets = [13], sizes = [1], strides = [1]} : vector<16xi32> to vector<1xi32>
        %squeeze3A_2552 = vector.extract %slice3A_2551[0] : i32 from vector<1xi32>
        %jit3A_2553 = arith.constant 128 : i32
        %div3A_2554 = arith.divsi %squeeze3A_2552, %jit3A_2553 : i32
        %sign3A_2555 = arith.constant 0 : i32
        %sign3A_2556 = arith.cmpi sgt, %squeeze3A_2552, %sign3A_2555 : i32
        %sign3A_2557 = arith.extui %sign3A_2556 : i1 to i32
        %sign3A_2558 = arith.constant 0 : i32
        %sign3A_2559 = arith.cmpi slt, %squeeze3A_2552, %sign3A_2558 : i32
        %sign3A_2560 = arith.extui %sign3A_2559 : i1 to i32
        %sign3A_2561 = arith.subi %sign3A_2557, %sign3A_2560 : i32
        %sign3A_2562 = arith.constant 0 : i32
        %sign3A_2563 = arith.cmpi sgt, %jit3A_2553, %sign3A_2562 : i32
        %sign3A_2564 = arith.extui %sign3A_2563 : i1 to i32
        %sign3A_2565 = arith.constant 0 : i32
        %sign3A_2566 = arith.cmpi slt, %jit3A_2553, %sign3A_2565 : i32
        %sign3A_2567 = arith.extui %sign3A_2566 : i1 to i32
        %sign3A_2568 = arith.subi %sign3A_2564, %sign3A_2567 : i32
        %ne3A_2569 = arith.cmpi ne, %sign3A_2561, %sign3A_2568 : i32
        %rem3A_2570 = arith.remsi %squeeze3A_2552, %jit3A_2553 : i32
        %ne3A_2571 = arith.constant 0 : i32
        %ne3A_2572 = arith.cmpi ne, %rem3A_2570, %ne3A_2571 : i32
        %and3A_2573 = arith.andi %ne3A_2569, %ne3A_2572 : i1
        %sub3A_2574 = arith.constant 1 : i32
        %sub3A_2575 = arith.subi %div3A_2554, %sub3A_2574 : i32
        %select_n3A_2576 = arith.select %and3A_2573, %sub3A_2575, %div3A_2554 : i32
        %mul3A_2577 = arith.constant 128 : i32
        %mul3A_2578 = arith.muli %select_n3A_2576, %mul3A_2577 : i32
        %multiple_of3A_2579 = tpu.assume_multiple %mul3A_2578, 128 : i32
        %dma_start3A_2580 = arith.constant 1 : i32
        %dma_start3A_2581 = arith.constant 5 : i32
        %dma_start3A_2582 = arith.constant 0 : i32
        %dma_start3A_2583 = arith.constant 0 : i32
        %dma_start3A_2584 = tpu.memref_slice %arg8[%dma_start3A_2580, %dma_start3A_2581, %dma_start3A_2582, %dma_start3A_2583] : memref<2x8x32x128xf32, #tpu.memory_space<vmem>> -> memref<1x1x32x128xf32, #tpu.memory_space<vmem>>
        %dma_start3A_2585 = tpu.memref_squeeze %dma_start3A_2584 : memref<1x1x32x128xf32, #tpu.memory_space<vmem>> -> memref<32x128xf32, #tpu.memory_space<vmem>>
        %dma_start3A_2586 = arith.constant 0 : i32
        %dma_start3A_2587 = tpu.memref_slice %arg5[%dma_start3A_2586, %multiple_of3A_2579] : memref<32x1000000xf32, #tpu.memory_space<hbm>> -> memref<32x128xf32, #tpu.memory_space<hbm>>
        %dma_start3A_2588 = arith.constant 0 : i32
        %dma_start3A_2589 = arith.constant 0 : i32
        %dma_start3A_2590 = tpu.memref_slice %arg8[%dma_start3A_2580, %dma_start3A_2581, %dma_start3A_2588, %dma_start3A_2589] : memref<2x8x32x128xf32, #tpu.memory_space<vmem>> -> memref<1x1x32x128xf32, #tpu.memory_space<vmem>>
        %dma_start3A_2591 = tpu.memref_squeeze %dma_start3A_2590 : memref<1x1x32x128xf32, #tpu.memory_space<vmem>> -> memref<32x128xf32, #tpu.memory_space<vmem>>
        %dma_start3A_2592 = arith.constant 0 : i32
        %dma_start3A_2593 = tpu.memref_slice %arg5[%dma_start3A_2592, %multiple_of3A_2579] : memref<32x1000000xf32, #tpu.memory_space<hbm>> -> memref<32x128xf32, #tpu.memory_space<hbm>>
        tpu.enqueue_dma source(%dma_start3A_2593 : memref<32x128xf32, #tpu.memory_space<hbm>>) target(%dma_start3A_2591 : memref<32x128xf32, #tpu.memory_space<vmem>>) target_semaphore(%arg12 : memref<!tpu.dma_semaphore, #tpu.memory_space<semaphore_mem>>)
        %slice3A_2594 = vector.extract_strided_slice %get3A_1991 {offsets = [14], sizes = [1], strides = [1]} : vector<16xi32> to vector<1xi32>
        %squeeze3A_2595 = vector.extract %slice3A_2594[0] : i32 from vector<1xi32>
        %jit3A_2596 = arith.constant 128 : i32
        %div3A_2597 = arith.divsi %squeeze3A_2595, %jit3A_2596 : i32
        %sign3A_2598 = arith.constant 0 : i32
        %sign3A_2599 = arith.cmpi sgt, %squeeze3A_2595, %sign3A_2598 : i32
        %sign3A_2600 = arith.extui %sign3A_2599 : i1 to i32
        %sign3A_2601 = arith.constant 0 : i32
        %sign3A_2602 = arith.cmpi slt, %squeeze3A_2595, %sign3A_2601 : i32
        %sign3A_2603 = arith.extui %sign3A_2602 : i1 to i32
        %sign3A_2604 = arith.subi %sign3A_2600, %sign3A_2603 : i32
        %sign3A_2605 = arith.constant 0 : i32
        %sign3A_2606 = arith.cmpi sgt, %jit3A_2596, %sign3A_2605 : i32
        %sign3A_2607 = arith.extui %sign3A_2606 : i1 to i32
        %sign3A_2608 = arith.constant 0 : i32
        %sign3A_2609 = arith.cmpi slt, %jit3A_2596, %sign3A_2608 : i32
        %sign3A_2610 = arith.extui %sign3A_2609 : i1 to i32
        %sign3A_2611 = arith.subi %sign3A_2607, %sign3A_2610 : i32
        %ne3A_2612 = arith.cmpi ne, %sign3A_2604, %sign3A_2611 : i32
        %rem3A_2613 = arith.remsi %squeeze3A_2595, %jit3A_2596 : i32
        %ne3A_2614 = arith.constant 0 : i32
        %ne3A_2615 = arith.cmpi ne, %rem3A_2613, %ne3A_2614 : i32
        %and3A_2616 = arith.andi %ne3A_2612, %ne3A_2615 : i1
        %sub3A_2617 = arith.constant 1 : i32
        %sub3A_2618 = arith.subi %div3A_2597, %sub3A_2617 : i32
        %select_n3A_2619 = arith.select %and3A_2616, %sub3A_2618, %div3A_2597 : i32
        %mul3A_2620 = arith.constant 128 : i32
        %mul3A_2621 = arith.muli %select_n3A_2619, %mul3A_2620 : i32
        %multiple_of3A_2622 = tpu.assume_multiple %mul3A_2621, 128 : i32
        %dma_start3A_2623 = arith.constant 1 : i32
        %dma_start3A_2624 = arith.constant 6 : i32
        %dma_start3A_2625 = arith.constant 0 : i32
        %dma_start3A_2626 = arith.constant 0 : i32
        %dma_start3A_2627 = tpu.memref_slice %arg8[%dma_start3A_2623, %dma_start3A_2624, %dma_start3A_2625, %dma_start3A_2626] : memref<2x8x32x128xf32, #tpu.memory_space<vmem>> -> memref<1x1x32x128xf32, #tpu.memory_space<vmem>>
        %dma_start3A_2628 = tpu.memref_squeeze %dma_start3A_2627 : memref<1x1x32x128xf32, #tpu.memory_space<vmem>> -> memref<32x128xf32, #tpu.memory_space<vmem>>
        %dma_start3A_2629 = arith.constant 0 : i32
        %dma_start3A_2630 = tpu.memref_slice %arg5[%dma_start3A_2629, %multiple_of3A_2622] : memref<32x1000000xf32, #tpu.memory_space<hbm>> -> memref<32x128xf32, #tpu.memory_space<hbm>>
        %dma_start3A_2631 = arith.constant 0 : i32
        %dma_start3A_2632 = arith.constant 0 : i32
        %dma_start3A_2633 = tpu.memref_slice %arg8[%dma_start3A_2623, %dma_start3A_2624, %dma_start3A_2631, %dma_start3A_2632] : memref<2x8x32x128xf32, #tpu.memory_space<vmem>> -> memref<1x1x32x128xf32, #tpu.memory_space<vmem>>
        %dma_start3A_2634 = tpu.memref_squeeze %dma_start3A_2633 : memref<1x1x32x128xf32, #tpu.memory_space<vmem>> -> memref<32x128xf32, #tpu.memory_space<vmem>>
        %dma_start3A_2635 = arith.constant 0 : i32
        %dma_start3A_2636 = tpu.memref_slice %arg5[%dma_start3A_2635, %multiple_of3A_2622] : memref<32x1000000xf32, #tpu.memory_space<hbm>> -> memref<32x128xf32, #tpu.memory_space<hbm>>
        tpu.enqueue_dma source(%dma_start3A_2636 : memref<32x128xf32, #tpu.memory_space<hbm>>) target(%dma_start3A_2634 : memref<32x128xf32, #tpu.memory_space<vmem>>) target_semaphore(%arg12 : memref<!tpu.dma_semaphore, #tpu.memory_space<semaphore_mem>>)
        %slice3A_2637 = vector.extract_strided_slice %get3A_1991 {offsets = [15], sizes = [1], strides = [1]} : vector<16xi32> to vector<1xi32>
        %squeeze3A_2638 = vector.extract %slice3A_2637[0] : i32 from vector<1xi32>
        %jit3A_2639 = arith.constant 128 : i32
        %div3A_2640 = arith.divsi %squeeze3A_2638, %jit3A_2639 : i32
        %sign3A_2641 = arith.constant 0 : i32
        %sign3A_2642 = arith.cmpi sgt, %squeeze3A_2638, %sign3A_2641 : i32
        %sign3A_2643 = arith.extui %sign3A_2642 : i1 to i32
        %sign3A_2644 = arith.constant 0 : i32
        %sign3A_2645 = arith.cmpi slt, %squeeze3A_2638, %sign3A_2644 : i32
        %sign3A_2646 = arith.extui %sign3A_2645 : i1 to i32
        %sign3A_2647 = arith.subi %sign3A_2643, %sign3A_2646 : i32
        %sign3A_2648 = arith.constant 0 : i32
        %sign3A_2649 = arith.cmpi sgt, %jit3A_2639, %sign3A_2648 : i32
        %sign3A_2650 = arith.extui %sign3A_2649 : i1 to i32
        %sign3A_2651 = arith.constant 0 : i32
        %sign3A_2652 = arith.cmpi slt, %jit3A_2639, %sign3A_2651 : i32
        %sign3A_2653 = arith.extui %sign3A_2652 : i1 to i32
        %sign3A_2654 = arith.subi %sign3A_2650, %sign3A_2653 : i32
        %ne3A_2655 = arith.cmpi ne, %sign3A_2647, %sign3A_2654 : i32
        %rem3A_2656 = arith.remsi %squeeze3A_2638, %jit3A_2639 : i32
        %ne3A_2657 = arith.constant 0 : i32
        %ne3A_2658 = arith.cmpi ne, %rem3A_2656, %ne3A_2657 : i32
        %and3A_2659 = arith.andi %ne3A_2655, %ne3A_2658 : i1
        %sub3A_2660 = arith.constant 1 : i32
        %sub3A_2661 = arith.subi %div3A_2640, %sub3A_2660 : i32
        %select_n3A_2662 = arith.select %and3A_2659, %sub3A_2661, %div3A_2640 : i32
        %mul3A_2663 = arith.constant 128 : i32
        %mul3A_2664 = arith.muli %select_n3A_2662, %mul3A_2663 : i32
        %multiple_of3A_2665 = tpu.assume_multiple %mul3A_2664, 128 : i32
        %dma_start3A_2666 = arith.constant 1 : i32
        %dma_start3A_2667 = arith.constant 7 : i32
        %dma_start3A_2668 = arith.constant 0 : i32
        %dma_start3A_2669 = arith.constant 0 : i32
        %dma_start3A_2670 = tpu.memref_slice %arg8[%dma_start3A_2666, %dma_start3A_2667, %dma_start3A_2668, %dma_start3A_2669] : memref<2x8x32x128xf32, #tpu.memory_space<vmem>> -> memref<1x1x32x128xf32, #tpu.memory_space<vmem>>
        %dma_start3A_2671 = tpu.memref_squeeze %dma_start3A_2670 : memref<1x1x32x128xf32, #tpu.memory_space<vmem>> -> memref<32x128xf32, #tpu.memory_space<vmem>>
        %dma_start3A_2672 = arith.constant 0 : i32
        %dma_start3A_2673 = tpu.memref_slice %arg5[%dma_start3A_2672, %multiple_of3A_2665] : memref<32x1000000xf32, #tpu.memory_space<hbm>> -> memref<32x128xf32, #tpu.memory_space<hbm>>
        %dma_start3A_2674 = arith.constant 0 : i32
        %dma_start3A_2675 = arith.constant 0 : i32
        %dma_start3A_2676 = tpu.memref_slice %arg8[%dma_start3A_2666, %dma_start3A_2667, %dma_start3A_2674, %dma_start3A_2675] : memref<2x8x32x128xf32, #tpu.memory_space<vmem>> -> memref<1x1x32x128xf32, #tpu.memory_space<vmem>>
        %dma_start3A_2677 = tpu.memref_squeeze %dma_start3A_2676 : memref<1x1x32x128xf32, #tpu.memory_space<vmem>> -> memref<32x128xf32, #tpu.memory_space<vmem>>
        %dma_start3A_2678 = arith.constant 0 : i32
        %dma_start3A_2679 = tpu.memref_slice %arg5[%dma_start3A_2678, %multiple_of3A_2665] : memref<32x1000000xf32, #tpu.memory_space<hbm>> -> memref<32x128xf32, #tpu.memory_space<hbm>>
        tpu.enqueue_dma source(%dma_start3A_2679 : memref<32x128xf32, #tpu.memory_space<hbm>>) target(%dma_start3A_2677 : memref<32x128xf32, #tpu.memory_space<vmem>>) target_semaphore(%arg12 : memref<!tpu.dma_semaphore, #tpu.memory_space<semaphore_mem>>)
      } else {
      }
    }
    %scan3A_1385 = arith.constant 32 : i32
    "tpu.region"() ({
      %run_scoped3A_1386 = tpu.sem_alloc : memref<!tpu.dma_semaphore, #tpu.memory_space<semaphore_mem>>
      %dma_start3A_1387 = tpu.memref_slice %arg6[%mul3A_2] : memref<16384xf32, #tpu.memory_space<hbm>> -> memref<512xf32, #tpu.memory_space<hbm>>
      %dma_start3A_1388 = tpu.memref_slice %arg6[%mul3A_2] : memref<16384xf32, #tpu.memory_space<hbm>> -> memref<512xf32, #tpu.memory_space<hbm>>
      tpu.enqueue_dma source(%arg10 : memref<512xf32, #tpu.memory_space<vmem>>) target(%dma_start3A_1388 : memref<512xf32, #tpu.memory_space<hbm>>) target_semaphore(%run_scoped3A_1386 : memref<!tpu.dma_semaphore, #tpu.memory_space<semaphore_mem>>)
      %dma_wait3A = tpu.memref_slice %arg6[%mul3A_2] : memref<16384xf32, #tpu.memory_space<hbm>> -> memref<512xf32, #tpu.memory_space<hbm>>
      %dma_wait3A_1389 = tpu.memref_slice %arg6[%mul3A_2] : memref<16384xf32, #tpu.memory_space<hbm>> -> memref<512xf32, #tpu.memory_space<hbm>>
      tpu.wait_dma2 semaphore(%run_scoped3A_1386 : memref<!tpu.dma_semaphore, #tpu.memory_space<semaphore_mem>>) src(%arg10 : memref<512xf32, #tpu.memory_space<vmem>>) dst(%dma_wait3A_1389 : memref<512xf32, #tpu.memory_space<hbm>>)
      tpu.yield
    }) : () -> ()
    return
  }
}

</mosaic_0001>

<sc_bundles>
// kernel: kernel.3.cloned.1.call-start
scs
__scs_entry_jumppad:
0x0: {  	(pc) =	sbr.rel $0x88, $3  }
0x1: {  	(tag) =	ssettag $0x0;
	lr =	simm.s32 $0x1  }
0x2: {  	[smem:$0x3F9D] =	sst lr;
	_ =	strace $0xD0000000  }
0x3: {  	_ = 	snop  }
0x4: {  	_ = 	snop  }
0x5: {  	_ = 	snop  }
0x6: {  	_ = 	snop  }
0x7: {  	_ = 	snop  }
__scs_overlays_trampoline_lowered:
0x8: {  	[smem:$0x3FAC] =	sst s0  }
0x9: {  	[smem:$0x3FAD] =	sst s1  }
0xa: {  	[smem:$0x3FAE] =	sst s2  }
0xb: {  	[smem:$0x3FAF] =	sst s3  }
0xc: {  	[smem:$0x3FB0] =	sst s4  }
0xd: {  	[smem:$0x3FB1] =	sst s5  }
0xe: {  	[smem:$0x3FB2] =	sst s6  }
0xf: {  	[smem:$0x3FB3] =	sst s7  }
0x10: {  	[smem:$0x3FB4] =	sst s8  }
0x11: {  	[smem:$0x3FB5] =	sst s9;
	s0 =	simm.s32 @!p0 $0x0  }
0x12: {  	s1 =	sld [smem:$0x3F9B];
	s0 =	simm.s32 @p0 $0x1  }
0x13: {  	[smem:$0x3FB6] =	sst s0;
	s0 =	simm.s32 @!p1 $0x0  }
0x14: {  	s2 =	sld [smem:$0x3F9A];
	s0 =	simm.s32 @p1 $0x1  }
0x15: {  	[smem:$0x3FB7] =	sst s0;
	s0 =	simm.s32 @!p2 $0x0  }
0x16: {  	s3 =	sld [smem:$0x3FDB];
	s0 =	simm.s32 @p2 $0x1  }
0x17: {  	s4 =	simm.s32 $0x1BF5;
	[smem:$0x3FB9] =	sst s0  }
0x18: {  	s0 =	sld [smem:$0x3F9C];
	_ =	swait.ge [sflag:s4], $0x0  }
0x19: {  	s7 =	sld [smem:$0x3F9D]  }
0x1a: {  	s8 =	sadd.s32 $0xFFFFE003, lr  }
0x1b: {  	s9 =	sadd.s32 $0xFFFFFEF7, lr;
	s5 =	simm.s32 $0xFFFFFFFF;
	p2 =	slt.u32 s8, $0xFFFFF086  }
0x1c: {  	p1 =	slt.u32 s9, $0xF7A;
	s5 =	simm.s32 @!p2 $0x0  }
0x1d: {  	s5 =	simm.s32 @p1 $0x1;
	p0 =	seq.s32 s7, s2  }
0x1e: {  	s7 =	smul.u32 @!p0 $0xF7A, s2;
	p2 =	seq.s32 @!p0 s5, $0x0  }
0x1f: {  	s9 =	smul.u32 $0xF7A, s1;
	s8 =	simm.s32 @!p0 $0x1BF5;
	p2 =	por !p2, p0  }
0x20: {  	[sflag:s8] =	ssyncset.s32 @!p0 $0xFFFFF086;
	s6 =	sadd.s32 @!p0 s3, s7;
	s7 =	simm.s32 @!p0 $0x108  }
0x21: {  	s3 =	sadd.s32 s3, s9;
	s6 =	sadd.s32 @!p0 $0x88, s6;
	s7 =	simm.s32 @p2 $0x1082  }
0x22: {  	[simem:s7], [sflag:s8] =	dma.local @!p0 [hbm:s6], $0xF7A  }
0x23: {  	s9 =	sor.u32 $0xD0000000, s2;
	s6 =	simm.s32 $0x108;
	_ =	swait.ge @!p0 [sflag:s8], $0x0  }
0x24: {  	s3 =	sadd.s32 $0x88, s3;
	s6 =	simm.s32 @!p1 $0x1082;
	[sflag:s4] =	ssyncset.s32 $0xFFFFF086  }
0x25: {  	[simem:s6], [sflag:s4] =	dma.local [hbm:s3], $0xF7A  }
0x26: {  	[smem:$0x3F9D] =	sst s1;
	(tag) =	ssettag s2;
	_ =	strace s9  }
0x27: {  	s1 =	sld [smem:$0x3FAD]  }
0x28: {  	s2 =	sld [smem:$0x3FAE]  }
0x29: {  	s4 =	sld [smem:$0x3FB0]  }
0x2a: {  	p0 =	seq.s32 s5, $0x0;
	s5 =	sld [smem:$0x3FB1]  }
0x2b: {  	s6 =	sld [smem:$0x3FB2]  }
0x2c: {  	s7 =	sld [smem:$0x3FB3]  }
0x2d: {  	s3 =	simm.s32 $0x108;
	s8 =	sld [smem:$0x3FB4]  }
0x2e: {  	s3 =	simm.s32 @!p0 $0x1082;
	s9 =	sld [smem:$0x3FB5]  }
0x2f: {  	lr =	sadd.s32 s0, s3;
	s0 =	sld [smem:$0x3FAC]  }
0x30: {  	s3 =	sld [smem:$0x3FAF]  }
0x31: {  	[smem:$0x3FB8] =	sst s10  }
0x32: {  	s10 =	sld [smem:$0x3FB6];
	_ =	sdelay $0x3  }
0x33: {  	p0 =	seq.s32 s10, $0x1;
	s10 =	sld [smem:$0x3FB8];
	_ =	sdelay $0x3  }
0x34: {  	[smem:$0x3FB8] =	sst s10  }
0x35: {  	s10 =	sld [smem:$0x3FB7];
	_ =	sdelay $0x3  }
0x36: {  	p1 =	seq.s32 s10, $0x1;
	s10 =	sld [smem:$0x3FB8];
	_ =	sdelay $0x3  }
0x37: {  	[smem:$0x3FB8] =	sst s10  }
0x38: {  	s10 =	sld [smem:$0x3FB9]  }
0x39: {  	_ = 	snop;
	(pc) =	sbr.ind lr, $3  }
0x3a: {  	_ = 	snop  }
0x3b: {  	_ = 	snop  }
0x3c: {  	p2 =	seq.s32 s10, $0x1;
	s10 =	sld [smem:$0x3FB8]  }
0x3d: {  	_ =	shalt  }
0x3e: {  	_ =	shalt  }
0x3f: {  	_ =	shalt  }
0x40: {  	_ =	shalt  }
0x41: {  	_ =	shalt  }
0x42: {  	_ =	shalt  }
0x43: {  	_ =	shalt  }
0x44: {  	_ =	shalt  }
0x45: {  	_ =	shalt  }
0x46: {  	_ =	shalt  }
0x47: {  	_ =	shalt  }
0x48: {  	_ =	shalt  }
0x49: {  	_ =	shalt  }
0x4a: {  	_ =	shalt  }
0x4b: {  	_ =	shalt  }
0x4c: {  	_ =	shalt  }
0x4d: {  	_ =	shalt  }
0x4e: {  	_ =	shalt  }
0x4f: {  	_ =	shalt  }
0x50: {  	_ =	shalt  }
0x51: {  	_ =	shalt  }
0x52: {  	_ =	shalt  }
0x53: {  	_ =	shalt  }
0x54: {  	_ =	shalt  }
0x55: {  	_ =	shalt  }
0x56: {  	_ =	shalt  }
0x57: {  	_ =	shalt  }
0x58: {  	_ =	shalt  }
0x59: {  	_ =	shalt  }
0x5a: {  	_ =	shalt  }
0x5b: {  	_ =	shalt  }
0x5c: {  	_ =	shalt  }
0x5d: {  	_ =	shalt  }
0x5e: {  	_ =	shalt  }
0x5f: {  	_ =	shalt  }
0x60: {  	_ =	shalt  }
0x61: {  	_ =	shalt  }
0x62: {  	_ =	shalt  }
0x63: {  	_ =	shalt  }
0x64: {  	_ =	shalt  }
0x65: {  	_ =	shalt  }
0x66: {  	_ =	shalt  }
0x67: {  	_ =	shalt  }
0x68: {  	_ =	shalt  }
0x69: {  	_ =	shalt  }
0x6a: {  	_ =	shalt  }
0x6b: {  	_ =	shalt  }
0x6c: {  	_ =	shalt  }
0x6d: {  	_ =	shalt  }
0x6e: {  	_ =	shalt  }
0x6f: {  	_ =	shalt  }
0x70: {  	_ =	shalt  }
0x71: {  	_ =	shalt  }
0x72: {  	_ =	shalt  }
0x73: {  	_ =	shalt  }
0x74: {  	_ =	shalt  }
0x75: {  	_ =	shalt  }
0x76: {  	_ =	shalt  }
0x77: {  	_ =	shalt  }
0x78: {  	_ =	shalt  }
0x79: {  	_ =	shalt  }
0x7a: {  	_ =	shalt  }
0x7b: {  	_ =	shalt  }
0x7c: {  	_ =	shalt  }
0x7d: {  	_ =	shalt  }
0x7e: {  	_ =	shalt  }
0x7f: {  	_ =	shalt  }
0x80: {  	_ =	shalt  }
0x81: {  	_ =	shalt  }
0x82: {  	_ =	shalt  }
0x83: {  	_ =	shalt  }
0x84: {  	_ =	shalt  }
0x85: {  	_ =	shalt  }
0x86: {  	_ =	shalt  }
0x87: {  	_ =	shalt  }
.Lfunc_end0:
.L_simem_size_0:
called_computation_lowered:
.L_overlay_start_0:
0x88: {  	s2 =	sld [smem:$0x3FD9]  }
0x89: {  	s3 =	sld [smem:$0x3FFE];
	_ =	sdelay $0x1  }
0x8a: {  	s1 =	srdreg.scid  }
0x8b: {  	s0 =	sand.u32 $0x1, s1  }
0x8c: {  	s17 =	sshll.u32 s0, $0xA;
	s2 =	sadd.s32 s3, s2  }
0x8d: {  	s2 =	sadd.s32 s2, s17  }
0x8e: {  	[smem:$0x3FC4] =	sst s2  }
0x8f: {  	_ = 	snop  }
0x90: {  	s2 =	sld [smem:$0x3FC7]  }
0x91: {  	s18 =	sld [smem:$0x3FC6]  }
0x92: {  	s4 =	sld [smem:$0x3FD0];
	(tm) =	ssettm $0x1  }
0x93: {  	s5 =	sld [smem:$0x3FFB];
	_ =	sdelay $0x3  }
0x94: {  	_ =	strace s5  }
0x95: {  	s5 =	sld [smem:$0x3FFC];
	_ =	sdelay $0x3  }
0x96: {  	_ =	strace s5  }
0x97: {  	s5 =	sld [smem:$0x3FFD];
	_ =	sdelay $0x3  }
0x98: {  	_ =	strace s5  }
0x99: {  	_ =	strace $0x8FFFFFFF  }
0x9a: {  	s19 =	sld [smem:$0x3FDB];
	_ =	sdelay $0x1  }
0x9b: {  	s6 =	simm.s32 $_scs_section_size  }
0x9c: {  	s7 =	simm.s32 $_size__tile_overlayer_lowered;
	s8 =	simm.s32 $_tile_overlayer_lowered  }
0x9d: {  	s22 =	simm.s32 $0x1BFF;
	s21 =	sshll.u32 s8, $0x1;
	s5 =	sadd.s32 s6, s19  }
0x9e: {  	s9 =	simm.s32 $0x0;
	s20 =	sshll.u32 s7, $0x1;
	s7 =	sadd.s32 s21, s5  }
0x9f: {  	[timem:s9], [sflag:s22] =	dma.local [hbm:s7], s20  }
0xa0: {  	_ =	swait.ge [sflag:s22], s20  }
0xa1: {  	s6 =	ssub.s32 $0x0, s20;
	[sflag:s22] =	ssyncset.done $0x0  }
0xa2: {  	[sflag:s22] =	ssyncadd.s32 s6;
	_ =	sdelay $0x1  }
0xa3: {  	s23 =	simm.s32 $0x1B8B  }
0xa4: {  	_ =	swait.ge [sflag:s23], $0x1  }
0xa5: {  	[sflag:s23] =	ssyncset.done $0x0  }
0xa6: {  	s25 =	simm.s32 $0x1B8E;
	s24 =	sld [smem:$0x3FFE];
	[sflag:s23] =	ssyncadd.s32 $0xFFFFFFFF  }
0xa7: {  	s26 =	simm.s32 $execute0_lowered;
	[smem:$0x3FD2] =	sst s25  }
0xa8: {  	s7 =	sshll.u32 s26, $0x1;
	_ =	strace $0x80000046;
	[dreg:$0x1] =	wrdreg $0xFFFFFFFF  }
0xa9: {  	s28 =	simm.s32 $_size_execute0_lowered;
	s5 =	sadd.s32 s5, s7;
	[dreg:$0x0] =	wrdreg $0x0  }
0xaa: {  	s7 =	sshll.u32 s28, $0x1;
	[dreg:$0x2] =	wrdreg s5  }
0xab: {  	[dreg:$0x3] =	wrdreg s7  }
0xac: {  	[dreg:$0x4] =	wrdreg $0xC0  }
0xad: {  	_ =	task [dreg:s9], $0x5FFFF  }
0xae: {  	[dreg:$0x1] =	wrdreg $0xFFFFFFFF  }
0xaf: {  	[dreg:$0x0] =	wrdreg $0x60  }
0xb0: {  	[dreg:$0x2] =	wrdreg s24  }
0xb1: {  	[dreg:$0x3] =	wrdreg s2  }
0xb2: {  	[dreg:$0x4] =	wrdreg s18  }
0xb3: {  	[dreg:$0x5] =	wrdreg s4  }
0xb4: {  	[dreg:$0x6] =	wrdreg $0x9  }
0xb5: {  	_ =	task.clear_ibuf [dreg:s9], $0x7FFFF;
	_ =	strace $0x90000046  }
0xb6: {  	s29 =	simm.s32 $0x9;
	_ =	strace $0x80000048  }
0xb7: {  	_ =	swait.ge [sflag:s29], $0x1  }
0xb8: {  	[sflag:s29] =	ssyncadd.s32 $0xFFFFFFFF  }
0xb9: {  	_ =	strace $0x90000048  }
0xba: {  	_ =	sfence  }
0xbb: {  	s30 =	sld [smem:$0x0];
	_ =	sdelay $0x2  }
0xbc: {  	s31 =	sshll.u32 s1, $0xD;
	s1 =	sshrl.u32 s1, $0x2  }
0xbd: {  	s3 =	sand.u32 $0x4000, s31;
	s1 =	sadd.s32 s1, s30  }
0xbe: {  	s0 =	sor.u32 s3, s0;
	s1 =	sshll.u32 s1, $0x11  }
0xbf: {  	s0 =	sor.u32 s1, s0  }
0xc0: {  	s0 =	sadd.s32 $0x8F2B, s0  }
0xc1: {  	[sflag:s0] =	ssyncadd.remote.s32 $0x1  }
0xc2: {  	_ =	sfence.sel $0xFFFF  }
0xc3: {  	[dreg:$0x0] =	wrdreg $0xFFFFFFFF;
	(pc) =	sbr.abs _section_cstart, $3  }
0xc4: {  	[dreg:$0x1] =	wrdreg $0xFFFFFFFF  }
0xc5: {  	_ =	task.clear_ibuf [dreg:s9], $0x2FFFF;
	_ =	strace $0x9FFFFFFF  }
0xc6: {  	(tm) =	ssettm $0x7FFFFFFF  }
0xc7: {  	_ =	shalt  }
tec
execute0_lowered:
.L_overlay_start_1:
0x0: {  	(tag) =	ssettag $0x1  }
0x1: {  	s0 =	rddreg [dreg:$0x0]  }
0x2: {  	s1 =	rddreg [dreg:$0x1]  }
0x3: {  	s3 =	rddreg [dreg:$0x2];
	s2 =	srdreg.scid  }
0x4: {  	s7 =	stileid.u32;
	s5 =	rddreg [dreg:$0x3]  }
0x5: {  	s15 =	simm.s32 $0x3;
	s28 =	simm.s32 $0x2400;
	s29 =	simm.s32 $0x3400  }
0x6: {  	s30 =	simm.s32 $0x4400;
	s31 =	simm.s32 $0x5400;
	s12 =	simm.s32 $0x8400  }
0x7: {  	s13 =	simm.s32 $0x9400;
	s14 =	simm.s32 $0xA400;
	s16 =	simm.s32 $0xB400  }
0x8: {  	s2 =	sand.u32 $0x1, s2;
	s4 =	sshll.u32 s7, $0x1;
	s7 =	sshll.u32 s7, $0x7  }
0x9: {  	s6 =	sor.u32 s2, s4;
	s4 =	simm.s32 $0x0;
	s2 =	ssub.s32 $0x2, s2  }
0xa: {  	v0 =	vlaneseq.u32;
	s8 =	sshll.u32 s6, $0x4;
	[smem:$0x7FF] =	sst s4;
	s18 =	sshrl.u32 s2, $0x1  }
0xb: {  	v0 =	vmul.u32 $0x1000, v0;
	s19 =	sshll.u32 s6, $0x6;
	s7 =	sor.u32 s7, s8;
	_ =	strace $0x80000047  }
0xc: {  	s2 =	ssub.s32 s2, s18;
	s5 =	sadd.s32 s5, s19;
	s7 =	sand.u32 $0x670, s7  }
0xd: {  	v1 =	vor.u32 $0x80, v0;
	[dreg:$0x7] =	wrdreg s5;
	s2 =	smax.u32 s2, $0x1;
	s0 =	sadd.s32 s7, s0  }
0xe: {  	v2 =	vor.u32 $0x100, v0;
	v3 =	vor.u32 $0x180, v0;
	v4 =	vor.u32 $0x200, v0;
	s18 =	simm.s32 $0xC400;
	[dreg:$0x8] =	wrdreg s2;
	s20 =	sadd.s32 $0x400, s0  }
0xf: {  	v5 =	vor.u32 $0x280, v0;
	v6 =	vor.u32 $0x300, v0;
	v7 =	vor.u32 $0x380, v0;
	s8 =	simm.s32 $0x0;
	s22 =	sadd.s32 $0x480, s0;
	[dreg:$0x5] =	wrdreg s20  }
0x10: {  	v9 =	vor.u32 $0x480, v0;
	v10 =	vor.u32 $0x500, v0;
	v11 =	vor.u32 $0x580, v0;
	s5 =	simm.s32 $0xF400;
	s23 =	sadd.s32 $0x500, s0;
	[dreg:$0x9] =	wrdreg s22  }
0x11: {  	v12 =	vor.u32 $0x600, v0;
	v13 =	vor.u32 $0x680, v0;
	v14 =	vor.u32 $0x700, v0;
	s21 =	sadd.s32 $0xC00, s0;
	s0 =	sadd.s32 $0x580, s0;
	[dreg:$0xa] =	wrdreg s23  }
0x12: {  	v15 =	vor.u32 $0x780, v0;
	v16 =	vor.u32 $0x800, v0;
	v17 =	vor.u32 $0x880, v0;
	s2 =	simm.s32 $0x6400;
	s7 =	simm.s32 $0x2;
	[dreg:$0xb] =	wrdreg s0  }
.Ltmp0:
0x13: {  	v18 =	vor.u32 $0x900, v0;
	v19 =	vor.u32 $0x980, v0;
	v20 =	vor.u32 $0xA00, v0;
	s24 =	sadd.s32 $0x80, s21;
	[dreg:$0x6] =	wrdreg s21;
	(pc) =	sbr.rel .LBB2_1-.Ltmp0, $4  }
0x14: {  	v21 =	vor.u32 $0xA80, v0;
	v22 =	vor.u32 $0xB00, v0;
	v23 =	vor.u32 $0xB80, v0;
	s25 =	sadd.s32 $0x100, s21;
	s26 =	sadd.s32 $0x180, s21;
	[dreg:$0xc] =	wrdreg s24  }
0x15: {  	v24 =	vor.u32 $0xC00, v0;
	v25 =	vor.u32 $0xC80, v0;
	v26 =	vor.u32 $0xD00, v0;
	s23 =	simm.s32 $0x1;
	s0 =	simm.s32 $0x7400;
	[dreg:$0xd] =	wrdreg s25  }
0x16: {  	v27 =	vor.u32 $0xD80, v0;
	v28 =	vor.u32 $0xE00, v0;
	v29 =	vor.u32 $0xE80, v0;
	s20 =	simm.s32 $0xD400;
	s22 =	simm.s32 $0xE400;
	[dreg:$0xe] =	wrdreg s26  }
0x17: {  	v8 =	vor.u32 $0x400, v0;
	v30 =	vor.u32 $0xF00, v0;
	v31 =	vor.u32 $0xF80, v0;
	s24 =	simm.s32 $0x7A1400;
	s25 =	simm.s32 $0x400;
	s26 =	simm.s32 $0x1400  }
.LBB2_7:
0x18: {  	s6 =	rddreg [dreg:$0x7];
	s9 =	simm.s32 $0x14400  }
0x19: {  	[hbm4b:s6+s4] =	stream.linear.scatter [tilespmem:s9], [sflag:$0x3], $0x200, $0x38;
	[tilespmem:$0x14600] =	vst v63  }
0x1a: {  	_ =	swait.ge [sflag:s15], $0x200  }
0x1b: {  	s8 =	sadd.s32 $0x1, s8;
	s21 =	rddreg [dreg:$0x8]  }
0x1c: {  	p0 =	sne.s32 s8, s21  }
.Ltmp1:
0x1d: {  	_ = 	snop;
	(pc) =	sbr.rel @!p0 .LBB2_8-.Ltmp1, $3  }
0x1e: {  	_ =	sdelay $0x1  }
0x1f: {  	[sflag:s15] =	ssyncset.done $0x0  }
0x20: {  	[sflag:s15] =	ssyncadd.s32 $0xFFFFFE00  }
.LBB2_1:
0x21: {  	s6 =	rddreg [dreg:$0x5]  }
0x22: {  	[tilespmem:s4], [sflag:$0x3] =	stream.linear.gather [hbm4b:s6+s4], $0x80, $0x38;
	[tilespmem:$0x14600] =	vst v63  }
0x23: {  	s17 =	rddreg [dreg:$0x9];
	s9 =	simm.s32 $0x100  }
0x24: {  	[tilespmem:s9], [sflag:$0x3] =	stream.linear.gather [hbm4b:s17+s4], $0x80, $0x38;
	[tilespmem:$0x14600] =	vst v63  }
0x25: {  	s19 =	rddreg [dreg:$0xa];
	s21 =	simm.s32 $0x200  }
0x26: {  	[tilespmem:s21], [sflag:$0x3] =	stream.linear.gather [hbm4b:s19+s4], $0x80, $0x38;
	[tilespmem:$0x14600] =	vst v63  }
0x27: {  	s10 =	simm.s32 $0x300;
	s9 =	rddreg [dreg:$0xb]  }
0x28: {  	[tilespmem:s10], [sflag:$0x3] =	stream.linear.gather [hbm4b:s9+s4], $0x80, $0x38;
	[tilespmem:$0x14600] =	vst v63  }
0x29: {  	_ =	swait.ge [sflag:s15], $0x200  }
0x2a: {  	[sflag:s15] =	ssyncset.done $0x0  }
0x2b: {  	s17 =	simm.s32 $0x80;
	s11 =	rddreg [dreg:$0x6];
	[sflag:s15] =	ssyncadd.s32 $0xFFFFFE00  }
0x2c: {  	[tilespmem:s17], [sflag:$0x3] =	stream.linear.gather [hbm4b:s11+s4], $0x80, $0x38;
	[tilespmem:$0x14600] =	vst v63  }
0x2d: {  	s21 =	simm.s32 $0x180;
	s19 =	rddreg [dreg:$0xc]  }
0x2e: {  	[tilespmem:s21], [sflag:$0x3] =	stream.linear.gather [hbm4b:s19+s4], $0x80, $0x38;
	[tilespmem:$0x14600] =	vst v63  }
0x2f: {  	s10 =	simm.s32 $0x280;
	s9 =	rddreg [dreg:$0xd]  }
0x30: {  	[tilespmem:s10], [sflag:$0x3] =	stream.linear.gather [hbm4b:s9+s4], $0x80, $0x38;
	[tilespmem:$0x14600] =	vst v63  }
0x31: {  	s11 =	rddreg [dreg:$0xe];
	s17 =	simm.s32 $0x380  }
0x32: {  	[tilespmem:s17], [sflag:$0x3] =	stream.linear.gather [hbm4b:s11+s4], $0x80, $0x38;
	[tilespmem:$0x14600] =	vst v63  }
0x33: {  	_ =	swait.ge [sflag:s15], $0x200  }
0x34: {  	[sflag:s15] =	ssyncset.done $0x0  }
0x35: {  	[sflag:s15] =	ssyncadd.s32 $0xFFFFFE00  }
0x36: {  	v32 =	vld [tilespmem:$0x0];
	_ =	sdelay $0x4  }
0x37: {  	(v2sf) =	vpush v32, $0x0;
	_ =	sdelay $0x5  }
0x38: {  	(v2sf) =	vpush v32, $0x1;
	_ =	sdelay $0x8  }
0x39: {  	s19 =	spop (v2sf)  }
0x3a: {  	(v2sf) =	vpush v32, $0x2;
	s10 =	sand.u32 $0x7F, s19  }
0x3b: {  	s11 =	sshra.s32 s19, $0x1F;
	p0 =	slt.s32 s19, $0x1;
	p1 =	sne.s32 s10, $0x0  }
0x3c: {  	s21 =	sshrl.u32 s11, $0x19;
	p0 =	por !p0, !p1  }
0x3d: {  	s10 =	simm.s32 $0x1;
	s9 =	sadd.s32 s21, s19;
	p0 =	por !p0, !p0  }
0x3e: {  	s9 =	sshrl.u32 s9, $0x7;
	s10 =	simm.s32 @!p0 $0x0  }
0x3f: {  	s6 =	spop (v2sf);
	s9 =	ssub.s32 s9, s10  }
0x40: {  	s17 =	sand.u32 $0x7F, s6;
	s19 =	sshra.s32 s6, $0x1F;
	s9 =	sshll.u32 s9, $0x7  }
0x41: {  	(v2sf) =	vpush v32, $0x3;
	p1 =	slt.s32 s6, $0x1;
	p2 =	sne.s32 s17, $0x0;
	s9 =	sand.u32 $0x1FFFFF80, s9  }
0x42: {  	s21 =	sshrl.u32 s19, $0x19;
	p0 =	por !p1, !p2;
	s9 =	sadd.s32 s1, s9  }
0x43: {  	[tilespmem:s25], [sflag:$0x1] =	stream.strided.gather [hbm4b:s9+s25], $0x1000, s24, s25, $0x38;
	[tilespmem:$0x14600] =	vst v63  }
0x44: {  	p0 =	por !p0, !p0;
	s10 =	simm.s32 $0x1;
	s9 =	sadd.s32 s21, s6  }
0x45: {  	s10 =	simm.s32 @!p0 $0x0;
	s9 =	sshrl.u32 s9, $0x7  }
0x46: {  	s9 =	ssub.s32 s9, s10  }
0x47: {  	s9 =	sshll.u32 s9, $0x7  }
0x48: {  	s9 =	sand.u32 $0x1FFFFF80, s9  }
0x49: {  	s9 =	sadd.s32 s1, s9;
	s6 =	spop (v2sf)  }
0x4a: {  	[tilespmem:s26], [sflag:$0x1] =	stream.strided.gather [hbm4b:s9+s25], $0x1000, s24, s25, $0x38;
	[tilespmem:$0x14600] =	vst v63  }
0x4b: {  	(v2sf) =	vpush v32, $0x4;
	s17 =	sand.u32 $0x7F, s6  }
0x4c: {  	s19 =	sshra.s32 s6, $0x1F;
	p3 =	slt.s32 s6, $0x1;
	p4 =	sne.s32 s17, $0x0  }
0x4d: {  	s21 =	sshrl.u32 s19, $0x19;
	p0 =	por !p3, !p4  }
0x4e: {  	s10 =	simm.s32 $0x1;
	s9 =	sadd.s32 s21, s6;
	p0 =	por !p0, !p0  }
0x4f: {  	s9 =	sshrl.u32 s9, $0x7;
	s10 =	simm.s32 @!p0 $0x0  }
0x50: {  	s6 =	spop (v2sf);
	s9 =	ssub.s32 s9, s10  }
0x51: {  	s17 =	sand.u32 $0x7F, s6;
	s19 =	sshra.s32 s6, $0x1F;
	s9 =	sshll.u32 s9, $0x7  }
0x52: {  	(v2sf) =	vpush v32, $0x5;
	p5 =	slt.s32 s6, $0x1;
	p6 =	sne.s32 s17, $0x0;
	s9 =	sand.u32 $0x1FFFFF80, s9  }
0x53: {  	s21 =	sshrl.u32 s19, $0x19;
	p0 =	por !p5, !p6;
	s9 =	sadd.s32 s1, s9  }
0x54: {  	[tilespmem:s28], [sflag:$0x1] =	stream.strided.gather [hbm4b:s9+s25], $0x1000, s24, s25, $0x38;
	[tilespmem:$0x14600] =	vst v63  }
0x55: {  	s10 =	simm.s32 $0x1;
	p0 =	por !p0, !p0;
	s9 =	sadd.s32 s21, s6  }
0x56: {  	s10 =	simm.s32 @!p0 $0x0;
	s9 =	sshrl.u32 s9, $0x7  }
0x57: {  	s9 =	ssub.s32 s9, s10  }
0x58: {  	s9 =	sshll.u32 s9, $0x7  }
0x59: {  	s9 =	sand.u32 $0x1FFFFF80, s9  }
0x5a: {  	s9 =	sadd.s32 s1, s9;
	s6 =	spop (v2sf)  }
0x5b: {  	[tilespmem:s29], [sflag:$0x1] =	stream.strided.gather [hbm4b:s9+s25], $0x1000, s24, s25, $0x38;
	[tilespmem:$0x14600] =	vst v63  }
0x5c: {  	(v2sf) =	vpush v32, $0x6;
	s17 =	sand.u32 $0x7F, s6  }
0x5d: {  	s19 =	sshra.s32 s6, $0x1F;
	p1 =	slt.s32 s6, $0x1;
	p2 =	sne.s32 s17, $0x0  }
0x5e: {  	s21 =	sshrl.u32 s19, $0x19;
	p0 =	por !p1, !p2  }
0x5f: {  	s10 =	simm.s32 $0x1;
	s9 =	sadd.s32 s21, s6;
	p0 =	por !p0, !p0  }
0x60: {  	s9 =	sshrl.u32 s9, $0x7;
	s10 =	simm.s32 @!p0 $0x0  }
0x61: {  	s6 =	spop (v2sf);
	s9 =	ssub.s32 s9, s10  }
0x62: {  	s17 =	sand.u32 $0x7F, s6;
	s19 =	sshra.s32 s6, $0x1F;
	s9 =	sshll.u32 s9, $0x7  }
0x63: {  	(v2sf) =	vpush v32, $0x7;
	p3 =	slt.s32 s6, $0x1;
	p4 =	sne.s32 s17, $0x0;
	s9 =	sand.u32 $0x1FFFFF80, s9  }
0x64: {  	s21 =	sshrl.u32 s19, $0x19;
	p0 =	por !p3, !p4;
	s9 =	sadd.s32 s1, s9  }
0x65: {  	[tilespmem:s30], [sflag:$0x1] =	stream.strided.gather [hbm4b:s9+s25], $0x1000, s24, s25, $0x38;
	[tilespmem:$0x14600] =	vst v63  }
0x66: {  	s10 =	simm.s32 $0x1;
	p0 =	por !p0, !p0;
	s9 =	sadd.s32 s21, s6  }
0x67: {  	s10 =	simm.s32 @!p0 $0x0;
	s9 =	sshrl.u32 s9, $0x7  }
0x68: {  	s9 =	ssub.s32 s9, s10  }
0x69: {  	s9 =	sshll.u32 s9, $0x7  }
0x6a: {  	s9 =	sand.u32 $0x1FFFFF80, s9  }
0x6b: {  	s9 =	sadd.s32 s1, s9;
	s6 =	spop (v2sf)  }
0x6c: {  	[tilespmem:s31], [sflag:$0x1] =	stream.strided.gather [hbm4b:s9+s25], $0x1000, s24, s25, $0x38;
	[tilespmem:$0x14600] =	vst v63  }
0x6d: {  	(v2sf) =	vpush v32, $0x8;
	s17 =	sand.u32 $0x7F, s6  }
0x6e: {  	s19 =	sshra.s32 s6, $0x1F;
	p5 =	slt.s32 s6, $0x1;
	p6 =	sne.s32 s17, $0x0  }
0x6f: {  	s21 =	sshrl.u32 s19, $0x19;
	p0 =	por !p5, !p6  }
0x70: {  	s10 =	simm.s32 $0x1;
	s9 =	sadd.s32 s21, s6;
	p0 =	por !p0, !p0  }
0x71: {  	s9 =	sshrl.u32 s9, $0x7;
	s10 =	simm.s32 @!p0 $0x0  }
0x72: {  	s6 =	spop (v2sf);
	s9 =	ssub.s32 s9, s10  }
0x73: {  	s17 =	sand.u32 $0x7F, s6;
	s19 =	sshra.s32 s6, $0x1F;
	s9 =	sshll.u32 s9, $0x7  }
0x74: {  	(v2sf) =	vpush v32, $0x9;
	p1 =	slt.s32 s6, $0x1;
	p2 =	sne.s32 s17, $0x0;
	s9 =	sand.u32 $0x1FFFFF80, s9  }
0x75: {  	s21 =	sshrl.u32 s19, $0x19;
	p0 =	por !p1, !p2;
	s9 =	sadd.s32 s1, s9  }
0x76: {  	[tilespmem:s2], [sflag:$0x1] =	stream.strided.gather [hbm4b:s9+s25], $0x1000, s24, s25, $0x38;
	[tilespmem:$0x14600] =	vst v63  }
0x77: {  	s10 =	simm.s32 $0x1;
	p0 =	por !p0, !p0;
	s9 =	sadd.s32 s21, s6  }
0x78: {  	s10 =	simm.s32 @!p0 $0x0;
	s9 =	sshrl.u32 s9, $0x7  }
0x79: {  	s9 =	ssub.s32 s9, s10  }
0x7a: {  	s9 =	sshll.u32 s9, $0x7  }
0x7b: {  	s9 =	sand.u32 $0x1FFFFF80, s9  }
0x7c: {  	s9 =	sadd.s32 s1, s9;
	s6 =	spop (v2sf)  }
0x7d: {  	[tilespmem:s0], [sflag:$0x1] =	stream.strided.gather [hbm4b:s9+s25], $0x1000, s24, s25, $0x38;
	[tilespmem:$0x14600] =	vst v63  }
0x7e: {  	(v2sf) =	vpush v32, $0xA;
	s17 =	sand.u32 $0x7F, s6  }
0x7f: {  	s19 =	sshra.s32 s6, $0x1F;
	p3 =	slt.s32 s6, $0x1;
	p4 =	sne.s32 s17, $0x0  }
0x80: {  	s21 =	sshrl.u32 s19, $0x19;
	p0 =	por !p3, !p4  }
0x81: {  	s10 =	simm.s32 $0x1;
	s9 =	sadd.s32 s21, s6;
	p0 =	por !p0, !p0  }
0x82: {  	s9 =	sshrl.u32 s9, $0x7;
	s10 =	simm.s32 @!p0 $0x0  }
0x83: {  	s6 =	spop (v2sf);
	s9 =	ssub.s32 s9, s10  }
0x84: {  	s17 =	sand.u32 $0x7F, s6;
	s19 =	sshra.s32 s6, $0x1F;
	s9 =	sshll.u32 s9, $0x7  }
0x85: {  	(v2sf) =	vpush v32, $0xB;
	p5 =	slt.s32 s6, $0x1;
	p6 =	sne.s32 s17, $0x0;
	s9 =	sand.u32 $0x1FFFFF80, s9  }
0x86: {  	s21 =	sshrl.u32 s19, $0x19;
	p0 =	por !p5, !p6;
	s9 =	sadd.s32 s1, s9  }
0x87: {  	[tilespmem:s12], [sflag:$0x2] =	stream.strided.gather [hbm4b:s9+s25], $0x1000, s24, s25, $0x38;
	[tilespmem:$0x14600] =	vst v63  }
0x88: {  	s10 =	simm.s32 $0x1;
	p0 =	por !p0, !p0;
	s9 =	sadd.s32 s21, s6  }
0x89: {  	s10 =	simm.s32 @!p0 $0x0;
	s9 =	sshrl.u32 s9, $0x7  }
0x8a: {  	s9 =	ssub.s32 s9, s10  }
0x8b: {  	s9 =	sshll.u32 s9, $0x7  }
0x8c: {  	s9 =	sand.u32 $0x1FFFFF80, s9  }
0x8d: {  	s9 =	sadd.s32 s1, s9;
	s6 =	spop (v2sf)  }
0x8e: {  	[tilespmem:s13], [sflag:$0x2] =	stream.strided.gather [hbm4b:s9+s25], $0x1000, s24, s25, $0x38;
	[tilespmem:$0x14600] =	vst v63  }
0x8f: {  	(v2sf) =	vpush v32, $0xC;
	s17 =	sand.u32 $0x7F, s6  }
0x90: {  	s19 =	sshra.s32 s6, $0x1F;
	p1 =	slt.s32 s6, $0x1;
	p2 =	sne.s32 s17, $0x0  }
0x91: {  	s21 =	sshrl.u32 s19, $0x19;
	p0 =	por !p1, !p2  }
0x92: {  	s10 =	simm.s32 $0x1;
	s9 =	sadd.s32 s21, s6;
	p0 =	por !p0, !p0  }
0x93: {  	s9 =	sshrl.u32 s9, $0x7;
	s10 =	simm.s32 @!p0 $0x0  }
0x94: {  	s6 =	spop (v2sf);
	s9 =	ssub.s32 s9, s10  }
0x95: {  	s17 =	sand.u32 $0x7F, s6;
	s19 =	sshra.s32 s6, $0x1F;
	s9 =	sshll.u32 s9, $0x7  }
0x96: {  	(v2sf) =	vpush v32, $0xD;
	p3 =	slt.s32 s6, $0x1;
	p4 =	sne.s32 s17, $0x0;
	s9 =	sand.u32 $0x1FFFFF80, s9  }
0x97: {  	s21 =	sshrl.u32 s19, $0x19;
	p0 =	por !p3, !p4;
	s9 =	sadd.s32 s1, s9  }
0x98: {  	[tilespmem:s14], [sflag:$0x2] =	stream.strided.gather [hbm4b:s9+s25], $0x1000, s24, s25, $0x38;
	[tilespmem:$0x14600] =	vst v63  }
0x99: {  	s10 =	simm.s32 $0x1;
	p0 =	por !p0, !p0;
	s9 =	sadd.s32 s21, s6  }
0x9a: {  	s10 =	simm.s32 @!p0 $0x0;
	s9 =	sshrl.u32 s9, $0x7  }
0x9b: {  	s9 =	ssub.s32 s9, s10  }
0x9c: {  	s9 =	sshll.u32 s9, $0x7  }
0x9d: {  	s9 =	sand.u32 $0x1FFFFF80, s9  }
0x9e: {  	s9 =	sadd.s32 s1, s9;
	s6 =	spop (v2sf)  }
0x9f: {  	[tilespmem:s16], [sflag:$0x2] =	stream.strided.gather [hbm4b:s9+s25], $0x1000, s24, s25, $0x38;
	[tilespmem:$0x14600] =	vst v63  }
0xa0: {  	(v2sf) =	vpush v32, $0xE;
	s17 =	sand.u32 $0x7F, s6  }
0xa1: {  	s19 =	sshra.s32 s6, $0x1F;
	p5 =	slt.s32 s6, $0x1;
	p6 =	sne.s32 s17, $0x0  }
0xa2: {  	s21 =	sshrl.u32 s19, $0x19;
	p0 =	por !p5, !p6  }
0xa3: {  	s10 =	simm.s32 $0x1;
	s9 =	sadd.s32 s21, s6;
	p0 =	por !p0, !p0  }
0xa4: {  	s9 =	sshrl.u32 s9, $0x7;
	s10 =	simm.s32 @!p0 $0x0  }
0xa5: {  	s6 =	spop (v2sf);
	s9 =	ssub.s32 s9, s10  }
0xa6: {  	s17 =	sand.u32 $0x7F, s6;
	s19 =	sshra.s32 s6, $0x1F;
	s9 =	sshll.u32 s9, $0x7  }
0xa7: {  	(v2sf) =	vpush v32, $0xF;
	p1 =	slt.s32 s6, $0x1;
	p2 =	sne.s32 s17, $0x0;
	s9 =	sand.u32 $0x1FFFFF80, s9  }
0xa8: {  	s21 =	sshrl.u32 s19, $0x19;
	p0 =	por !p1, !p2;
	s9 =	sadd.s32 s1, s9  }
0xa9: {  	[tilespmem:s18], [sflag:$0x2] =	stream.strided.gather [hbm4b:s9+s25], $0x1000, s24, s25, $0x38;
	[tilespmem:$0x14600] =	vst v63  }
0xaa: {  	s10 =	simm.s32 $0x1;
	p0 =	por !p0, !p0;
	s9 =	sadd.s32 s21, s6  }
0xab: {  	s10 =	simm.s32 @!p0 $0x0;
	s9 =	sshrl.u32 s9, $0x7  }
0xac: {  	s9 =	ssub.s32 s9, s10  }
0xad: {  	s9 =	sshll.u32 s9, $0x7  }
0xae: {  	s9 =	sand.u32 $0x1FFFFF80, s9  }
0xaf: {  	s6 =	spop (v2sf);
	s9 =	sadd.s32 s1, s9  }
0xb0: {  	[tilespmem:s20], [sflag:$0x2] =	stream.strided.gather [hbm4b:s9+s25], $0x1000, s24, s25, $0x38;
	[tilespmem:$0x14600] =	vst v63  }
0xb1: {  	s17 =	sand.u32 $0x7F, s6  }
0xb2: {  	s19 =	sshra.s32 s6, $0x1F;
	p3 =	slt.s32 s6, $0x1;
	p4 =	sne.s32 s17, $0x0  }
0xb3: {  	s21 =	sshrl.u32 s19, $0x19;
	p0 =	por !p3, !p4  }
0xb4: {  	s10 =	simm.s32 $0x1;
	s9 =	sadd.s32 s21, s6;
	p0 =	por !p0, !p0  }
0xb5: {  	s9 =	sshrl.u32 s9, $0x7;
	s10 =	simm.s32 @!p0 $0x0  }
0xb6: {  	s6 =	spop (v2sf);
	s9 =	ssub.s32 s9, s10  }
0xb7: {  	s17 =	sand.u32 $0x7F, s6;
	s19 =	sshra.s32 s6, $0x1F;
	s9 =	sshll.u32 s9, $0x7  }
0xb8: {  	p5 =	slt.s32 s6, $0x1;
	p6 =	sne.s32 s17, $0x0;
	s9 =	sand.u32 $0x1FFFFF80, s9  }
0xb9: {  	s21 =	sshrl.u32 s19, $0x19;
	p0 =	por !p5, !p6;
	s9 =	sadd.s32 s1, s9  }
0xba: {  	[tilespmem:s22], [sflag:$0x2] =	stream.strided.gather [hbm4b:s9+s25], $0x1000, s24, s25, $0x38;
	[tilespmem:$0x14600] =	vst v63  }
0xbb: {  	s10 =	simm.s32 $0x1;
	p0 =	por !p0, !p0;
	s9 =	sadd.s32 s21, s6  }
0xbc: {  	s10 =	simm.s32 @!p0 $0x0;
	s9 =	sshrl.u32 s9, $0x7  }
0xbd: {  	s9 =	ssub.s32 s9, s10  }
0xbe: {  	s9 =	sshll.u32 s9, $0x7  }
0xbf: {  	s9 =	sand.u32 $0x1FFFFF80, s9  }
0xc0: {  	s9 =	sadd.s32 s1, s9  }
0xc1: {  	[tilespmem:s5], [sflag:$0x2] =	stream.strided.gather [hbm4b:s9+s25], $0x1000, s24, s25, $0x38;
	[tilespmem:$0x14600] =	vst v63  }
0xc2: {  	s11 =	simm.s32 $0x0;
	s10 =	simm.s32 $0x20;
	s9 =	simm.s32 $0x10  }
.LBB2_2:
0xc3: {  	_ =	swait.ge [sflag:s23], $0x1000  }
0xc4: {  	[sflag:s23] =	ssyncset.done $0x0  }
0xc5: {  	[sflag:s23] =	ssyncadd.s32 $0xFFFFF000  }
0xc6: {  	_ =	swait.ge [sflag:s23], $0x1000  }
0xc7: {  	[sflag:s23] =	ssyncset.done $0x0  }
0xc8: {  	[sflag:s23] =	ssyncadd.s32 $0xFFFFF000  }
0xc9: {  	_ =	swait.ge [sflag:s23], $0x1000  }
0xca: {  	[sflag:s23] =	ssyncset.done $0x0  }
0xcb: {  	[sflag:s23] =	ssyncadd.s32 $0xFFFFF000  }
0xcc: {  	_ =	swait.ge [sflag:s23], $0x1000  }
0xcd: {  	[sflag:s23] =	ssyncset.done $0x0  }
0xce: {  	[sflag:s23] =	ssyncadd.s32 $0xFFFFF000  }
0xcf: {  	_ =	swait.ge [sflag:s23], $0x1000  }
0xd0: {  	[sflag:s23] =	ssyncset.done $0x0  }
0xd1: {  	[sflag:s23] =	ssyncadd.s32 $0xFFFFF000  }
0xd2: {  	_ =	swait.ge [sflag:s23], $0x1000  }
0xd3: {  	[sflag:s23] =	ssyncset.done $0x0  }
0xd4: {  	[sflag:s23] =	ssyncadd.s32 $0xFFFFF000  }
0xd5: {  	_ =	swait.ge [sflag:s23], $0x1000  }
0xd6: {  	[sflag:s23] =	ssyncset.done $0x0  }
0xd7: {  	[sflag:s23] =	ssyncadd.s32 $0xFFFFF000  }
0xd8: {  	_ =	swait.ge [sflag:s23], $0x1000  }
0xd9: {  	[sflag:s23] =	ssyncset.done $0x0  }
0xda: {  	[sflag:s23] =	ssyncadd.s32 $0xFFFFF000  }
0xdb: {  	_ =	swait.ge [sflag:s7], $0x1000  }
0xdc: {  	[sflag:s7] =	ssyncset.done $0x0  }
0xdd: {  	[sflag:s7] =	ssyncadd.s32 $0xFFFFF000  }
0xde: {  	_ =	swait.ge [sflag:s7], $0x1000  }
0xdf: {  	[sflag:s7] =	ssyncset.done $0x0  }
0xe0: {  	[sflag:s7] =	ssyncadd.s32 $0xFFFFF000  }
0xe1: {  	_ =	swait.ge [sflag:s7], $0x1000  }
0xe2: {  	[sflag:s7] =	ssyncset.done $0x0  }
0xe3: {  	[sflag:s7] =	ssyncadd.s32 $0xFFFFF000  }
0xe4: {  	_ =	swait.ge [sflag:s7], $0x1000  }
0xe5: {  	[sflag:s7] =	ssyncset.done $0x0  }
0xe6: {  	[sflag:s7] =	ssyncadd.s32 $0xFFFFF000  }
0xe7: {  	_ =	swait.ge [sflag:s7], $0x1000  }
0xe8: {  	[sflag:s7] =	ssyncset.done $0x0  }
0xe9: {  	[sflag:s7] =	ssyncadd.s32 $0xFFFFF000  }
0xea: {  	_ =	swait.ge [sflag:s7], $0x1000  }
0xeb: {  	[sflag:s7] =	ssyncset.done $0x0  }
0xec: {  	[sflag:s7] =	ssyncadd.s32 $0xFFFFF000  }
0xed: {  	_ =	swait.ge [sflag:s7], $0x1000  }
0xee: {  	[sflag:s7] =	ssyncset.done $0x0  }
0xef: {  	[sflag:s7] =	ssyncadd.s32 $0xFFFFF000  }
0xf0: {  	s17 =	sadd.s32 $0xFFFFFFF0, s9;
	s19 =	sand.u32 $0xC00, s11;
	_ =	swait.ge [sflag:s7], $0x1000  }
0xf1: {  	s17 =	sand.u32 $0x70, s17;
	s21 =	sshrl.u32 s19, $0x2;
	[sflag:s7] =	ssyncset.done $0x0  }
0xf2: {  	s21 =	sor.u32 s17, s21;
	[sflag:s7] =	ssyncadd.s32 $0xFFFFF000  }
0xf3: {  	v32 =	vld [tilespmem:s21+$0x0];
	_ =	sdelay $0x4  }
0xf4: {  	v33 =	vshra.s32 v32, $0x1F  }
0xf5: {  	v33 =	vshrl.u32 v33, $0x19  }
0xf6: {  	v33 =	vadd.s32 v33, v32  }
0xf7: {  	v33 =	vshrl.u32 v33, $0x7  }
0xf8: {  	v33 =	vshll.u32 v33, $0x7  }
0xf9: {  	v32 =	vsub.s32 v32, v33  }
0xfa: {  	v33 =	vadd.s32 v0, v32;
	_ =	sdelay $0x4  }
0xfb: {  	v33 =	vld.idx.msk [tilespmem:v33+s25+$0x0], $0xffff  }
0xfc: {  	v34 =	vadd.s32 v1, v32;
	_ =	sdelay $0x2  }
0xfd: {  	s17 =	sor.u32 s17, s19  }
0xfe: {  	[tilespmem:s17+$0x10400] =	vst v33  }
0xff: {  	v33 =	vld.idx.msk [tilespmem:v34+s25+$0x0], $0xffff  }
0x100: {  	v63 =	vadd.s32 v2, v32;
	_ =	sdelay $0x2  }
0x101: {  	s19 =	sadd.s32 $0x10400, s17  }
0x102: {  	[tilespmem:s19+$0x80] =	vst v33  }
0x103: {  	v33 =	vld.idx.msk [tilespmem:v63+s25+$0x0], $0xffff  }
0x104: {  	v36 =	vadd.s32 v3, v32;
	_ =	sdelay $0x3  }
0x105: {  	[tilespmem:s19+$0x100] =	vst v33  }
0x106: {  	v33 =	vld.idx.msk [tilespmem:v36+s25+$0x0], $0xffff  }
0x107: {  	v37 =	vadd.s32 v4, v32;
	_ =	sdelay $0x3  }
0x108: {  	[tilespmem:s19+$0x180] =	vst v33  }
0x109: {  	v33 =	vld.idx.msk [tilespmem:v37+s25+$0x0], $0xffff  }
0x10a: {  	v38 =	vadd.s32 v5, v32;
	_ =	sdelay $0x3  }
0x10b: {  	[tilespmem:s19+$0x200] =	vst v33  }
0x10c: {  	v33 =	vld.idx.msk [tilespmem:v38+s25+$0x0], $0xffff  }
0x10d: {  	v39 =	vadd.s32 v6, v32;
	_ =	sdelay $0x3  }
0x10e: {  	[tilespmem:s19+$0x280] =	vst v33  }
0x10f: {  	v33 =	vld.idx.msk [tilespmem:v39+s25+$0x0], $0xffff  }
0x110: {  	v40 =	vadd.s32 v7, v32;
	_ =	sdelay $0x3  }
0x111: {  	[tilespmem:s19+$0x300] =	vst v33  }
0x112: {  	v33 =	vld.idx.msk [tilespmem:v40+s25+$0x0], $0xffff  }
0x113: {  	v41 =	vadd.s32 v8, v32;
	_ =	sdelay $0x3  }
0x114: {  	[tilespmem:s19+$0x380] =	vst v33  }
0x115: {  	v33 =	vld.idx.msk [tilespmem:v41+s25+$0x0], $0xffff  }
0x116: {  	v42 =	vadd.s32 v9, v32;
	_ =	sdelay $0x3  }
0x117: {  	[tilespmem:s17+$0x11400] =	vst v33  }
0x118: {  	v33 =	vld.idx.msk [tilespmem:v42+s25+$0x0], $0xffff  }
0x119: {  	v43 =	vadd.s32 v10, v32;
	_ =	sdelay $0x3  }
0x11a: {  	[tilespmem:s17+$0x11480] =	vst v33  }
0x11b: {  	v33 =	vld.idx.msk [tilespmem:v43+s25+$0x0], $0xffff  }
0x11c: {  	v44 =	vadd.s32 v11, v32;
	_ =	sdelay $0x3  }
0x11d: {  	[tilespmem:s17+$0x11500] =	vst v33  }
0x11e: {  	v33 =	vld.idx.msk [tilespmem:v44+s25+$0x0], $0xffff  }
0x11f: {  	v45 =	vadd.s32 v12, v32;
	_ =	sdelay $0x3  }
0x120: {  	[tilespmem:s17+$0x11580] =	vst v33  }
0x121: {  	v33 =	vld.idx.msk [tilespmem:v45+s25+$0x0], $0xffff  }
0x122: {  	v46 =	vadd.s32 v13, v32;
	_ =	sdelay $0x3  }
0x123: {  	[tilespmem:s17+$0x11600] =	vst v33  }
0x124: {  	v33 =	vld.idx.msk [tilespmem:v46+s25+$0x0], $0xffff  }
0x125: {  	v47 =	vadd.s32 v14, v32;
	_ =	sdelay $0x3  }
0x126: {  	[tilespmem:s17+$0x11680] =	vst v33  }
0x127: {  	v33 =	vld.idx.msk [tilespmem:v47+s25+$0x0], $0xffff  }
0x128: {  	v48 =	vadd.s32 v15, v32;
	_ =	sdelay $0x3  }
0x129: {  	[tilespmem:s17+$0x11700] =	vst v33  }
0x12a: {  	v33 =	vld.idx.msk [tilespmem:v48+s25+$0x0], $0xffff  }
0x12b: {  	v49 =	vadd.s32 v16, v32;
	_ =	sdelay $0x3  }
0x12c: {  	[tilespmem:s17+$0x11780] =	vst v33  }
0x12d: {  	v33 =	vld.idx.msk [tilespmem:v49+s25+$0x0], $0xffff  }
0x12e: {  	v50 =	vadd.s32 v17, v32;
	_ =	sdelay $0x3  }
0x12f: {  	[tilespmem:s17+$0x12400] =	vst v33  }
0x130: {  	v33 =	vld.idx.msk [tilespmem:v50+s25+$0x0], $0xffff  }
0x131: {  	v51 =	vadd.s32 v18, v32;
	_ =	sdelay $0x3  }
0x132: {  	[tilespmem:s17+$0x12480] =	vst v33  }
0x133: {  	v33 =	vld.idx.msk [tilespmem:v51+s25+$0x0], $0xffff  }
0x134: {  	v52 =	vadd.s32 v19, v32;
	_ =	sdelay $0x3  }
0x135: {  	[tilespmem:s17+$0x12500] =	vst v33  }
0x136: {  	v33 =	vld.idx.msk [tilespmem:v52+s25+$0x0], $0xffff  }
0x137: {  	v53 =	vadd.s32 v20, v32;
	_ =	sdelay $0x3  }
0x138: {  	[tilespmem:s17+$0x12580] =	vst v33  }
0x139: {  	v33 =	vld.idx.msk [tilespmem:v53+s25+$0x0], $0xffff  }
0x13a: {  	v54 =	vadd.s32 v21, v32;
	_ =	sdelay $0x3  }
0x13b: {  	[tilespmem:s17+$0x12600] =	vst v33  }
0x13c: {  	v33 =	vld.idx.msk [tilespmem:v54+s25+$0x0], $0xffff  }
0x13d: {  	v55 =	vadd.s32 v22, v32;
	_ =	sdelay $0x3  }
0x13e: {  	[tilespmem:s17+$0x12680] =	vst v33  }
0x13f: {  	v33 =	vld.idx.msk [tilespmem:v55+s25+$0x0], $0xffff  }
0x140: {  	v56 =	vadd.s32 v23, v32;
	_ =	sdelay $0x3  }
0x141: {  	[tilespmem:s17+$0x12700] =	vst v33  }
0x142: {  	v33 =	vld.idx.msk [tilespmem:v56+s25+$0x0], $0xffff  }
0x143: {  	v57 =	vadd.s32 v24, v32;
	_ =	sdelay $0x3  }
0x144: {  	[tilespmem:s17+$0x12780] =	vst v33  }
0x145: {  	v33 =	vld.idx.msk [tilespmem:v57+s25+$0x0], $0xffff  }
0x146: {  	v58 =	vadd.s32 v25, v32;
	_ =	sdelay $0x3  }
0x147: {  	[tilespmem:s17+$0x13400] =	vst v33  }
0x148: {  	v33 =	vld.idx.msk [tilespmem:v58+s25+$0x0], $0xffff  }
0x149: {  	v59 =	vadd.s32 v26, v32;
	_ =	sdelay $0x3  }
0x14a: {  	[tilespmem:s17+$0x13480] =	vst v33  }
0x14b: {  	v33 =	vld.idx.msk [tilespmem:v59+s25+$0x0], $0xffff  }
0x14c: {  	v60 =	vadd.s32 v27, v32;
	_ =	sdelay $0x3  }
0x14d: {  	[tilespmem:s17+$0x13500] =	vst v33  }
0x14e: {  	v33 =	vld.idx.msk [tilespmem:v60+s25+$0x0], $0xffff  }
0x14f: {  	v61 =	vadd.s32 v28, v32;
	_ =	sdelay $0x3  }
0x150: {  	[tilespmem:s17+$0x13580] =	vst v33  }
0x151: {  	v33 =	vld.idx.msk [tilespmem:v61+s25+$0x0], $0xffff  }
0x152: {  	v62 =	vadd.s32 v29, v32;
	_ =	sdelay $0x3  }
0x153: {  	[tilespmem:s17+$0x13600] =	vst v33  }
0x154: {  	v33 =	vld.idx.msk [tilespmem:v62+s25+$0x0], $0xffff  }
0x155: {  	v63 =	vadd.s32 v30, v32;
	_ =	sdelay $0x3  }
0x156: {  	[tilespmem:s17+$0x13680] =	vst v33  }
0x157: {  	v33 =	vld.idx.msk [tilespmem:v63+s25+$0x0], $0xffff  }
0x158: {  	v32 =	vadd.s32 v31, v32;
	_ =	sdelay $0x3  }
0x159: {  	[tilespmem:s17+$0x13700] =	vst v33  }
0x15a: {  	p0 =	seq.s32 s9, $0x200;
	v32 =	vld.idx.msk [tilespmem:v32+s25+$0x0], $0xffff  }
.Ltmp2:
0x15b: {  	_ = 	snop;
	(pc) =	sbr.rel @p0 .LBB2_4-.Ltmp2, $2  }
0x15c: {  	_ =	sdelay $0x2  }
0x15d: {  	[tilespmem:s17+$0x13780] =	vst v32  }
0x15e: {  	s17 =	sand.u32 $0x70, s9;
	s19 =	sand.u32 $0x700, s10  }
0x15f: {  	s17 =	sor.u32 s17, s19  }
0x160: {  	v32 =	vld [tilespmem:s17+$0x0];
	_ =	sdelay $0x4  }
0x161: {  	(v2sf) =	vpush v32, $0x0;
	_ =	sdelay $0xa  }
0x162: {  	(v2sf) =	vpush v32, $0x1;
	_ =	sdelay $0x3  }
0x163: {  	s17 =	spop (v2sf)  }
0x164: {  	s6 =	sand.u32 $0x7F, s17  }
0x165: {  	s21 =	sshra.s32 s17, $0x1F;
	p1 =	slt.s32 s17, $0x1;
	p0 =	sne.s32 s6, $0x0  }
0x166: {  	s19 =	sshrl.u32 s21, $0x19;
	p0 =	por !p1, !p0  }
0x167: {  	s17 =	sadd.s32 s19, s17;
	s19 =	simm.s32 $0x1;
	p0 =	por !p0, !p0  }
0x168: {  	s17 =	sshrl.u32 s17, $0x7;
	s19 =	simm.s32 @!p0 $0x0  }
0x169: {  	s17 =	ssub.s32 s17, s19  }
0x16a: {  	(v2sf) =	vpush v32, $0x2;
	s17 =	sshll.u32 s17, $0x7  }
0x16b: {  	s17 =	sand.u32 $0x1FFFFF80, s17  }
0x16c: {  	s17 =	sadd.s32 s1, s17  }
0x16d: {  	[tilespmem:s25], [sflag:$0x1] =	stream.strided.gather [hbm4b:s17+s25], $0x1000, s24, s25, $0x38;
	[tilespmem:$0x14600] =	vst v63  }
0x16e: {  	s17 =	spop (v2sf)  }
0x16f: {  	s6 =	sand.u32 $0x7F, s17  }
0x170: {  	s21 =	sshra.s32 s17, $0x1F;
	p2 =	slt.s32 s17, $0x1;
	p1 =	sne.s32 s6, $0x0  }
0x171: {  	s19 =	sshrl.u32 s21, $0x19;
	p0 =	por !p2, !p1  }
0x172: {  	s17 =	sadd.s32 s19, s17;
	s19 =	simm.s32 $0x1;
	p0 =	por !p0, !p0  }
0x173: {  	s17 =	sshrl.u32 s17, $0x7;
	s19 =	simm.s32 @!p0 $0x0  }
0x174: {  	s17 =	ssub.s32 s17, s19  }
0x175: {  	(v2sf) =	vpush v32, $0x3;
	s17 =	sshll.u32 s17, $0x7  }
0x176: {  	s17 =	sand.u32 $0x1FFFFF80, s17  }
0x177: {  	s17 =	sadd.s32 s1, s17  }
0x178: {  	[tilespmem:s26], [sflag:$0x1] =	stream.strided.gather [hbm4b:s17+s25], $0x1000, s24, s25, $0x38;
	[tilespmem:$0x14600] =	vst v63  }
0x179: {  	s17 =	spop (v2sf)  }
0x17a: {  	s6 =	sand.u32 $0x7F, s17  }
0x17b: {  	s21 =	sshra.s32 s17, $0x1F;
	p4 =	slt.s32 s17, $0x1;
	p3 =	sne.s32 s6, $0x0  }
0x17c: {  	s19 =	sshrl.u32 s21, $0x19;
	p0 =	por !p4, !p3  }
0x17d: {  	s17 =	sadd.s32 s19, s17;
	s19 =	simm.s32 $0x1;
	p0 =	por !p0, !p0  }
0x17e: {  	s17 =	sshrl.u32 s17, $0x7;
	s19 =	simm.s32 @!p0 $0x0  }
0x17f: {  	s17 =	ssub.s32 s17, s19  }
0x180: {  	(v2sf) =	vpush v32, $0x4;
	s17 =	sshll.u32 s17, $0x7  }
0x181: {  	s17 =	sand.u32 $0x1FFFFF80, s17  }
0x182: {  	s17 =	sadd.s32 s1, s17  }
0x183: {  	[tilespmem:s28], [sflag:$0x1] =	stream.strided.gather [hbm4b:s17+s25], $0x1000, s24, s25, $0x38;
	[tilespmem:$0x14600] =	vst v63  }
0x184: {  	s17 =	spop (v2sf)  }
0x185: {  	s6 =	sand.u32 $0x7F, s17  }
0x186: {  	s21 =	sshra.s32 s17, $0x1F;
	p6 =	slt.s32 s17, $0x1;
	p5 =	sne.s32 s6, $0x0  }
0x187: {  	s19 =	sshrl.u32 s21, $0x19;
	p0 =	por !p6, !p5  }
0x188: {  	s17 =	sadd.s32 s19, s17;
	s19 =	simm.s32 $0x1;
	p0 =	por !p0, !p0  }
0x189: {  	s17 =	sshrl.u32 s17, $0x7;
	s19 =	simm.s32 @!p0 $0x0  }
0x18a: {  	s17 =	ssub.s32 s17, s19  }
0x18b: {  	(v2sf) =	vpush v32, $0x5;
	s17 =	sshll.u32 s17, $0x7  }
0x18c: {  	s17 =	sand.u32 $0x1FFFFF80, s17  }
0x18d: {  	s17 =	sadd.s32 s1, s17  }
0x18e: {  	[tilespmem:s29], [sflag:$0x1] =	stream.strided.gather [hbm4b:s17+s25], $0x1000, s24, s25, $0x38;
	[tilespmem:$0x14600] =	vst v63  }
0x18f: {  	s17 =	spop (v2sf)  }
0x190: {  	s6 =	sand.u32 $0x7F, s17  }
0x191: {  	s21 =	sshra.s32 s17, $0x1F;
	p2 =	slt.s32 s17, $0x1;
	p1 =	sne.s32 s6, $0x0  }
0x192: {  	s19 =	sshrl.u32 s21, $0x19;
	p0 =	por !p2, !p1  }
0x193: {  	s17 =	sadd.s32 s19, s17;
	s19 =	simm.s32 $0x1;
	p0 =	por !p0, !p0  }
0x194: {  	s17 =	sshrl.u32 s17, $0x7;
	s19 =	simm.s32 @!p0 $0x0  }
0x195: {  	s17 =	ssub.s32 s17, s19  }
0x196: {  	(v2sf) =	vpush v32, $0x6;
	s17 =	sshll.u32 s17, $0x7  }
0x197: {  	s17 =	sand.u32 $0x1FFFFF80, s17  }
0x198: {  	s17 =	sadd.s32 s1, s17  }
0x199: {  	[tilespmem:s30], [sflag:$0x1] =	stream.strided.gather [hbm4b:s17+s25], $0x1000, s24, s25, $0x38;
	[tilespmem:$0x14600] =	vst v63  }
0x19a: {  	s17 =	spop (v2sf)  }
0x19b: {  	s6 =	sand.u32 $0x7F, s17  }
0x19c: {  	s21 =	sshra.s32 s17, $0x1F;
	p4 =	slt.s32 s17, $0x1;
	p3 =	sne.s32 s6, $0x0  }
0x19d: {  	s19 =	sshrl.u32 s21, $0x19;
	p0 =	por !p4, !p3  }
0x19e: {  	s17 =	sadd.s32 s19, s17;
	s19 =	simm.s32 $0x1;
	p0 =	por !p0, !p0  }
0x19f: {  	s17 =	sshrl.u32 s17, $0x7;
	s19 =	simm.s32 @!p0 $0x0  }
0x1a0: {  	s17 =	ssub.s32 s17, s19  }
0x1a1: {  	(v2sf) =	vpush v32, $0x7;
	s17 =	sshll.u32 s17, $0x7  }
0x1a2: {  	s17 =	sand.u32 $0x1FFFFF80, s17  }
0x1a3: {  	s17 =	sadd.s32 s1, s17  }
0x1a4: {  	[tilespmem:s31], [sflag:$0x1] =	stream.strided.gather [hbm4b:s17+s25], $0x1000, s24, s25, $0x38;
	[tilespmem:$0x14600] =	vst v63  }
0x1a5: {  	s17 =	spop (v2sf)  }
0x1a6: {  	s6 =	sand.u32 $0x7F, s17  }
0x1a7: {  	s21 =	sshra.s32 s17, $0x1F;
	p6 =	slt.s32 s17, $0x1;
	p5 =	sne.s32 s6, $0x0  }
0x1a8: {  	s19 =	sshrl.u32 s21, $0x19;
	p0 =	por !p6, !p5  }
0x1a9: {  	s17 =	sadd.s32 s19, s17;
	s19 =	simm.s32 $0x1;
	p0 =	por !p0, !p0  }
0x1aa: {  	s17 =	sshrl.u32 s17, $0x7;
	s19 =	simm.s32 @!p0 $0x0  }
0x1ab: {  	s17 =	ssub.s32 s17, s19  }
0x1ac: {  	(v2sf) =	vpush v32, $0x8;
	s17 =	sshll.u32 s17, $0x7  }
0x1ad: {  	s17 =	sand.u32 $0x1FFFFF80, s17  }
0x1ae: {  	s17 =	sadd.s32 s1, s17  }
0x1af: {  	[tilespmem:s2], [sflag:$0x1] =	stream.strided.gather [hbm4b:s17+s25], $0x1000, s24, s25, $0x38;
	[tilespmem:$0x14600] =	vst v63  }
0x1b0: {  	s17 =	spop (v2sf)  }
0x1b1: {  	s6 =	sand.u32 $0x7F, s17  }
0x1b2: {  	s21 =	sshra.s32 s17, $0x1F;
	p2 =	slt.s32 s17, $0x1;
	p1 =	sne.s32 s6, $0x0  }
0x1b3: {  	s19 =	sshrl.u32 s21, $0x19;
	p0 =	por !p2, !p1  }
0x1b4: {  	s17 =	sadd.s32 s19, s17;
	s19 =	simm.s32 $0x1;
	p0 =	por !p0, !p0  }
0x1b5: {  	s17 =	sshrl.u32 s17, $0x7;
	s19 =	simm.s32 @!p0 $0x0  }
0x1b6: {  	s17 =	ssub.s32 s17, s19  }
0x1b7: {  	(v2sf) =	vpush v32, $0x9;
	s17 =	sshll.u32 s17, $0x7  }
0x1b8: {  	s17 =	sand.u32 $0x1FFFFF80, s17  }
0x1b9: {  	s17 =	sadd.s32 s1, s17  }
0x1ba: {  	[tilespmem:s0], [sflag:$0x1] =	stream.strided.gather [hbm4b:s17+s25], $0x1000, s24, s25, $0x38;
	[tilespmem:$0x14600] =	vst v63  }
0x1bb: {  	s17 =	spop (v2sf)  }
0x1bc: {  	s6 =	sand.u32 $0x7F, s17  }
0x1bd: {  	s21 =	sshra.s32 s17, $0x1F;
	p4 =	slt.s32 s17, $0x1;
	p3 =	sne.s32 s6, $0x0  }
0x1be: {  	s19 =	sshrl.u32 s21, $0x19;
	p0 =	por !p4, !p3  }
0x1bf: {  	s17 =	sadd.s32 s19, s17;
	s19 =	simm.s32 $0x1;
	p0 =	por !p0, !p0  }
0x1c0: {  	s17 =	sshrl.u32 s17, $0x7;
	s19 =	simm.s32 @!p0 $0x0  }
0x1c1: {  	s17 =	ssub.s32 s17, s19  }
0x1c2: {  	(v2sf) =	vpush v32, $0xA;
	s17 =	sshll.u32 s17, $0x7  }
0x1c3: {  	s17 =	sand.u32 $0x1FFFFF80, s17  }
0x1c4: {  	s17 =	sadd.s32 s1, s17  }
0x1c5: {  	[tilespmem:s12], [sflag:$0x2] =	stream.strided.gather [hbm4b:s17+s25], $0x1000, s24, s25, $0x38;
	[tilespmem:$0x14600] =	vst v63  }
0x1c6: {  	s17 =	spop (v2sf)  }
0x1c7: {  	s6 =	sand.u32 $0x7F, s17  }
0x1c8: {  	s21 =	sshra.s32 s17, $0x1F;
	p6 =	slt.s32 s17, $0x1;
	p5 =	sne.s32 s6, $0x0  }
0x1c9: {  	s19 =	sshrl.u32 s21, $0x19;
	p0 =	por !p6, !p5  }
0x1ca: {  	s17 =	sadd.s32 s19, s17;
	s19 =	simm.s32 $0x1;
	p0 =	por !p0, !p0  }
0x1cb: {  	s17 =	sshrl.u32 s17, $0x7;
	s19 =	simm.s32 @!p0 $0x0  }
0x1cc: {  	s17 =	ssub.s32 s17, s19  }
0x1cd: {  	(v2sf) =	vpush v32, $0xB;
	s17 =	sshll.u32 s17, $0x7  }
0x1ce: {  	s17 =	sand.u32 $0x1FFFFF80, s17  }
0x1cf: {  	s17 =	sadd.s32 s1, s17  }
0x1d0: {  	[tilespmem:s13], [sflag:$0x2] =	stream.strided.gather [hbm4b:s17+s25], $0x1000, s24, s25, $0x38;
	[tilespmem:$0x14600] =	vst v63  }
0x1d1: {  	s17 =	spop (v2sf)  }
0x1d2: {  	s6 =	sand.u32 $0x7F, s17  }
0x1d3: {  	s21 =	sshra.s32 s17, $0x1F;
	p2 =	slt.s32 s17, $0x1;
	p1 =	sne.s32 s6, $0x0  }
0x1d4: {  	s19 =	sshrl.u32 s21, $0x19;
	p0 =	por !p2, !p1  }
0x1d5: {  	s17 =	sadd.s32 s19, s17;
	s19 =	simm.s32 $0x1;
	p0 =	por !p0, !p0  }
0x1d6: {  	s17 =	sshrl.u32 s17, $0x7;
	s19 =	simm.s32 @!p0 $0x0  }
0x1d7: {  	s17 =	ssub.s32 s17, s19  }
0x1d8: {  	(v2sf) =	vpush v32, $0xC;
	s17 =	sshll.u32 s17, $0x7  }
0x1d9: {  	s17 =	sand.u32 $0x1FFFFF80, s17  }
0x1da: {  	s17 =	sadd.s32 s1, s17  }
0x1db: {  	[tilespmem:s14], [sflag:$0x2] =	stream.strided.gather [hbm4b:s17+s25], $0x1000, s24, s25, $0x38;
	[tilespmem:$0x14600] =	vst v63  }
0x1dc: {  	s17 =	spop (v2sf)  }
0x1dd: {  	s6 =	sand.u32 $0x7F, s17  }
0x1de: {  	s21 =	sshra.s32 s17, $0x1F;
	p4 =	slt.s32 s17, $0x1;
	p3 =	sne.s32 s6, $0x0  }
0x1df: {  	s19 =	sshrl.u32 s21, $0x19;
	p0 =	por !p4, !p3  }
0x1e0: {  	s17 =	sadd.s32 s19, s17;
	s19 =	simm.s32 $0x1;
	p0 =	por !p0, !p0  }
0x1e1: {  	s17 =	sshrl.u32 s17, $0x7;
	s19 =	simm.s32 @!p0 $0x0  }
0x1e2: {  	s17 =	ssub.s32 s17, s19  }
0x1e3: {  	(v2sf) =	vpush v32, $0xD;
	s17 =	sshll.u32 s17, $0x7  }
0x1e4: {  	s17 =	sand.u32 $0x1FFFFF80, s17  }
0x1e5: {  	s17 =	sadd.s32 s1, s17  }
0x1e6: {  	[tilespmem:s16], [sflag:$0x2] =	stream.strided.gather [hbm4b:s17+s25], $0x1000, s24, s25, $0x38;
	[tilespmem:$0x14600] =	vst v63  }
0x1e7: {  	s17 =	spop (v2sf)  }
0x1e8: {  	s6 =	sand.u32 $0x7F, s17  }
0x1e9: {  	s21 =	sshra.s32 s17, $0x1F;
	p6 =	slt.s32 s17, $0x1;
	p5 =	sne.s32 s6, $0x0  }
0x1ea: {  	(v2sf) =	vpush v32, $0xE;
	s19 =	sshrl.u32 s21, $0x19;
	p0 =	por !p6, !p5  }
0x1eb: {  	s17 =	sadd.s32 s19, s17;
	s19 =	simm.s32 $0x1;
	p0 =	por !p0, !p0  }
0x1ec: {  	s17 =	sshrl.u32 s17, $0x7;
	s19 =	simm.s32 @!p0 $0x0  }
0x1ed: {  	s17 =	ssub.s32 s17, s19  }
0x1ee: {  	s17 =	sshll.u32 s17, $0x7  }
0x1ef: {  	s17 =	sand.u32 $0x1FFFFF80, s17  }
0x1f0: {  	s17 =	sadd.s32 s1, s17  }
0x1f1: {  	[tilespmem:s18], [sflag:$0x2] =	stream.strided.gather [hbm4b:s17+s25], $0x1000, s24, s25, $0x38;
	[tilespmem:$0x14600] =	vst v63  }
0x1f2: {  	s17 =	spop (v2sf)  }
0x1f3: {  	s6 =	sand.u32 $0x7F, s17  }
0x1f4: {  	s21 =	sshra.s32 s17, $0x1F;
	p2 =	slt.s32 s17, $0x1;
	p1 =	sne.s32 s6, $0x0  }
0x1f5: {  	s19 =	sshrl.u32 s21, $0x19;
	p0 =	por !p2, !p1  }
0x1f6: {  	(v2sf) =	vpush v32, $0xF;
	s17 =	sadd.s32 s19, s17;
	s19 =	simm.s32 $0x1;
	p0 =	por !p0, !p0  }
0x1f7: {  	s17 =	sshrl.u32 s17, $0x7;
	s19 =	simm.s32 @!p0 $0x0  }
0x1f8: {  	s17 =	ssub.s32 s17, s19  }
0x1f9: {  	s19 =	spop (v2sf);
	s17 =	sshll.u32 s17, $0x7  }
0x1fa: {  	s6 =	sand.u32 $0x7F, s19;
	s21 =	sshra.s32 s19, $0x1F;
	s17 =	sand.u32 $0x1FFFFF80, s17  }
0x1fb: {  	p4 =	slt.s32 s19, $0x1;
	p3 =	sne.s32 s6, $0x0;
	s17 =	sadd.s32 s1, s17  }
0x1fc: {  	[tilespmem:s20], [sflag:$0x2] =	stream.strided.gather [hbm4b:s17+s25], $0x1000, s24, s25, $0x38;
	[tilespmem:$0x14600] =	vst v63  }
0x1fd: {  	p0 =	por !p4, !p3;
	s17 =	sshrl.u32 s21, $0x19  }
0x1fe: {  	p0 =	por !p0, !p0;
	s17 =	sadd.s32 s17, s19;
	s19 =	simm.s32 $0x1  }
0x1ff: {  	s17 =	sshrl.u32 s17, $0x7;
	s19 =	simm.s32 @!p0 $0x0  }
0x200: {  	s17 =	ssub.s32 s17, s19  }
0x201: {  	s17 =	sshll.u32 s17, $0x7  }
0x202: {  	s17 =	sand.u32 $0x1FFFFF80, s17  }
0x203: {  	s17 =	sadd.s32 s1, s17  }
0x204: {  	[tilespmem:s22], [sflag:$0x2] =	stream.strided.gather [hbm4b:s17+s25], $0x1000, s24, s25, $0x38;
	[tilespmem:$0x14600] =	vst v63  }
0x205: {  	s17 =	spop (v2sf)  }
0x206: {  	s6 =	sand.u32 $0x7F, s17  }
0x207: {  	s21 =	sshra.s32 s17, $0x1F;
	p6 =	slt.s32 s17, $0x1;
	p5 =	sne.s32 s6, $0x0  }
0x208: {  	s19 =	sshrl.u32 s21, $0x19;
	p0 =	por !p6, !p5  }
0x209: {  	s17 =	sadd.s32 s19, s17;
	s19 =	simm.s32 $0x1;
	p0 =	por !p0, !p0  }
0x20a: {  	s17 =	sshrl.u32 s17, $0x7;
	s19 =	simm.s32 @!p0 $0x0  }
.Ltmp3:
0x20b: {  	s17 =	ssub.s32 s17, s19;
	(pc) =	sbr.rel .LBB2_2-.Ltmp3, $4  }
0x20c: {  	s17 =	sshll.u32 s17, $0x7  }
0x20d: {  	s9 =	sadd.s32 $0x10, s9;
	s17 =	sand.u32 $0x1FFFFF80, s17  }
0x20e: {  	s10 =	sadd.s32 $0x20, s10;
	s11 =	sadd.s32 $0x80, s11;
	s17 =	sadd.s32 s1, s17  }
0x20f: {  	[tilespmem:s5], [sflag:$0x2] =	stream.strided.gather [hbm4b:s17+s25], $0x1000, s24, s25, $0x38;
	[tilespmem:$0x14600] =	vst v63  }
.LBB2_4:
0x210: {  	v32 =	vld [tilespmem:$0x80];
	_ =	sdelay $0x4  }
0x211: {  	(v2sf) =	vpush v32, $0x0;
	_ =	sdelay $0x5  }
0x212: {  	(v2sf) =	vpush v32, $0x1;
	_ =	sdelay $0x8  }
0x213: {  	s9 =	spop (v2sf)  }
0x214: {  	(v2sf) =	vpush v32, $0x2;
	s10 =	sand.u32 $0x7F, s9  }
0x215: {  	s11 =	sshra.s32 s9, $0x1F;
	p0 =	slt.s32 s9, $0x1;
	p1 =	sne.s32 s10, $0x0  }
0x216: {  	s21 =	sshrl.u32 s11, $0x19;
	p0 =	por !p0, !p1  }
0x217: {  	s10 =	simm.s32 $0x1;
	s9 =	sadd.s32 s21, s9;
	p0 =	por !p0, !p0  }
0x218: {  	s9 =	sshrl.u32 s9, $0x7;
	s10 =	simm.s32 @!p0 $0x0  }
0x219: {  	s6 =	spop (v2sf);
	s9 =	ssub.s32 s9, s10  }
0x21a: {  	s17 =	sand.u32 $0x7F, s6;
	s19 =	sshra.s32 s6, $0x1F;
	s9 =	sshll.u32 s9, $0x7  }
0x21b: {  	(v2sf) =	vpush v32, $0x3;
	p1 =	slt.s32 s6, $0x1;
	p2 =	sne.s32 s17, $0x0;
	s9 =	sand.u32 $0x1FFFFF80, s9  }
0x21c: {  	s21 =	sshrl.u32 s19, $0x19;
	p0 =	por !p1, !p2;
	s9 =	sadd.s32 s3, s9  }
0x21d: {  	[tilespmem:s25], [sflag:$0x1] =	stream.strided.gather [hbm4b:s9+s25], $0x1000, s24, s25, $0x38;
	[tilespmem:$0x14600] =	vst v63  }
0x21e: {  	p0 =	por !p0, !p0;
	s10 =	simm.s32 $0x1;
	s9 =	sadd.s32 s21, s6  }
0x21f: {  	s10 =	simm.s32 @!p0 $0x0;
	s9 =	sshrl.u32 s9, $0x7  }
0x220: {  	s9 =	ssub.s32 s9, s10  }
0x221: {  	s9 =	sshll.u32 s9, $0x7  }
0x222: {  	s9 =	sand.u32 $0x1FFFFF80, s9  }
0x223: {  	s9 =	sadd.s32 s3, s9;
	s6 =	spop (v2sf)  }
0x224: {  	[tilespmem:s26], [sflag:$0x1] =	stream.strided.gather [hbm4b:s9+s25], $0x1000, s24, s25, $0x38;
	[tilespmem:$0x14600] =	vst v63  }
0x225: {  	(v2sf) =	vpush v32, $0x4;
	s17 =	sand.u32 $0x7F, s6  }
0x226: {  	s19 =	sshra.s32 s6, $0x1F;
	p3 =	slt.s32 s6, $0x1;
	p4 =	sne.s32 s17, $0x0  }
0x227: {  	s21 =	sshrl.u32 s19, $0x19;
	p0 =	por !p3, !p4  }
0x228: {  	s10 =	simm.s32 $0x1;
	s9 =	sadd.s32 s21, s6;
	p0 =	por !p0, !p0  }
0x229: {  	s9 =	sshrl.u32 s9, $0x7;
	s10 =	simm.s32 @!p0 $0x0  }
0x22a: {  	s6 =	spop (v2sf);
	s9 =	ssub.s32 s9, s10  }
0x22b: {  	s17 =	sand.u32 $0x7F, s6;
	s19 =	sshra.s32 s6, $0x1F;
	s9 =	sshll.u32 s9, $0x7  }
0x22c: {  	(v2sf) =	vpush v32, $0x5;
	p5 =	slt.s32 s6, $0x1;
	p6 =	sne.s32 s17, $0x0;
	s9 =	sand.u32 $0x1FFFFF80, s9  }
0x22d: {  	s21 =	sshrl.u32 s19, $0x19;
	p0 =	por !p5, !p6;
	s9 =	sadd.s32 s3, s9  }
0x22e: {  	[tilespmem:s28], [sflag:$0x1] =	stream.strided.gather [hbm4b:s9+s25], $0x1000, s24, s25, $0x38;
	[tilespmem:$0x14600] =	vst v63  }
0x22f: {  	s10 =	simm.s32 $0x1;
	p0 =	por !p0, !p0;
	s9 =	sadd.s32 s21, s6  }
0x230: {  	s10 =	simm.s32 @!p0 $0x0;
	s9 =	sshrl.u32 s9, $0x7  }
0x231: {  	s9 =	ssub.s32 s9, s10  }
0x232: {  	s9 =	sshll.u32 s9, $0x7  }
0x233: {  	s9 =	sand.u32 $0x1FFFFF80, s9  }
0x234: {  	s9 =	sadd.s32 s3, s9;
	s6 =	spop (v2sf)  }
0x235: {  	[tilespmem:s29], [sflag:$0x1] =	stream.strided.gather [hbm4b:s9+s25], $0x1000, s24, s25, $0x38;
	[tilespmem:$0x14600] =	vst v63  }
0x236: {  	(v2sf) =	vpush v32, $0x6;
	s17 =	sand.u32 $0x7F, s6  }
0x237: {  	s19 =	sshra.s32 s6, $0x1F;
	p1 =	slt.s32 s6, $0x1;
	p2 =	sne.s32 s17, $0x0  }
0x238: {  	s21 =	sshrl.u32 s19, $0x19;
	p0 =	por !p1, !p2  }
0x239: {  	s10 =	simm.s32 $0x1;
	s9 =	sadd.s32 s21, s6;
	p0 =	por !p0, !p0  }
0x23a: {  	s9 =	sshrl.u32 s9, $0x7;
	s10 =	simm.s32 @!p0 $0x0  }
0x23b: {  	s6 =	spop (v2sf);
	s9 =	ssub.s32 s9, s10  }
0x23c: {  	s17 =	sand.u32 $0x7F, s6;
	s19 =	sshra.s32 s6, $0x1F;
	s9 =	sshll.u32 s9, $0x7  }
0x23d: {  	(v2sf) =	vpush v32, $0x7;
	p3 =	slt.s32 s6, $0x1;
	p4 =	sne.s32 s17, $0x0;
	s9 =	sand.u32 $0x1FFFFF80, s9  }
0x23e: {  	s21 =	sshrl.u32 s19, $0x19;
	p0 =	por !p3, !p4;
	s9 =	sadd.s32 s3, s9  }
0x23f: {  	[tilespmem:s30], [sflag:$0x1] =	stream.strided.gather [hbm4b:s9+s25], $0x1000, s24, s25, $0x38;
	[tilespmem:$0x14600] =	vst v63  }
0x240: {  	s10 =	simm.s32 $0x1;
	p0 =	por !p0, !p0;
	s9 =	sadd.s32 s21, s6  }
0x241: {  	s10 =	simm.s32 @!p0 $0x0;
	s9 =	sshrl.u32 s9, $0x7  }
0x242: {  	s9 =	ssub.s32 s9, s10  }
0x243: {  	s9 =	sshll.u32 s9, $0x7  }
0x244: {  	s9 =	sand.u32 $0x1FFFFF80, s9  }
0x245: {  	s9 =	sadd.s32 s3, s9;
	s6 =	spop (v2sf)  }
0x246: {  	[tilespmem:s31], [sflag:$0x1] =	stream.strided.gather [hbm4b:s9+s25], $0x1000, s24, s25, $0x38;
	[tilespmem:$0x14600] =	vst v63  }
0x247: {  	(v2sf) =	vpush v32, $0x8;
	s17 =	sand.u32 $0x7F, s6  }
0x248: {  	s19 =	sshra.s32 s6, $0x1F;
	p5 =	slt.s32 s6, $0x1;
	p6 =	sne.s32 s17, $0x0  }
0x249: {  	s21 =	sshrl.u32 s19, $0x19;
	p0 =	por !p5, !p6  }
0x24a: {  	s10 =	simm.s32 $0x1;
	s9 =	sadd.s32 s21, s6;
	p0 =	por !p0, !p0  }
0x24b: {  	s9 =	sshrl.u32 s9, $0x7;
	s10 =	simm.s32 @!p0 $0x0  }
0x24c: {  	s6 =	spop (v2sf);
	s9 =	ssub.s32 s9, s10  }
0x24d: {  	s17 =	sand.u32 $0x7F, s6;
	s19 =	sshra.s32 s6, $0x1F;
	s9 =	sshll.u32 s9, $0x7  }
0x24e: {  	(v2sf) =	vpush v32, $0x9;
	p1 =	slt.s32 s6, $0x1;
	p2 =	sne.s32 s17, $0x0;
	s9 =	sand.u32 $0x1FFFFF80, s9  }
0x24f: {  	s21 =	sshrl.u32 s19, $0x19;
	p0 =	por !p1, !p2;
	s9 =	sadd.s32 s3, s9  }
0x250: {  	[tilespmem:s2], [sflag:$0x1] =	stream.strided.gather [hbm4b:s9+s25], $0x1000, s24, s25, $0x38;
	[tilespmem:$0x14600] =	vst v63  }
0x251: {  	s10 =	simm.s32 $0x1;
	p0 =	por !p0, !p0;
	s9 =	sadd.s32 s21, s6  }
0x252: {  	s10 =	simm.s32 @!p0 $0x0;
	s9 =	sshrl.u32 s9, $0x7  }
0x253: {  	s9 =	ssub.s32 s9, s10  }
0x254: {  	s9 =	sshll.u32 s9, $0x7  }
0x255: {  	s9 =	sand.u32 $0x1FFFFF80, s9  }
0x256: {  	s9 =	sadd.s32 s3, s9;
	s6 =	spop (v2sf)  }
0x257: {  	[tilespmem:s0], [sflag:$0x1] =	stream.strided.gather [hbm4b:s9+s25], $0x1000, s24, s25, $0x38;
	[tilespmem:$0x14600] =	vst v63  }
0x258: {  	(v2sf) =	vpush v32, $0xA;
	s17 =	sand.u32 $0x7F, s6  }
0x259: {  	s19 =	sshra.s32 s6, $0x1F;
	p3 =	slt.s32 s6, $0x1;
	p4 =	sne.s32 s17, $0x0  }
0x25a: {  	s21 =	sshrl.u32 s19, $0x19;
	p0 =	por !p3, !p4  }
0x25b: {  	s10 =	simm.s32 $0x1;
	s9 =	sadd.s32 s21, s6;
	p0 =	por !p0, !p0  }
0x25c: {  	s9 =	sshrl.u32 s9, $0x7;
	s10 =	simm.s32 @!p0 $0x0  }
0x25d: {  	s6 =	spop (v2sf);
	s9 =	ssub.s32 s9, s10  }
0x25e: {  	s17 =	sand.u32 $0x7F, s6;
	s19 =	sshra.s32 s6, $0x1F;
	s9 =	sshll.u32 s9, $0x7  }
0x25f: {  	(v2sf) =	vpush v32, $0xB;
	p5 =	slt.s32 s6, $0x1;
	p6 =	sne.s32 s17, $0x0;
	s9 =	sand.u32 $0x1FFFFF80, s9  }
0x260: {  	s21 =	sshrl.u32 s19, $0x19;
	p0 =	por !p5, !p6;
	s9 =	sadd.s32 s3, s9  }
0x261: {  	[tilespmem:s12], [sflag:$0x2] =	stream.strided.gather [hbm4b:s9+s25], $0x1000, s24, s25, $0x38;
	[tilespmem:$0x14600] =	vst v63  }
0x262: {  	s10 =	simm.s32 $0x1;
	p0 =	por !p0, !p0;
	s9 =	sadd.s32 s21, s6  }
0x263: {  	s10 =	simm.s32 @!p0 $0x0;
	s9 =	sshrl.u32 s9, $0x7  }
0x264: {  	s9 =	ssub.s32 s9, s10  }
0x265: {  	s9 =	sshll.u32 s9, $0x7  }
0x266: {  	s9 =	sand.u32 $0x1FFFFF80, s9  }
0x267: {  	s9 =	sadd.s32 s3, s9;
	s6 =	spop (v2sf)  }
0x268: {  	[tilespmem:s13], [sflag:$0x2] =	stream.strided.gather [hbm4b:s9+s25], $0x1000, s24, s25, $0x38;
	[tilespmem:$0x14600] =	vst v63  }
0x269: {  	(v2sf) =	vpush v32, $0xC;
	s17 =	sand.u32 $0x7F, s6  }
0x26a: {  	s19 =	sshra.s32 s6, $0x1F;
	p1 =	slt.s32 s6, $0x1;
	p2 =	sne.s32 s17, $0x0  }
0x26b: {  	s21 =	sshrl.u32 s19, $0x19;
	p0 =	por !p1, !p2  }
0x26c: {  	s10 =	simm.s32 $0x1;
	s9 =	sadd.s32 s21, s6;
	p0 =	por !p0, !p0  }
0x26d: {  	s9 =	sshrl.u32 s9, $0x7;
	s10 =	simm.s32 @!p0 $0x0  }
0x26e: {  	s6 =	spop (v2sf);
	s9 =	ssub.s32 s9, s10  }
0x26f: {  	s17 =	sand.u32 $0x7F, s6;
	s19 =	sshra.s32 s6, $0x1F;
	s9 =	sshll.u32 s9, $0x7  }
0x270: {  	(v2sf) =	vpush v32, $0xD;
	p3 =	slt.s32 s6, $0x1;
	p4 =	sne.s32 s17, $0x0;
	s9 =	sand.u32 $0x1FFFFF80, s9  }
0x271: {  	s21 =	sshrl.u32 s19, $0x19;
	p0 =	por !p3, !p4;
	s9 =	sadd.s32 s3, s9  }
0x272: {  	[tilespmem:s14], [sflag:$0x2] =	stream.strided.gather [hbm4b:s9+s25], $0x1000, s24, s25, $0x38;
	[tilespmem:$0x14600] =	vst v63  }
0x273: {  	s10 =	simm.s32 $0x1;
	p0 =	por !p0, !p0;
	s9 =	sadd.s32 s21, s6  }
0x274: {  	s10 =	simm.s32 @!p0 $0x0;
	s9 =	sshrl.u32 s9, $0x7  }
0x275: {  	s9 =	ssub.s32 s9, s10  }
0x276: {  	s9 =	sshll.u32 s9, $0x7  }
0x277: {  	s9 =	sand.u32 $0x1FFFFF80, s9  }
0x278: {  	s9 =	sadd.s32 s3, s9;
	s6 =	spop (v2sf)  }
0x279: {  	[tilespmem:s16], [sflag:$0x2] =	stream.strided.gather [hbm4b:s9+s25], $0x1000, s24, s25, $0x38;
	[tilespmem:$0x14600] =	vst v63  }
0x27a: {  	(v2sf) =	vpush v32, $0xE;
	s17 =	sand.u32 $0x7F, s6  }
0x27b: {  	s19 =	sshra.s32 s6, $0x1F;
	p5 =	slt.s32 s6, $0x1;
	p6 =	sne.s32 s17, $0x0  }
0x27c: {  	s21 =	sshrl.u32 s19, $0x19;
	p0 =	por !p5, !p6  }
0x27d: {  	s10 =	simm.s32 $0x1;
	s9 =	sadd.s32 s21, s6;
	p0 =	por !p0, !p0  }
0x27e: {  	s9 =	sshrl.u32 s9, $0x7;
	s10 =	simm.s32 @!p0 $0x0  }
0x27f: {  	s6 =	spop (v2sf);
	s9 =	ssub.s32 s9, s10  }
0x280: {  	s17 =	sand.u32 $0x7F, s6;
	s19 =	sshra.s32 s6, $0x1F;
	s9 =	sshll.u32 s9, $0x7  }
0x281: {  	(v2sf) =	vpush v32, $0xF;
	p1 =	slt.s32 s6, $0x1;
	p2 =	sne.s32 s17, $0x0;
	s9 =	sand.u32 $0x1FFFFF80, s9  }
0x282: {  	s21 =	sshrl.u32 s19, $0x19;
	p0 =	por !p1, !p2;
	s9 =	sadd.s32 s3, s9  }
0x283: {  	[tilespmem:s18], [sflag:$0x2] =	stream.strided.gather [hbm4b:s9+s25], $0x1000, s24, s25, $0x38;
	[tilespmem:$0x14600] =	vst v63  }
0x284: {  	s10 =	simm.s32 $0x1;
	p0 =	por !p0, !p0;
	s9 =	sadd.s32 s21, s6  }
0x285: {  	s10 =	simm.s32 @!p0 $0x0;
	s9 =	sshrl.u32 s9, $0x7  }
0x286: {  	s9 =	ssub.s32 s9, s10  }
0x287: {  	s9 =	sshll.u32 s9, $0x7  }
0x288: {  	s9 =	sand.u32 $0x1FFFFF80, s9  }
0x289: {  	s6 =	spop (v2sf);
	s9 =	sadd.s32 s3, s9  }
0x28a: {  	[tilespmem:s20], [sflag:$0x2] =	stream.strided.gather [hbm4b:s9+s25], $0x1000, s24, s25, $0x38;
	[tilespmem:$0x14600] =	vst v63  }
0x28b: {  	s17 =	sand.u32 $0x7F, s6  }
0x28c: {  	s19 =	sshra.s32 s6, $0x1F;
	p3 =	slt.s32 s6, $0x1;
	p4 =	sne.s32 s17, $0x0  }
0x28d: {  	s21 =	sshrl.u32 s19, $0x19;
	p0 =	por !p3, !p4  }
0x28e: {  	s10 =	simm.s32 $0x1;
	s9 =	sadd.s32 s21, s6;
	p0 =	por !p0, !p0  }
0x28f: {  	s9 =	sshrl.u32 s9, $0x7;
	s10 =	simm.s32 @!p0 $0x0  }
0x290: {  	s6 =	spop (v2sf);
	s9 =	ssub.s32 s9, s10  }
0x291: {  	s17 =	sand.u32 $0x7F, s6;
	s19 =	sshra.s32 s6, $0x1F;
	s9 =	sshll.u32 s9, $0x7  }
0x292: {  	p5 =	slt.s32 s6, $0x1;
	p6 =	sne.s32 s17, $0x0;
	s9 =	sand.u32 $0x1FFFFF80, s9  }
0x293: {  	s21 =	sshrl.u32 s19, $0x19;
	p0 =	por !p5, !p6;
	s9 =	sadd.s32 s3, s9  }
0x294: {  	[tilespmem:s22], [sflag:$0x2] =	stream.strided.gather [hbm4b:s9+s25], $0x1000, s24, s25, $0x38;
	[tilespmem:$0x14600] =	vst v63  }
0x295: {  	s10 =	simm.s32 $0x1;
	p0 =	por !p0, !p0;
	s9 =	sadd.s32 s21, s6  }
0x296: {  	s10 =	simm.s32 @!p0 $0x0;
	s9 =	sshrl.u32 s9, $0x7  }
0x297: {  	s9 =	ssub.s32 s9, s10  }
0x298: {  	s9 =	sshll.u32 s9, $0x7  }
0x299: {  	s9 =	sand.u32 $0x1FFFFF80, s9  }
0x29a: {  	s11 =	simm.s32 $0x14400;
	s9 =	sadd.s32 s3, s9  }
0x29b: {  	[tilespmem:s5], [sflag:$0x2] =	stream.strided.gather [hbm4b:s9+s25], $0x1000, s24, s25, $0x38;
	[tilespmem:$0x14600] =	vst v63  }
0x29c: {  	s17 =	simm.s32 $0x0;
	s10 =	simm.s32 $0x20;
	s9 =	simm.s32 $0x10  }
.LBB2_5:
0x29d: {  	_ =	swait.ge [sflag:s23], $0x1000  }
0x29e: {  	[sflag:s23] =	ssyncset.done $0x0  }
0x29f: {  	[sflag:s23] =	ssyncadd.s32 $0xFFFFF000  }
0x2a0: {  	_ =	swait.ge [sflag:s23], $0x1000  }
0x2a1: {  	[sflag:s23] =	ssyncset.done $0x0  }
0x2a2: {  	[sflag:s23] =	ssyncadd.s32 $0xFFFFF000  }
0x2a3: {  	_ =	swait.ge [sflag:s23], $0x1000  }
0x2a4: {  	[sflag:s23] =	ssyncset.done $0x0  }
0x2a5: {  	[sflag:s23] =	ssyncadd.s32 $0xFFFFF000  }
0x2a6: {  	_ =	swait.ge [sflag:s23], $0x1000  }
0x2a7: {  	[sflag:s23] =	ssyncset.done $0x0  }
0x2a8: {  	[sflag:s23] =	ssyncadd.s32 $0xFFFFF000  }
0x2a9: {  	_ =	swait.ge [sflag:s23], $0x1000  }
0x2aa: {  	[sflag:s23] =	ssyncset.done $0x0  }
0x2ab: {  	[sflag:s23] =	ssyncadd.s32 $0xFFFFF000  }
0x2ac: {  	_ =	swait.ge [sflag:s23], $0x1000  }
0x2ad: {  	[sflag:s23] =	ssyncset.done $0x0  }
0x2ae: {  	[sflag:s23] =	ssyncadd.s32 $0xFFFFF000  }
0x2af: {  	_ =	swait.ge [sflag:s23], $0x1000  }
0x2b0: {  	[sflag:s23] =	ssyncset.done $0x0  }
0x2b1: {  	[sflag:s23] =	ssyncadd.s32 $0xFFFFF000  }
0x2b2: {  	_ =	swait.ge [sflag:s23], $0x1000  }
0x2b3: {  	[sflag:s23] =	ssyncset.done $0x0  }
0x2b4: {  	[sflag:s23] =	ssyncadd.s32 $0xFFFFF000  }
0x2b5: {  	_ =	swait.ge [sflag:s7], $0x1000  }
0x2b6: {  	[sflag:s7] =	ssyncset.done $0x0  }
0x2b7: {  	[sflag:s7] =	ssyncadd.s32 $0xFFFFF000  }
0x2b8: {  	_ =	swait.ge [sflag:s7], $0x1000  }
0x2b9: {  	[sflag:s7] =	ssyncset.done $0x0  }
0x2ba: {  	[sflag:s7] =	ssyncadd.s32 $0xFFFFF000  }
0x2bb: {  	_ =	swait.ge [sflag:s7], $0x1000  }
0x2bc: {  	[sflag:s7] =	ssyncset.done $0x0  }
0x2bd: {  	[sflag:s7] =	ssyncadd.s32 $0xFFFFF000  }
0x2be: {  	_ =	swait.ge [sflag:s7], $0x1000  }
0x2bf: {  	[sflag:s7] =	ssyncset.done $0x0  }
0x2c0: {  	[sflag:s7] =	ssyncadd.s32 $0xFFFFF000  }
0x2c1: {  	_ =	swait.ge [sflag:s7], $0x1000  }
0x2c2: {  	[sflag:s7] =	ssyncset.done $0x0  }
0x2c3: {  	[sflag:s7] =	ssyncadd.s32 $0xFFFFF000  }
0x2c4: {  	_ =	swait.ge [sflag:s7], $0x1000  }
0x2c5: {  	[sflag:s7] =	ssyncset.done $0x0  }
0x2c6: {  	[sflag:s7] =	ssyncadd.s32 $0xFFFFF000  }
0x2c7: {  	_ =	swait.ge [sflag:s7], $0x1000  }
0x2c8: {  	[sflag:s7] =	ssyncset.done $0x0  }
0x2c9: {  	[sflag:s7] =	ssyncadd.s32 $0xFFFFF000  }
0x2ca: {  	s19 =	sadd.s32 $0xFFFFFFF0, s9;
	s21 =	sand.u32 $0xC00, s17;
	_ =	swait.ge [sflag:s7], $0x1000  }
0x2cb: {  	s19 =	sand.u32 $0x70, s19;
	s6 =	sshrl.u32 s21, $0x2;
	[sflag:s7] =	ssyncset.done $0x0  }
0x2cc: {  	s6 =	sor.u32 s19, s6;
	[sflag:s7] =	ssyncadd.s32 $0xFFFFF000  }
0x2cd: {  	v32 =	vld [tilespmem:s6+$0x80];
	_ =	sdelay $0x4  }
0x2ce: {  	v33 =	vshra.s32 v32, $0x1F  }
0x2cf: {  	v33 =	vshrl.u32 v33, $0x19  }
0x2d0: {  	v33 =	vadd.s32 v33, v32  }
0x2d1: {  	v33 =	vshrl.u32 v33, $0x7  }
0x2d2: {  	v33 =	vshll.u32 v33, $0x7  }
0x2d3: {  	v32 =	vsub.s32 v32, v33  }
0x2d4: {  	v33 =	vadd.s32 v0, v32;
	_ =	sdelay $0x1  }
0x2d5: {  	v34 =	vadd.s32 v1, v32  }
0x2d6: {  	s19 =	sor.u32 s19, s21  }
0x2d7: {  	v36 =	vld [tilespmem:s19+$0x10400];
	v35 =	vadd.s32 v2, v32  }
0x2d8: {  	s21 =	sadd.s32 $0x10400, s19;
	v33 =	vld.idx.msk [tilespmem:v33+s25+$0x0], $0xffff  }
0x2d9: {  	v38 =	vld [tilespmem:s21+$0x80];
	v37 =	vadd.s32 v3, v32  }
0x2da: {  	v34 =	vld.idx.msk [tilespmem:v34+s25+$0x0], $0xffff  }
0x2db: {  	v40 =	vld [tilespmem:s21+$0x100];
	v39 =	vadd.s32 v4, v32  }
0x2dc: {  	v35 =	vld.idx.msk [tilespmem:v35+s25+$0x0], $0xffff  }
0x2dd: {  	v51 =	vld [tilespmem:s21+$0x180];
	v41 =	vadd.s32 v5, v32;
	v33 =	vmul.f32 v36, v33  }
0x2de: {  	v50 =	vld.idx.msk [tilespmem:v37+s25+$0x0], $0xffff  }
0x2df: {  	v53 =	vld [tilespmem:s21+$0x200];
	v42 =	vadd.s32 v6, v32;
	v34 =	vmul.f32 v38, v34;
	v33 =	vadd.f32 $0.0e+00, v33  }
0x2e0: {  	v52 =	vld.idx.msk [tilespmem:v39+s25+$0x0], $0xffff  }
0x2e1: {  	v56 =	vld [tilespmem:s21+$0x280];
	v43 =	vadd.s32 v7, v32;
	v54 =	vmul.f32 v40, v35;
	v33 =	vadd.f32 v34, v33  }
0x2e2: {  	v55 =	vld.idx.msk [tilespmem:v41+s25+$0x0], $0xffff  }
0x2e3: {  	v60 =	vld [tilespmem:s21+$0x300];
	v57 =	vadd.s32 v8, v32;
	v58 =	vmul.f32 v51, v50;
	v33 =	vadd.f32 v54, v33  }
0x2e4: {  	v61 =	vadd.s32 v9, v32;
	v59 =	vld.idx.msk [tilespmem:v42+s25+$0x0], $0xffff  }
0x2e5: {  	v45 =	vld [tilespmem:s21+$0x380];
	v62 =	vmul.f32 v53, v52;
	v33 =	vadd.f32 v58, v33  }
0x2e6: {  	v63 =	vld.idx.msk [tilespmem:v43+s25+$0x0], $0xffff  }
0x2e7: {  	v49 =	vld [tilespmem:s19+$0x11400];
	v46 =	vadd.s32 v10, v32;
	v47 =	vmul.f32 v56, v55;
	v33 =	vadd.f32 v62, v33  }
0x2e8: {  	v48 =	vld.idx.msk [tilespmem:v57+s25+$0x0], $0xffff  }
0x2e9: {  	v50 =	vadd.s32 v11, v32;
	v51 =	vmul.f32 v60, v59;
	v52 =	vld.idx.msk [tilespmem:v61+s25+$0x0], $0xffff;
	v33 =	vadd.f32 v47, v33  }
0x2ea: {  	v53 =	vld [tilespmem:s19+$0x11480]  }
0x2eb: {  	v57 =	vld [tilespmem:s19+$0x11500];
	v55 =	vmul.f32 v45, v63;
	v54 =	vadd.s32 v12, v32;
	v33 =	vadd.f32 v51, v33  }
0x2ec: {  	v56 =	vld.idx.msk [tilespmem:v46+s25+$0x0], $0xffff  }
0x2ed: {  	v59 =	vmul.f32 v49, v48;
	v61 =	vld [tilespmem:s19+$0x11580];
	v58 =	vadd.s32 v13, v32;
	v33 =	vadd.f32 v55, v33  }
0x2ee: {  	v60 =	vld.idx.msk [tilespmem:v50+s25+$0x0], $0xffff  }
0x2ef: {  	v46 =	vld [tilespmem:s19+$0x11600];
	v63 =	vmul.f32 v53, v52;
	v62 =	vadd.s32 v14, v32;
	v33 =	vadd.f32 v59, v33  }
0x2f0: {  	v45 =	vld.idx.msk [tilespmem:v54+s25+$0x0], $0xffff  }
0x2f1: {  	v48 =	vmul.f32 v57, v56;
	v50 =	vld [tilespmem:s19+$0x11680];
	v47 =	vadd.s32 v15, v32;
	v33 =	vadd.f32 v63, v33  }
0x2f2: {  	v49 =	vld.idx.msk [tilespmem:v58+s25+$0x0], $0xffff  }
0x2f3: {  	v52 =	vmul.f32 v61, v60;
	v54 =	vld [tilespmem:s19+$0x11700];
	v51 =	vadd.s32 v16, v32;
	v33 =	vadd.f32 v48, v33  }
0x2f4: {  	v53 =	vld.idx.msk [tilespmem:v62+s25+$0x0], $0xffff  }
0x2f5: {  	v58 =	vld [tilespmem:s19+$0x11780];
	v55 =	vadd.s32 v17, v32;
	v56 =	vmul.f32 v46, v45;
	v33 =	vadd.f32 v52, v33  }
0x2f6: {  	v57 =	vld.idx.msk [tilespmem:v47+s25+$0x0], $0xffff  }
0x2f7: {  	v62 =	vld [tilespmem:s19+$0x12400];
	v59 =	vadd.s32 v18, v32;
	v60 =	vmul.f32 v50, v49;
	v33 =	vadd.f32 v56, v33  }
0x2f8: {  	v61 =	vld.idx.msk [tilespmem:v51+s25+$0x0], $0xffff  }
0x2f9: {  	v47 =	vld [tilespmem:s19+$0x12480];
	v63 =	vadd.s32 v19, v32;
	v45 =	vmul.f32 v54, v53;
	v33 =	vadd.f32 v60, v33  }
0x2fa: {  	v46 =	vld.idx.msk [tilespmem:v55+s25+$0x0], $0xffff  }
0x2fb: {  	v51 =	vld [tilespmem:s19+$0x12500];
	v48 =	vadd.s32 v20, v32;
	v49 =	vmul.f32 v58, v57;
	v33 =	vadd.f32 v45, v33  }
0x2fc: {  	v50 =	vld.idx.msk [tilespmem:v59+s25+$0x0], $0xffff  }
0x2fd: {  	v55 =	vld [tilespmem:s19+$0x12580];
	v52 =	vadd.s32 v21, v32;
	v53 =	vmul.f32 v62, v61;
	v33 =	vadd.f32 v49, v33  }
0x2fe: {  	v54 =	vld.idx.msk [tilespmem:v63+s25+$0x0], $0xffff  }
0x2ff: {  	v59 =	vld [tilespmem:s19+$0x12600];
	v56 =	vadd.s32 v22, v32;
	v57 =	vmul.f32 v47, v46;
	v33 =	vadd.f32 v53, v33  }
0x300: {  	v58 =	vld.idx.msk [tilespmem:v48+s25+$0x0], $0xffff  }
0x301: {  	v63 =	vld [tilespmem:s19+$0x12680];
	v60 =	vadd.s32 v23, v32;
	v61 =	vmul.f32 v51, v50;
	v33 =	vadd.f32 v57, v33  }
0x302: {  	v62 =	vld.idx.msk [tilespmem:v52+s25+$0x0], $0xffff  }
0x303: {  	v48 =	vld [tilespmem:s19+$0x12700];
	v45 =	vadd.s32 v24, v32;
	v46 =	vmul.f32 v55, v54;
	v33 =	vadd.f32 v61, v33  }
0x304: {  	v47 =	vld.idx.msk [tilespmem:v56+s25+$0x0], $0xffff  }
0x305: {  	v52 =	vld [tilespmem:s19+$0x12780];
	v49 =	vadd.s32 v25, v32;
	v50 =	vmul.f32 v59, v58;
	v33 =	vadd.f32 v46, v33  }
0x306: {  	v51 =	vld.idx.msk [tilespmem:v60+s25+$0x0], $0xffff  }
0x307: {  	v56 =	vld [tilespmem:s19+$0x13400];
	v53 =	vadd.s32 v26, v32;
	v54 =	vmul.f32 v63, v62;
	v33 =	vadd.f32 v50, v33  }
0x308: {  	v55 =	vld.idx.msk [tilespmem:v45+s25+$0x0], $0xffff  }
0x309: {  	v60 =	vld [tilespmem:s19+$0x13480];
	v57 =	vadd.s32 v27, v32;
	v58 =	vmul.f32 v48, v47;
	v33 =	vadd.f32 v54, v33  }
0x30a: {  	v59 =	vld.idx.msk [tilespmem:v49+s25+$0x0], $0xffff  }
0x30b: {  	v45 =	vld [tilespmem:s19+$0x13500];
	v61 =	vadd.s32 v28, v32;
	v62 =	vmul.f32 v52, v51;
	v33 =	vadd.f32 v58, v33  }
0x30c: {  	v63 =	vld.idx.msk [tilespmem:v53+s25+$0x0], $0xffff  }
0x30d: {  	v49 =	vld [tilespmem:s19+$0x13580];
	v46 =	vadd.s32 v29, v32;
	v47 =	vmul.f32 v56, v55;
	v33 =	vadd.f32 v62, v33  }
0x30e: {  	v48 =	vld.idx.msk [tilespmem:v57+s25+$0x0], $0xffff  }
0x30f: {  	v53 =	vld [tilespmem:s19+$0x13600];
	v50 =	vadd.s32 v30, v32;
	v51 =	vmul.f32 v60, v59;
	v33 =	vadd.f32 v47, v33  }
0x310: {  	v52 =	vld.idx.msk [tilespmem:v61+s25+$0x0], $0xffff  }
0x311: {  	v56 =	vld [tilespmem:s19+$0x13680];
	v32 =	vadd.s32 v31, v32;
	v54 =	vmul.f32 v45, v63;
	v33 =	vadd.f32 v51, v33  }
0x312: {  	v55 =	vld.idx.msk [tilespmem:v46+s25+$0x0], $0xffff  }
0x313: {  	v59 =	vld [tilespmem:s19+$0x13700];
	v57 =	vmul.f32 v49, v48;
	v33 =	vadd.f32 v54, v33  }
0x314: {  	v58 =	vld.idx.msk [tilespmem:v50+s25+$0x0], $0xffff  }
0x315: {  	v61 =	vld [tilespmem:s19+$0x13780];
	v60 =	vmul.f32 v53, v52;
	v33 =	vadd.f32 v57, v33  }
0x316: {  	v32 =	vld.idx.msk [tilespmem:v32+s25+$0x0], $0xffff  }
0x317: {  	v62 =	vmul.f32 v56, v55;
	v33 =	vadd.f32 v60, v33;
	_ =	sdelay $0x1  }
0x318: {  	v63 =	vmul.f32 v59, v58;
	v33 =	vadd.f32 v62, v33  }
0x319: {  	p0 =	seq.s32 s9, $0x200  }
.Ltmp4:
0x31a: {  	v32 =	vmul.f32 v61, v32;
	v33 =	vadd.f32 v63, v33;
	(pc) =	sbr.rel @p0 .LBB2_7-.Ltmp4, $3  }
0x31b: {  	_ = 	snop  }
0x31c: {  	v32 =	vadd.f32 v32, v33;
	_ =	sdelay $0x1  }
0x31d: {  	[tilespmem:s11+$0x0] =	vst v32  }
0x31e: {  	s6 =	sand.u32 $0x70, s9;
	s19 =	sand.u32 $0x700, s10  }
0x31f: {  	s6 =	sor.u32 s6, s19  }
0x320: {  	v32 =	vld [tilespmem:s6+$0x80];
	_ =	sdelay $0x4  }
0x321: {  	(v2sf) =	vpush v32, $0x0;
	_ =	sdelay $0xa  }
0x322: {  	(v2sf) =	vpush v32, $0x1;
	_ =	sdelay $0x3  }
0x323: {  	s6 =	spop (v2sf)  }
0x324: {  	s21 =	sand.u32 $0x7F, s6  }
0x325: {  	p1 =	slt.s32 s6, $0x1;
	p0 =	sne.s32 s21, $0x0;
	s21 =	sshra.s32 s6, $0x1F  }
0x326: {  	s19 =	sshrl.u32 s21, $0x19;
	p0 =	por !p1, !p0  }
0x327: {  	s6 =	sadd.s32 s19, s6;
	p0 =	por !p0, !p0;
	s19 =	simm.s32 $0x1  }
0x328: {  	s6 =	sshrl.u32 s6, $0x7;
	s19 =	simm.s32 @!p0 $0x0  }
0x329: {  	s6 =	ssub.s32 s6, s19  }
0x32a: {  	(v2sf) =	vpush v32, $0x2;
	s6 =	sshll.u32 s6, $0x7  }
0x32b: {  	s6 =	sand.u32 $0x1FFFFF80, s6  }
0x32c: {  	s6 =	sadd.s32 s3, s6  }
0x32d: {  	[tilespmem:s25], [sflag:$0x1] =	stream.strided.gather [hbm4b:s6+s25], $0x1000, s24, s25, $0x38;
	[tilespmem:$0x14600] =	vst v63  }
0x32e: {  	s6 =	spop (v2sf)  }
0x32f: {  	s21 =	sand.u32 $0x7F, s6  }
0x330: {  	p2 =	slt.s32 s6, $0x1;
	p1 =	sne.s32 s21, $0x0;
	s21 =	sshra.s32 s6, $0x1F  }
0x331: {  	s19 =	sshrl.u32 s21, $0x19;
	p0 =	por !p2, !p1  }
0x332: {  	s6 =	sadd.s32 s19, s6;
	p0 =	por !p0, !p0;
	s19 =	simm.s32 $0x1  }
0x333: {  	s6 =	sshrl.u32 s6, $0x7;
	s19 =	simm.s32 @!p0 $0x0  }
0x334: {  	s6 =	ssub.s32 s6, s19  }
0x335: {  	(v2sf) =	vpush v32, $0x3;
	s6 =	sshll.u32 s6, $0x7  }
0x336: {  	s6 =	sand.u32 $0x1FFFFF80, s6  }
0x337: {  	s6 =	sadd.s32 s3, s6  }
0x338: {  	[tilespmem:s26], [sflag:$0x1] =	stream.strided.gather [hbm4b:s6+s25], $0x1000, s24, s25, $0x38;
	[tilespmem:$0x14600] =	vst v63  }
0x339: {  	s6 =	spop (v2sf)  }
0x33a: {  	s21 =	sand.u32 $0x7F, s6  }
0x33b: {  	p4 =	slt.s32 s6, $0x1;
	p3 =	sne.s32 s21, $0x0;
	s21 =	sshra.s32 s6, $0x1F  }
0x33c: {  	s19 =	sshrl.u32 s21, $0x19;
	p0 =	por !p4, !p3  }
0x33d: {  	s6 =	sadd.s32 s19, s6;
	p0 =	por !p0, !p0;
	s19 =	simm.s32 $0x1  }
0x33e: {  	s6 =	sshrl.u32 s6, $0x7;
	s19 =	simm.s32 @!p0 $0x0  }
0x33f: {  	s6 =	ssub.s32 s6, s19  }
0x340: {  	(v2sf) =	vpush v32, $0x4;
	s6 =	sshll.u32 s6, $0x7  }
0x341: {  	s6 =	sand.u32 $0x1FFFFF80, s6  }
0x342: {  	s6 =	sadd.s32 s3, s6  }
0x343: {  	[tilespmem:s28], [sflag:$0x1] =	stream.strided.gather [hbm4b:s6+s25], $0x1000, s24, s25, $0x38;
	[tilespmem:$0x14600] =	vst v63  }
0x344: {  	s6 =	spop (v2sf)  }
0x345: {  	s21 =	sand.u32 $0x7F, s6  }
0x346: {  	p6 =	slt.s32 s6, $0x1;
	p5 =	sne.s32 s21, $0x0;
	s21 =	sshra.s32 s6, $0x1F  }
0x347: {  	s19 =	sshrl.u32 s21, $0x19;
	p0 =	por !p6, !p5  }
0x348: {  	s6 =	sadd.s32 s19, s6;
	p0 =	por !p0, !p0;
	s19 =	simm.s32 $0x1  }
0x349: {  	s6 =	sshrl.u32 s6, $0x7;
	s19 =	simm.s32 @!p0 $0x0  }
0x34a: {  	s6 =	ssub.s32 s6, s19  }
0x34b: {  	(v2sf) =	vpush v32, $0x5;
	s6 =	sshll.u32 s6, $0x7  }
0x34c: {  	s6 =	sand.u32 $0x1FFFFF80, s6  }
0x34d: {  	s6 =	sadd.s32 s3, s6  }
0x34e: {  	[tilespmem:s29], [sflag:$0x1] =	stream.strided.gather [hbm4b:s6+s25], $0x1000, s24, s25, $0x38;
	[tilespmem:$0x14600] =	vst v63  }
0x34f: {  	s6 =	spop (v2sf)  }
0x350: {  	s21 =	sand.u32 $0x7F, s6  }
0x351: {  	p2 =	slt.s32 s6, $0x1;
	p1 =	sne.s32 s21, $0x0;
	s21 =	sshra.s32 s6, $0x1F  }
0x352: {  	s19 =	sshrl.u32 s21, $0x19;
	p0 =	por !p2, !p1  }
0x353: {  	s6 =	sadd.s32 s19, s6;
	p0 =	por !p0, !p0;
	s19 =	simm.s32 $0x1  }
0x354: {  	s6 =	sshrl.u32 s6, $0x7;
	s19 =	simm.s32 @!p0 $0x0  }
0x355: {  	s6 =	ssub.s32 s6, s19  }
0x356: {  	(v2sf) =	vpush v32, $0x6;
	s6 =	sshll.u32 s6, $0x7  }
0x357: {  	s6 =	sand.u32 $0x1FFFFF80, s6  }
0x358: {  	s6 =	sadd.s32 s3, s6  }
0x359: {  	[tilespmem:s30], [sflag:$0x1] =	stream.strided.gather [hbm4b:s6+s25], $0x1000, s24, s25, $0x38;
	[tilespmem:$0x14600] =	vst v63  }
0x35a: {  	s6 =	spop (v2sf)  }
0x35b: {  	s21 =	sand.u32 $0x7F, s6  }
0x35c: {  	p4 =	slt.s32 s6, $0x1;
	p3 =	sne.s32 s21, $0x0;
	s21 =	sshra.s32 s6, $0x1F  }
0x35d: {  	s19 =	sshrl.u32 s21, $0x19;
	p0 =	por !p4, !p3  }
0x35e: {  	s6 =	sadd.s32 s19, s6;
	p0 =	por !p0, !p0;
	s19 =	simm.s32 $0x1  }
0x35f: {  	s6 =	sshrl.u32 s6, $0x7;
	s19 =	simm.s32 @!p0 $0x0  }
0x360: {  	s6 =	ssub.s32 s6, s19  }
0x361: {  	(v2sf) =	vpush v32, $0x7;
	s6 =	sshll.u32 s6, $0x7  }
0x362: {  	s6 =	sand.u32 $0x1FFFFF80, s6  }
0x363: {  	s6 =	sadd.s32 s3, s6  }
0x364: {  	[tilespmem:s31], [sflag:$0x1] =	stream.strided.gather [hbm4b:s6+s25], $0x1000, s24, s25, $0x38;
	[tilespmem:$0x14600] =	vst v63  }
0x365: {  	s6 =	spop (v2sf)  }
0x366: {  	s21 =	sand.u32 $0x7F, s6  }
0x367: {  	p6 =	slt.s32 s6, $0x1;
	p5 =	sne.s32 s21, $0x0;
	s21 =	sshra.s32 s6, $0x1F  }
0x368: {  	s19 =	sshrl.u32 s21, $0x19;
	p0 =	por !p6, !p5  }
0x369: {  	s6 =	sadd.s32 s19, s6;
	p0 =	por !p0, !p0;
	s19 =	simm.s32 $0x1  }
0x36a: {  	s6 =	sshrl.u32 s6, $0x7;
	s19 =	simm.s32 @!p0 $0x0  }
0x36b: {  	s6 =	ssub.s32 s6, s19  }
0x36c: {  	(v2sf) =	vpush v32, $0x8;
	s6 =	sshll.u32 s6, $0x7  }
0x36d: {  	s6 =	sand.u32 $0x1FFFFF80, s6  }
0x36e: {  	s6 =	sadd.s32 s3, s6  }
0x36f: {  	[tilespmem:s2], [sflag:$0x1] =	stream.strided.gather [hbm4b:s6+s25], $0x1000, s24, s25, $0x38;
	[tilespmem:$0x14600] =	vst v63  }
0x370: {  	s6 =	spop (v2sf)  }
0x371: {  	s21 =	sand.u32 $0x7F, s6  }
0x372: {  	p2 =	slt.s32 s6, $0x1;
	p1 =	sne.s32 s21, $0x0;
	s21 =	sshra.s32 s6, $0x1F  }
0x373: {  	s19 =	sshrl.u32 s21, $0x19;
	p0 =	por !p2, !p1  }
0x374: {  	s6 =	sadd.s32 s19, s6;
	p0 =	por !p0, !p0;
	s19 =	simm.s32 $0x1  }
0x375: {  	s6 =	sshrl.u32 s6, $0x7;
	s19 =	simm.s32 @!p0 $0x0  }
0x376: {  	s6 =	ssub.s32 s6, s19  }
0x377: {  	(v2sf) =	vpush v32, $0x9;
	s6 =	sshll.u32 s6, $0x7  }
0x378: {  	s6 =	sand.u32 $0x1FFFFF80, s6  }
0x379: {  	s6 =	sadd.s32 s3, s6  }
0x37a: {  	[tilespmem:s0], [sflag:$0x1] =	stream.strided.gather [hbm4b:s6+s25], $0x1000, s24, s25, $0x38;
	[tilespmem:$0x14600] =	vst v63  }
0x37b: {  	s6 =	spop (v2sf)  }
0x37c: {  	s21 =	sand.u32 $0x7F, s6  }
0x37d: {  	p4 =	slt.s32 s6, $0x1;
	p3 =	sne.s32 s21, $0x0;
	s21 =	sshra.s32 s6, $0x1F  }
0x37e: {  	s19 =	sshrl.u32 s21, $0x19;
	p0 =	por !p4, !p3  }
0x37f: {  	s6 =	sadd.s32 s19, s6;
	p0 =	por !p0, !p0;
	s19 =	simm.s32 $0x1  }
0x380: {  	s6 =	sshrl.u32 s6, $0x7;
	s19 =	simm.s32 @!p0 $0x0  }
0x381: {  	s6 =	ssub.s32 s6, s19  }
0x382: {  	(v2sf) =	vpush v32, $0xA;
	s6 =	sshll.u32 s6, $0x7  }
0x383: {  	s6 =	sand.u32 $0x1FFFFF80, s6  }
0x384: {  	s6 =	sadd.s32 s3, s6  }
0x385: {  	[tilespmem:s12], [sflag:$0x2] =	stream.strided.gather [hbm4b:s6+s25], $0x1000, s24, s25, $0x38;
	[tilespmem:$0x14600] =	vst v63  }
0x386: {  	s6 =	spop (v2sf)  }
0x387: {  	s21 =	sand.u32 $0x7F, s6  }
0x388: {  	p6 =	slt.s32 s6, $0x1;
	p5 =	sne.s32 s21, $0x0;
	s21 =	sshra.s32 s6, $0x1F  }
0x389: {  	s19 =	sshrl.u32 s21, $0x19;
	p0 =	por !p6, !p5  }
0x38a: {  	s6 =	sadd.s32 s19, s6;
	p0 =	por !p0, !p0;
	s19 =	simm.s32 $0x1  }
0x38b: {  	s6 =	sshrl.u32 s6, $0x7;
	s19 =	simm.s32 @!p0 $0x0  }
0x38c: {  	s6 =	ssub.s32 s6, s19  }
0x38d: {  	(v2sf) =	vpush v32, $0xB;
	s6 =	sshll.u32 s6, $0x7  }
0x38e: {  	s6 =	sand.u32 $0x1FFFFF80, s6  }
0x38f: {  	s6 =	sadd.s32 s3, s6  }
0x390: {  	[tilespmem:s13], [sflag:$0x2] =	stream.strided.gather [hbm4b:s6+s25], $0x1000, s24, s25, $0x38;
	[tilespmem:$0x14600] =	vst v63  }
0x391: {  	s6 =	spop (v2sf)  }
0x392: {  	s21 =	sand.u32 $0x7F, s6  }
0x393: {  	p2 =	slt.s32 s6, $0x1;
	p1 =	sne.s32 s21, $0x0;
	s21 =	sshra.s32 s6, $0x1F  }
0x394: {  	s19 =	sshrl.u32 s21, $0x19;
	p0 =	por !p2, !p1  }
0x395: {  	s6 =	sadd.s32 s19, s6;
	p0 =	por !p0, !p0;
	s19 =	simm.s32 $0x1  }
0x396: {  	s6 =	sshrl.u32 s6, $0x7;
	s19 =	simm.s32 @!p0 $0x0  }
0x397: {  	s6 =	ssub.s32 s6, s19  }
0x398: {  	(v2sf) =	vpush v32, $0xC;
	s6 =	sshll.u32 s6, $0x7  }
0x399: {  	s6 =	sand.u32 $0x1FFFFF80, s6  }
0x39a: {  	s6 =	sadd.s32 s3, s6  }
0x39b: {  	[tilespmem:s14], [sflag:$0x2] =	stream.strided.gather [hbm4b:s6+s25], $0x1000, s24, s25, $0x38;
	[tilespmem:$0x14600] =	vst v63  }
0x39c: {  	s6 =	spop (v2sf)  }
0x39d: {  	s21 =	sand.u32 $0x7F, s6  }
0x39e: {  	p4 =	slt.s32 s6, $0x1;
	p3 =	sne.s32 s21, $0x0;
	s21 =	sshra.s32 s6, $0x1F  }
0x39f: {  	s19 =	sshrl.u32 s21, $0x19;
	p0 =	por !p4, !p3  }
0x3a0: {  	s6 =	sadd.s32 s19, s6;
	p0 =	por !p0, !p0;
	s19 =	simm.s32 $0x1  }
0x3a1: {  	s6 =	sshrl.u32 s6, $0x7;
	s19 =	simm.s32 @!p0 $0x0  }
0x3a2: {  	s6 =	ssub.s32 s6, s19  }
0x3a3: {  	(v2sf) =	vpush v32, $0xD;
	s6 =	sshll.u32 s6, $0x7  }
0x3a4: {  	s6 =	sand.u32 $0x1FFFFF80, s6  }
0x3a5: {  	s6 =	sadd.s32 s3, s6  }
0x3a6: {  	[tilespmem:s16], [sflag:$0x2] =	stream.strided.gather [hbm4b:s6+s25], $0x1000, s24, s25, $0x38;
	[tilespmem:$0x14600] =	vst v63  }
0x3a7: {  	s6 =	spop (v2sf)  }
0x3a8: {  	s21 =	sand.u32 $0x7F, s6  }
0x3a9: {  	p6 =	slt.s32 s6, $0x1;
	p5 =	sne.s32 s21, $0x0;
	s21 =	sshra.s32 s6, $0x1F  }
0x3aa: {  	(v2sf) =	vpush v32, $0xE;
	s19 =	sshrl.u32 s21, $0x19;
	p0 =	por !p6, !p5  }
0x3ab: {  	s6 =	sadd.s32 s19, s6;
	p0 =	por !p0, !p0;
	s19 =	simm.s32 $0x1  }
0x3ac: {  	s6 =	sshrl.u32 s6, $0x7;
	s19 =	simm.s32 @!p0 $0x0  }
0x3ad: {  	s6 =	ssub.s32 s6, s19  }
0x3ae: {  	s6 =	sshll.u32 s6, $0x7  }
0x3af: {  	s6 =	sand.u32 $0x1FFFFF80, s6  }
0x3b0: {  	s6 =	sadd.s32 s3, s6  }
0x3b1: {  	[tilespmem:s18], [sflag:$0x2] =	stream.strided.gather [hbm4b:s6+s25], $0x1000, s24, s25, $0x38;
	[tilespmem:$0x14600] =	vst v63  }
0x3b2: {  	s6 =	spop (v2sf)  }
0x3b3: {  	s21 =	sand.u32 $0x7F, s6  }
0x3b4: {  	p2 =	slt.s32 s6, $0x1;
	p1 =	sne.s32 s21, $0x0;
	s21 =	sshra.s32 s6, $0x1F  }
0x3b5: {  	s19 =	sshrl.u32 s21, $0x19;
	p0 =	por !p2, !p1  }
0x3b6: {  	(v2sf) =	vpush v32, $0xF;
	s6 =	sadd.s32 s19, s6;
	p0 =	por !p0, !p0;
	s19 =	simm.s32 $0x1  }
0x3b7: {  	s6 =	sshrl.u32 s6, $0x7;
	s19 =	simm.s32 @!p0 $0x0  }
0x3b8: {  	s6 =	ssub.s32 s6, s19  }
0x3b9: {  	s19 =	spop (v2sf);
	s6 =	sshll.u32 s6, $0x7  }
0x3ba: {  	s21 =	sand.u32 $0x7F, s19;
	p4 =	slt.s32 s19, $0x1;
	s6 =	sand.u32 $0x1FFFFF80, s6  }
0x3bb: {  	p3 =	sne.s32 s21, $0x0;
	s21 =	sshra.s32 s19, $0x1F;
	s6 =	sadd.s32 s3, s6  }
0x3bc: {  	[tilespmem:s20], [sflag:$0x2] =	stream.strided.gather [hbm4b:s6+s25], $0x1000, s24, s25, $0x38;
	[tilespmem:$0x14600] =	vst v63  }
0x3bd: {  	p0 =	por !p4, !p3;
	s6 =	sshrl.u32 s21, $0x19  }
0x3be: {  	p0 =	por !p0, !p0;
	s6 =	sadd.s32 s6, s19;
	s19 =	simm.s32 $0x1  }
0x3bf: {  	s6 =	sshrl.u32 s6, $0x7;
	s19 =	simm.s32 @!p0 $0x0  }
0x3c0: {  	s6 =	ssub.s32 s6, s19  }
0x3c1: {  	s6 =	sshll.u32 s6, $0x7  }
0x3c2: {  	s6 =	sand.u32 $0x1FFFFF80, s6  }
0x3c3: {  	s6 =	sadd.s32 s3, s6  }
0x3c4: {  	[tilespmem:s22], [sflag:$0x2] =	stream.strided.gather [hbm4b:s6+s25], $0x1000, s24, s25, $0x38;
	[tilespmem:$0x14600] =	vst v63  }
0x3c5: {  	s6 =	spop (v2sf)  }
0x3c6: {  	s21 =	sand.u32 $0x7F, s6  }
0x3c7: {  	p6 =	slt.s32 s6, $0x1;
	p5 =	sne.s32 s21, $0x0;
	s21 =	sshra.s32 s6, $0x1F  }
0x3c8: {  	s19 =	sshrl.u32 s21, $0x19;
	p0 =	por !p6, !p5  }
0x3c9: {  	s6 =	sadd.s32 s19, s6;
	p0 =	por !p0, !p0;
	s19 =	simm.s32 $0x1  }
0x3ca: {  	s6 =	sshrl.u32 s6, $0x7;
	s19 =	simm.s32 @!p0 $0x0  }
.Ltmp5:
0x3cb: {  	s6 =	ssub.s32 s6, s19;
	(pc) =	sbr.rel .LBB2_5-.Ltmp5, $4  }
0x3cc: {  	s6 =	sshll.u32 s6, $0x7  }
0x3cd: {  	s9 =	sadd.s32 $0x10, s9;
	s10 =	sadd.s32 $0x20, s10;
	s6 =	sand.u32 $0x1FFFFF80, s6  }
0x3ce: {  	s11 =	sadd.s32 $0x10, s11;
	s17 =	sadd.s32 $0x80, s17;
	s6 =	sadd.s32 s3, s6  }
0x3cf: {  	[tilespmem:s5], [sflag:$0x2] =	stream.strided.gather [hbm4b:s6+s25], $0x1000, s24, s25, $0x38;
	[tilespmem:$0x14600] =	vst v63  }
.LBB2_8:
0x3d0: {  	_ =	sfence.sel $0x180000  }
0x3d1: {  	[bflag:$0x0] =	sbarrier.arrive $0xFFFF  }
0x3d2: {  	_ =	strace $0x90000047  }
0x3d3: {  	s0 =	stileid.u32;
	[bflag:$0x2] =	sbarrier.arrive $0xFFFF  }
0x3d4: {  	p0 =	sne.s32 s0, $0x0;
	s0 =	rddreg [dreg:$0x4]  }
0x3d5: {  	s0 =	sadd.s32 @!p0 $0x100000, s0  }
0x3d6: {  	[sflag:s0] =	ssyncadd.tile.s32 @!p0 $0x1;
	_ =	shalt  }
.Lfunc_end2:
_tile_overlayer_lowered:
.L_overlay_start_2:
0x3d7: {  	(tag) =	ssettag $0x2  }
0x3d8: {  	s0 =	rddreg [dreg:$0x0];
	s2 =	stileid.u32  }
0x3d9: {  	s1 =	rddreg [dreg:$0x1];
	p0 =	sne.s32 s2, $0x0  }
0x3da: {  	s3 =	rddreg [dreg:$0x2];
	[bflag:$0x3] =	sbarrier.arrive $0xFFFF;
	s2 =	simm.s32 @!p0 $0x1C03  }
0x3db: {  	[timem:s3], [sflag:s2] =	dma.local @!p0 [hbm:s0], s1  }
0x3dc: {  	s0 =	simm.s32 @!p0 $0x3  }
0x3dd: {  	_ =	swait.ge @!p0 [sflag:s0], s1  }
0x3de: {  	s1 =	ssub.s32 @!p0 $0x0, s1;
	[sflag:s0] =	ssyncset.done @!p0 $0x0  }
0x3df: {  	[sflag:s0] =	ssyncadd.s32 @!p0 s1  }
0x3e0: {  	[bflag:$0x3] =	sbarrier.arrive $0xFFFF  }
0x3e1: {  	_ =	shalt  }

</sc_bundles>
